<compile_context>
chip_gen: v7x
topology: tpu7x:2x2x1
jax: 0.10.2.dev20260603
libtpu: 0.0.44.dev20260713+nightly
codegen_flags: <defaults>
</compile_context>

<pallas_src>
import functools

import jax
import jax.numpy as jnp
from jax import lax
from jax.experimental import pallas as pl
from jax.experimental.pallas import tpu as pltpu
from jax.experimental.pallas import tpu_sc as plsc

DIM = 512
N_TOK = 8192
GRID = 128
PAD = 3
WPAD = GRID + 2 * PAD
HTOT = 140
NROWS = HTOT * WPAD
HB = 16


def _prep_body(loc_ref, idx_ref):
    r = loc_ref[0:1, :]
    c = loc_ref[1:2, :]
    r0 = r - jnp.min(r)
    c0 = c - jnp.min(c)
    idx_ref[0:1, :] = (c0 + PAD) * WPAD + (r0 + PAD)
    idx_ref[1:2, :] = c0 * GRID + r0


def _prep(loc_t):
    return pl.pallas_call(
        _prep_body,
        out_shape=jax.ShapeDtypeStruct((2, N_TOK), jnp.int32),
    )(loc_t)


_NZCH = (NROWS + 63) // 64
_ZFULL = NROWS // 64
_ZTAIL = NROWS - _ZFULL * 64
_ZPER = (_NZCH + 15) // 16


def _scatter_body(idx_hbm, feat_hbm, grid_hbm, idx_v, zbuf, fbuf, sem):
    t = lax.axis_index("s")

    def zrow(r, _):
        for v in range(DIM // 16):
            zbuf[r, pl.ds(v * 16, 16)] = jnp.zeros((16,), jnp.float32)
        return 0
    lax.fori_loop(0, 64, zrow, 0)

    for j in range(_ZPER):
        k = t * _ZPER + j
        @pl.when(k < _ZFULL)
        def _():
            pltpu.sync_copy(zbuf, grid_hbm.at[pl.ds(k * 64, 64)])
        @pl.when(k == _ZFULL)
        def _():
            pltpu.sync_copy(zbuf.at[pl.ds(0, _ZTAIL)],
                            grid_hbm.at[pl.ds(_ZFULL * 64, _ZTAIL)])

    plsc.subcore_barrier()

    pltpu.sync_copy(idx_hbm.at[t], idx_v)
    for j in range(8):
        base = t * 512 + j * 64
        pltpu.sync_copy(feat_hbm.at[pl.ds(base, 64)], fbuf)
        pltpu.async_copy(fbuf, grid_hbm.at[idx_v.at[j]], sem).wait()


def _scatter(idx_s, feat):
    mesh = plsc.VectorSubcoreMesh(core_axis_name="c", subcore_axis_name="s",
                                  num_cores=1)
    return pl.kernel(
        _scatter_body,
        out_type=jax.ShapeDtypeStruct((NROWS, DIM), jnp.float32),
        mesh=mesh,
        scratch_types=[
            pltpu.VMEM((8, 64), jnp.int32),
            pltpu.VMEM((64, DIM), jnp.float32),
            pltpu.VMEM((64, DIM), jnp.float32),
            pltpu.SemaphoreType.DMA,
        ],
    )(idx_s, feat)


def _conv_body(grid_hbm, w_ref, b_ref, g_ref, be_ref, y_ref, sc_ref, sh_ref,
               xbuf, xs_buf, s_acc, ss_acc, sem):
    i = pl.program_id(0)
    nsteps = pl.num_programs(0)
    s = lax.rem(i, 2)
    sn = lax.rem(i + 1, 2)

    @pl.when(i == 0)
    def _():
        pltpu.make_async_copy(grid_hbm.at[pl.ds(0, HB + 6)],
                              xbuf.at[0], sem.at[0]).start()

    @pl.when(i + 1 < nsteps)
    def _():
        pltpu.make_async_copy(grid_hbm.at[pl.ds((i + 1) * HB, HB + 6)],
                              xbuf.at[sn], sem.at[sn]).start()

    pltpu.make_async_copy(grid_hbm.at[pl.ds(i * HB, HB + 6)],
                          xbuf.at[s], sem.at[s]).wait()

    for dy in range(7):
        xs_buf[...] = xbuf[s, :, dy:dy + GRID, :]
        xsv = xs_buf[...]
        p = xsv[0:HB, :, :] * w_ref[dy, 0, :]
        for dx in range(1, 7):
            p = p + xsv[dx:dx + HB, :, :] * w_ref[dy, dx, :]
        if dy == 0:
            y_ref[...] = p + b_ref[0, :]
        else:
            y_ref[...] = y_ref[...] + p
    y = y_ref[...]

    ps = jnp.sum(y, axis=(0, 1))[None, :]
    pss = jnp.sum(y * y, axis=(0, 1))[None, :]

    @pl.when(i == 0)
    def _():
        s_acc[...] = ps
        ss_acc[...] = pss

    @pl.when(i > 0)
    def _():
        s_acc[...] = s_acc[...] + ps
        ss_acc[...] = ss_acc[...] + pss

    n = float(GRID * GRID)
    mean = s_acc[...] / n
    var = ss_acc[...] / n - mean * mean
    scale = g_ref[...] * lax.rsqrt(var + 1e-5)
    sc_ref[...] = scale
    sh_ref[...] = be_ref[...] - mean * scale


def _conv(grid3, wc, bc, gamma, beta):
    nsteps = GRID // HB
    return pl.pallas_call(
        _conv_body,
        grid=(nsteps,),
        in_specs=[
            pl.BlockSpec(memory_space=pl.ANY),
            pl.BlockSpec((7, 7, DIM), lambda i: (0, 0, 0)),
            pl.BlockSpec((1, DIM), lambda i: (0, 0)),
            pl.BlockSpec((1, DIM), lambda i: (0, 0)),
            pl.BlockSpec((1, DIM), lambda i: (0, 0)),
        ],
        out_specs=[
            pl.BlockSpec((HB, GRID, DIM), lambda i: (i, 0, 0)),
            pl.BlockSpec((1, DIM), lambda i: (0, 0)),
            pl.BlockSpec((1, DIM), lambda i: (0, 0)),
        ],
        out_shape=[
            jax.ShapeDtypeStruct((GRID, GRID, DIM), jnp.float32),
            jax.ShapeDtypeStruct((1, DIM), jnp.float32),
            jax.ShapeDtypeStruct((1, DIM), jnp.float32),
        ],
        scratch_shapes=[
            pltpu.VMEM((2, HB + 6, WPAD, DIM), jnp.float32),
            pltpu.VMEM((HB + 6, GRID, DIM), jnp.float32),
            pltpu.VMEM((1, DIM), jnp.float32),
            pltpu.VMEM((1, DIM), jnp.float32),
            pltpu.SemaphoreType.DMA((2,)),
        ],
    )(grid3, wc, bc, gamma, beta)


def _gather_body(y_hbm, idx_hbm, out_hbm, idx_v, buf, sem0, sem1):
    nc = 2
    w = lax.axis_index("s") * nc + lax.axis_index("c")
    sems = [sem0, sem1]
    pltpu.sync_copy(idx_hbm.at[w], idx_v)
    cps = [None] * 4
    cps[0] = pltpu.async_copy(y_hbm.at[idx_v.at[0]], buf.at[0], sems[0])
    for j in range(4):
        if j + 1 < 4:
            cps[j + 1] = pltpu.async_copy(y_hbm.at[idx_v.at[j + 1]],
                                          buf.at[(j + 1) % 2], sems[(j + 1) % 2])
        cps[j].wait()
        pltpu.sync_copy(buf.at[j % 2], out_hbm.at[pl.ds(w * 256 + j * 64, 64)])


def _gather(yflat, idx_g):
    mesh = plsc.VectorSubcoreMesh(core_axis_name="c", subcore_axis_name="s")
    return pl.kernel(
        _gather_body,
        out_type=jax.ShapeDtypeStruct((N_TOK, DIM), jnp.float32),
        mesh=mesh,
        scratch_types=[
            pltpu.VMEM((4, 64), jnp.int32),
            pltpu.VMEM((2, 64, DIM), jnp.float32),
            pltpu.SemaphoreType.DMA,
            pltpu.SemaphoreType.DMA,
        ],
    )(yflat, idx_g)


def _combine_body(g_ref, f_ref, sc_ref, sh_ref, o_ref):
    o_ref[...] = g_ref[...] * sc_ref[...] + sh_ref[...] + f_ref[...]


def _combine(g, feat, scale, shift):
    nb = 8
    rb = N_TOK // nb
    return pl.pallas_call(
        _combine_body,
        grid=(nb,),
        in_specs=[
            pl.BlockSpec((rb, DIM), lambda i: (i, 0)),
            pl.BlockSpec((rb, DIM), lambda i: (i, 0)),
            pl.BlockSpec((1, DIM), lambda i: (0, 0)),
            pl.BlockSpec((1, DIM), lambda i: (0, 0)),
        ],
        out_specs=pl.BlockSpec((rb, DIM), lambda i: (i, 0)),
        out_shape=jax.ShapeDtypeStruct((N_TOK, DIM), jnp.float32),
    )(g, feat, scale, shift)


@jax.jit
def kernel(x, location, w7, b7, w5, b5, w3, b3, gamma, beta):
    cls = x[0:1]
    feat = x[1:]

    w5p = jnp.pad(w5[:, 0], ((0, 0), (1, 1), (1, 1)))
    w3p = jnp.pad(w3[:, 0], ((0, 0), (2, 2), (2, 2)))
    wc = jnp.transpose(w7[:, 0] + w5p + w3p, (1, 2, 0))
    bc = (b7 + b5 + b3).reshape(1, DIM)

    idx2 = _prep(location.T)
    idx_s = idx2[0].reshape(16, 8, 64)
    idx_g = idx2[1].reshape(32, 4, 64)

    grid_flat = _scatter(idx_s, feat)
    grid3 = grid_flat.reshape(HTOT, WPAD, DIM)

    y, scale, shift = _conv(grid3, wc, bc,
                            gamma.reshape(1, DIM), beta.reshape(1, DIM))
    yflat = y.reshape(GRID * GRID, DIM)

    g = _gather(yflat, idx_g)
    out_feat = _combine(g, feat, scale, shift)
    return jnp.concatenate([cls, out_feat], axis=0)

# --- scband reference (transcript-rebuilt; emitter-appended) ---
"""Pipeline reference for scband-ppeg-21990232555641 (READ-ONLY COPY).

The authoritative reference and input builder live on the scoring server;
editing this copy changes nothing except your own understanding.
"""

import jax, jax.numpy as jnp
import numpy as np

DIM = 512
N_TOK = 8192
GRID = 128


def _dwconv(x, w, b, k):
    out = jax.lax.conv_general_dilated(
        x, w, window_strides=(1, 1),
        padding=((k // 2, k // 2), (k // 2, k // 2)),
        feature_group_count=w.shape[0],
        dimension_numbers=('NCHW', 'OIHW', 'NCHW'))
    return out + b[None, :, None, None]


def setup_inputs(seed: int = 0):
    key = jax.random.key(seed)
    ks = jax.random.split(key, 10)
    x = jax.random.normal(ks[0], (N_TOK + 1, DIM), dtype=jnp.float32)
    perm = jax.random.permutation(ks[1], GRID * GRID)[:N_TOK]
    location = jnp.stack([perm // GRID, perm % GRID], axis=1).astype(jnp.int32)
    w7 = jax.random.normal(ks[2], (DIM, 1, 7, 7), dtype=jnp.float32) * 0.02
    b7 = jnp.zeros((DIM,), jnp.float32)
    w5 = jax.random.normal(ks[3], (DIM, 1, 5, 5), dtype=jnp.float32) * 0.02
    b5 = jnp.zeros((DIM,), jnp.float32)
    w3 = jax.random.normal(ks[4], (DIM, 1, 3, 3), dtype=jnp.float32) * 0.02
    b3 = jnp.zeros((DIM,), jnp.float32)
    gamma = jnp.ones((DIM,), jnp.float32)
    beta = jnp.zeros((DIM,), jnp.float32)
    return {'x': x, 'location': location, 'w7': w7, 'b7': b7, 'w5': w5,
            'b5': b5, 'w3': w3, 'b3': b3, 'gamma': gamma, 'beta': beta}


def reference(x, location, w7, b7, w5, b5, w3, b3, gamma, beta):
    cls_token = x[0]
    feat_token = x[1:]
    min_row = jnp.min(location[:, 0])
    min_col = jnp.min(location[:, 1])
    num_row = GRID
    num_col = GRID
    loc0 = location[:, 0] - min_row
    loc1 = location[:, 1] - min_col
    C = x.shape[-1]
    cnn_feat = jnp.zeros((num_row, num_col, C), dtype=x.dtype).at[loc0, loc1].set(feat_token)
    cnn = jnp.transpose(cnn_feat, (2, 0, 1))[None]
    y = _dwconv(cnn, w7, b7, 7) + _dwconv(cnn, w5, b5, 5) + _dwconv(cnn, w3, b3, 3)
    # BatchNorm2d in default (training) mode: batch statistics over (N, H, W)
    mean = jnp.mean(y, axis=(0, 2, 3), keepdims=True)
    var = jnp.var(y, axis=(0, 2, 3), keepdims=True)
    y = (y - mean) / jnp.sqrt(var + 1e-5)
    y = y * gamma[None, :, None, None] + beta[None, :, None, None]
    y = y[0]
    gathered = jnp.transpose(y, (1, 2, 0))[loc0, loc1] + feat_token
    return jnp.concatenate([cls_token[None, :], gathered], axis=0)

if __name__ == "__main__":
    import jax
    _d = setup_inputs()
    print(jax.jit(kernel)(*tuple(_d.values())))

</pallas_src>

<mosaic_0001>
#map = affine_map<(d0, d1) -> (0, 0, 0)>
#map1 = affine_map<(d0, d1) -> (0, 0)>
module attributes {stable_mosaic.version = 14 : i64} {
  func.func @_scatter_body(%arg0: i32, %arg1: i32, %arg2: memref<16x8x64xi32, #tpu.memory_space<hbm>>, %arg3: memref<8192x512xf32, #tpu.memory_space<hbm>>, %arg4: memref<18760x512xf32, #tpu.memory_space<hbm>>, %arg5: memref<8x64xi32, #tpu.memory_space<vmem>>, %arg6: memref<64x512xf32, #tpu.memory_space<vmem>>, %arg7: memref<64x512xf32, #tpu.memory_space<vmem>>, %arg8: memref<!tpu.dma_semaphore, #tpu.memory_space<semaphore_mem>>) attributes {dimension_semantics = [#tpu.dimension_semantics<core_parallel>, #tpu.dimension_semantics<subcore_parallel>], iteration_bounds = array<i64: 1, 16>, scalar_prefetch = 0 : i64, scratch_operands = 4 : i64, tpu.core_type = #tpu.core_type<sc_vector_subcore>, window_params = [{transform_indices = #map}, {transform_indices = #map1}, {transform_indices = #map1}]} {
    %scan3A = arith.constant 0 : i32
    %scan3A_0 = arith.constant 0 : i32
    %scan3A_1 = arith.constant 64 : i32
    %scan3A_2 = arith.addi %scan3A_0, %scan3A_1 : i32
    %scan3A_3 = arith.constant 1 : i32
    %scan3A_4 = scf.for %scan3A_408 = %scan3A_0 to %scan3A_2 step %scan3A_3 iter_args(%scan3A_409 = %scan3A) -> (i32)  : i32 {
      %broadcast_in_dim3A = arith.constant 0.000000e+00 : f32
      %broadcast_in_dim3A_410 = vector.broadcast %broadcast_in_dim3A : f32 to vector<16xf32>
      %swap3A = arith.index_cast %scan3A_408 : i32 to index
      %swap3A_411 = arith.constant 0 : index
      %swap3A_412 = tpu.vector_load %arg6[%swap3A, %swap3A_411] {strides = array<i32>} : memref<64x512xf32, #tpu.memory_space<vmem>>, vector<1x16xf32>,
      %swap3A_413 = vector.shape_cast %swap3A_412 : vector<1x16xf32> to vector<16xf32>
      %swap3A_414 = vector.shape_cast %broadcast_in_dim3A_410 : vector<16xf32> to vector<1x16xf32>
      tpu.vector_store %arg6[%swap3A, %swap3A_411], %swap3A_414 {strides = array<i32>} : memref<64x512xf32, #tpu.memory_space<vmem>>, vector<1x16xf32>,
      %broadcast_in_dim3A_415 = arith.constant 0.000000e+00 : f32
      %broadcast_in_dim3A_416 = vector.broadcast %broadcast_in_dim3A_415 : f32 to vector<16xf32>
      %swap3A_417 = arith.index_cast %scan3A_408 : i32 to index
      %swap3A_418 = arith.constant 16 : index
      %swap3A_419 = tpu.vector_load %arg6[%swap3A_417, %swap3A_418] {strides = array<i32>} : memref<64x512xf32, #tpu.memory_space<vmem>>, vector<1x16xf32>,
      %swap3A_420 = vector.shape_cast %swap3A_419 : vector<1x16xf32> to vector<16xf32>
      %swap3A_421 = vector.shape_cast %broadcast_in_dim3A_416 : vector<16xf32> to vector<1x16xf32>
      tpu.vector_store %arg6[%swap3A_417, %swap3A_418], %swap3A_421 {strides = array<i32>} : memref<64x512xf32, #tpu.memory_space<vmem>>, vector<1x16xf32>,
      %broadcast_in_dim3A_422 = arith.constant 0.000000e+00 : f32
      %broadcast_in_dim3A_423 = vector.broadcast %broadcast_in_dim3A_422 : f32 to vector<16xf32>
      %swap3A_424 = arith.index_cast %scan3A_408 : i32 to index
      %swap3A_425 = arith.constant 32 : index
      %swap3A_426 = tpu.vector_load %arg6[%swap3A_424, %swap3A_425] {strides = array<i32>} : memref<64x512xf32, #tpu.memory_space<vmem>>, vector<1x16xf32>,
      %swap3A_427 = vector.shape_cast %swap3A_426 : vector<1x16xf32> to vector<16xf32>
      %swap3A_428 = vector.shape_cast %broadcast_in_dim3A_423 : vector<16xf32> to vector<1x16xf32>
      tpu.vector_store %arg6[%swap3A_424, %swap3A_425], %swap3A_428 {strides = array<i32>} : memref<64x512xf32, #tpu.memory_space<vmem>>, vector<1x16xf32>,
      %broadcast_in_dim3A_429 = arith.constant 0.000000e+00 : f32
      %broadcast_in_dim3A_430 = vector.broadcast %broadcast_in_dim3A_429 : f32 to vector<16xf32>
      %swap3A_431 = arith.index_cast %scan3A_408 : i32 to index
      %swap3A_432 = arith.constant 48 : index
      %swap3A_433 = tpu.vector_load %arg6[%swap3A_431, %swap3A_432] {strides = array<i32>} : memref<64x512xf32, #tpu.memory_space<vmem>>, vector<1x16xf32>,
      %swap3A_434 = vector.shape_cast %swap3A_433 : vector<1x16xf32> to vector<16xf32>
      %swap3A_435 = vector.shape_cast %broadcast_in_dim3A_430 : vector<16xf32> to vector<1x16xf32>
      tpu.vector_store %arg6[%swap3A_431, %swap3A_432], %swap3A_435 {strides = array<i32>} : memref<64x512xf32, #tpu.memory_space<vmem>>, vector<1x16xf32>,
      %broadcast_in_dim3A_436 = arith.constant 0.000000e+00 : f32
      %broadcast_in_dim3A_437 = vector.broadcast %broadcast_in_dim3A_436 : f32 to vector<16xf32>
      %swap3A_438 = arith.index_cast %scan3A_408 : i32 to index
      %swap3A_439 = arith.constant 64 : index
      %swap3A_440 = tpu.vector_load %arg6[%swap3A_438, %swap3A_439] {strides = array<i32>} : memref<64x512xf32, #tpu.memory_space<vmem>>, vector<1x16xf32>,
      %swap3A_441 = vector.shape_cast %swap3A_440 : vector<1x16xf32> to vector<16xf32>
      %swap3A_442 = vector.shape_cast %broadcast_in_dim3A_437 : vector<16xf32> to vector<1x16xf32>
      tpu.vector_store %arg6[%swap3A_438, %swap3A_439], %swap3A_442 {strides = array<i32>} : memref<64x512xf32, #tpu.memory_space<vmem>>, vector<1x16xf32>,
      %broadcast_in_dim3A_443 = arith.constant 0.000000e+00 : f32
      %broadcast_in_dim3A_444 = vector.broadcast %broadcast_in_dim3A_443 : f32 to vector<16xf32>
      %swap3A_445 = arith.index_cast %scan3A_408 : i32 to index
      %swap3A_446 = arith.constant 80 : index
      %swap3A_447 = tpu.vector_load %arg6[%swap3A_445, %swap3A_446] {strides = array<i32>} : memref<64x512xf32, #tpu.memory_space<vmem>>, vector<1x16xf32>,
      %swap3A_448 = vector.shape_cast %swap3A_447 : vector<1x16xf32> to vector<16xf32>
      %swap3A_449 = vector.shape_cast %broadcast_in_dim3A_444 : vector<16xf32> to vector<1x16xf32>
      tpu.vector_store %arg6[%swap3A_445, %swap3A_446], %swap3A_449 {strides = array<i32>} : memref<64x512xf32, #tpu.memory_space<vmem>>, vector<1x16xf32>,
      %broadcast_in_dim3A_450 = arith.constant 0.000000e+00 : f32
      %broadcast_in_dim3A_451 = vector.broadcast %broadcast_in_dim3A_450 : f32 to vector<16xf32>
      %swap3A_452 = arith.index_cast %scan3A_408 : i32 to index
      %swap3A_453 = arith.constant 96 : index
      %swap3A_454 = tpu.vector_load %arg6[%swap3A_452, %swap3A_453] {strides = array<i32>} : memref<64x512xf32, #tpu.memory_space<vmem>>, vector<1x16xf32>,
      %swap3A_455 = vector.shape_cast %swap3A_454 : vector<1x16xf32> to vector<16xf32>
      %swap3A_456 = vector.shape_cast %broadcast_in_dim3A_451 : vector<16xf32> to vector<1x16xf32>
      tpu.vector_store %arg6[%swap3A_452, %swap3A_453], %swap3A_456 {strides = array<i32>} : memref<64x512xf32, #tpu.memory_space<vmem>>, vector<1x16xf32>,
      %broadcast_in_dim3A_457 = arith.constant 0.000000e+00 : f32
      %broadcast_in_dim3A_458 = vector.broadcast %broadcast_in_dim3A_457 : f32 to vector<16xf32>
      %swap3A_459 = arith.index_cast %scan3A_408 : i32 to index
      %swap3A_460 = arith.constant 112 : index
      %swap3A_461 = tpu.vector_load %arg6[%swap3A_459, %swap3A_460] {strides = array<i32>} : memref<64x512xf32, #tpu.memory_space<vmem>>, vector<1x16xf32>,
      %swap3A_462 = vector.shape_cast %swap3A_461 : vector<1x16xf32> to vector<16xf32>
      %swap3A_463 = vector.shape_cast %broadcast_in_dim3A_458 : vector<16xf32> to vector<1x16xf32>
      tpu.vector_store %arg6[%swap3A_459, %swap3A_460], %swap3A_463 {strides = array<i32>} : memref<64x512xf32, #tpu.memory_space<vmem>>, vector<1x16xf32>,
      %broadcast_in_dim3A_464 = arith.constant 0.000000e+00 : f32
      %broadcast_in_dim3A_465 = vector.broadcast %broadcast_in_dim3A_464 : f32 to vector<16xf32>
      %swap3A_466 = arith.index_cast %scan3A_408 : i32 to index
      %swap3A_467 = arith.constant 128 : index
      %swap3A_468 = tpu.vector_load %arg6[%swap3A_466, %swap3A_467] {strides = array<i32>} : memref<64x512xf32, #tpu.memory_space<vmem>>, vector<1x16xf32>,
      %swap3A_469 = vector.shape_cast %swap3A_468 : vector<1x16xf32> to vector<16xf32>
      %swap3A_470 = vector.shape_cast %broadcast_in_dim3A_465 : vector<16xf32> to vector<1x16xf32>
      tpu.vector_store %arg6[%swap3A_466, %swap3A_467], %swap3A_470 {strides = array<i32>} : memref<64x512xf32, #tpu.memory_space<vmem>>, vector<1x16xf32>,
      %broadcast_in_dim3A_471 = arith.constant 0.000000e+00 : f32
      %broadcast_in_dim3A_472 = vector.broadcast %broadcast_in_dim3A_471 : f32 to vector<16xf32>
      %swap3A_473 = arith.index_cast %scan3A_408 : i32 to index
      %swap3A_474 = arith.constant 144 : index
      %swap3A_475 = tpu.vector_load %arg6[%swap3A_473, %swap3A_474] {strides = array<i32>} : memref<64x512xf32, #tpu.memory_space<vmem>>, vector<1x16xf32>,
      %swap3A_476 = vector.shape_cast %swap3A_475 : vector<1x16xf32> to vector<16xf32>
      %swap3A_477 = vector.shape_cast %broadcast_in_dim3A_472 : vector<16xf32> to vector<1x16xf32>
      tpu.vector_store %arg6[%swap3A_473, %swap3A_474], %swap3A_477 {strides = array<i32>} : memref<64x512xf32, #tpu.memory_space<vmem>>, vector<1x16xf32>,
      %broadcast_in_dim3A_478 = arith.constant 0.000000e+00 : f32
      %broadcast_in_dim3A_479 = vector.broadcast %broadcast_in_dim3A_478 : f32 to vector<16xf32>
      %swap3A_480 = arith.index_cast %scan3A_408 : i32 to index
      %swap3A_481 = arith.constant 160 : index
      %swap3A_482 = tpu.vector_load %arg6[%swap3A_480, %swap3A_481] {strides = array<i32>} : memref<64x512xf32, #tpu.memory_space<vmem>>, vector<1x16xf32>,
      %swap3A_483 = vector.shape_cast %swap3A_482 : vector<1x16xf32> to vector<16xf32>
      %swap3A_484 = vector.shape_cast %broadcast_in_dim3A_479 : vector<16xf32> to vector<1x16xf32>
      tpu.vector_store %arg6[%swap3A_480, %swap3A_481], %swap3A_484 {strides = array<i32>} : memref<64x512xf32, #tpu.memory_space<vmem>>, vector<1x16xf32>,
      %broadcast_in_dim3A_485 = arith.constant 0.000000e+00 : f32
      %broadcast_in_dim3A_486 = vector.broadcast %broadcast_in_dim3A_485 : f32 to vector<16xf32>
      %swap3A_487 = arith.index_cast %scan3A_408 : i32 to index
      %swap3A_488 = arith.constant 176 : index
      %swap3A_489 = tpu.vector_load %arg6[%swap3A_487, %swap3A_488] {strides = array<i32>} : memref<64x512xf32, #tpu.memory_space<vmem>>, vector<1x16xf32>,
      %swap3A_490 = vector.shape_cast %swap3A_489 : vector<1x16xf32> to vector<16xf32>
      %swap3A_491 = vector.shape_cast %broadcast_in_dim3A_486 : vector<16xf32> to vector<1x16xf32>
      tpu.vector_store %arg6[%swap3A_487, %swap3A_488], %swap3A_491 {strides = array<i32>} : memref<64x512xf32, #tpu.memory_space<vmem>>, vector<1x16xf32>,
      %broadcast_in_dim3A_492 = arith.constant 0.000000e+00 : f32
      %broadcast_in_dim3A_493 = vector.broadcast %broadcast_in_dim3A_492 : f32 to vector<16xf32>
      %swap3A_494 = arith.index_cast %scan3A_408 : i32 to index
      %swap3A_495 = arith.constant 192 : index
      %swap3A_496 = tpu.vector_load %arg6[%swap3A_494, %swap3A_495] {strides = array<i32>} : memref<64x512xf32, #tpu.memory_space<vmem>>, vector<1x16xf32>,
      %swap3A_497 = vector.shape_cast %swap3A_496 : vector<1x16xf32> to vector<16xf32>
      %swap3A_498 = vector.shape_cast %broadcast_in_dim3A_493 : vector<16xf32> to vector<1x16xf32>
      tpu.vector_store %arg6[%swap3A_494, %swap3A_495], %swap3A_498 {strides = array<i32>} : memref<64x512xf32, #tpu.memory_space<vmem>>, vector<1x16xf32>,
      %broadcast_in_dim3A_499 = arith.constant 0.000000e+00 : f32
      %broadcast_in_dim3A_500 = vector.broadcast %broadcast_in_dim3A_499 : f32 to vector<16xf32>
      %swap3A_501 = arith.index_cast %scan3A_408 : i32 to index
      %swap3A_502 = arith.constant 208 : index
      %swap3A_503 = tpu.vector_load %arg6[%swap3A_501, %swap3A_502] {strides = array<i32>} : memref<64x512xf32, #tpu.memory_space<vmem>>, vector<1x16xf32>,
      %swap3A_504 = vector.shape_cast %swap3A_503 : vector<1x16xf32> to vector<16xf32>
      %swap3A_505 = vector.shape_cast %broadcast_in_dim3A_500 : vector<16xf32> to vector<1x16xf32>
      tpu.vector_store %arg6[%swap3A_501, %swap3A_502], %swap3A_505 {strides = array<i32>} : memref<64x512xf32, #tpu.memory_space<vmem>>, vector<1x16xf32>,
      %broadcast_in_dim3A_506 = arith.constant 0.000000e+00 : f32
      %broadcast_in_dim3A_507 = vector.broadcast %broadcast_in_dim3A_506 : f32 to vector<16xf32>
      %swap3A_508 = arith.index_cast %scan3A_408 : i32 to index
      %swap3A_509 = arith.constant 224 : index
      %swap3A_510 = tpu.vector_load %arg6[%swap3A_508, %swap3A_509] {strides = array<i32>} : memref<64x512xf32, #tpu.memory_space<vmem>>, vector<1x16xf32>,
      %swap3A_511 = vector.shape_cast %swap3A_510 : vector<1x16xf32> to vector<16xf32>
      %swap3A_512 = vector.shape_cast %broadcast_in_dim3A_507 : vector<16xf32> to vector<1x16xf32>
      tpu.vector_store %arg6[%swap3A_508, %swap3A_509], %swap3A_512 {strides = array<i32>} : memref<64x512xf32, #tpu.memory_space<vmem>>, vector<1x16xf32>,
      %broadcast_in_dim3A_513 = arith.constant 0.000000e+00 : f32
      %broadcast_in_dim3A_514 = vector.broadcast %broadcast_in_dim3A_513 : f32 to vector<16xf32>
      %swap3A_515 = arith.index_cast %scan3A_408 : i32 to index
      %swap3A_516 = arith.constant 240 : index
      %swap3A_517 = tpu.vector_load %arg6[%swap3A_515, %swap3A_516] {strides = array<i32>} : memref<64x512xf32, #tpu.memory_space<vmem>>, vector<1x16xf32>,
      %swap3A_518 = vector.shape_cast %swap3A_517 : vector<1x16xf32> to vector<16xf32>
      %swap3A_519 = vector.shape_cast %broadcast_in_dim3A_514 : vector<16xf32> to vector<1x16xf32>
      tpu.vector_store %arg6[%swap3A_515, %swap3A_516], %swap3A_519 {strides = array<i32>} : memref<64x512xf32, #tpu.memory_space<vmem>>, vector<1x16xf32>,
      %broadcast_in_dim3A_520 = arith.constant 0.000000e+00 : f32
      %broadcast_in_dim3A_521 = vector.broadcast %broadcast_in_dim3A_520 : f32 to vector<16xf32>
      %swap3A_522 = arith.index_cast %scan3A_408 : i32 to index
      %swap3A_523 = arith.constant 256 : index
      %swap3A_524 = tpu.vector_load %arg6[%swap3A_522, %swap3A_523] {strides = array<i32>} : memref<64x512xf32, #tpu.memory_space<vmem>>, vector<1x16xf32>,
      %swap3A_525 = vector.shape_cast %swap3A_524 : vector<1x16xf32> to vector<16xf32>
      %swap3A_526 = vector.shape_cast %broadcast_in_dim3A_521 : vector<16xf32> to vector<1x16xf32>
      tpu.vector_store %arg6[%swap3A_522, %swap3A_523], %swap3A_526 {strides = array<i32>} : memref<64x512xf32, #tpu.memory_space<vmem>>, vector<1x16xf32>,
      %broadcast_in_dim3A_527 = arith.constant 0.000000e+00 : f32
      %broadcast_in_dim3A_528 = vector.broadcast %broadcast_in_dim3A_527 : f32 to vector<16xf32>
      %swap3A_529 = arith.index_cast %scan3A_408 : i32 to index
      %swap3A_530 = arith.constant 272 : index
      %swap3A_531 = tpu.vector_load %arg6[%swap3A_529, %swap3A_530] {strides = array<i32>} : memref<64x512xf32, #tpu.memory_space<vmem>>, vector<1x16xf32>,
      %swap3A_532 = vector.shape_cast %swap3A_531 : vector<1x16xf32> to vector<16xf32>
      %swap3A_533 = vector.shape_cast %broadcast_in_dim3A_528 : vector<16xf32> to vector<1x16xf32>
      tpu.vector_store %arg6[%swap3A_529, %swap3A_530], %swap3A_533 {strides = array<i32>} : memref<64x512xf32, #tpu.memory_space<vmem>>, vector<1x16xf32>,
      %broadcast_in_dim3A_534 = arith.constant 0.000000e+00 : f32
      %broadcast_in_dim3A_535 = vector.broadcast %broadcast_in_dim3A_534 : f32 to vector<16xf32>
      %swap3A_536 = arith.index_cast %scan3A_408 : i32 to index
      %swap3A_537 = arith.constant 288 : index
      %swap3A_538 = tpu.vector_load %arg6[%swap3A_536, %swap3A_537] {strides = array<i32>} : memref<64x512xf32, #tpu.memory_space<vmem>>, vector<1x16xf32>,
      %swap3A_539 = vector.shape_cast %swap3A_538 : vector<1x16xf32> to vector<16xf32>
      %swap3A_540 = vector.shape_cast %broadcast_in_dim3A_535 : vector<16xf32> to vector<1x16xf32>
      tpu.vector_store %arg6[%swap3A_536, %swap3A_537], %swap3A_540 {strides = array<i32>} : memref<64x512xf32, #tpu.memory_space<vmem>>, vector<1x16xf32>,
      %broadcast_in_dim3A_541 = arith.constant 0.000000e+00 : f32
      %broadcast_in_dim3A_542 = vector.broadcast %broadcast_in_dim3A_541 : f32 to vector<16xf32>
      %swap3A_543 = arith.index_cast %scan3A_408 : i32 to index
      %swap3A_544 = arith.constant 304 : index
      %swap3A_545 = tpu.vector_load %arg6[%swap3A_543, %swap3A_544] {strides = array<i32>} : memref<64x512xf32, #tpu.memory_space<vmem>>, vector<1x16xf32>,
      %swap3A_546 = vector.shape_cast %swap3A_545 : vector<1x16xf32> to vector<16xf32>
      %swap3A_547 = vector.shape_cast %broadcast_in_dim3A_542 : vector<16xf32> to vector<1x16xf32>
      tpu.vector_store %arg6[%swap3A_543, %swap3A_544], %swap3A_547 {strides = array<i32>} : memref<64x512xf32, #tpu.memory_space<vmem>>, vector<1x16xf32>,
      %broadcast_in_dim3A_548 = arith.constant 0.000000e+00 : f32
      %broadcast_in_dim3A_549 = vector.broadcast %broadcast_in_dim3A_548 : f32 to vector<16xf32>
      %swap3A_550 = arith.index_cast %scan3A_408 : i32 to index
      %swap3A_551 = arith.constant 320 : index
      %swap3A_552 = tpu.vector_load %arg6[%swap3A_550, %swap3A_551] {strides = array<i32>} : memref<64x512xf32, #tpu.memory_space<vmem>>, vector<1x16xf32>,
      %swap3A_553 = vector.shape_cast %swap3A_552 : vector<1x16xf32> to vector<16xf32>
      %swap3A_554 = vector.shape_cast %broadcast_in_dim3A_549 : vector<16xf32> to vector<1x16xf32>
      tpu.vector_store %arg6[%swap3A_550, %swap3A_551], %swap3A_554 {strides = array<i32>} : memref<64x512xf32, #tpu.memory_space<vmem>>, vector<1x16xf32>,
      %broadcast_in_dim3A_555 = arith.constant 0.000000e+00 : f32
      %broadcast_in_dim3A_556 = vector.broadcast %broadcast_in_dim3A_555 : f32 to vector<16xf32>
      %swap3A_557 = arith.index_cast %scan3A_408 : i32 to index
      %swap3A_558 = arith.constant 336 : index
      %swap3A_559 = tpu.vector_load %arg6[%swap3A_557, %swap3A_558] {strides = array<i32>} : memref<64x512xf32, #tpu.memory_space<vmem>>, vector<1x16xf32>,
      %swap3A_560 = vector.shape_cast %swap3A_559 : vector<1x16xf32> to vector<16xf32>
      %swap3A_561 = vector.shape_cast %broadcast_in_dim3A_556 : vector<16xf32> to vector<1x16xf32>
      tpu.vector_store %arg6[%swap3A_557, %swap3A_558], %swap3A_561 {strides = array<i32>} : memref<64x512xf32, #tpu.memory_space<vmem>>, vector<1x16xf32>,
      %broadcast_in_dim3A_562 = arith.constant 0.000000e+00 : f32
      %broadcast_in_dim3A_563 = vector.broadcast %broadcast_in_dim3A_562 : f32 to vector<16xf32>
      %swap3A_564 = arith.index_cast %scan3A_408 : i32 to index
      %swap3A_565 = arith.constant 352 : index
      %swap3A_566 = tpu.vector_load %arg6[%swap3A_564, %swap3A_565] {strides = array<i32>} : memref<64x512xf32, #tpu.memory_space<vmem>>, vector<1x16xf32>,
      %swap3A_567 = vector.shape_cast %swap3A_566 : vector<1x16xf32> to vector<16xf32>
      %swap3A_568 = vector.shape_cast %broadcast_in_dim3A_563 : vector<16xf32> to vector<1x16xf32>
      tpu.vector_store %arg6[%swap3A_564, %swap3A_565], %swap3A_568 {strides = array<i32>} : memref<64x512xf32, #tpu.memory_space<vmem>>, vector<1x16xf32>,
      %broadcast_in_dim3A_569 = arith.constant 0.000000e+00 : f32
      %broadcast_in_dim3A_570 = vector.broadcast %broadcast_in_dim3A_569 : f32 to vector<16xf32>
      %swap3A_571 = arith.index_cast %scan3A_408 : i32 to index
      %swap3A_572 = arith.constant 368 : index
      %swap3A_573 = tpu.vector_load %arg6[%swap3A_571, %swap3A_572] {strides = array<i32>} : memref<64x512xf32, #tpu.memory_space<vmem>>, vector<1x16xf32>,
      %swap3A_574 = vector.shape_cast %swap3A_573 : vector<1x16xf32> to vector<16xf32>
      %swap3A_575 = vector.shape_cast %broadcast_in_dim3A_570 : vector<16xf32> to vector<1x16xf32>
      tpu.vector_store %arg6[%swap3A_571, %swap3A_572], %swap3A_575 {strides = array<i32>} : memref<64x512xf32, #tpu.memory_space<vmem>>, vector<1x16xf32>,
      %broadcast_in_dim3A_576 = arith.constant 0.000000e+00 : f32
      %broadcast_in_dim3A_577 = vector.broadcast %broadcast_in_dim3A_576 : f32 to vector<16xf32>
      %swap3A_578 = arith.index_cast %scan3A_408 : i32 to index
      %swap3A_579 = arith.constant 384 : index
      %swap3A_580 = tpu.vector_load %arg6[%swap3A_578, %swap3A_579] {strides = array<i32>} : memref<64x512xf32, #tpu.memory_space<vmem>>, vector<1x16xf32>,
      %swap3A_581 = vector.shape_cast %swap3A_580 : vector<1x16xf32> to vector<16xf32>
      %swap3A_582 = vector.shape_cast %broadcast_in_dim3A_577 : vector<16xf32> to vector<1x16xf32>
      tpu.vector_store %arg6[%swap3A_578, %swap3A_579], %swap3A_582 {strides = array<i32>} : memref<64x512xf32, #tpu.memory_space<vmem>>, vector<1x16xf32>,
      %broadcast_in_dim3A_583 = arith.constant 0.000000e+00 : f32
      %broadcast_in_dim3A_584 = vector.broadcast %broadcast_in_dim3A_583 : f32 to vector<16xf32>
      %swap3A_585 = arith.index_cast %scan3A_408 : i32 to index
      %swap3A_586 = arith.constant 400 : index
      %swap3A_587 = tpu.vector_load %arg6[%swap3A_585, %swap3A_586] {strides = array<i32>} : memref<64x512xf32, #tpu.memory_space<vmem>>, vector<1x16xf32>,
      %swap3A_588 = vector.shape_cast %swap3A_587 : vector<1x16xf32> to vector<16xf32>
      %swap3A_589 = vector.shape_cast %broadcast_in_dim3A_584 : vector<16xf32> to vector<1x16xf32>
      tpu.vector_store %arg6[%swap3A_585, %swap3A_586], %swap3A_589 {strides = array<i32>} : memref<64x512xf32, #tpu.memory_space<vmem>>, vector<1x16xf32>,
      %broadcast_in_dim3A_590 = arith.constant 0.000000e+00 : f32
      %broadcast_in_dim3A_591 = vector.broadcast %broadcast_in_dim3A_590 : f32 to vector<16xf32>
      %swap3A_592 = arith.index_cast %scan3A_408 : i32 to index
      %swap3A_593 = arith.constant 416 : index
      %swap3A_594 = tpu.vector_load %arg6[%swap3A_592, %swap3A_593] {strides = array<i32>} : memref<64x512xf32, #tpu.memory_space<vmem>>, vector<1x16xf32>,
      %swap3A_595 = vector.shape_cast %swap3A_594 : vector<1x16xf32> to vector<16xf32>
      %swap3A_596 = vector.shape_cast %broadcast_in_dim3A_591 : vector<16xf32> to vector<1x16xf32>
      tpu.vector_store %arg6[%swap3A_592, %swap3A_593], %swap3A_596 {strides = array<i32>} : memref<64x512xf32, #tpu.memory_space<vmem>>, vector<1x16xf32>,
      %broadcast_in_dim3A_597 = arith.constant 0.000000e+00 : f32
      %broadcast_in_dim3A_598 = vector.broadcast %broadcast_in_dim3A_597 : f32 to vector<16xf32>
      %swap3A_599 = arith.index_cast %scan3A_408 : i32 to index
      %swap3A_600 = arith.constant 432 : index
      %swap3A_601 = tpu.vector_load %arg6[%swap3A_599, %swap3A_600] {strides = array<i32>} : memref<64x512xf32, #tpu.memory_space<vmem>>, vector<1x16xf32>,
      %swap3A_602 = vector.shape_cast %swap3A_601 : vector<1x16xf32> to vector<16xf32>
      %swap3A_603 = vector.shape_cast %broadcast_in_dim3A_598 : vector<16xf32> to vector<1x16xf32>
      tpu.vector_store %arg6[%swap3A_599, %swap3A_600], %swap3A_603 {strides = array<i32>} : memref<64x512xf32, #tpu.memory_space<vmem>>, vector<1x16xf32>,
      %broadcast_in_dim3A_604 = arith.constant 0.000000e+00 : f32
      %broadcast_in_dim3A_605 = vector.broadcast %broadcast_in_dim3A_604 : f32 to vector<16xf32>
      %swap3A_606 = arith.index_cast %scan3A_408 : i32 to index
      %swap3A_607 = arith.constant 448 : index
      %swap3A_608 = tpu.vector_load %arg6[%swap3A_606, %swap3A_607] {strides = array<i32>} : memref<64x512xf32, #tpu.memory_space<vmem>>, vector<1x16xf32>,
      %swap3A_609 = vector.shape_cast %swap3A_608 : vector<1x16xf32> to vector<16xf32>
      %swap3A_610 = vector.shape_cast %broadcast_in_dim3A_605 : vector<16xf32> to vector<1x16xf32>
      tpu.vector_store %arg6[%swap3A_606, %swap3A_607], %swap3A_610 {strides = array<i32>} : memref<64x512xf32, #tpu.memory_space<vmem>>, vector<1x16xf32>,
      %broadcast_in_dim3A_611 = arith.constant 0.000000e+00 : f32
      %broadcast_in_dim3A_612 = vector.broadcast %broadcast_in_dim3A_611 : f32 to vector<16xf32>
      %swap3A_613 = arith.index_cast %scan3A_408 : i32 to index
      %swap3A_614 = arith.constant 464 : index
      %swap3A_615 = tpu.vector_load %arg6[%swap3A_613, %swap3A_614] {strides = array<i32>} : memref<64x512xf32, #tpu.memory_space<vmem>>, vector<1x16xf32>,
      %swap3A_616 = vector.shape_cast %swap3A_615 : vector<1x16xf32> to vector<16xf32>
      %swap3A_617 = vector.shape_cast %broadcast_in_dim3A_612 : vector<16xf32> to vector<1x16xf32>
      tpu.vector_store %arg6[%swap3A_613, %swap3A_614], %swap3A_617 {strides = array<i32>} : memref<64x512xf32, #tpu.memory_space<vmem>>, vector<1x16xf32>,
      %broadcast_in_dim3A_618 = arith.constant 0.000000e+00 : f32
      %broadcast_in_dim3A_619 = vector.broadcast %broadcast_in_dim3A_618 : f32 to vector<16xf32>
      %swap3A_620 = arith.index_cast %scan3A_408 : i32 to index
      %swap3A_621 = arith.constant 480 : index
      %swap3A_622 = tpu.vector_load %arg6[%swap3A_620, %swap3A_621] {strides = array<i32>} : memref<64x512xf32, #tpu.memory_space<vmem>>, vector<1x16xf32>,
      %swap3A_623 = vector.shape_cast %swap3A_622 : vector<1x16xf32> to vector<16xf32>
      %swap3A_624 = vector.shape_cast %broadcast_in_dim3A_619 : vector<16xf32> to vector<1x16xf32>
      tpu.vector_store %arg6[%swap3A_620, %swap3A_621], %swap3A_624 {strides = array<i32>} : memref<64x512xf32, #tpu.memory_space<vmem>>, vector<1x16xf32>,
      %broadcast_in_dim3A_625 = arith.constant 0.000000e+00 : f32
      %broadcast_in_dim3A_626 = vector.broadcast %broadcast_in_dim3A_625 : f32 to vector<16xf32>
      %swap3A_627 = arith.index_cast %scan3A_408 : i32 to index
      %swap3A_628 = arith.constant 496 : index
      %swap3A_629 = tpu.vector_load %arg6[%swap3A_627, %swap3A_628] {strides = array<i32>} : memref<64x512xf32, #tpu.memory_space<vmem>>, vector<1x16xf32>,
      %swap3A_630 = vector.shape_cast %swap3A_629 : vector<1x16xf32> to vector<16xf32>
      %swap3A_631 = vector.shape_cast %broadcast_in_dim3A_626 : vector<16xf32> to vector<1x16xf32>
      tpu.vector_store %arg6[%swap3A_627, %swap3A_628], %swap3A_631 {strides = array<i32>} : memref<64x512xf32, #tpu.memory_space<vmem>>, vector<1x16xf32>,
      %scan3A_632 = arith.constant 0 : i32
      scf.yield %scan3A_632 : i32
    }
    %scan3A_5 = arith.constant 64 : i32
    %mul3A = arith.constant 19 : i32
    %mul3A_6 = arith.muli %arg1, %mul3A : i32
    %add3A = arith.constant 0 : i32
    %add3A_7 = arith.addi %mul3A_6, %add3A : i32
    %lt3A = arith.constant 293 : i32
    %lt3A_8 = arith.cmpi slt, %add3A_7, %lt3A : i32
    %convert_element_type3A = arith.extui %lt3A_8 : i1 to i32
    %cond3A = arith.constant 0 : i32
    %cond3A_9 = arith.cmpi ne, %convert_element_type3A, %cond3A : i32
    scf.if %cond3A_9 {
      %mul3A_408 = arith.constant 64 : i32
      %mul3A_409 = arith.muli %add3A_7, %mul3A_408 : i32
      "tpu.region"() ({
        %run_scoped3A = tpu.sem_alloc : memref<!tpu.dma_semaphore, #tpu.memory_space<semaphore_mem>>
        %dma_start3A_410 = arith.constant 0 : i32
        %dma_start3A_411 = tpu.memref_slice %arg4[%mul3A_409, %dma_start3A_410] : memref<18760x512xf32, #tpu.memory_space<hbm>> -> memref<64x512xf32, #tpu.memory_space<hbm>>
        %dma_start3A_412 = arith.constant 0 : i32
        %dma_start3A_413 = tpu.memref_slice %arg4[%mul3A_409, %dma_start3A_412] : memref<18760x512xf32, #tpu.memory_space<hbm>> -> memref<64x512xf32, #tpu.memory_space<hbm>>
        tpu.enqueue_dma source(%arg6 : memref<64x512xf32, #tpu.memory_space<vmem>>) target(%dma_start3A_413 : memref<64x512xf32, #tpu.memory_space<hbm>>) target_semaphore(%run_scoped3A : memref<!tpu.dma_semaphore, #tpu.memory_space<semaphore_mem>>)
        %dma_wait3A_414 = arith.constant 0 : i32
        %dma_wait3A_415 = tpu.memref_slice %arg4[%mul3A_409, %dma_wait3A_414] : memref<18760x512xf32, #tpu.memory_space<hbm>> -> memref<64x512xf32, #tpu.memory_space<hbm>>
        %dma_wait3A_416 = arith.constant 0 : i32
        %dma_wait3A_417 = tpu.memref_slice %arg4[%mul3A_409, %dma_wait3A_416] : memref<18760x512xf32, #tpu.memory_space<hbm>> -> memref<64x512xf32, #tpu.memory_space<hbm>>
        tpu.wait_dma2 semaphore(%run_scoped3A : memref<!tpu.dma_semaphore, #tpu.memory_space<semaphore_mem>>) src(%arg6 : memref<64x512xf32, #tpu.memory_space<vmem>>) dst(%dma_wait3A_417 : memref<64x512xf32, #tpu.memory_space<hbm>>)
        tpu.yield
      }) : () -> ()
    } else {
    }
    %eq3A = arith.constant 293 : i32
    %eq3A_10 = arith.cmpi eq, %add3A_7, %eq3A : i32
    %convert_element_type3A_11 = arith.extui %eq3A_10 : i1 to i32
    %cond3A_12 = arith.constant 0 : i32
    %cond3A_13 = arith.cmpi ne, %convert_element_type3A_11, %cond3A_12 : i32
    scf.if %cond3A_13 {
      "tpu.region"() ({
        %run_scoped3A = tpu.sem_alloc : memref<!tpu.dma_semaphore, #tpu.memory_space<semaphore_mem>>
        %dma_start3A_408 = arith.constant 0 : i32
        %dma_start3A_409 = arith.constant 0 : i32
        %dma_start3A_410 = tpu.memref_slice %arg6[%dma_start3A_408, %dma_start3A_409] : memref<64x512xf32, #tpu.memory_space<vmem>> -> memref<8x512xf32, #tpu.memory_space<vmem>>
        %dma_start3A_411 = arith.constant 18752 : i32
        %dma_start3A_412 = arith.constant 0 : i32
        %dma_start3A_413 = tpu.memref_slice %arg4[%dma_start3A_411, %dma_start3A_412] : memref<18760x512xf32, #tpu.memory_space<hbm>> -> memref<8x512xf32, #tpu.memory_space<hbm>>
        %dma_start3A_414 = arith.constant 18752 : i32
        %dma_start3A_415 = arith.constant 0 : i32
        %dma_start3A_416 = tpu.memref_slice %arg4[%dma_start3A_414, %dma_start3A_415] : memref<18760x512xf32, #tpu.memory_space<hbm>> -> memref<8x512xf32, #tpu.memory_space<hbm>>
        %dma_start3A_417 = arith.constant 0 : i32
        %dma_start3A_418 = arith.constant 0 : i32
        %dma_start3A_419 = tpu.memref_slice %arg6[%dma_start3A_417, %dma_start3A_418] : memref<64x512xf32, #tpu.memory_space<vmem>> -> memref<8x512xf32, #tpu.memory_space<vmem>>
        tpu.enqueue_dma source(%dma_start3A_419 : memref<8x512xf32, #tpu.memory_space<vmem>>) target(%dma_start3A_416 : memref<8x512xf32, #tpu.memory_space<hbm>>) target_semaphore(%run_scoped3A : memref<!tpu.dma_semaphore, #tpu.memory_space<semaphore_mem>>)
        %dma_wait3A_420 = arith.constant 0 : i32
        %dma_wait3A_421 = arith.constant 0 : i32
        %dma_wait3A_422 = tpu.memref_slice %arg6[%dma_wait3A_420, %dma_wait3A_421] : memref<64x512xf32, #tpu.memory_space<vmem>> -> memref<8x512xf32, #tpu.memory_space<vmem>>
        %dma_wait3A_423 = arith.constant 18752 : i32
        %dma_wait3A_424 = arith.constant 0 : i32
        %dma_wait3A_425 = tpu.memref_slice %arg4[%dma_wait3A_423, %dma_wait3A_424] : memref<18760x512xf32, #tpu.memory_space<hbm>> -> memref<8x512xf32, #tpu.memory_space<hbm>>
        %dma_wait3A_426 = arith.constant 18752 : i32
        %dma_wait3A_427 = arith.constant 0 : i32
        %dma_wait3A_428 = tpu.memref_slice %arg4[%dma_wait3A_426, %dma_wait3A_427] : memref<18760x512xf32, #tpu.memory_space<hbm>> -> memref<8x512xf32, #tpu.memory_space<hbm>>
        %dma_wait3A_429 = arith.constant 0 : i32
        %dma_wait3A_430 = arith.constant 0 : i32
        %dma_wait3A_431 = tpu.memref_slice %arg6[%dma_wait3A_429, %dma_wait3A_430] : memref<64x512xf32, #tpu.memory_space<vmem>> -> memref<8x512xf32, #tpu.memory_space<vmem>>
        tpu.wait_dma2 semaphore(%run_scoped3A : memref<!tpu.dma_semaphore, #tpu.memory_space<semaphore_mem>>) src(%dma_wait3A_431 : memref<8x512xf32, #tpu.memory_space<vmem>>) dst(%dma_wait3A_428 : memref<8x512xf32, #tpu.memory_space<hbm>>)
        tpu.yield
      }) : () -> ()
    } else {
    }
    %mul3A_14 = arith.constant 19 : i32
    %mul3A_15 = arith.muli %arg1, %mul3A_14 : i32
    %add3A_16 = arith.constant 1 : i32
    %add3A_17 = arith.addi %mul3A_15, %add3A_16 : i32
    %lt3A_18 = arith.constant 293 : i32
    %lt3A_19 = arith.cmpi slt, %add3A_17, %lt3A_18 : i32
    %convert_element_type3A_20 = arith.extui %lt3A_19 : i1 to i32
    %cond3A_21 = arith.constant 0 : i32
    %cond3A_22 = arith.cmpi ne, %convert_element_type3A_20, %cond3A_21 : i32
    scf.if %cond3A_22 {
      %mul3A_408 = arith.constant 64 : i32
      %mul3A_409 = arith.muli %add3A_17, %mul3A_408 : i32
      "tpu.region"() ({
        %run_scoped3A = tpu.sem_alloc : memref<!tpu.dma_semaphore, #tpu.memory_space<semaphore_mem>>
        %dma_start3A_410 = arith.constant 0 : i32
        %dma_start3A_411 = tpu.memref_slice %arg4[%mul3A_409, %dma_start3A_410] : memref<18760x512xf32, #tpu.memory_space<hbm>> -> memref<64x512xf32, #tpu.memory_space<hbm>>
        %dma_start3A_412 = arith.constant 0 : i32
        %dma_start3A_413 = tpu.memref_slice %arg4[%mul3A_409, %dma_start3A_412] : memref<18760x512xf32, #tpu.memory_space<hbm>> -> memref<64x512xf32, #tpu.memory_space<hbm>>
        tpu.enqueue_dma source(%arg6 : memref<64x512xf32, #tpu.memory_space<vmem>>) target(%dma_start3A_413 : memref<64x512xf32, #tpu.memory_space<hbm>>) target_semaphore(%run_scoped3A : memref<!tpu.dma_semaphore, #tpu.memory_space<semaphore_mem>>)
        %dma_wait3A_414 = arith.constant 0 : i32
        %dma_wait3A_415 = tpu.memref_slice %arg4[%mul3A_409, %dma_wait3A_414] : memref<18760x512xf32, #tpu.memory_space<hbm>> -> memref<64x512xf32, #tpu.memory_space<hbm>>
        %dma_wait3A_416 = arith.constant 0 : i32
        %dma_wait3A_417 = tpu.memref_slice %arg4[%mul3A_409, %dma_wait3A_416] : memref<18760x512xf32, #tpu.memory_space<hbm>> -> memref<64x512xf32, #tpu.memory_space<hbm>>
        tpu.wait_dma2 semaphore(%run_scoped3A : memref<!tpu.dma_semaphore, #tpu.memory_space<semaphore_mem>>) src(%arg6 : memref<64x512xf32, #tpu.memory_space<vmem>>) dst(%dma_wait3A_417 : memref<64x512xf32, #tpu.memory_space<hbm>>)
        tpu.yield
      }) : () -> ()
    } else {
    }
    %eq3A_23 = arith.constant 293 : i32
    %eq3A_24 = arith.cmpi eq, %add3A_17, %eq3A_23 : i32
    %convert_element_type3A_25 = arith.extui %eq3A_24 : i1 to i32
    %cond3A_26 = arith.constant 0 : i32
    %cond3A_27 = arith.cmpi ne, %convert_element_type3A_25, %cond3A_26 : i32
    scf.if %cond3A_27 {
      "tpu.region"() ({
        %run_scoped3A = tpu.sem_alloc : memref<!tpu.dma_semaphore, #tpu.memory_space<semaphore_mem>>
        %dma_start3A_408 = arith.constant 0 : i32
        %dma_start3A_409 = arith.constant 0 : i32
        %dma_start3A_410 = tpu.memref_slice %arg6[%dma_start3A_408, %dma_start3A_409] : memref<64x512xf32, #tpu.memory_space<vmem>> -> memref<8x512xf32, #tpu.memory_space<vmem>>
        %dma_start3A_411 = arith.constant 18752 : i32
        %dma_start3A_412 = arith.constant 0 : i32
        %dma_start3A_413 = tpu.memref_slice %arg4[%dma_start3A_411, %dma_start3A_412] : memref<18760x512xf32, #tpu.memory_space<hbm>> -> memref<8x512xf32, #tpu.memory_space<hbm>>
        %dma_start3A_414 = arith.constant 18752 : i32
        %dma_start3A_415 = arith.constant 0 : i32
        %dma_start3A_416 = tpu.memref_slice %arg4[%dma_start3A_414, %dma_start3A_415] : memref<18760x512xf32, #tpu.memory_space<hbm>> -> memref<8x512xf32, #tpu.memory_space<hbm>>
        %dma_start3A_417 = arith.constant 0 : i32
        %dma_start3A_418 = arith.constant 0 : i32
        %dma_start3A_419 = tpu.memref_slice %arg6[%dma_start3A_417, %dma_start3A_418] : memref<64x512xf32, #tpu.memory_space<vmem>> -> memref<8x512xf32, #tpu.memory_space<vmem>>
        tpu.enqueue_dma source(%dma_start3A_419 : memref<8x512xf32, #tpu.memory_space<vmem>>) target(%dma_start3A_416 : memref<8x512xf32, #tpu.memory_space<hbm>>) target_semaphore(%run_scoped3A : memref<!tpu.dma_semaphore, #tpu.memory_space<semaphore_mem>>)
        %dma_wait3A_420 = arith.constant 0 : i32
        %dma_wait3A_421 = arith.constant 0 : i32
        %dma_wait3A_422 = tpu.memref_slice %arg6[%dma_wait3A_420, %dma_wait3A_421] : memref<64x512xf32, #tpu.memory_space<vmem>> -> memref<8x512xf32, #tpu.memory_space<vmem>>
        %dma_wait3A_423 = arith.constant 18752 : i32
        %dma_wait3A_424 = arith.constant 0 : i32
        %dma_wait3A_425 = tpu.memref_slice %arg4[%dma_wait3A_423, %dma_wait3A_424] : memref<18760x512xf32, #tpu.memory_space<hbm>> -> memref<8x512xf32, #tpu.memory_space<hbm>>
        %dma_wait3A_426 = arith.constant 18752 : i32
        %dma_wait3A_427 = arith.constant 0 : i32
        %dma_wait3A_428 = tpu.memref_slice %arg4[%dma_wait3A_426, %dma_wait3A_427] : memref<18760x512xf32, #tpu.memory_space<hbm>> -> memref<8x512xf32, #tpu.memory_space<hbm>>
        %dma_wait3A_429 = arith.constant 0 : i32
        %dma_wait3A_430 = arith.constant 0 : i32
        %dma_wait3A_431 = tpu.memref_slice %arg6[%dma_wait3A_429, %dma_wait3A_430] : memref<64x512xf32, #tpu.memory_space<vmem>> -> memref<8x512xf32, #tpu.memory_space<vmem>>
        tpu.wait_dma2 semaphore(%run_scoped3A : memref<!tpu.dma_semaphore, #tpu.memory_space<semaphore_mem>>) src(%dma_wait3A_431 : memref<8x512xf32, #tpu.memory_space<vmem>>) dst(%dma_wait3A_428 : memref<8x512xf32, #tpu.memory_space<hbm>>)
        tpu.yield
      }) : () -> ()
    } else {
    }
    %mul3A_28 = arith.constant 19 : i32
    %mul3A_29 = arith.muli %arg1, %mul3A_28 : i32
    %add3A_30 = arith.constant 2 : i32
    %add3A_31 = arith.addi %mul3A_29, %add3A_30 : i32
    %lt3A_32 = arith.constant 293 : i32
    %lt3A_33 = arith.cmpi slt, %add3A_31, %lt3A_32 : i32
    %convert_element_type3A_34 = arith.extui %lt3A_33 : i1 to i32
    %cond3A_35 = arith.constant 0 : i32
    %cond3A_36 = arith.cmpi ne, %convert_element_type3A_34, %cond3A_35 : i32
    scf.if %cond3A_36 {
      %mul3A_408 = arith.constant 64 : i32
      %mul3A_409 = arith.muli %add3A_31, %mul3A_408 : i32
      "tpu.region"() ({
        %run_scoped3A = tpu.sem_alloc : memref<!tpu.dma_semaphore, #tpu.memory_space<semaphore_mem>>
        %dma_start3A_410 = arith.constant 0 : i32
        %dma_start3A_411 = tpu.memref_slice %arg4[%mul3A_409, %dma_start3A_410] : memref<18760x512xf32, #tpu.memory_space<hbm>> -> memref<64x512xf32, #tpu.memory_space<hbm>>
        %dma_start3A_412 = arith.constant 0 : i32
        %dma_start3A_413 = tpu.memref_slice %arg4[%mul3A_409, %dma_start3A_412] : memref<18760x512xf32, #tpu.memory_space<hbm>> -> memref<64x512xf32, #tpu.memory_space<hbm>>
        tpu.enqueue_dma source(%arg6 : memref<64x512xf32, #tpu.memory_space<vmem>>) target(%dma_start3A_413 : memref<64x512xf32, #tpu.memory_space<hbm>>) target_semaphore(%run_scoped3A : memref<!tpu.dma_semaphore, #tpu.memory_space<semaphore_mem>>)
        %dma_wait3A_414 = arith.constant 0 : i32
        %dma_wait3A_415 = tpu.memref_slice %arg4[%mul3A_409, %dma_wait3A_414] : memref<18760x512xf32, #tpu.memory_space<hbm>> -> memref<64x512xf32, #tpu.memory_space<hbm>>
        %dma_wait3A_416 = arith.constant 0 : i32
        %dma_wait3A_417 = tpu.memref_slice %arg4[%mul3A_409, %dma_wait3A_416] : memref<18760x512xf32, #tpu.memory_space<hbm>> -> memref<64x512xf32, #tpu.memory_space<hbm>>
        tpu.wait_dma2 semaphore(%run_scoped3A : memref<!tpu.dma_semaphore, #tpu.memory_space<semaphore_mem>>) src(%arg6 : memref<64x512xf32, #tpu.memory_space<vmem>>) dst(%dma_wait3A_417 : memref<64x512xf32, #tpu.memory_space<hbm>>)
        tpu.yield
      }) : () -> ()
    } else {
    }
    %eq3A_37 = arith.constant 293 : i32
    %eq3A_38 = arith.cmpi eq, %add3A_31, %eq3A_37 : i32
    %convert_element_type3A_39 = arith.extui %eq3A_38 : i1 to i32
    %cond3A_40 = arith.constant 0 : i32
    %cond3A_41 = arith.cmpi ne, %convert_element_type3A_39, %cond3A_40 : i32
    scf.if %cond3A_41 {
      "tpu.region"() ({
        %run_scoped3A = tpu.sem_alloc : memref<!tpu.dma_semaphore, #tpu.memory_space<semaphore_mem>>
        %dma_start3A_408 = arith.constant 0 : i32
        %dma_start3A_409 = arith.constant 0 : i32
        %dma_start3A_410 = tpu.memref_slice %arg6[%dma_start3A_408, %dma_start3A_409] : memref<64x512xf32, #tpu.memory_space<vmem>> -> memref<8x512xf32, #tpu.memory_space<vmem>>
        %dma_start3A_411 = arith.constant 18752 : i32
        %dma_start3A_412 = arith.constant 0 : i32
        %dma_start3A_413 = tpu.memref_slice %arg4[%dma_start3A_411, %dma_start3A_412] : memref<18760x512xf32, #tpu.memory_space<hbm>> -> memref<8x512xf32, #tpu.memory_space<hbm>>
        %dma_start3A_414 = arith.constant 18752 : i32
        %dma_start3A_415 = arith.constant 0 : i32
        %dma_start3A_416 = tpu.memref_slice %arg4[%dma_start3A_414, %dma_start3A_415] : memref<18760x512xf32, #tpu.memory_space<hbm>> -> memref<8x512xf32, #tpu.memory_space<hbm>>
        %dma_start3A_417 = arith.constant 0 : i32
        %dma_start3A_418 = arith.constant 0 : i32
        %dma_start3A_419 = tpu.memref_slice %arg6[%dma_start3A_417, %dma_start3A_418] : memref<64x512xf32, #tpu.memory_space<vmem>> -> memref<8x512xf32, #tpu.memory_space<vmem>>
        tpu.enqueue_dma source(%dma_start3A_419 : memref<8x512xf32, #tpu.memory_space<vmem>>) target(%dma_start3A_416 : memref<8x512xf32, #tpu.memory_space<hbm>>) target_semaphore(%run_scoped3A : memref<!tpu.dma_semaphore, #tpu.memory_space<semaphore_mem>>)
        %dma_wait3A_420 = arith.constant 0 : i32
        %dma_wait3A_421 = arith.constant 0 : i32
        %dma_wait3A_422 = tpu.memref_slice %arg6[%dma_wait3A_420, %dma_wait3A_421] : memref<64x512xf32, #tpu.memory_space<vmem>> -> memref<8x512xf32, #tpu.memory_space<vmem>>
        %dma_wait3A_423 = arith.constant 18752 : i32
        %dma_wait3A_424 = arith.constant 0 : i32
        %dma_wait3A_425 = tpu.memref_slice %arg4[%dma_wait3A_423, %dma_wait3A_424] : memref<18760x512xf32, #tpu.memory_space<hbm>> -> memref<8x512xf32, #tpu.memory_space<hbm>>
        %dma_wait3A_426 = arith.constant 18752 : i32
        %dma_wait3A_427 = arith.constant 0 : i32
        %dma_wait3A_428 = tpu.memref_slice %arg4[%dma_wait3A_426, %dma_wait3A_427] : memref<18760x512xf32, #tpu.memory_space<hbm>> -> memref<8x512xf32, #tpu.memory_space<hbm>>
        %dma_wait3A_429 = arith.constant 0 : i32
        %dma_wait3A_430 = arith.constant 0 : i32
        %dma_wait3A_431 = tpu.memref_slice %arg6[%dma_wait3A_429, %dma_wait3A_430] : memref<64x512xf32, #tpu.memory_space<vmem>> -> memref<8x512xf32, #tpu.memory_space<vmem>>
        tpu.wait_dma2 semaphore(%run_scoped3A : memref<!tpu.dma_semaphore, #tpu.memory_space<semaphore_mem>>) src(%dma_wait3A_431 : memref<8x512xf32, #tpu.memory_space<vmem>>) dst(%dma_wait3A_428 : memref<8x512xf32, #tpu.memory_space<hbm>>)
        tpu.yield
      }) : () -> ()
    } else {
    }
    %mul3A_42 = arith.constant 19 : i32
    %mul3A_43 = arith.muli %arg1, %mul3A_42 : i32
    %add3A_44 = arith.constant 3 : i32
    %add3A_45 = arith.addi %mul3A_43, %add3A_44 : i32
    %lt3A_46 = arith.constant 293 : i32
    %lt3A_47 = arith.cmpi slt, %add3A_45, %lt3A_46 : i32
    %convert_element_type3A_48 = arith.extui %lt3A_47 : i1 to i32
    %cond3A_49 = arith.constant 0 : i32
    %cond3A_50 = arith.cmpi ne, %convert_element_type3A_48, %cond3A_49 : i32
    scf.if %cond3A_50 {
      %mul3A_408 = arith.constant 64 : i32
      %mul3A_409 = arith.muli %add3A_45, %mul3A_408 : i32
      "tpu.region"() ({
        %run_scoped3A = tpu.sem_alloc : memref<!tpu.dma_semaphore, #tpu.memory_space<semaphore_mem>>
        %dma_start3A_410 = arith.constant 0 : i32
        %dma_start3A_411 = tpu.memref_slice %arg4[%mul3A_409, %dma_start3A_410] : memref<18760x512xf32, #tpu.memory_space<hbm>> -> memref<64x512xf32, #tpu.memory_space<hbm>>
        %dma_start3A_412 = arith.constant 0 : i32
        %dma_start3A_413 = tpu.memref_slice %arg4[%mul3A_409, %dma_start3A_412] : memref<18760x512xf32, #tpu.memory_space<hbm>> -> memref<64x512xf32, #tpu.memory_space<hbm>>
        tpu.enqueue_dma source(%arg6 : memref<64x512xf32, #tpu.memory_space<vmem>>) target(%dma_start3A_413 : memref<64x512xf32, #tpu.memory_space<hbm>>) target_semaphore(%run_scoped3A : memref<!tpu.dma_semaphore, #tpu.memory_space<semaphore_mem>>)
        %dma_wait3A_414 = arith.constant 0 : i32
        %dma_wait3A_415 = tpu.memref_slice %arg4[%mul3A_409, %dma_wait3A_414] : memref<18760x512xf32, #tpu.memory_space<hbm>> -> memref<64x512xf32, #tpu.memory_space<hbm>>
        %dma_wait3A_416 = arith.constant 0 : i32
        %dma_wait3A_417 = tpu.memref_slice %arg4[%mul3A_409, %dma_wait3A_416] : memref<18760x512xf32, #tpu.memory_space<hbm>> -> memref<64x512xf32, #tpu.memory_space<hbm>>
        tpu.wait_dma2 semaphore(%run_scoped3A : memref<!tpu.dma_semaphore, #tpu.memory_space<semaphore_mem>>) src(%arg6 : memref<64x512xf32, #tpu.memory_space<vmem>>) dst(%dma_wait3A_417 : memref<64x512xf32, #tpu.memory_space<hbm>>)
        tpu.yield
      }) : () -> ()
    } else {
    }
    %eq3A_51 = arith.constant 293 : i32
    %eq3A_52 = arith.cmpi eq, %add3A_45, %eq3A_51 : i32
    %convert_element_type3A_53 = arith.extui %eq3A_52 : i1 to i32
    %cond3A_54 = arith.constant 0 : i32
    %cond3A_55 = arith.cmpi ne, %convert_element_type3A_53, %cond3A_54 : i32
    scf.if %cond3A_55 {
      "tpu.region"() ({
        %run_scoped3A = tpu.sem_alloc : memref<!tpu.dma_semaphore, #tpu.memory_space<semaphore_mem>>
        %dma_start3A_408 = arith.constant 0 : i32
        %dma_start3A_409 = arith.constant 0 : i32
        %dma_start3A_410 = tpu.memref_slice %arg6[%dma_start3A_408, %dma_start3A_409] : memref<64x512xf32, #tpu.memory_space<vmem>> -> memref<8x512xf32, #tpu.memory_space<vmem>>
        %dma_start3A_411 = arith.constant 18752 : i32
        %dma_start3A_412 = arith.constant 0 : i32
        %dma_start3A_413 = tpu.memref_slice %arg4[%dma_start3A_411, %dma_start3A_412] : memref<18760x512xf32, #tpu.memory_space<hbm>> -> memref<8x512xf32, #tpu.memory_space<hbm>>
        %dma_start3A_414 = arith.constant 18752 : i32
        %dma_start3A_415 = arith.constant 0 : i32
        %dma_start3A_416 = tpu.memref_slice %arg4[%dma_start3A_414, %dma_start3A_415] : memref<18760x512xf32, #tpu.memory_space<hbm>> -> memref<8x512xf32, #tpu.memory_space<hbm>>
        %dma_start3A_417 = arith.constant 0 : i32
        %dma_start3A_418 = arith.constant 0 : i32
        %dma_start3A_419 = tpu.memref_slice %arg6[%dma_start3A_417, %dma_start3A_418] : memref<64x512xf32, #tpu.memory_space<vmem>> -> memref<8x512xf32, #tpu.memory_space<vmem>>
        tpu.enqueue_dma source(%dma_start3A_419 : memref<8x512xf32, #tpu.memory_space<vmem>>) target(%dma_start3A_416 : memref<8x512xf32, #tpu.memory_space<hbm>>) target_semaphore(%run_scoped3A : memref<!tpu.dma_semaphore, #tpu.memory_space<semaphore_mem>>)
        %dma_wait3A_420 = arith.constant 0 : i32
        %dma_wait3A_421 = arith.constant 0 : i32
        %dma_wait3A_422 = tpu.memref_slice %arg6[%dma_wait3A_420, %dma_wait3A_421] : memref<64x512xf32, #tpu.memory_space<vmem>> -> memref<8x512xf32, #tpu.memory_space<vmem>>
        %dma_wait3A_423 = arith.constant 18752 : i32
        %dma_wait3A_424 = arith.constant 0 : i32
        %dma_wait3A_425 = tpu.memref_slice %arg4[%dma_wait3A_423, %dma_wait3A_424] : memref<18760x512xf32, #tpu.memory_space<hbm>> -> memref<8x512xf32, #tpu.memory_space<hbm>>
        %dma_wait3A_426 = arith.constant 18752 : i32
        %dma_wait3A_427 = arith.constant 0 : i32
        %dma_wait3A_428 = tpu.memref_slice %arg4[%dma_wait3A_426, %dma_wait3A_427] : memref<18760x512xf32, #tpu.memory_space<hbm>> -> memref<8x512xf32, #tpu.memory_space<hbm>>
        %dma_wait3A_429 = arith.constant 0 : i32
        %dma_wait3A_430 = arith.constant 0 : i32
        %dma_wait3A_431 = tpu.memref_slice %arg6[%dma_wait3A_429, %dma_wait3A_430] : memref<64x512xf32, #tpu.memory_space<vmem>> -> memref<8x512xf32, #tpu.memory_space<vmem>>
        tpu.wait_dma2 semaphore(%run_scoped3A : memref<!tpu.dma_semaphore, #tpu.memory_space<semaphore_mem>>) src(%dma_wait3A_431 : memref<8x512xf32, #tpu.memory_space<vmem>>) dst(%dma_wait3A_428 : memref<8x512xf32, #tpu.memory_space<hbm>>)
        tpu.yield
      }) : () -> ()
    } else {
    }
    %mul3A_56 = arith.constant 19 : i32
    %mul3A_57 = arith.muli %arg1, %mul3A_56 : i32
    %add3A_58 = arith.constant 4 : i32
    %add3A_59 = arith.addi %mul3A_57, %add3A_58 : i32
    %lt3A_60 = arith.constant 293 : i32
    %lt3A_61 = arith.cmpi slt, %add3A_59, %lt3A_60 : i32
    %convert_element_type3A_62 = arith.extui %lt3A_61 : i1 to i32
    %cond3A_63 = arith.constant 0 : i32
    %cond3A_64 = arith.cmpi ne, %convert_element_type3A_62, %cond3A_63 : i32
    scf.if %cond3A_64 {
      %mul3A_408 = arith.constant 64 : i32
      %mul3A_409 = arith.muli %add3A_59, %mul3A_408 : i32
      "tpu.region"() ({
        %run_scoped3A = tpu.sem_alloc : memref<!tpu.dma_semaphore, #tpu.memory_space<semaphore_mem>>
        %dma_start3A_410 = arith.constant 0 : i32
        %dma_start3A_411 = tpu.memref_slice %arg4[%mul3A_409, %dma_start3A_410] : memref<18760x512xf32, #tpu.memory_space<hbm>> -> memref<64x512xf32, #tpu.memory_space<hbm>>
        %dma_start3A_412 = arith.constant 0 : i32
        %dma_start3A_413 = tpu.memref_slice %arg4[%mul3A_409, %dma_start3A_412] : memref<18760x512xf32, #tpu.memory_space<hbm>> -> memref<64x512xf32, #tpu.memory_space<hbm>>
        tpu.enqueue_dma source(%arg6 : memref<64x512xf32, #tpu.memory_space<vmem>>) target(%dma_start3A_413 : memref<64x512xf32, #tpu.memory_space<hbm>>) target_semaphore(%run_scoped3A : memref<!tpu.dma_semaphore, #tpu.memory_space<semaphore_mem>>)
        %dma_wait3A_414 = arith.constant 0 : i32
        %dma_wait3A_415 = tpu.memref_slice %arg4[%mul3A_409, %dma_wait3A_414] : memref<18760x512xf32, #tpu.memory_space<hbm>> -> memref<64x512xf32, #tpu.memory_space<hbm>>
        %dma_wait3A_416 = arith.constant 0 : i32
        %dma_wait3A_417 = tpu.memref_slice %arg4[%mul3A_409, %dma_wait3A_416] : memref<18760x512xf32, #tpu.memory_space<hbm>> -> memref<64x512xf32, #tpu.memory_space<hbm>>
        tpu.wait_dma2 semaphore(%run_scoped3A : memref<!tpu.dma_semaphore, #tpu.memory_space<semaphore_mem>>) src(%arg6 : memref<64x512xf32, #tpu.memory_space<vmem>>) dst(%dma_wait3A_417 : memref<64x512xf32, #tpu.memory_space<hbm>>)
        tpu.yield
      }) : () -> ()
    } else {
    }
    %eq3A_65 = arith.constant 293 : i32
    %eq3A_66 = arith.cmpi eq, %add3A_59, %eq3A_65 : i32
    %convert_element_type3A_67 = arith.extui %eq3A_66 : i1 to i32
    %cond3A_68 = arith.constant 0 : i32
    %cond3A_69 = arith.cmpi ne, %convert_element_type3A_67, %cond3A_68 : i32
    scf.if %cond3A_69 {
      "tpu.region"() ({
        %run_scoped3A = tpu.sem_alloc : memref<!tpu.dma_semaphore, #tpu.memory_space<semaphore_mem>>
        %dma_start3A_408 = arith.constant 0 : i32
        %dma_start3A_409 = arith.constant 0 : i32
        %dma_start3A_410 = tpu.memref_slice %arg6[%dma_start3A_408, %dma_start3A_409] : memref<64x512xf32, #tpu.memory_space<vmem>> -> memref<8x512xf32, #tpu.memory_space<vmem>>
        %dma_start3A_411 = arith.constant 18752 : i32
        %dma_start3A_412 = arith.constant 0 : i32
        %dma_start3A_413 = tpu.memref_slice %arg4[%dma_start3A_411, %dma_start3A_412] : memref<18760x512xf32, #tpu.memory_space<hbm>> -> memref<8x512xf32, #tpu.memory_space<hbm>>
        %dma_start3A_414 = arith.constant 18752 : i32
        %dma_start3A_415 = arith.constant 0 : i32
        %dma_start3A_416 = tpu.memref_slice %arg4[%dma_start3A_414, %dma_start3A_415] : memref<18760x512xf32, #tpu.memory_space<hbm>> -> memref<8x512xf32, #tpu.memory_space<hbm>>
        %dma_start3A_417 = arith.constant 0 : i32
        %dma_start3A_418 = arith.constant 0 : i32
        %dma_start3A_419 = tpu.memref_slice %arg6[%dma_start3A_417, %dma_start3A_418] : memref<64x512xf32, #tpu.memory_space<vmem>> -> memref<8x512xf32, #tpu.memory_space<vmem>>
        tpu.enqueue_dma source(%dma_start3A_419 : memref<8x512xf32, #tpu.memory_space<vmem>>) target(%dma_start3A_416 : memref<8x512xf32, #tpu.memory_space<hbm>>) target_semaphore(%run_scoped3A : memref<!tpu.dma_semaphore, #tpu.memory_space<semaphore_mem>>)
        %dma_wait3A_420 = arith.constant 0 : i32
        %dma_wait3A_421 = arith.constant 0 : i32
        %dma_wait3A_422 = tpu.memref_slice %arg6[%dma_wait3A_420, %dma_wait3A_421] : memref<64x512xf32, #tpu.memory_space<vmem>> -> memref<8x512xf32, #tpu.memory_space<vmem>>
        %dma_wait3A_423 = arith.constant 18752 : i32
        %dma_wait3A_424 = arith.constant 0 : i32
        %dma_wait3A_425 = tpu.memref_slice %arg4[%dma_wait3A_423, %dma_wait3A_424] : memref<18760x512xf32, #tpu.memory_space<hbm>> -> memref<8x512xf32, #tpu.memory_space<hbm>>
        %dma_wait3A_426 = arith.constant 18752 : i32
        %dma_wait3A_427 = arith.constant 0 : i32
        %dma_wait3A_428 = tpu.memref_slice %arg4[%dma_wait3A_426, %dma_wait3A_427] : memref<18760x512xf32, #tpu.memory_space<hbm>> -> memref<8x512xf32, #tpu.memory_space<hbm>>
        %dma_wait3A_429 = arith.constant 0 : i32
        %dma_wait3A_430 = arith.constant 0 : i32
        %dma_wait3A_431 = tpu.memref_slice %arg6[%dma_wait3A_429, %dma_wait3A_430] : memref<64x512xf32, #tpu.memory_space<vmem>> -> memref<8x512xf32, #tpu.memory_space<vmem>>
        tpu.wait_dma2 semaphore(%run_scoped3A : memref<!tpu.dma_semaphore, #tpu.memory_space<semaphore_mem>>) src(%dma_wait3A_431 : memref<8x512xf32, #tpu.memory_space<vmem>>) dst(%dma_wait3A_428 : memref<8x512xf32, #tpu.memory_space<hbm>>)
        tpu.yield
      }) : () -> ()
    } else {
    }
    %mul3A_70 = arith.constant 19 : i32
    %mul3A_71 = arith.muli %arg1, %mul3A_70 : i32
    %add3A_72 = arith.constant 5 : i32
    %add3A_73 = arith.addi %mul3A_71, %add3A_72 : i32
    %lt3A_74 = arith.constant 293 : i32
    %lt3A_75 = arith.cmpi slt, %add3A_73, %lt3A_74 : i32
    %convert_element_type3A_76 = arith.extui %lt3A_75 : i1 to i32
    %cond3A_77 = arith.constant 0 : i32
    %cond3A_78 = arith.cmpi ne, %convert_element_type3A_76, %cond3A_77 : i32
    scf.if %cond3A_78 {
      %mul3A_408 = arith.constant 64 : i32
      %mul3A_409 = arith.muli %add3A_73, %mul3A_408 : i32
      "tpu.region"() ({
        %run_scoped3A = tpu.sem_alloc : memref<!tpu.dma_semaphore, #tpu.memory_space<semaphore_mem>>
        %dma_start3A_410 = arith.constant 0 : i32
        %dma_start3A_411 = tpu.memref_slice %arg4[%mul3A_409, %dma_start3A_410] : memref<18760x512xf32, #tpu.memory_space<hbm>> -> memref<64x512xf32, #tpu.memory_space<hbm>>
        %dma_start3A_412 = arith.constant 0 : i32
        %dma_start3A_413 = tpu.memref_slice %arg4[%mul3A_409, %dma_start3A_412] : memref<18760x512xf32, #tpu.memory_space<hbm>> -> memref<64x512xf32, #tpu.memory_space<hbm>>
        tpu.enqueue_dma source(%arg6 : memref<64x512xf32, #tpu.memory_space<vmem>>) target(%dma_start3A_413 : memref<64x512xf32, #tpu.memory_space<hbm>>) target_semaphore(%run_scoped3A : memref<!tpu.dma_semaphore, #tpu.memory_space<semaphore_mem>>)
        %dma_wait3A_414 = arith.constant 0 : i32
        %dma_wait3A_415 = tpu.memref_slice %arg4[%mul3A_409, %dma_wait3A_414] : memref<18760x512xf32, #tpu.memory_space<hbm>> -> memref<64x512xf32, #tpu.memory_space<hbm>>
        %dma_wait3A_416 = arith.constant 0 : i32
        %dma_wait3A_417 = tpu.memref_slice %arg4[%mul3A_409, %dma_wait3A_416] : memref<18760x512xf32, #tpu.memory_space<hbm>> -> memref<64x512xf32, #tpu.memory_space<hbm>>
        tpu.wait_dma2 semaphore(%run_scoped3A : memref<!tpu.dma_semaphore, #tpu.memory_space<semaphore_mem>>) src(%arg6 : memref<64x512xf32, #tpu.memory_space<vmem>>) dst(%dma_wait3A_417 : memref<64x512xf32, #tpu.memory_space<hbm>>)
        tpu.yield
      }) : () -> ()
    } else {
    }
    %eq3A_79 = arith.constant 293 : i32
    %eq3A_80 = arith.cmpi eq, %add3A_73, %eq3A_79 : i32
    %convert_element_type3A_81 = arith.extui %eq3A_80 : i1 to i32
    %cond3A_82 = arith.constant 0 : i32
    %cond3A_83 = arith.cmpi ne, %convert_element_type3A_81, %cond3A_82 : i32
    scf.if %cond3A_83 {
      "tpu.region"() ({
        %run_scoped3A = tpu.sem_alloc : memref<!tpu.dma_semaphore, #tpu.memory_space<semaphore_mem>>
        %dma_start3A_408 = arith.constant 0 : i32
        %dma_start3A_409 = arith.constant 0 : i32
        %dma_start3A_410 = tpu.memref_slice %arg6[%dma_start3A_408, %dma_start3A_409] : memref<64x512xf32, #tpu.memory_space<vmem>> -> memref<8x512xf32, #tpu.memory_space<vmem>>
        %dma_start3A_411 = arith.constant 18752 : i32
        %dma_start3A_412 = arith.constant 0 : i32
        %dma_start3A_413 = tpu.memref_slice %arg4[%dma_start3A_411, %dma_start3A_412] : memref<18760x512xf32, #tpu.memory_space<hbm>> -> memref<8x512xf32, #tpu.memory_space<hbm>>
        %dma_start3A_414 = arith.constant 18752 : i32
        %dma_start3A_415 = arith.constant 0 : i32
        %dma_start3A_416 = tpu.memref_slice %arg4[%dma_start3A_414, %dma_start3A_415] : memref<18760x512xf32, #tpu.memory_space<hbm>> -> memref<8x512xf32, #tpu.memory_space<hbm>>
        %dma_start3A_417 = arith.constant 0 : i32
        %dma_start3A_418 = arith.constant 0 : i32
        %dma_start3A_419 = tpu.memref_slice %arg6[%dma_start3A_417, %dma_start3A_418] : memref<64x512xf32, #tpu.memory_space<vmem>> -> memref<8x512xf32, #tpu.memory_space<vmem>>
        tpu.enqueue_dma source(%dma_start3A_419 : memref<8x512xf32, #tpu.memory_space<vmem>>) target(%dma_start3A_416 : memref<8x512xf32, #tpu.memory_space<hbm>>) target_semaphore(%run_scoped3A : memref<!tpu.dma_semaphore, #tpu.memory_space<semaphore_mem>>)
        %dma_wait3A_420 = arith.constant 0 : i32
        %dma_wait3A_421 = arith.constant 0 : i32
        %dma_wait3A_422 = tpu.memref_slice %arg6[%dma_wait3A_420, %dma_wait3A_421] : memref<64x512xf32, #tpu.memory_space<vmem>> -> memref<8x512xf32, #tpu.memory_space<vmem>>
        %dma_wait3A_423 = arith.constant 18752 : i32
        %dma_wait3A_424 = arith.constant 0 : i32
        %dma_wait3A_425 = tpu.memref_slice %arg4[%dma_wait3A_423, %dma_wait3A_424] : memref<18760x512xf32, #tpu.memory_space<hbm>> -> memref<8x512xf32, #tpu.memory_space<hbm>>
        %dma_wait3A_426 = arith.constant 18752 : i32
        %dma_wait3A_427 = arith.constant 0 : i32
        %dma_wait3A_428 = tpu.memref_slice %arg4[%dma_wait3A_426, %dma_wait3A_427] : memref<18760x512xf32, #tpu.memory_space<hbm>> -> memref<8x512xf32, #tpu.memory_space<hbm>>
        %dma_wait3A_429 = arith.constant 0 : i32
        %dma_wait3A_430 = arith.constant 0 : i32
        %dma_wait3A_431 = tpu.memref_slice %arg6[%dma_wait3A_429, %dma_wait3A_430] : memref<64x512xf32, #tpu.memory_space<vmem>> -> memref<8x512xf32, #tpu.memory_space<vmem>>
        tpu.wait_dma2 semaphore(%run_scoped3A : memref<!tpu.dma_semaphore, #tpu.memory_space<semaphore_mem>>) src(%dma_wait3A_431 : memref<8x512xf32, #tpu.memory_space<vmem>>) dst(%dma_wait3A_428 : memref<8x512xf32, #tpu.memory_space<hbm>>)
        tpu.yield
      }) : () -> ()
    } else {
    }
    %mul3A_84 = arith.constant 19 : i32
    %mul3A_85 = arith.muli %arg1, %mul3A_84 : i32
    %add3A_86 = arith.constant 6 : i32
    %add3A_87 = arith.addi %mul3A_85, %add3A_86 : i32
    %lt3A_88 = arith.constant 293 : i32
    %lt3A_89 = arith.cmpi slt, %add3A_87, %lt3A_88 : i32
    %convert_element_type3A_90 = arith.extui %lt3A_89 : i1 to i32
    %cond3A_91 = arith.constant 0 : i32
    %cond3A_92 = arith.cmpi ne, %convert_element_type3A_90, %cond3A_91 : i32
    scf.if %cond3A_92 {
      %mul3A_408 = arith.constant 64 : i32
      %mul3A_409 = arith.muli %add3A_87, %mul3A_408 : i32
      "tpu.region"() ({
        %run_scoped3A = tpu.sem_alloc : memref<!tpu.dma_semaphore, #tpu.memory_space<semaphore_mem>>
        %dma_start3A_410 = arith.constant 0 : i32
        %dma_start3A_411 = tpu.memref_slice %arg4[%mul3A_409, %dma_start3A_410] : memref<18760x512xf32, #tpu.memory_space<hbm>> -> memref<64x512xf32, #tpu.memory_space<hbm>>
        %dma_start3A_412 = arith.constant 0 : i32
        %dma_start3A_413 = tpu.memref_slice %arg4[%mul3A_409, %dma_start3A_412] : memref<18760x512xf32, #tpu.memory_space<hbm>> -> memref<64x512xf32, #tpu.memory_space<hbm>>
        tpu.enqueue_dma source(%arg6 : memref<64x512xf32, #tpu.memory_space<vmem>>) target(%dma_start3A_413 : memref<64x512xf32, #tpu.memory_space<hbm>>) target_semaphore(%run_scoped3A : memref<!tpu.dma_semaphore, #tpu.memory_space<semaphore_mem>>)
        %dma_wait3A_414 = arith.constant 0 : i32
        %dma_wait3A_415 = tpu.memref_slice %arg4[%mul3A_409, %dma_wait3A_414] : memref<18760x512xf32, #tpu.memory_space<hbm>> -> memref<64x512xf32, #tpu.memory_space<hbm>>
        %dma_wait3A_416 = arith.constant 0 : i32
        %dma_wait3A_417 = tpu.memref_slice %arg4[%mul3A_409, %dma_wait3A_416] : memref<18760x512xf32, #tpu.memory_space<hbm>> -> memref<64x512xf32, #tpu.memory_space<hbm>>
        tpu.wait_dma2 semaphore(%run_scoped3A : memref<!tpu.dma_semaphore, #tpu.memory_space<semaphore_mem>>) src(%arg6 : memref<64x512xf32, #tpu.memory_space<vmem>>) dst(%dma_wait3A_417 : memref<64x512xf32, #tpu.memory_space<hbm>>)
        tpu.yield
      }) : () -> ()
    } else {
    }
    %eq3A_93 = arith.constant 293 : i32
    %eq3A_94 = arith.cmpi eq, %add3A_87, %eq3A_93 : i32
    %convert_element_type3A_95 = arith.extui %eq3A_94 : i1 to i32
    %cond3A_96 = arith.constant 0 : i32
    %cond3A_97 = arith.cmpi ne, %convert_element_type3A_95, %cond3A_96 : i32
    scf.if %cond3A_97 {
      "tpu.region"() ({
        %run_scoped3A = tpu.sem_alloc : memref<!tpu.dma_semaphore, #tpu.memory_space<semaphore_mem>>
        %dma_start3A_408 = arith.constant 0 : i32
        %dma_start3A_409 = arith.constant 0 : i32
        %dma_start3A_410 = tpu.memref_slice %arg6[%dma_start3A_408, %dma_start3A_409] : memref<64x512xf32, #tpu.memory_space<vmem>> -> memref<8x512xf32, #tpu.memory_space<vmem>>
        %dma_start3A_411 = arith.constant 18752 : i32
        %dma_start3A_412 = arith.constant 0 : i32
        %dma_start3A_413 = tpu.memref_slice %arg4[%dma_start3A_411, %dma_start3A_412] : memref<18760x512xf32, #tpu.memory_space<hbm>> -> memref<8x512xf32, #tpu.memory_space<hbm>>
        %dma_start3A_414 = arith.constant 18752 : i32
        %dma_start3A_415 = arith.constant 0 : i32
        %dma_start3A_416 = tpu.memref_slice %arg4[%dma_start3A_414, %dma_start3A_415] : memref<18760x512xf32, #tpu.memory_space<hbm>> -> memref<8x512xf32, #tpu.memory_space<hbm>>
        %dma_start3A_417 = arith.constant 0 : i32
        %dma_start3A_418 = arith.constant 0 : i32
        %dma_start3A_419 = tpu.memref_slice %arg6[%dma_start3A_417, %dma_start3A_418] : memref<64x512xf32, #tpu.memory_space<vmem>> -> memref<8x512xf32, #tpu.memory_space<vmem>>
        tpu.enqueue_dma source(%dma_start3A_419 : memref<8x512xf32, #tpu.memory_space<vmem>>) target(%dma_start3A_416 : memref<8x512xf32, #tpu.memory_space<hbm>>) target_semaphore(%run_scoped3A : memref<!tpu.dma_semaphore, #tpu.memory_space<semaphore_mem>>)
        %dma_wait3A_420 = arith.constant 0 : i32
        %dma_wait3A_421 = arith.constant 0 : i32
        %dma_wait3A_422 = tpu.memref_slice %arg6[%dma_wait3A_420, %dma_wait3A_421] : memref<64x512xf32, #tpu.memory_space<vmem>> -> memref<8x512xf32, #tpu.memory_space<vmem>>
        %dma_wait3A_423 = arith.constant 18752 : i32
        %dma_wait3A_424 = arith.constant 0 : i32
        %dma_wait3A_425 = tpu.memref_slice %arg4[%dma_wait3A_423, %dma_wait3A_424] : memref<18760x512xf32, #tpu.memory_space<hbm>> -> memref<8x512xf32, #tpu.memory_space<hbm>>
        %dma_wait3A_426 = arith.constant 18752 : i32
        %dma_wait3A_427 = arith.constant 0 : i32
        %dma_wait3A_428 = tpu.memref_slice %arg4[%dma_wait3A_426, %dma_wait3A_427] : memref<18760x512xf32, #tpu.memory_space<hbm>> -> memref<8x512xf32, #tpu.memory_space<hbm>>
        %dma_wait3A_429 = arith.constant 0 : i32
        %dma_wait3A_430 = arith.constant 0 : i32
        %dma_wait3A_431 = tpu.memref_slice %arg6[%dma_wait3A_429, %dma_wait3A_430] : memref<64x512xf32, #tpu.memory_space<vmem>> -> memref<8x512xf32, #tpu.memory_space<vmem>>
        tpu.wait_dma2 semaphore(%run_scoped3A : memref<!tpu.dma_semaphore, #tpu.memory_space<semaphore_mem>>) src(%dma_wait3A_431 : memref<8x512xf32, #tpu.memory_space<vmem>>) dst(%dma_wait3A_428 : memref<8x512xf32, #tpu.memory_space<hbm>>)
        tpu.yield
      }) : () -> ()
    } else {
    }
    %mul3A_98 = arith.constant 19 : i32
    %mul3A_99 = arith.muli %arg1, %mul3A_98 : i32
    %add3A_100 = arith.constant 7 : i32
    %add3A_101 = arith.addi %mul3A_99, %add3A_100 : i32
    %lt3A_102 = arith.constant 293 : i32
    %lt3A_103 = arith.cmpi slt, %add3A_101, %lt3A_102 : i32
    %convert_element_type3A_104 = arith.extui %lt3A_103 : i1 to i32
    %cond3A_105 = arith.constant 0 : i32
    %cond3A_106 = arith.cmpi ne, %convert_element_type3A_104, %cond3A_105 : i32
    scf.if %cond3A_106 {
      %mul3A_408 = arith.constant 64 : i32
      %mul3A_409 = arith.muli %add3A_101, %mul3A_408 : i32
      "tpu.region"() ({
        %run_scoped3A = tpu.sem_alloc : memref<!tpu.dma_semaphore, #tpu.memory_space<semaphore_mem>>
        %dma_start3A_410 = arith.constant 0 : i32
        %dma_start3A_411 = tpu.memref_slice %arg4[%mul3A_409, %dma_start3A_410] : memref<18760x512xf32, #tpu.memory_space<hbm>> -> memref<64x512xf32, #tpu.memory_space<hbm>>
        %dma_start3A_412 = arith.constant 0 : i32
        %dma_start3A_413 = tpu.memref_slice %arg4[%mul3A_409, %dma_start3A_412] : memref<18760x512xf32, #tpu.memory_space<hbm>> -> memref<64x512xf32, #tpu.memory_space<hbm>>
        tpu.enqueue_dma source(%arg6 : memref<64x512xf32, #tpu.memory_space<vmem>>) target(%dma_start3A_413 : memref<64x512xf32, #tpu.memory_space<hbm>>) target_semaphore(%run_scoped3A : memref<!tpu.dma_semaphore, #tpu.memory_space<semaphore_mem>>)
        %dma_wait3A_414 = arith.constant 0 : i32
        %dma_wait3A_415 = tpu.memref_slice %arg4[%mul3A_409, %dma_wait3A_414] : memref<18760x512xf32, #tpu.memory_space<hbm>> -> memref<64x512xf32, #tpu.memory_space<hbm>>
        %dma_wait3A_416 = arith.constant 0 : i32
        %dma_wait3A_417 = tpu.memref_slice %arg4[%mul3A_409, %dma_wait3A_416] : memref<18760x512xf32, #tpu.memory_space<hbm>> -> memref<64x512xf32, #tpu.memory_space<hbm>>
        tpu.wait_dma2 semaphore(%run_scoped3A : memref<!tpu.dma_semaphore, #tpu.memory_space<semaphore_mem>>) src(%arg6 : memref<64x512xf32, #tpu.memory_space<vmem>>) dst(%dma_wait3A_417 : memref<64x512xf32, #tpu.memory_space<hbm>>)
        tpu.yield
      }) : () -> ()
    } else {
    }
    %eq3A_107 = arith.constant 293 : i32
    %eq3A_108 = arith.cmpi eq, %add3A_101, %eq3A_107 : i32
    %convert_element_type3A_109 = arith.extui %eq3A_108 : i1 to i32
    %cond3A_110 = arith.constant 0 : i32
    %cond3A_111 = arith.cmpi ne, %convert_element_type3A_109, %cond3A_110 : i32
    scf.if %cond3A_111 {
      "tpu.region"() ({
        %run_scoped3A = tpu.sem_alloc : memref<!tpu.dma_semaphore, #tpu.memory_space<semaphore_mem>>
        %dma_start3A_408 = arith.constant 0 : i32
        %dma_start3A_409 = arith.constant 0 : i32
        %dma_start3A_410 = tpu.memref_slice %arg6[%dma_start3A_408, %dma_start3A_409] : memref<64x512xf32, #tpu.memory_space<vmem>> -> memref<8x512xf32, #tpu.memory_space<vmem>>
        %dma_start3A_411 = arith.constant 18752 : i32
        %dma_start3A_412 = arith.constant 0 : i32
        %dma_start3A_413 = tpu.memref_slice %arg4[%dma_start3A_411, %dma_start3A_412] : memref<18760x512xf32, #tpu.memory_space<hbm>> -> memref<8x512xf32, #tpu.memory_space<hbm>>
        %dma_start3A_414 = arith.constant 18752 : i32
        %dma_start3A_415 = arith.constant 0 : i32
        %dma_start3A_416 = tpu.memref_slice %arg4[%dma_start3A_414, %dma_start3A_415] : memref<18760x512xf32, #tpu.memory_space<hbm>> -> memref<8x512xf32, #tpu.memory_space<hbm>>
        %dma_start3A_417 = arith.constant 0 : i32
        %dma_start3A_418 = arith.constant 0 : i32
        %dma_start3A_419 = tpu.memref_slice %arg6[%dma_start3A_417, %dma_start3A_418] : memref<64x512xf32, #tpu.memory_space<vmem>> -> memref<8x512xf32, #tpu.memory_space<vmem>>
        tpu.enqueue_dma source(%dma_start3A_419 : memref<8x512xf32, #tpu.memory_space<vmem>>) target(%dma_start3A_416 : memref<8x512xf32, #tpu.memory_space<hbm>>) target_semaphore(%run_scoped3A : memref<!tpu.dma_semaphore, #tpu.memory_space<semaphore_mem>>)
        %dma_wait3A_420 = arith.constant 0 : i32
        %dma_wait3A_421 = arith.constant 0 : i32
        %dma_wait3A_422 = tpu.memref_slice %arg6[%dma_wait3A_420, %dma_wait3A_421] : memref<64x512xf32, #tpu.memory_space<vmem>> -> memref<8x512xf32, #tpu.memory_space<vmem>>
        %dma_wait3A_423 = arith.constant 18752 : i32
        %dma_wait3A_424 = arith.constant 0 : i32
        %dma_wait3A_425 = tpu.memref_slice %arg4[%dma_wait3A_423, %dma_wait3A_424] : memref<18760x512xf32, #tpu.memory_space<hbm>> -> memref<8x512xf32, #tpu.memory_space<hbm>>
        %dma_wait3A_426 = arith.constant 18752 : i32
        %dma_wait3A_427 = arith.constant 0 : i32
        %dma_wait3A_428 = tpu.memref_slice %arg4[%dma_wait3A_426, %dma_wait3A_427] : memref<18760x512xf32, #tpu.memory_space<hbm>> -> memref<8x512xf32, #tpu.memory_space<hbm>>
        %dma_wait3A_429 = arith.constant 0 : i32
        %dma_wait3A_430 = arith.constant 0 : i32
        %dma_wait3A_431 = tpu.memref_slice %arg6[%dma_wait3A_429, %dma_wait3A_430] : memref<64x512xf32, #tpu.memory_space<vmem>> -> memref<8x512xf32, #tpu.memory_space<vmem>>
        tpu.wait_dma2 semaphore(%run_scoped3A : memref<!tpu.dma_semaphore, #tpu.memory_space<semaphore_mem>>) src(%dma_wait3A_431 : memref<8x512xf32, #tpu.memory_space<vmem>>) dst(%dma_wait3A_428 : memref<8x512xf32, #tpu.memory_space<hbm>>)
        tpu.yield
      }) : () -> ()
    } else {
    }
    %mul3A_112 = arith.constant 19 : i32
    %mul3A_113 = arith.muli %arg1, %mul3A_112 : i32
    %add3A_114 = arith.constant 8 : i32
    %add3A_115 = arith.addi %mul3A_113, %add3A_114 : i32
    %lt3A_116 = arith.constant 293 : i32
    %lt3A_117 = arith.cmpi slt, %add3A_115, %lt3A_116 : i32
    %convert_element_type3A_118 = arith.extui %lt3A_117 : i1 to i32
    %cond3A_119 = arith.constant 0 : i32
    %cond3A_120 = arith.cmpi ne, %convert_element_type3A_118, %cond3A_119 : i32
    scf.if %cond3A_120 {
      %mul3A_408 = arith.constant 64 : i32
      %mul3A_409 = arith.muli %add3A_115, %mul3A_408 : i32
      "tpu.region"() ({
        %run_scoped3A = tpu.sem_alloc : memref<!tpu.dma_semaphore, #tpu.memory_space<semaphore_mem>>
        %dma_start3A_410 = arith.constant 0 : i32
        %dma_start3A_411 = tpu.memref_slice %arg4[%mul3A_409, %dma_start3A_410] : memref<18760x512xf32, #tpu.memory_space<hbm>> -> memref<64x512xf32, #tpu.memory_space<hbm>>
        %dma_start3A_412 = arith.constant 0 : i32
        %dma_start3A_413 = tpu.memref_slice %arg4[%mul3A_409, %dma_start3A_412] : memref<18760x512xf32, #tpu.memory_space<hbm>> -> memref<64x512xf32, #tpu.memory_space<hbm>>
        tpu.enqueue_dma source(%arg6 : memref<64x512xf32, #tpu.memory_space<vmem>>) target(%dma_start3A_413 : memref<64x512xf32, #tpu.memory_space<hbm>>) target_semaphore(%run_scoped3A : memref<!tpu.dma_semaphore, #tpu.memory_space<semaphore_mem>>)
        %dma_wait3A_414 = arith.constant 0 : i32
        %dma_wait3A_415 = tpu.memref_slice %arg4[%mul3A_409, %dma_wait3A_414] : memref<18760x512xf32, #tpu.memory_space<hbm>> -> memref<64x512xf32, #tpu.memory_space<hbm>>
        %dma_wait3A_416 = arith.constant 0 : i32
        %dma_wait3A_417 = tpu.memref_slice %arg4[%mul3A_409, %dma_wait3A_416] : memref<18760x512xf32, #tpu.memory_space<hbm>> -> memref<64x512xf32, #tpu.memory_space<hbm>>
        tpu.wait_dma2 semaphore(%run_scoped3A : memref<!tpu.dma_semaphore, #tpu.memory_space<semaphore_mem>>) src(%arg6 : memref<64x512xf32, #tpu.memory_space<vmem>>) dst(%dma_wait3A_417 : memref<64x512xf32, #tpu.memory_space<hbm>>)
        tpu.yield
      }) : () -> ()
    } else {
    }
    %eq3A_121 = arith.constant 293 : i32
    %eq3A_122 = arith.cmpi eq, %add3A_115, %eq3A_121 : i32
    %convert_element_type3A_123 = arith.extui %eq3A_122 : i1 to i32
    %cond3A_124 = arith.constant 0 : i32
    %cond3A_125 = arith.cmpi ne, %convert_element_type3A_123, %cond3A_124 : i32
    scf.if %cond3A_125 {
      "tpu.region"() ({
        %run_scoped3A = tpu.sem_alloc : memref<!tpu.dma_semaphore, #tpu.memory_space<semaphore_mem>>
        %dma_start3A_408 = arith.constant 0 : i32
        %dma_start3A_409 = arith.constant 0 : i32
        %dma_start3A_410 = tpu.memref_slice %arg6[%dma_start3A_408, %dma_start3A_409] : memref<64x512xf32, #tpu.memory_space<vmem>> -> memref<8x512xf32, #tpu.memory_space<vmem>>
        %dma_start3A_411 = arith.constant 18752 : i32
        %dma_start3A_412 = arith.constant 0 : i32
        %dma_start3A_413 = tpu.memref_slice %arg4[%dma_start3A_411, %dma_start3A_412] : memref<18760x512xf32, #tpu.memory_space<hbm>> -> memref<8x512xf32, #tpu.memory_space<hbm>>
        %dma_start3A_414 = arith.constant 18752 : i32
        %dma_start3A_415 = arith.constant 0 : i32
        %dma_start3A_416 = tpu.memref_slice %arg4[%dma_start3A_414, %dma_start3A_415] : memref<18760x512xf32, #tpu.memory_space<hbm>> -> memref<8x512xf32, #tpu.memory_space<hbm>>
        %dma_start3A_417 = arith.constant 0 : i32
        %dma_start3A_418 = arith.constant 0 : i32
        %dma_start3A_419 = tpu.memref_slice %arg6[%dma_start3A_417, %dma_start3A_418] : memref<64x512xf32, #tpu.memory_space<vmem>> -> memref<8x512xf32, #tpu.memory_space<vmem>>
        tpu.enqueue_dma source(%dma_start3A_419 : memref<8x512xf32, #tpu.memory_space<vmem>>) target(%dma_start3A_416 : memref<8x512xf32, #tpu.memory_space<hbm>>) target_semaphore(%run_scoped3A : memref<!tpu.dma_semaphore, #tpu.memory_space<semaphore_mem>>)
        %dma_wait3A_420 = arith.constant 0 : i32
        %dma_wait3A_421 = arith.constant 0 : i32
        %dma_wait3A_422 = tpu.memref_slice %arg6[%dma_wait3A_420, %dma_wait3A_421] : memref<64x512xf32, #tpu.memory_space<vmem>> -> memref<8x512xf32, #tpu.memory_space<vmem>>
        %dma_wait3A_423 = arith.constant 18752 : i32
        %dma_wait3A_424 = arith.constant 0 : i32
        %dma_wait3A_425 = tpu.memref_slice %arg4[%dma_wait3A_423, %dma_wait3A_424] : memref<18760x512xf32, #tpu.memory_space<hbm>> -> memref<8x512xf32, #tpu.memory_space<hbm>>
        %dma_wait3A_426 = arith.constant 18752 : i32
        %dma_wait3A_427 = arith.constant 0 : i32
        %dma_wait3A_428 = tpu.memref_slice %arg4[%dma_wait3A_426, %dma_wait3A_427] : memref<18760x512xf32, #tpu.memory_space<hbm>> -> memref<8x512xf32, #tpu.memory_space<hbm>>
        %dma_wait3A_429 = arith.constant 0 : i32
        %dma_wait3A_430 = arith.constant 0 : i32
        %dma_wait3A_431 = tpu.memref_slice %arg6[%dma_wait3A_429, %dma_wait3A_430] : memref<64x512xf32, #tpu.memory_space<vmem>> -> memref<8x512xf32, #tpu.memory_space<vmem>>
        tpu.wait_dma2 semaphore(%run_scoped3A : memref<!tpu.dma_semaphore, #tpu.memory_space<semaphore_mem>>) src(%dma_wait3A_431 : memref<8x512xf32, #tpu.memory_space<vmem>>) dst(%dma_wait3A_428 : memref<8x512xf32, #tpu.memory_space<hbm>>)
        tpu.yield
      }) : () -> ()
    } else {
    }
    %mul3A_126 = arith.constant 19 : i32
    %mul3A_127 = arith.muli %arg1, %mul3A_126 : i32
    %add3A_128 = arith.constant 9 : i32
    %add3A_129 = arith.addi %mul3A_127, %add3A_128 : i32
    %lt3A_130 = arith.constant 293 : i32
    %lt3A_131 = arith.cmpi slt, %add3A_129, %lt3A_130 : i32
    %convert_element_type3A_132 = arith.extui %lt3A_131 : i1 to i32
    %cond3A_133 = arith.constant 0 : i32
    %cond3A_134 = arith.cmpi ne, %convert_element_type3A_132, %cond3A_133 : i32
    scf.if %cond3A_134 {
      %mul3A_408 = arith.constant 64 : i32
      %mul3A_409 = arith.muli %add3A_129, %mul3A_408 : i32
      "tpu.region"() ({
        %run_scoped3A = tpu.sem_alloc : memref<!tpu.dma_semaphore, #tpu.memory_space<semaphore_mem>>
        %dma_start3A_410 = arith.constant 0 : i32
        %dma_start3A_411 = tpu.memref_slice %arg4[%mul3A_409, %dma_start3A_410] : memref<18760x512xf32, #tpu.memory_space<hbm>> -> memref<64x512xf32, #tpu.memory_space<hbm>>
        %dma_start3A_412 = arith.constant 0 : i32
        %dma_start3A_413 = tpu.memref_slice %arg4[%mul3A_409, %dma_start3A_412] : memref<18760x512xf32, #tpu.memory_space<hbm>> -> memref<64x512xf32, #tpu.memory_space<hbm>>
        tpu.enqueue_dma source(%arg6 : memref<64x512xf32, #tpu.memory_space<vmem>>) target(%dma_start3A_413 : memref<64x512xf32, #tpu.memory_space<hbm>>) target_semaphore(%run_scoped3A : memref<!tpu.dma_semaphore, #tpu.memory_space<semaphore_mem>>)
        %dma_wait3A_414 = arith.constant 0 : i32
        %dma_wait3A_415 = tpu.memref_slice %arg4[%mul3A_409, %dma_wait3A_414] : memref<18760x512xf32, #tpu.memory_space<hbm>> -> memref<64x512xf32, #tpu.memory_space<hbm>>
        %dma_wait3A_416 = arith.constant 0 : i32
        %dma_wait3A_417 = tpu.memref_slice %arg4[%mul3A_409, %dma_wait3A_416] : memref<18760x512xf32, #tpu.memory_space<hbm>> -> memref<64x512xf32, #tpu.memory_space<hbm>>
        tpu.wait_dma2 semaphore(%run_scoped3A : memref<!tpu.dma_semaphore, #tpu.memory_space<semaphore_mem>>) src(%arg6 : memref<64x512xf32, #tpu.memory_space<vmem>>) dst(%dma_wait3A_417 : memref<64x512xf32, #tpu.memory_space<hbm>>)
        tpu.yield
      }) : () -> ()
    } else {
    }
    %eq3A_135 = arith.constant 293 : i32
    %eq3A_136 = arith.cmpi eq, %add3A_129, %eq3A_135 : i32
    %convert_element_type3A_137 = arith.extui %eq3A_136 : i1 to i32
    %cond3A_138 = arith.constant 0 : i32
    %cond3A_139 = arith.cmpi ne, %convert_element_type3A_137, %cond3A_138 : i32
    scf.if %cond3A_139 {
      "tpu.region"() ({
        %run_scoped3A = tpu.sem_alloc : memref<!tpu.dma_semaphore, #tpu.memory_space<semaphore_mem>>
        %dma_start3A_408 = arith.constant 0 : i32
        %dma_start3A_409 = arith.constant 0 : i32
        %dma_start3A_410 = tpu.memref_slice %arg6[%dma_start3A_408, %dma_start3A_409] : memref<64x512xf32, #tpu.memory_space<vmem>> -> memref<8x512xf32, #tpu.memory_space<vmem>>
        %dma_start3A_411 = arith.constant 18752 : i32
        %dma_start3A_412 = arith.constant 0 : i32
        %dma_start3A_413 = tpu.memref_slice %arg4[%dma_start3A_411, %dma_start3A_412] : memref<18760x512xf32, #tpu.memory_space<hbm>> -> memref<8x512xf32, #tpu.memory_space<hbm>>
        %dma_start3A_414 = arith.constant 18752 : i32
        %dma_start3A_415 = arith.constant 0 : i32
        %dma_start3A_416 = tpu.memref_slice %arg4[%dma_start3A_414, %dma_start3A_415] : memref<18760x512xf32, #tpu.memory_space<hbm>> -> memref<8x512xf32, #tpu.memory_space<hbm>>
        %dma_start3A_417 = arith.constant 0 : i32
        %dma_start3A_418 = arith.constant 0 : i32
        %dma_start3A_419 = tpu.memref_slice %arg6[%dma_start3A_417, %dma_start3A_418] : memref<64x512xf32, #tpu.memory_space<vmem>> -> memref<8x512xf32, #tpu.memory_space<vmem>>
        tpu.enqueue_dma source(%dma_start3A_419 : memref<8x512xf32, #tpu.memory_space<vmem>>) target(%dma_start3A_416 : memref<8x512xf32, #tpu.memory_space<hbm>>) target_semaphore(%run_scoped3A : memref<!tpu.dma_semaphore, #tpu.memory_space<semaphore_mem>>)
        %dma_wait3A_420 = arith.constant 0 : i32
        %dma_wait3A_421 = arith.constant 0 : i32
        %dma_wait3A_422 = tpu.memref_slice %arg6[%dma_wait3A_420, %dma_wait3A_421] : memref<64x512xf32, #tpu.memory_space<vmem>> -> memref<8x512xf32, #tpu.memory_space<vmem>>
        %dma_wait3A_423 = arith.constant 18752 : i32
        %dma_wait3A_424 = arith.constant 0 : i32
        %dma_wait3A_425 = tpu.memref_slice %arg4[%dma_wait3A_423, %dma_wait3A_424] : memref<18760x512xf32, #tpu.memory_space<hbm>> -> memref<8x512xf32, #tpu.memory_space<hbm>>
        %dma_wait3A_426 = arith.constant 18752 : i32
        %dma_wait3A_427 = arith.constant 0 : i32
        %dma_wait3A_428 = tpu.memref_slice %arg4[%dma_wait3A_426, %dma_wait3A_427] : memref<18760x512xf32, #tpu.memory_space<hbm>> -> memref<8x512xf32, #tpu.memory_space<hbm>>
        %dma_wait3A_429 = arith.constant 0 : i32
        %dma_wait3A_430 = arith.constant 0 : i32
        %dma_wait3A_431 = tpu.memref_slice %arg6[%dma_wait3A_429, %dma_wait3A_430] : memref<64x512xf32, #tpu.memory_space<vmem>> -> memref<8x512xf32, #tpu.memory_space<vmem>>
        tpu.wait_dma2 semaphore(%run_scoped3A : memref<!tpu.dma_semaphore, #tpu.memory_space<semaphore_mem>>) src(%dma_wait3A_431 : memref<8x512xf32, #tpu.memory_space<vmem>>) dst(%dma_wait3A_428 : memref<8x512xf32, #tpu.memory_space<hbm>>)
        tpu.yield
      }) : () -> ()
    } else {
    }
    %mul3A_140 = arith.constant 19 : i32
    %mul3A_141 = arith.muli %arg1, %mul3A_140 : i32
    %add3A_142 = arith.constant 10 : i32
    %add3A_143 = arith.addi %mul3A_141, %add3A_142 : i32
    %lt3A_144 = arith.constant 293 : i32
    %lt3A_145 = arith.cmpi slt, %add3A_143, %lt3A_144 : i32
    %convert_element_type3A_146 = arith.extui %lt3A_145 : i1 to i32
    %cond3A_147 = arith.constant 0 : i32
    %cond3A_148 = arith.cmpi ne, %convert_element_type3A_146, %cond3A_147 : i32
    scf.if %cond3A_148 {
      %mul3A_408 = arith.constant 64 : i32
      %mul3A_409 = arith.muli %add3A_143, %mul3A_408 : i32
      "tpu.region"() ({
        %run_scoped3A = tpu.sem_alloc : memref<!tpu.dma_semaphore, #tpu.memory_space<semaphore_mem>>
        %dma_start3A_410 = arith.constant 0 : i32
        %dma_start3A_411 = tpu.memref_slice %arg4[%mul3A_409, %dma_start3A_410] : memref<18760x512xf32, #tpu.memory_space<hbm>> -> memref<64x512xf32, #tpu.memory_space<hbm>>
        %dma_start3A_412 = arith.constant 0 : i32
        %dma_start3A_413 = tpu.memref_slice %arg4[%mul3A_409, %dma_start3A_412] : memref<18760x512xf32, #tpu.memory_space<hbm>> -> memref<64x512xf32, #tpu.memory_space<hbm>>
        tpu.enqueue_dma source(%arg6 : memref<64x512xf32, #tpu.memory_space<vmem>>) target(%dma_start3A_413 : memref<64x512xf32, #tpu.memory_space<hbm>>) target_semaphore(%run_scoped3A : memref<!tpu.dma_semaphore, #tpu.memory_space<semaphore_mem>>)
        %dma_wait3A_414 = arith.constant 0 : i32
        %dma_wait3A_415 = tpu.memref_slice %arg4[%mul3A_409, %dma_wait3A_414] : memref<18760x512xf32, #tpu.memory_space<hbm>> -> memref<64x512xf32, #tpu.memory_space<hbm>>
        %dma_wait3A_416 = arith.constant 0 : i32
        %dma_wait3A_417 = tpu.memref_slice %arg4[%mul3A_409, %dma_wait3A_416] : memref<18760x512xf32, #tpu.memory_space<hbm>> -> memref<64x512xf32, #tpu.memory_space<hbm>>
        tpu.wait_dma2 semaphore(%run_scoped3A : memref<!tpu.dma_semaphore, #tpu.memory_space<semaphore_mem>>) src(%arg6 : memref<64x512xf32, #tpu.memory_space<vmem>>) dst(%dma_wait3A_417 : memref<64x512xf32, #tpu.memory_space<hbm>>)
        tpu.yield
      }) : () -> ()
    } else {
    }
    %eq3A_149 = arith.constant 293 : i32
    %eq3A_150 = arith.cmpi eq, %add3A_143, %eq3A_149 : i32
    %convert_element_type3A_151 = arith.extui %eq3A_150 : i1 to i32
    %cond3A_152 = arith.constant 0 : i32
    %cond3A_153 = arith.cmpi ne, %convert_element_type3A_151, %cond3A_152 : i32
    scf.if %cond3A_153 {
      "tpu.region"() ({
        %run_scoped3A = tpu.sem_alloc : memref<!tpu.dma_semaphore, #tpu.memory_space<semaphore_mem>>
        %dma_start3A_408 = arith.constant 0 : i32
        %dma_start3A_409 = arith.constant 0 : i32
        %dma_start3A_410 = tpu.memref_slice %arg6[%dma_start3A_408, %dma_start3A_409] : memref<64x512xf32, #tpu.memory_space<vmem>> -> memref<8x512xf32, #tpu.memory_space<vmem>>
        %dma_start3A_411 = arith.constant 18752 : i32
        %dma_start3A_412 = arith.constant 0 : i32
        %dma_start3A_413 = tpu.memref_slice %arg4[%dma_start3A_411, %dma_start3A_412] : memref<18760x512xf32, #tpu.memory_space<hbm>> -> memref<8x512xf32, #tpu.memory_space<hbm>>
        %dma_start3A_414 = arith.constant 18752 : i32
        %dma_start3A_415 = arith.constant 0 : i32
        %dma_start3A_416 = tpu.memref_slice %arg4[%dma_start3A_414, %dma_start3A_415] : memref<18760x512xf32, #tpu.memory_space<hbm>> -> memref<8x512xf32, #tpu.memory_space<hbm>>
        %dma_start3A_417 = arith.constant 0 : i32
        %dma_start3A_418 = arith.constant 0 : i32
        %dma_start3A_419 = tpu.memref_slice %arg6[%dma_start3A_417, %dma_start3A_418] : memref<64x512xf32, #tpu.memory_space<vmem>> -> memref<8x512xf32, #tpu.memory_space<vmem>>
        tpu.enqueue_dma source(%dma_start3A_419 : memref<8x512xf32, #tpu.memory_space<vmem>>) target(%dma_start3A_416 : memref<8x512xf32, #tpu.memory_space<hbm>>) target_semaphore(%run_scoped3A : memref<!tpu.dma_semaphore, #tpu.memory_space<semaphore_mem>>)
        %dma_wait3A_420 = arith.constant 0 : i32
        %dma_wait3A_421 = arith.constant 0 : i32
        %dma_wait3A_422 = tpu.memref_slice %arg6[%dma_wait3A_420, %dma_wait3A_421] : memref<64x512xf32, #tpu.memory_space<vmem>> -> memref<8x512xf32, #tpu.memory_space<vmem>>
        %dma_wait3A_423 = arith.constant 18752 : i32
        %dma_wait3A_424 = arith.constant 0 : i32
        %dma_wait3A_425 = tpu.memref_slice %arg4[%dma_wait3A_423, %dma_wait3A_424] : memref<18760x512xf32, #tpu.memory_space<hbm>> -> memref<8x512xf32, #tpu.memory_space<hbm>>
        %dma_wait3A_426 = arith.constant 18752 : i32
        %dma_wait3A_427 = arith.constant 0 : i32
        %dma_wait3A_428 = tpu.memref_slice %arg4[%dma_wait3A_426, %dma_wait3A_427] : memref<18760x512xf32, #tpu.memory_space<hbm>> -> memref<8x512xf32, #tpu.memory_space<hbm>>
        %dma_wait3A_429 = arith.constant 0 : i32
        %dma_wait3A_430 = arith.constant 0 : i32
        %dma_wait3A_431 = tpu.memref_slice %arg6[%dma_wait3A_429, %dma_wait3A_430] : memref<64x512xf32, #tpu.memory_space<vmem>> -> memref<8x512xf32, #tpu.memory_space<vmem>>
        tpu.wait_dma2 semaphore(%run_scoped3A : memref<!tpu.dma_semaphore, #tpu.memory_space<semaphore_mem>>) src(%dma_wait3A_431 : memref<8x512xf32, #tpu.memory_space<vmem>>) dst(%dma_wait3A_428 : memref<8x512xf32, #tpu.memory_space<hbm>>)
        tpu.yield
      }) : () -> ()
    } else {
    }
    %mul3A_154 = arith.constant 19 : i32
    %mul3A_155 = arith.muli %arg1, %mul3A_154 : i32
    %add3A_156 = arith.constant 11 : i32
    %add3A_157 = arith.addi %mul3A_155, %add3A_156 : i32
    %lt3A_158 = arith.constant 293 : i32
    %lt3A_159 = arith.cmpi slt, %add3A_157, %lt3A_158 : i32
    %convert_element_type3A_160 = arith.extui %lt3A_159 : i1 to i32
    %cond3A_161 = arith.constant 0 : i32
    %cond3A_162 = arith.cmpi ne, %convert_element_type3A_160, %cond3A_161 : i32
    scf.if %cond3A_162 {
      %mul3A_408 = arith.constant 64 : i32
      %mul3A_409 = arith.muli %add3A_157, %mul3A_408 : i32
      "tpu.region"() ({
        %run_scoped3A = tpu.sem_alloc : memref<!tpu.dma_semaphore, #tpu.memory_space<semaphore_mem>>
        %dma_start3A_410 = arith.constant 0 : i32
        %dma_start3A_411 = tpu.memref_slice %arg4[%mul3A_409, %dma_start3A_410] : memref<18760x512xf32, #tpu.memory_space<hbm>> -> memref<64x512xf32, #tpu.memory_space<hbm>>
        %dma_start3A_412 = arith.constant 0 : i32
        %dma_start3A_413 = tpu.memref_slice %arg4[%mul3A_409, %dma_start3A_412] : memref<18760x512xf32, #tpu.memory_space<hbm>> -> memref<64x512xf32, #tpu.memory_space<hbm>>
        tpu.enqueue_dma source(%arg6 : memref<64x512xf32, #tpu.memory_space<vmem>>) target(%dma_start3A_413 : memref<64x512xf32, #tpu.memory_space<hbm>>) target_semaphore(%run_scoped3A : memref<!tpu.dma_semaphore, #tpu.memory_space<semaphore_mem>>)
        %dma_wait3A_414 = arith.constant 0 : i32
        %dma_wait3A_415 = tpu.memref_slice %arg4[%mul3A_409, %dma_wait3A_414] : memref<18760x512xf32, #tpu.memory_space<hbm>> -> memref<64x512xf32, #tpu.memory_space<hbm>>
        %dma_wait3A_416 = arith.constant 0 : i32
        %dma_wait3A_417 = tpu.memref_slice %arg4[%mul3A_409, %dma_wait3A_416] : memref<18760x512xf32, #tpu.memory_space<hbm>> -> memref<64x512xf32, #tpu.memory_space<hbm>>
        tpu.wait_dma2 semaphore(%run_scoped3A : memref<!tpu.dma_semaphore, #tpu.memory_space<semaphore_mem>>) src(%arg6 : memref<64x512xf32, #tpu.memory_space<vmem>>) dst(%dma_wait3A_417 : memref<64x512xf32, #tpu.memory_space<hbm>>)
        tpu.yield
      }) : () -> ()
    } else {
    }
    %eq3A_163 = arith.constant 293 : i32
    %eq3A_164 = arith.cmpi eq, %add3A_157, %eq3A_163 : i32
    %convert_element_type3A_165 = arith.extui %eq3A_164 : i1 to i32
    %cond3A_166 = arith.constant 0 : i32
    %cond3A_167 = arith.cmpi ne, %convert_element_type3A_165, %cond3A_166 : i32
    scf.if %cond3A_167 {
      "tpu.region"() ({
        %run_scoped3A = tpu.sem_alloc : memref<!tpu.dma_semaphore, #tpu.memory_space<semaphore_mem>>
        %dma_start3A_408 = arith.constant 0 : i32
        %dma_start3A_409 = arith.constant 0 : i32
        %dma_start3A_410 = tpu.memref_slice %arg6[%dma_start3A_408, %dma_start3A_409] : memref<64x512xf32, #tpu.memory_space<vmem>> -> memref<8x512xf32, #tpu.memory_space<vmem>>
        %dma_start3A_411 = arith.constant 18752 : i32
        %dma_start3A_412 = arith.constant 0 : i32
        %dma_start3A_413 = tpu.memref_slice %arg4[%dma_start3A_411, %dma_start3A_412] : memref<18760x512xf32, #tpu.memory_space<hbm>> -> memref<8x512xf32, #tpu.memory_space<hbm>>
        %dma_start3A_414 = arith.constant 18752 : i32
        %dma_start3A_415 = arith.constant 0 : i32
        %dma_start3A_416 = tpu.memref_slice %arg4[%dma_start3A_414, %dma_start3A_415] : memref<18760x512xf32, #tpu.memory_space<hbm>> -> memref<8x512xf32, #tpu.memory_space<hbm>>
        %dma_start3A_417 = arith.constant 0 : i32
        %dma_start3A_418 = arith.constant 0 : i32
        %dma_start3A_419 = tpu.memref_slice %arg6[%dma_start3A_417, %dma_start3A_418] : memref<64x512xf32, #tpu.memory_space<vmem>> -> memref<8x512xf32, #tpu.memory_space<vmem>>
        tpu.enqueue_dma source(%dma_start3A_419 : memref<8x512xf32, #tpu.memory_space<vmem>>) target(%dma_start3A_416 : memref<8x512xf32, #tpu.memory_space<hbm>>) target_semaphore(%run_scoped3A : memref<!tpu.dma_semaphore, #tpu.memory_space<semaphore_mem>>)
        %dma_wait3A_420 = arith.constant 0 : i32
        %dma_wait3A_421 = arith.constant 0 : i32
        %dma_wait3A_422 = tpu.memref_slice %arg6[%dma_wait3A_420, %dma_wait3A_421] : memref<64x512xf32, #tpu.memory_space<vmem>> -> memref<8x512xf32, #tpu.memory_space<vmem>>
        %dma_wait3A_423 = arith.constant 18752 : i32
        %dma_wait3A_424 = arith.constant 0 : i32
        %dma_wait3A_425 = tpu.memref_slice %arg4[%dma_wait3A_423, %dma_wait3A_424] : memref<18760x512xf32, #tpu.memory_space<hbm>> -> memref<8x512xf32, #tpu.memory_space<hbm>>
        %dma_wait3A_426 = arith.constant 18752 : i32
        %dma_wait3A_427 = arith.constant 0 : i32
        %dma_wait3A_428 = tpu.memref_slice %arg4[%dma_wait3A_426, %dma_wait3A_427] : memref<18760x512xf32, #tpu.memory_space<hbm>> -> memref<8x512xf32, #tpu.memory_space<hbm>>
        %dma_wait3A_429 = arith.constant 0 : i32
        %dma_wait3A_430 = arith.constant 0 : i32
        %dma_wait3A_431 = tpu.memref_slice %arg6[%dma_wait3A_429, %dma_wait3A_430] : memref<64x512xf32, #tpu.memory_space<vmem>> -> memref<8x512xf32, #tpu.memory_space<vmem>>
        tpu.wait_dma2 semaphore(%run_scoped3A : memref<!tpu.dma_semaphore, #tpu.memory_space<semaphore_mem>>) src(%dma_wait3A_431 : memref<8x512xf32, #tpu.memory_space<vmem>>) dst(%dma_wait3A_428 : memref<8x512xf32, #tpu.memory_space<hbm>>)
        tpu.yield
      }) : () -> ()
    } else {
    }
    %mul3A_168 = arith.constant 19 : i32
    %mul3A_169 = arith.muli %arg1, %mul3A_168 : i32
    %add3A_170 = arith.constant 12 : i32
    %add3A_171 = arith.addi %mul3A_169, %add3A_170 : i32
    %lt3A_172 = arith.constant 293 : i32
    %lt3A_173 = arith.cmpi slt, %add3A_171, %lt3A_172 : i32
    %convert_element_type3A_174 = arith.extui %lt3A_173 : i1 to i32
    %cond3A_175 = arith.constant 0 : i32
    %cond3A_176 = arith.cmpi ne, %convert_element_type3A_174, %cond3A_175 : i32
    scf.if %cond3A_176 {
      %mul3A_408 = arith.constant 64 : i32
      %mul3A_409 = arith.muli %add3A_171, %mul3A_408 : i32
      "tpu.region"() ({
        %run_scoped3A = tpu.sem_alloc : memref<!tpu.dma_semaphore, #tpu.memory_space<semaphore_mem>>
        %dma_start3A_410 = arith.constant 0 : i32
        %dma_start3A_411 = tpu.memref_slice %arg4[%mul3A_409, %dma_start3A_410] : memref<18760x512xf32, #tpu.memory_space<hbm>> -> memref<64x512xf32, #tpu.memory_space<hbm>>
        %dma_start3A_412 = arith.constant 0 : i32
        %dma_start3A_413 = tpu.memref_slice %arg4[%mul3A_409, %dma_start3A_412] : memref<18760x512xf32, #tpu.memory_space<hbm>> -> memref<64x512xf32, #tpu.memory_space<hbm>>
        tpu.enqueue_dma source(%arg6 : memref<64x512xf32, #tpu.memory_space<vmem>>) target(%dma_start3A_413 : memref<64x512xf32, #tpu.memory_space<hbm>>) target_semaphore(%run_scoped3A : memref<!tpu.dma_semaphore, #tpu.memory_space<semaphore_mem>>)
        %dma_wait3A_414 = arith.constant 0 : i32
        %dma_wait3A_415 = tpu.memref_slice %arg4[%mul3A_409, %dma_wait3A_414] : memref<18760x512xf32, #tpu.memory_space<hbm>> -> memref<64x512xf32, #tpu.memory_space<hbm>>
        %dma_wait3A_416 = arith.constant 0 : i32
        %dma_wait3A_417 = tpu.memref_slice %arg4[%mul3A_409, %dma_wait3A_416] : memref<18760x512xf32, #tpu.memory_space<hbm>> -> memref<64x512xf32, #tpu.memory_space<hbm>>
        tpu.wait_dma2 semaphore(%run_scoped3A : memref<!tpu.dma_semaphore, #tpu.memory_space<semaphore_mem>>) src(%arg6 : memref<64x512xf32, #tpu.memory_space<vmem>>) dst(%dma_wait3A_417 : memref<64x512xf32, #tpu.memory_space<hbm>>)
        tpu.yield
      }) : () -> ()
    } else {
    }
    %eq3A_177 = arith.constant 293 : i32
    %eq3A_178 = arith.cmpi eq, %add3A_171, %eq3A_177 : i32
    %convert_element_type3A_179 = arith.extui %eq3A_178 : i1 to i32
    %cond3A_180 = arith.constant 0 : i32
    %cond3A_181 = arith.cmpi ne, %convert_element_type3A_179, %cond3A_180 : i32
    scf.if %cond3A_181 {
      "tpu.region"() ({
        %run_scoped3A = tpu.sem_alloc : memref<!tpu.dma_semaphore, #tpu.memory_space<semaphore_mem>>
        %dma_start3A_408 = arith.constant 0 : i32
        %dma_start3A_409 = arith.constant 0 : i32
        %dma_start3A_410 = tpu.memref_slice %arg6[%dma_start3A_408, %dma_start3A_409] : memref<64x512xf32, #tpu.memory_space<vmem>> -> memref<8x512xf32, #tpu.memory_space<vmem>>
        %dma_start3A_411 = arith.constant 18752 : i32
        %dma_start3A_412 = arith.constant 0 : i32
        %dma_start3A_413 = tpu.memref_slice %arg4[%dma_start3A_411, %dma_start3A_412] : memref<18760x512xf32, #tpu.memory_space<hbm>> -> memref<8x512xf32, #tpu.memory_space<hbm>>
        %dma_start3A_414 = arith.constant 18752 : i32
        %dma_start3A_415 = arith.constant 0 : i32
        %dma_start3A_416 = tpu.memref_slice %arg4[%dma_start3A_414, %dma_start3A_415] : memref<18760x512xf32, #tpu.memory_space<hbm>> -> memref<8x512xf32, #tpu.memory_space<hbm>>
        %dma_start3A_417 = arith.constant 0 : i32
        %dma_start3A_418 = arith.constant 0 : i32
        %dma_start3A_419 = tpu.memref_slice %arg6[%dma_start3A_417, %dma_start3A_418] : memref<64x512xf32, #tpu.memory_space<vmem>> -> memref<8x512xf32, #tpu.memory_space<vmem>>
        tpu.enqueue_dma source(%dma_start3A_419 : memref<8x512xf32, #tpu.memory_space<vmem>>) target(%dma_start3A_416 : memref<8x512xf32, #tpu.memory_space<hbm>>) target_semaphore(%run_scoped3A : memref<!tpu.dma_semaphore, #tpu.memory_space<semaphore_mem>>)
        %dma_wait3A_420 = arith.constant 0 : i32
        %dma_wait3A_421 = arith.constant 0 : i32
        %dma_wait3A_422 = tpu.memref_slice %arg6[%dma_wait3A_420, %dma_wait3A_421] : memref<64x512xf32, #tpu.memory_space<vmem>> -> memref<8x512xf32, #tpu.memory_space<vmem>>
        %dma_wait3A_423 = arith.constant 18752 : i32
        %dma_wait3A_424 = arith.constant 0 : i32
        %dma_wait3A_425 = tpu.memref_slice %arg4[%dma_wait3A_423, %dma_wait3A_424] : memref<18760x512xf32, #tpu.memory_space<hbm>> -> memref<8x512xf32, #tpu.memory_space<hbm>>
        %dma_wait3A_426 = arith.constant 18752 : i32
        %dma_wait3A_427 = arith.constant 0 : i32
        %dma_wait3A_428 = tpu.memref_slice %arg4[%dma_wait3A_426, %dma_wait3A_427] : memref<18760x512xf32, #tpu.memory_space<hbm>> -> memref<8x512xf32, #tpu.memory_space<hbm>>
        %dma_wait3A_429 = arith.constant 0 : i32
        %dma_wait3A_430 = arith.constant 0 : i32
        %dma_wait3A_431 = tpu.memref_slice %arg6[%dma_wait3A_429, %dma_wait3A_430] : memref<64x512xf32, #tpu.memory_space<vmem>> -> memref<8x512xf32, #tpu.memory_space<vmem>>
        tpu.wait_dma2 semaphore(%run_scoped3A : memref<!tpu.dma_semaphore, #tpu.memory_space<semaphore_mem>>) src(%dma_wait3A_431 : memref<8x512xf32, #tpu.memory_space<vmem>>) dst(%dma_wait3A_428 : memref<8x512xf32, #tpu.memory_space<hbm>>)
        tpu.yield
      }) : () -> ()
    } else {
    }
    %mul3A_182 = arith.constant 19 : i32
    %mul3A_183 = arith.muli %arg1, %mul3A_182 : i32
    %add3A_184 = arith.constant 13 : i32
    %add3A_185 = arith.addi %mul3A_183, %add3A_184 : i32
    %lt3A_186 = arith.constant 293 : i32
    %lt3A_187 = arith.cmpi slt, %add3A_185, %lt3A_186 : i32
    %convert_element_type3A_188 = arith.extui %lt3A_187 : i1 to i32
    %cond3A_189 = arith.constant 0 : i32
    %cond3A_190 = arith.cmpi ne, %convert_element_type3A_188, %cond3A_189 : i32
    scf.if %cond3A_190 {
      %mul3A_408 = arith.constant 64 : i32
      %mul3A_409 = arith.muli %add3A_185, %mul3A_408 : i32
      "tpu.region"() ({
        %run_scoped3A = tpu.sem_alloc : memref<!tpu.dma_semaphore, #tpu.memory_space<semaphore_mem>>
        %dma_start3A_410 = arith.constant 0 : i32
        %dma_start3A_411 = tpu.memref_slice %arg4[%mul3A_409, %dma_start3A_410] : memref<18760x512xf32, #tpu.memory_space<hbm>> -> memref<64x512xf32, #tpu.memory_space<hbm>>
        %dma_start3A_412 = arith.constant 0 : i32
        %dma_start3A_413 = tpu.memref_slice %arg4[%mul3A_409, %dma_start3A_412] : memref<18760x512xf32, #tpu.memory_space<hbm>> -> memref<64x512xf32, #tpu.memory_space<hbm>>
        tpu.enqueue_dma source(%arg6 : memref<64x512xf32, #tpu.memory_space<vmem>>) target(%dma_start3A_413 : memref<64x512xf32, #tpu.memory_space<hbm>>) target_semaphore(%run_scoped3A : memref<!tpu.dma_semaphore, #tpu.memory_space<semaphore_mem>>)
        %dma_wait3A_414 = arith.constant 0 : i32
        %dma_wait3A_415 = tpu.memref_slice %arg4[%mul3A_409, %dma_wait3A_414] : memref<18760x512xf32, #tpu.memory_space<hbm>> -> memref<64x512xf32, #tpu.memory_space<hbm>>
        %dma_wait3A_416 = arith.constant 0 : i32
        %dma_wait3A_417 = tpu.memref_slice %arg4[%mul3A_409, %dma_wait3A_416] : memref<18760x512xf32, #tpu.memory_space<hbm>> -> memref<64x512xf32, #tpu.memory_space<hbm>>
        tpu.wait_dma2 semaphore(%run_scoped3A : memref<!tpu.dma_semaphore, #tpu.memory_space<semaphore_mem>>) src(%arg6 : memref<64x512xf32, #tpu.memory_space<vmem>>) dst(%dma_wait3A_417 : memref<64x512xf32, #tpu.memory_space<hbm>>)
        tpu.yield
      }) : () -> ()
    } else {
    }
    %eq3A_191 = arith.constant 293 : i32
    %eq3A_192 = arith.cmpi eq, %add3A_185, %eq3A_191 : i32
    %convert_element_type3A_193 = arith.extui %eq3A_192 : i1 to i32
    %cond3A_194 = arith.constant 0 : i32
    %cond3A_195 = arith.cmpi ne, %convert_element_type3A_193, %cond3A_194 : i32
    scf.if %cond3A_195 {
      "tpu.region"() ({
        %run_scoped3A = tpu.sem_alloc : memref<!tpu.dma_semaphore, #tpu.memory_space<semaphore_mem>>
        %dma_start3A_408 = arith.constant 0 : i32
        %dma_start3A_409 = arith.constant 0 : i32
        %dma_start3A_410 = tpu.memref_slice %arg6[%dma_start3A_408, %dma_start3A_409] : memref<64x512xf32, #tpu.memory_space<vmem>> -> memref<8x512xf32, #tpu.memory_space<vmem>>
        %dma_start3A_411 = arith.constant 18752 : i32
        %dma_start3A_412 = arith.constant 0 : i32
        %dma_start3A_413 = tpu.memref_slice %arg4[%dma_start3A_411, %dma_start3A_412] : memref<18760x512xf32, #tpu.memory_space<hbm>> -> memref<8x512xf32, #tpu.memory_space<hbm>>
        %dma_start3A_414 = arith.constant 18752 : i32
        %dma_start3A_415 = arith.constant 0 : i32
        %dma_start3A_416 = tpu.memref_slice %arg4[%dma_start3A_414, %dma_start3A_415] : memref<18760x512xf32, #tpu.memory_space<hbm>> -> memref<8x512xf32, #tpu.memory_space<hbm>>
        %dma_start3A_417 = arith.constant 0 : i32
        %dma_start3A_418 = arith.constant 0 : i32
        %dma_start3A_419 = tpu.memref_slice %arg6[%dma_start3A_417, %dma_start3A_418] : memref<64x512xf32, #tpu.memory_space<vmem>> -> memref<8x512xf32, #tpu.memory_space<vmem>>
        tpu.enqueue_dma source(%dma_start3A_419 : memref<8x512xf32, #tpu.memory_space<vmem>>) target(%dma_start3A_416 : memref<8x512xf32, #tpu.memory_space<hbm>>) target_semaphore(%run_scoped3A : memref<!tpu.dma_semaphore, #tpu.memory_space<semaphore_mem>>)
        %dma_wait3A_420 = arith.constant 0 : i32
        %dma_wait3A_421 = arith.constant 0 : i32
        %dma_wait3A_422 = tpu.memref_slice %arg6[%dma_wait3A_420, %dma_wait3A_421] : memref<64x512xf32, #tpu.memory_space<vmem>> -> memref<8x512xf32, #tpu.memory_space<vmem>>
        %dma_wait3A_423 = arith.constant 18752 : i32
        %dma_wait3A_424 = arith.constant 0 : i32
        %dma_wait3A_425 = tpu.memref_slice %arg4[%dma_wait3A_423, %dma_wait3A_424] : memref<18760x512xf32, #tpu.memory_space<hbm>> -> memref<8x512xf32, #tpu.memory_space<hbm>>
        %dma_wait3A_426 = arith.constant 18752 : i32
        %dma_wait3A_427 = arith.constant 0 : i32
        %dma_wait3A_428 = tpu.memref_slice %arg4[%dma_wait3A_426, %dma_wait3A_427] : memref<18760x512xf32, #tpu.memory_space<hbm>> -> memref<8x512xf32, #tpu.memory_space<hbm>>
        %dma_wait3A_429 = arith.constant 0 : i32
        %dma_wait3A_430 = arith.constant 0 : i32
        %dma_wait3A_431 = tpu.memref_slice %arg6[%dma_wait3A_429, %dma_wait3A_430] : memref<64x512xf32, #tpu.memory_space<vmem>> -> memref<8x512xf32, #tpu.memory_space<vmem>>
        tpu.wait_dma2 semaphore(%run_scoped3A : memref<!tpu.dma_semaphore, #tpu.memory_space<semaphore_mem>>) src(%dma_wait3A_431 : memref<8x512xf32, #tpu.memory_space<vmem>>) dst(%dma_wait3A_428 : memref<8x512xf32, #tpu.memory_space<hbm>>)
        tpu.yield
      }) : () -> ()
    } else {
    }
    %mul3A_196 = arith.constant 19 : i32
    %mul3A_197 = arith.muli %arg1, %mul3A_196 : i32
    %add3A_198 = arith.constant 14 : i32
    %add3A_199 = arith.addi %mul3A_197, %add3A_198 : i32
    %lt3A_200 = arith.constant 293 : i32
    %lt3A_201 = arith.cmpi slt, %add3A_199, %lt3A_200 : i32
    %convert_element_type3A_202 = arith.extui %lt3A_201 : i1 to i32
    %cond3A_203 = arith.constant 0 : i32
    %cond3A_204 = arith.cmpi ne, %convert_element_type3A_202, %cond3A_203 : i32
    scf.if %cond3A_204 {
      %mul3A_408 = arith.constant 64 : i32
      %mul3A_409 = arith.muli %add3A_199, %mul3A_408 : i32
      "tpu.region"() ({
        %run_scoped3A = tpu.sem_alloc : memref<!tpu.dma_semaphore, #tpu.memory_space<semaphore_mem>>
        %dma_start3A_410 = arith.constant 0 : i32
        %dma_start3A_411 = tpu.memref_slice %arg4[%mul3A_409, %dma_start3A_410] : memref<18760x512xf32, #tpu.memory_space<hbm>> -> memref<64x512xf32, #tpu.memory_space<hbm>>
        %dma_start3A_412 = arith.constant 0 : i32
        %dma_start3A_413 = tpu.memref_slice %arg4[%mul3A_409, %dma_start3A_412] : memref<18760x512xf32, #tpu.memory_space<hbm>> -> memref<64x512xf32, #tpu.memory_space<hbm>>
        tpu.enqueue_dma source(%arg6 : memref<64x512xf32, #tpu.memory_space<vmem>>) target(%dma_start3A_413 : memref<64x512xf32, #tpu.memory_space<hbm>>) target_semaphore(%run_scoped3A : memref<!tpu.dma_semaphore, #tpu.memory_space<semaphore_mem>>)
        %dma_wait3A_414 = arith.constant 0 : i32
        %dma_wait3A_415 = tpu.memref_slice %arg4[%mul3A_409, %dma_wait3A_414] : memref<18760x512xf32, #tpu.memory_space<hbm>> -> memref<64x512xf32, #tpu.memory_space<hbm>>
        %dma_wait3A_416 = arith.constant 0 : i32
        %dma_wait3A_417 = tpu.memref_slice %arg4[%mul3A_409, %dma_wait3A_416] : memref<18760x512xf32, #tpu.memory_space<hbm>> -> memref<64x512xf32, #tpu.memory_space<hbm>>
        tpu.wait_dma2 semaphore(%run_scoped3A : memref<!tpu.dma_semaphore, #tpu.memory_space<semaphore_mem>>) src(%arg6 : memref<64x512xf32, #tpu.memory_space<vmem>>) dst(%dma_wait3A_417 : memref<64x512xf32, #tpu.memory_space<hbm>>)
        tpu.yield
      }) : () -> ()
    } else {
    }
    %eq3A_205 = arith.constant 293 : i32
    %eq3A_206 = arith.cmpi eq, %add3A_199, %eq3A_205 : i32
    %convert_element_type3A_207 = arith.extui %eq3A_206 : i1 to i32
    %cond3A_208 = arith.constant 0 : i32
    %cond3A_209 = arith.cmpi ne, %convert_element_type3A_207, %cond3A_208 : i32
    scf.if %cond3A_209 {
      "tpu.region"() ({
        %run_scoped3A = tpu.sem_alloc : memref<!tpu.dma_semaphore, #tpu.memory_space<semaphore_mem>>
        %dma_start3A_408 = arith.constant 0 : i32
        %dma_start3A_409 = arith.constant 0 : i32
        %dma_start3A_410 = tpu.memref_slice %arg6[%dma_start3A_408, %dma_start3A_409] : memref<64x512xf32, #tpu.memory_space<vmem>> -> memref<8x512xf32, #tpu.memory_space<vmem>>
        %dma_start3A_411 = arith.constant 18752 : i32
        %dma_start3A_412 = arith.constant 0 : i32
        %dma_start3A_413 = tpu.memref_slice %arg4[%dma_start3A_411, %dma_start3A_412] : memref<18760x512xf32, #tpu.memory_space<hbm>> -> memref<8x512xf32, #tpu.memory_space<hbm>>
        %dma_start3A_414 = arith.constant 18752 : i32
        %dma_start3A_415 = arith.constant 0 : i32
        %dma_start3A_416 = tpu.memref_slice %arg4[%dma_start3A_414, %dma_start3A_415] : memref<18760x512xf32, #tpu.memory_space<hbm>> -> memref<8x512xf32, #tpu.memory_space<hbm>>
        %dma_start3A_417 = arith.constant 0 : i32
        %dma_start3A_418 = arith.constant 0 : i32
        %dma_start3A_419 = tpu.memref_slice %arg6[%dma_start3A_417, %dma_start3A_418] : memref<64x512xf32, #tpu.memory_space<vmem>> -> memref<8x512xf32, #tpu.memory_space<vmem>>
        tpu.enqueue_dma source(%dma_start3A_419 : memref<8x512xf32, #tpu.memory_space<vmem>>) target(%dma_start3A_416 : memref<8x512xf32, #tpu.memory_space<hbm>>) target_semaphore(%run_scoped3A : memref<!tpu.dma_semaphore, #tpu.memory_space<semaphore_mem>>)
        %dma_wait3A_420 = arith.constant 0 : i32
        %dma_wait3A_421 = arith.constant 0 : i32
        %dma_wait3A_422 = tpu.memref_slice %arg6[%dma_wait3A_420, %dma_wait3A_421] : memref<64x512xf32, #tpu.memory_space<vmem>> -> memref<8x512xf32, #tpu.memory_space<vmem>>
        %dma_wait3A_423 = arith.constant 18752 : i32
        %dma_wait3A_424 = arith.constant 0 : i32
        %dma_wait3A_425 = tpu.memref_slice %arg4[%dma_wait3A_423, %dma_wait3A_424] : memref<18760x512xf32, #tpu.memory_space<hbm>> -> memref<8x512xf32, #tpu.memory_space<hbm>>
        %dma_wait3A_426 = arith.constant 18752 : i32
        %dma_wait3A_427 = arith.constant 0 : i32
        %dma_wait3A_428 = tpu.memref_slice %arg4[%dma_wait3A_426, %dma_wait3A_427] : memref<18760x512xf32, #tpu.memory_space<hbm>> -> memref<8x512xf32, #tpu.memory_space<hbm>>
        %dma_wait3A_429 = arith.constant 0 : i32
        %dma_wait3A_430 = arith.constant 0 : i32
        %dma_wait3A_431 = tpu.memref_slice %arg6[%dma_wait3A_429, %dma_wait3A_430] : memref<64x512xf32, #tpu.memory_space<vmem>> -> memref<8x512xf32, #tpu.memory_space<vmem>>
        tpu.wait_dma2 semaphore(%run_scoped3A : memref<!tpu.dma_semaphore, #tpu.memory_space<semaphore_mem>>) src(%dma_wait3A_431 : memref<8x512xf32, #tpu.memory_space<vmem>>) dst(%dma_wait3A_428 : memref<8x512xf32, #tpu.memory_space<hbm>>)
        tpu.yield
      }) : () -> ()
    } else {
    }
    %mul3A_210 = arith.constant 19 : i32
    %mul3A_211 = arith.muli %arg1, %mul3A_210 : i32
    %add3A_212 = arith.constant 15 : i32
    %add3A_213 = arith.addi %mul3A_211, %add3A_212 : i32
    %lt3A_214 = arith.constant 293 : i32
    %lt3A_215 = arith.cmpi slt, %add3A_213, %lt3A_214 : i32
    %convert_element_type3A_216 = arith.extui %lt3A_215 : i1 to i32
    %cond3A_217 = arith.constant 0 : i32
    %cond3A_218 = arith.cmpi ne, %convert_element_type3A_216, %cond3A_217 : i32
    scf.if %cond3A_218 {
      %mul3A_408 = arith.constant 64 : i32
      %mul3A_409 = arith.muli %add3A_213, %mul3A_408 : i32
      "tpu.region"() ({
        %run_scoped3A = tpu.sem_alloc : memref<!tpu.dma_semaphore, #tpu.memory_space<semaphore_mem>>
        %dma_start3A_410 = arith.constant 0 : i32
        %dma_start3A_411 = tpu.memref_slice %arg4[%mul3A_409, %dma_start3A_410] : memref<18760x512xf32, #tpu.memory_space<hbm>> -> memref<64x512xf32, #tpu.memory_space<hbm>>
        %dma_start3A_412 = arith.constant 0 : i32
        %dma_start3A_413 = tpu.memref_slice %arg4[%mul3A_409, %dma_start3A_412] : memref<18760x512xf32, #tpu.memory_space<hbm>> -> memref<64x512xf32, #tpu.memory_space<hbm>>
        tpu.enqueue_dma source(%arg6 : memref<64x512xf32, #tpu.memory_space<vmem>>) target(%dma_start3A_413 : memref<64x512xf32, #tpu.memory_space<hbm>>) target_semaphore(%run_scoped3A : memref<!tpu.dma_semaphore, #tpu.memory_space<semaphore_mem>>)
        %dma_wait3A_414 = arith.constant 0 : i32
        %dma_wait3A_415 = tpu.memref_slice %arg4[%mul3A_409, %dma_wait3A_414] : memref<18760x512xf32, #tpu.memory_space<hbm>> -> memref<64x512xf32, #tpu.memory_space<hbm>>
        %dma_wait3A_416 = arith.constant 0 : i32
        %dma_wait3A_417 = tpu.memref_slice %arg4[%mul3A_409, %dma_wait3A_416] : memref<18760x512xf32, #tpu.memory_space<hbm>> -> memref<64x512xf32, #tpu.memory_space<hbm>>
        tpu.wait_dma2 semaphore(%run_scoped3A : memref<!tpu.dma_semaphore, #tpu.memory_space<semaphore_mem>>) src(%arg6 : memref<64x512xf32, #tpu.memory_space<vmem>>) dst(%dma_wait3A_417 : memref<64x512xf32, #tpu.memory_space<hbm>>)
        tpu.yield
      }) : () -> ()
    } else {
    }
    %eq3A_219 = arith.constant 293 : i32
    %eq3A_220 = arith.cmpi eq, %add3A_213, %eq3A_219 : i32
    %convert_element_type3A_221 = arith.extui %eq3A_220 : i1 to i32
    %cond3A_222 = arith.constant 0 : i32
    %cond3A_223 = arith.cmpi ne, %convert_element_type3A_221, %cond3A_222 : i32
    scf.if %cond3A_223 {
      "tpu.region"() ({
        %run_scoped3A = tpu.sem_alloc : memref<!tpu.dma_semaphore, #tpu.memory_space<semaphore_mem>>
        %dma_start3A_408 = arith.constant 0 : i32
        %dma_start3A_409 = arith.constant 0 : i32
        %dma_start3A_410 = tpu.memref_slice %arg6[%dma_start3A_408, %dma_start3A_409] : memref<64x512xf32, #tpu.memory_space<vmem>> -> memref<8x512xf32, #tpu.memory_space<vmem>>
        %dma_start3A_411 = arith.constant 18752 : i32
        %dma_start3A_412 = arith.constant 0 : i32
        %dma_start3A_413 = tpu.memref_slice %arg4[%dma_start3A_411, %dma_start3A_412] : memref<18760x512xf32, #tpu.memory_space<hbm>> -> memref<8x512xf32, #tpu.memory_space<hbm>>
        %dma_start3A_414 = arith.constant 18752 : i32
        %dma_start3A_415 = arith.constant 0 : i32
        %dma_start3A_416 = tpu.memref_slice %arg4[%dma_start3A_414, %dma_start3A_415] : memref<18760x512xf32, #tpu.memory_space<hbm>> -> memref<8x512xf32, #tpu.memory_space<hbm>>
        %dma_start3A_417 = arith.constant 0 : i32
        %dma_start3A_418 = arith.constant 0 : i32
        %dma_start3A_419 = tpu.memref_slice %arg6[%dma_start3A_417, %dma_start3A_418] : memref<64x512xf32, #tpu.memory_space<vmem>> -> memref<8x512xf32, #tpu.memory_space<vmem>>
        tpu.enqueue_dma source(%dma_start3A_419 : memref<8x512xf32, #tpu.memory_space<vmem>>) target(%dma_start3A_416 : memref<8x512xf32, #tpu.memory_space<hbm>>) target_semaphore(%run_scoped3A : memref<!tpu.dma_semaphore, #tpu.memory_space<semaphore_mem>>)
        %dma_wait3A_420 = arith.constant 0 : i32
        %dma_wait3A_421 = arith.constant 0 : i32
        %dma_wait3A_422 = tpu.memref_slice %arg6[%dma_wait3A_420, %dma_wait3A_421] : memref<64x512xf32, #tpu.memory_space<vmem>> -> memref<8x512xf32, #tpu.memory_space<vmem>>
        %dma_wait3A_423 = arith.constant 18752 : i32
        %dma_wait3A_424 = arith.constant 0 : i32
        %dma_wait3A_425 = tpu.memref_slice %arg4[%dma_wait3A_423, %dma_wait3A_424] : memref<18760x512xf32, #tpu.memory_space<hbm>> -> memref<8x512xf32, #tpu.memory_space<hbm>>
        %dma_wait3A_426 = arith.constant 18752 : i32
        %dma_wait3A_427 = arith.constant 0 : i32
        %dma_wait3A_428 = tpu.memref_slice %arg4[%dma_wait3A_426, %dma_wait3A_427] : memref<18760x512xf32, #tpu.memory_space<hbm>> -> memref<8x512xf32, #tpu.memory_space<hbm>>
        %dma_wait3A_429 = arith.constant 0 : i32
        %dma_wait3A_430 = arith.constant 0 : i32
        %dma_wait3A_431 = tpu.memref_slice %arg6[%dma_wait3A_429, %dma_wait3A_430] : memref<64x512xf32, #tpu.memory_space<vmem>> -> memref<8x512xf32, #tpu.memory_space<vmem>>
        tpu.wait_dma2 semaphore(%run_scoped3A : memref<!tpu.dma_semaphore, #tpu.memory_space<semaphore_mem>>) src(%dma_wait3A_431 : memref<8x512xf32, #tpu.memory_space<vmem>>) dst(%dma_wait3A_428 : memref<8x512xf32, #tpu.memory_space<hbm>>)
        tpu.yield
      }) : () -> ()
    } else {
    }
    %mul3A_224 = arith.constant 19 : i32
    %mul3A_225 = arith.muli %arg1, %mul3A_224 : i32
    %add3A_226 = arith.constant 16 : i32
    %add3A_227 = arith.addi %mul3A_225, %add3A_226 : i32
    %lt3A_228 = arith.constant 293 : i32
    %lt3A_229 = arith.cmpi slt, %add3A_227, %lt3A_228 : i32
    %convert_element_type3A_230 = arith.extui %lt3A_229 : i1 to i32
    %cond3A_231 = arith.constant 0 : i32
    %cond3A_232 = arith.cmpi ne, %convert_element_type3A_230, %cond3A_231 : i32
    scf.if %cond3A_232 {
      %mul3A_408 = arith.constant 64 : i32
      %mul3A_409 = arith.muli %add3A_227, %mul3A_408 : i32
      "tpu.region"() ({
        %run_scoped3A = tpu.sem_alloc : memref<!tpu.dma_semaphore, #tpu.memory_space<semaphore_mem>>
        %dma_start3A_410 = arith.constant 0 : i32
        %dma_start3A_411 = tpu.memref_slice %arg4[%mul3A_409, %dma_start3A_410] : memref<18760x512xf32, #tpu.memory_space<hbm>> -> memref<64x512xf32, #tpu.memory_space<hbm>>
        %dma_start3A_412 = arith.constant 0 : i32
        %dma_start3A_413 = tpu.memref_slice %arg4[%mul3A_409, %dma_start3A_412] : memref<18760x512xf32, #tpu.memory_space<hbm>> -> memref<64x512xf32, #tpu.memory_space<hbm>>
        tpu.enqueue_dma source(%arg6 : memref<64x512xf32, #tpu.memory_space<vmem>>) target(%dma_start3A_413 : memref<64x512xf32, #tpu.memory_space<hbm>>) target_semaphore(%run_scoped3A : memref<!tpu.dma_semaphore, #tpu.memory_space<semaphore_mem>>)
        %dma_wait3A_414 = arith.constant 0 : i32
        %dma_wait3A_415 = tpu.memref_slice %arg4[%mul3A_409, %dma_wait3A_414] : memref<18760x512xf32, #tpu.memory_space<hbm>> -> memref<64x512xf32, #tpu.memory_space<hbm>>
        %dma_wait3A_416 = arith.constant 0 : i32
        %dma_wait3A_417 = tpu.memref_slice %arg4[%mul3A_409, %dma_wait3A_416] : memref<18760x512xf32, #tpu.memory_space<hbm>> -> memref<64x512xf32, #tpu.memory_space<hbm>>
        tpu.wait_dma2 semaphore(%run_scoped3A : memref<!tpu.dma_semaphore, #tpu.memory_space<semaphore_mem>>) src(%arg6 : memref<64x512xf32, #tpu.memory_space<vmem>>) dst(%dma_wait3A_417 : memref<64x512xf32, #tpu.memory_space<hbm>>)
        tpu.yield
      }) : () -> ()
    } else {
    }
    %eq3A_233 = arith.constant 293 : i32
    %eq3A_234 = arith.cmpi eq, %add3A_227, %eq3A_233 : i32
    %convert_element_type3A_235 = arith.extui %eq3A_234 : i1 to i32
    %cond3A_236 = arith.constant 0 : i32
    %cond3A_237 = arith.cmpi ne, %convert_element_type3A_235, %cond3A_236 : i32
    scf.if %cond3A_237 {
      "tpu.region"() ({
        %run_scoped3A = tpu.sem_alloc : memref<!tpu.dma_semaphore, #tpu.memory_space<semaphore_mem>>
        %dma_start3A_408 = arith.constant 0 : i32
        %dma_start3A_409 = arith.constant 0 : i32
        %dma_start3A_410 = tpu.memref_slice %arg6[%dma_start3A_408, %dma_start3A_409] : memref<64x512xf32, #tpu.memory_space<vmem>> -> memref<8x512xf32, #tpu.memory_space<vmem>>
        %dma_start3A_411 = arith.constant 18752 : i32
        %dma_start3A_412 = arith.constant 0 : i32
        %dma_start3A_413 = tpu.memref_slice %arg4[%dma_start3A_411, %dma_start3A_412] : memref<18760x512xf32, #tpu.memory_space<hbm>> -> memref<8x512xf32, #tpu.memory_space<hbm>>
        %dma_start3A_414 = arith.constant 18752 : i32
        %dma_start3A_415 = arith.constant 0 : i32
        %dma_start3A_416 = tpu.memref_slice %arg4[%dma_start3A_414, %dma_start3A_415] : memref<18760x512xf32, #tpu.memory_space<hbm>> -> memref<8x512xf32, #tpu.memory_space<hbm>>
        %dma_start3A_417 = arith.constant 0 : i32
        %dma_start3A_418 = arith.constant 0 : i32
        %dma_start3A_419 = tpu.memref_slice %arg6[%dma_start3A_417, %dma_start3A_418] : memref<64x512xf32, #tpu.memory_space<vmem>> -> memref<8x512xf32, #tpu.memory_space<vmem>>
        tpu.enqueue_dma source(%dma_start3A_419 : memref<8x512xf32, #tpu.memory_space<vmem>>) target(%dma_start3A_416 : memref<8x512xf32, #tpu.memory_space<hbm>>) target_semaphore(%run_scoped3A : memref<!tpu.dma_semaphore, #tpu.memory_space<semaphore_mem>>)
        %dma_wait3A_420 = arith.constant 0 : i32
        %dma_wait3A_421 = arith.constant 0 : i32
        %dma_wait3A_422 = tpu.memref_slice %arg6[%dma_wait3A_420, %dma_wait3A_421] : memref<64x512xf32, #tpu.memory_space<vmem>> -> memref<8x512xf32, #tpu.memory_space<vmem>>
        %dma_wait3A_423 = arith.constant 18752 : i32
        %dma_wait3A_424 = arith.constant 0 : i32
        %dma_wait3A_425 = tpu.memref_slice %arg4[%dma_wait3A_423, %dma_wait3A_424] : memref<18760x512xf32, #tpu.memory_space<hbm>> -> memref<8x512xf32, #tpu.memory_space<hbm>>
        %dma_wait3A_426 = arith.constant 18752 : i32
        %dma_wait3A_427 = arith.constant 0 : i32
        %dma_wait3A_428 = tpu.memref_slice %arg4[%dma_wait3A_426, %dma_wait3A_427] : memref<18760x512xf32, #tpu.memory_space<hbm>> -> memref<8x512xf32, #tpu.memory_space<hbm>>
        %dma_wait3A_429 = arith.constant 0 : i32
        %dma_wait3A_430 = arith.constant 0 : i32
        %dma_wait3A_431 = tpu.memref_slice %arg6[%dma_wait3A_429, %dma_wait3A_430] : memref<64x512xf32, #tpu.memory_space<vmem>> -> memref<8x512xf32, #tpu.memory_space<vmem>>
        tpu.wait_dma2 semaphore(%run_scoped3A : memref<!tpu.dma_semaphore, #tpu.memory_space<semaphore_mem>>) src(%dma_wait3A_431 : memref<8x512xf32, #tpu.memory_space<vmem>>) dst(%dma_wait3A_428 : memref<8x512xf32, #tpu.memory_space<hbm>>)
        tpu.yield
      }) : () -> ()
    } else {
    }
    %mul3A_238 = arith.constant 19 : i32
    %mul3A_239 = arith.muli %arg1, %mul3A_238 : i32
    %add3A_240 = arith.constant 17 : i32
    %add3A_241 = arith.addi %mul3A_239, %add3A_240 : i32
    %lt3A_242 = arith.constant 293 : i32
    %lt3A_243 = arith.cmpi slt, %add3A_241, %lt3A_242 : i32
    %convert_element_type3A_244 = arith.extui %lt3A_243 : i1 to i32
    %cond3A_245 = arith.constant 0 : i32
    %cond3A_246 = arith.cmpi ne, %convert_element_type3A_244, %cond3A_245 : i32
    scf.if %cond3A_246 {
      %mul3A_408 = arith.constant 64 : i32
      %mul3A_409 = arith.muli %add3A_241, %mul3A_408 : i32
      "tpu.region"() ({
        %run_scoped3A = tpu.sem_alloc : memref<!tpu.dma_semaphore, #tpu.memory_space<semaphore_mem>>
        %dma_start3A_410 = arith.constant 0 : i32
        %dma_start3A_411 = tpu.memref_slice %arg4[%mul3A_409, %dma_start3A_410] : memref<18760x512xf32, #tpu.memory_space<hbm>> -> memref<64x512xf32, #tpu.memory_space<hbm>>
        %dma_start3A_412 = arith.constant 0 : i32
        %dma_start3A_413 = tpu.memref_slice %arg4[%mul3A_409, %dma_start3A_412] : memref<18760x512xf32, #tpu.memory_space<hbm>> -> memref<64x512xf32, #tpu.memory_space<hbm>>
        tpu.enqueue_dma source(%arg6 : memref<64x512xf32, #tpu.memory_space<vmem>>) target(%dma_start3A_413 : memref<64x512xf32, #tpu.memory_space<hbm>>) target_semaphore(%run_scoped3A : memref<!tpu.dma_semaphore, #tpu.memory_space<semaphore_mem>>)
        %dma_wait3A_414 = arith.constant 0 : i32
        %dma_wait3A_415 = tpu.memref_slice %arg4[%mul3A_409, %dma_wait3A_414] : memref<18760x512xf32, #tpu.memory_space<hbm>> -> memref<64x512xf32, #tpu.memory_space<hbm>>
        %dma_wait3A_416 = arith.constant 0 : i32
        %dma_wait3A_417 = tpu.memref_slice %arg4[%mul3A_409, %dma_wait3A_416] : memref<18760x512xf32, #tpu.memory_space<hbm>> -> memref<64x512xf32, #tpu.memory_space<hbm>>
        tpu.wait_dma2 semaphore(%run_scoped3A : memref<!tpu.dma_semaphore, #tpu.memory_space<semaphore_mem>>) src(%arg6 : memref<64x512xf32, #tpu.memory_space<vmem>>) dst(%dma_wait3A_417 : memref<64x512xf32, #tpu.memory_space<hbm>>)
        tpu.yield
      }) : () -> ()
    } else {
    }
    %eq3A_247 = arith.constant 293 : i32
    %eq3A_248 = arith.cmpi eq, %add3A_241, %eq3A_247 : i32
    %convert_element_type3A_249 = arith.extui %eq3A_248 : i1 to i32
    %cond3A_250 = arith.constant 0 : i32
    %cond3A_251 = arith.cmpi ne, %convert_element_type3A_249, %cond3A_250 : i32
    scf.if %cond3A_251 {
      "tpu.region"() ({
        %run_scoped3A = tpu.sem_alloc : memref<!tpu.dma_semaphore, #tpu.memory_space<semaphore_mem>>
        %dma_start3A_408 = arith.constant 0 : i32
        %dma_start3A_409 = arith.constant 0 : i32
        %dma_start3A_410 = tpu.memref_slice %arg6[%dma_start3A_408, %dma_start3A_409] : memref<64x512xf32, #tpu.memory_space<vmem>> -> memref<8x512xf32, #tpu.memory_space<vmem>>
        %dma_start3A_411 = arith.constant 18752 : i32
        %dma_start3A_412 = arith.constant 0 : i32
        %dma_start3A_413 = tpu.memref_slice %arg4[%dma_start3A_411, %dma_start3A_412] : memref<18760x512xf32, #tpu.memory_space<hbm>> -> memref<8x512xf32, #tpu.memory_space<hbm>>
        %dma_start3A_414 = arith.constant 18752 : i32
        %dma_start3A_415 = arith.constant 0 : i32
        %dma_start3A_416 = tpu.memref_slice %arg4[%dma_start3A_414, %dma_start3A_415] : memref<18760x512xf32, #tpu.memory_space<hbm>> -> memref<8x512xf32, #tpu.memory_space<hbm>>
        %dma_start3A_417 = arith.constant 0 : i32
        %dma_start3A_418 = arith.constant 0 : i32
        %dma_start3A_419 = tpu.memref_slice %arg6[%dma_start3A_417, %dma_start3A_418] : memref<64x512xf32, #tpu.memory_space<vmem>> -> memref<8x512xf32, #tpu.memory_space<vmem>>
        tpu.enqueue_dma source(%dma_start3A_419 : memref<8x512xf32, #tpu.memory_space<vmem>>) target(%dma_start3A_416 : memref<8x512xf32, #tpu.memory_space<hbm>>) target_semaphore(%run_scoped3A : memref<!tpu.dma_semaphore, #tpu.memory_space<semaphore_mem>>)
        %dma_wait3A_420 = arith.constant 0 : i32
        %dma_wait3A_421 = arith.constant 0 : i32
        %dma_wait3A_422 = tpu.memref_slice %arg6[%dma_wait3A_420, %dma_wait3A_421] : memref<64x512xf32, #tpu.memory_space<vmem>> -> memref<8x512xf32, #tpu.memory_space<vmem>>
        %dma_wait3A_423 = arith.constant 18752 : i32
        %dma_wait3A_424 = arith.constant 0 : i32
        %dma_wait3A_425 = tpu.memref_slice %arg4[%dma_wait3A_423, %dma_wait3A_424] : memref<18760x512xf32, #tpu.memory_space<hbm>> -> memref<8x512xf32, #tpu.memory_space<hbm>>
        %dma_wait3A_426 = arith.constant 18752 : i32
        %dma_wait3A_427 = arith.constant 0 : i32
        %dma_wait3A_428 = tpu.memref_slice %arg4[%dma_wait3A_426, %dma_wait3A_427] : memref<18760x512xf32, #tpu.memory_space<hbm>> -> memref<8x512xf32, #tpu.memory_space<hbm>>
        %dma_wait3A_429 = arith.constant 0 : i32
        %dma_wait3A_430 = arith.constant 0 : i32
        %dma_wait3A_431 = tpu.memref_slice %arg6[%dma_wait3A_429, %dma_wait3A_430] : memref<64x512xf32, #tpu.memory_space<vmem>> -> memref<8x512xf32, #tpu.memory_space<vmem>>
        tpu.wait_dma2 semaphore(%run_scoped3A : memref<!tpu.dma_semaphore, #tpu.memory_space<semaphore_mem>>) src(%dma_wait3A_431 : memref<8x512xf32, #tpu.memory_space<vmem>>) dst(%dma_wait3A_428 : memref<8x512xf32, #tpu.memory_space<hbm>>)
        tpu.yield
      }) : () -> ()
    } else {
    }
    %mul3A_252 = arith.constant 19 : i32
    %mul3A_253 = arith.muli %arg1, %mul3A_252 : i32
    %add3A_254 = arith.constant 18 : i32
    %add3A_255 = arith.addi %mul3A_253, %add3A_254 : i32
    %lt3A_256 = arith.constant 293 : i32
    %lt3A_257 = arith.cmpi slt, %add3A_255, %lt3A_256 : i32
    %convert_element_type3A_258 = arith.extui %lt3A_257 : i1 to i32
    %cond3A_259 = arith.constant 0 : i32
    %cond3A_260 = arith.cmpi ne, %convert_element_type3A_258, %cond3A_259 : i32
    scf.if %cond3A_260 {
      %mul3A_408 = arith.constant 64 : i32
      %mul3A_409 = arith.muli %add3A_255, %mul3A_408 : i32
      "tpu.region"() ({
        %run_scoped3A = tpu.sem_alloc : memref<!tpu.dma_semaphore, #tpu.memory_space<semaphore_mem>>
        %dma_start3A_410 = arith.constant 0 : i32
        %dma_start3A_411 = tpu.memref_slice %arg4[%mul3A_409, %dma_start3A_410] : memref<18760x512xf32, #tpu.memory_space<hbm>> -> memref<64x512xf32, #tpu.memory_space<hbm>>
        %dma_start3A_412 = arith.constant 0 : i32
        %dma_start3A_413 = tpu.memref_slice %arg4[%mul3A_409, %dma_start3A_412] : memref<18760x512xf32, #tpu.memory_space<hbm>> -> memref<64x512xf32, #tpu.memory_space<hbm>>
        tpu.enqueue_dma source(%arg6 : memref<64x512xf32, #tpu.memory_space<vmem>>) target(%dma_start3A_413 : memref<64x512xf32, #tpu.memory_space<hbm>>) target_semaphore(%run_scoped3A : memref<!tpu.dma_semaphore, #tpu.memory_space<semaphore_mem>>)
        %dma_wait3A_414 = arith.constant 0 : i32
        %dma_wait3A_415 = tpu.memref_slice %arg4[%mul3A_409, %dma_wait3A_414] : memref<18760x512xf32, #tpu.memory_space<hbm>> -> memref<64x512xf32, #tpu.memory_space<hbm>>
        %dma_wait3A_416 = arith.constant 0 : i32
        %dma_wait3A_417 = tpu.memref_slice %arg4[%mul3A_409, %dma_wait3A_416] : memref<18760x512xf32, #tpu.memory_space<hbm>> -> memref<64x512xf32, #tpu.memory_space<hbm>>
        tpu.wait_dma2 semaphore(%run_scoped3A : memref<!tpu.dma_semaphore, #tpu.memory_space<semaphore_mem>>) src(%arg6 : memref<64x512xf32, #tpu.memory_space<vmem>>) dst(%dma_wait3A_417 : memref<64x512xf32, #tpu.memory_space<hbm>>)
        tpu.yield
      }) : () -> ()
    } else {
    }
    %eq3A_261 = arith.constant 293 : i32
    %eq3A_262 = arith.cmpi eq, %add3A_255, %eq3A_261 : i32
    %convert_element_type3A_263 = arith.extui %eq3A_262 : i1 to i32
    %cond3A_264 = arith.constant 0 : i32
    %cond3A_265 = arith.cmpi ne, %convert_element_type3A_263, %cond3A_264 : i32
    scf.if %cond3A_265 {
      "tpu.region"() ({
        %run_scoped3A = tpu.sem_alloc : memref<!tpu.dma_semaphore, #tpu.memory_space<semaphore_mem>>
        %dma_start3A_408 = arith.constant 0 : i32
        %dma_start3A_409 = arith.constant 0 : i32
        %dma_start3A_410 = tpu.memref_slice %arg6[%dma_start3A_408, %dma_start3A_409] : memref<64x512xf32, #tpu.memory_space<vmem>> -> memref<8x512xf32, #tpu.memory_space<vmem>>
        %dma_start3A_411 = arith.constant 18752 : i32
        %dma_start3A_412 = arith.constant 0 : i32
        %dma_start3A_413 = tpu.memref_slice %arg4[%dma_start3A_411, %dma_start3A_412] : memref<18760x512xf32, #tpu.memory_space<hbm>> -> memref<8x512xf32, #tpu.memory_space<hbm>>
        %dma_start3A_414 = arith.constant 18752 : i32
        %dma_start3A_415 = arith.constant 0 : i32
        %dma_start3A_416 = tpu.memref_slice %arg4[%dma_start3A_414, %dma_start3A_415] : memref<18760x512xf32, #tpu.memory_space<hbm>> -> memref<8x512xf32, #tpu.memory_space<hbm>>
        %dma_start3A_417 = arith.constant 0 : i32
        %dma_start3A_418 = arith.constant 0 : i32
        %dma_start3A_419 = tpu.memref_slice %arg6[%dma_start3A_417, %dma_start3A_418] : memref<64x512xf32, #tpu.memory_space<vmem>> -> memref<8x512xf32, #tpu.memory_space<vmem>>
        tpu.enqueue_dma source(%dma_start3A_419 : memref<8x512xf32, #tpu.memory_space<vmem>>) target(%dma_start3A_416 : memref<8x512xf32, #tpu.memory_space<hbm>>) target_semaphore(%run_scoped3A : memref<!tpu.dma_semaphore, #tpu.memory_space<semaphore_mem>>)
        %dma_wait3A_420 = arith.constant 0 : i32
        %dma_wait3A_421 = arith.constant 0 : i32
        %dma_wait3A_422 = tpu.memref_slice %arg6[%dma_wait3A_420, %dma_wait3A_421] : memref<64x512xf32, #tpu.memory_space<vmem>> -> memref<8x512xf32, #tpu.memory_space<vmem>>
        %dma_wait3A_423 = arith.constant 18752 : i32
        %dma_wait3A_424 = arith.constant 0 : i32
        %dma_wait3A_425 = tpu.memref_slice %arg4[%dma_wait3A_423, %dma_wait3A_424] : memref<18760x512xf32, #tpu.memory_space<hbm>> -> memref<8x512xf32, #tpu.memory_space<hbm>>
        %dma_wait3A_426 = arith.constant 18752 : i32
        %dma_wait3A_427 = arith.constant 0 : i32
        %dma_wait3A_428 = tpu.memref_slice %arg4[%dma_wait3A_426, %dma_wait3A_427] : memref<18760x512xf32, #tpu.memory_space<hbm>> -> memref<8x512xf32, #tpu.memory_space<hbm>>
        %dma_wait3A_429 = arith.constant 0 : i32
        %dma_wait3A_430 = arith.constant 0 : i32
        %dma_wait3A_431 = tpu.memref_slice %arg6[%dma_wait3A_429, %dma_wait3A_430] : memref<64x512xf32, #tpu.memory_space<vmem>> -> memref<8x512xf32, #tpu.memory_space<vmem>>
        tpu.wait_dma2 semaphore(%run_scoped3A : memref<!tpu.dma_semaphore, #tpu.memory_space<semaphore_mem>>) src(%dma_wait3A_431 : memref<8x512xf32, #tpu.memory_space<vmem>>) dst(%dma_wait3A_428 : memref<8x512xf32, #tpu.memory_space<hbm>>)
        tpu.yield
      }) : () -> ()
    } else {
    }
    %barrier3A = arith.constant 0 : index
    tpu.barrier barrier_id(%barrier3A)
    "tpu.region"() ({
      %run_scoped3A = tpu.sem_alloc : memref<!tpu.dma_semaphore, #tpu.memory_space<semaphore_mem>>
      %dma_start3A_408 = arith.constant 0 : i32
      %dma_start3A_409 = arith.constant 0 : i32
      %dma_start3A_410 = tpu.memref_slice %arg2[%arg1, %dma_start3A_408, %dma_start3A_409] : memref<16x8x64xi32, #tpu.memory_space<hbm>> -> memref<1x8x64xi32, #tpu.memory_space<hbm>>
      %dma_start3A_411 = tpu.memref_squeeze %dma_start3A_410 : memref<1x8x64xi32, #tpu.memory_space<hbm>> -> memref<8x64xi32, #tpu.memory_space<hbm>>
      %dma_start3A_412 = arith.constant 0 : i32
      %dma_start3A_413 = arith.constant 0 : i32
      %dma_start3A_414 = tpu.memref_slice %arg2[%arg1, %dma_start3A_412, %dma_start3A_413] : memref<16x8x64xi32, #tpu.memory_space<hbm>> -> memref<1x8x64xi32, #tpu.memory_space<hbm>>
      %dma_start3A_415 = tpu.memref_squeeze %dma_start3A_414 : memref<1x8x64xi32, #tpu.memory_space<hbm>> -> memref<8x64xi32, #tpu.memory_space<hbm>>
      tpu.enqueue_dma source(%dma_start3A_415 : memref<8x64xi32, #tpu.memory_space<hbm>>) target(%arg5 : memref<8x64xi32, #tpu.memory_space<vmem>>) target_semaphore(%run_scoped3A : memref<!tpu.dma_semaphore, #tpu.memory_space<semaphore_mem>>)
      %dma_wait3A_416 = arith.constant 0 : i32
      %dma_wait3A_417 = arith.constant 0 : i32
      %dma_wait3A_418 = tpu.memref_slice %arg2[%arg1, %dma_wait3A_416, %dma_wait3A_417] : memref<16x8x64xi32, #tpu.memory_space<hbm>> -> memref<1x8x64xi32, #tpu.memory_space<hbm>>
      %dma_wait3A_419 = tpu.memref_squeeze %dma_wait3A_418 : memref<1x8x64xi32, #tpu.memory_space<hbm>> -> memref<8x64xi32, #tpu.memory_space<hbm>>
      %dma_wait3A_420 = arith.constant 0 : i32
      %dma_wait3A_421 = arith.constant 0 : i32
      %dma_wait3A_422 = tpu.memref_slice %arg2[%arg1, %dma_wait3A_420, %dma_wait3A_421] : memref<16x8x64xi32, #tpu.memory_space<hbm>> -> memref<1x8x64xi32, #tpu.memory_space<hbm>>
      %dma_wait3A_423 = tpu.memref_squeeze %dma_wait3A_422 : memref<1x8x64xi32, #tpu.memory_space<hbm>> -> memref<8x64xi32, #tpu.memory_space<hbm>>
      tpu.wait_dma2 semaphore(%run_scoped3A : memref<!tpu.dma_semaphore, #tpu.memory_space<semaphore_mem>>) src(%dma_wait3A_423 : memref<8x64xi32, #tpu.memory_space<hbm>>) dst(%arg5 : memref<8x64xi32, #tpu.memory_space<vmem>>)
      tpu.yield
    }) : () -> ()
    %mul3A_266 = arith.constant 512 : i32
    %mul3A_267 = arith.muli %arg1, %mul3A_266 : i32
    %add3A_268 = arith.constant 0 : i32
    %add3A_269 = arith.addi %mul3A_267, %add3A_268 : i32
    "tpu.region"() ({
      %run_scoped3A = tpu.sem_alloc : memref<!tpu.dma_semaphore, #tpu.memory_space<semaphore_mem>>
      %dma_start3A_408 = arith.constant 0 : i32
      %dma_start3A_409 = tpu.memref_slice %arg3[%add3A_269, %dma_start3A_408] : memref<8192x512xf32, #tpu.memory_space<hbm>> -> memref<64x512xf32, #tpu.memory_space<hbm>>
      %dma_start3A_410 = arith.constant 0 : i32
      %dma_start3A_411 = tpu.memref_slice %arg3[%add3A_269, %dma_start3A_410] : memref<8192x512xf32, #tpu.memory_space<hbm>> -> memref<64x512xf32, #tpu.memory_space<hbm>>
      tpu.enqueue_dma source(%dma_start3A_411 : memref<64x512xf32, #tpu.memory_space<hbm>>) target(%arg7 : memref<64x512xf32, #tpu.memory_space<vmem>>) target_semaphore(%run_scoped3A : memref<!tpu.dma_semaphore, #tpu.memory_space<semaphore_mem>>)
      %dma_wait3A_412 = arith.constant 0 : i32
      %dma_wait3A_413 = tpu.memref_slice %arg3[%add3A_269, %dma_wait3A_412] : memref<8192x512xf32, #tpu.memory_space<hbm>> -> memref<64x512xf32, #tpu.memory_space<hbm>>
      %dma_wait3A_414 = arith.constant 0 : i32
      %dma_wait3A_415 = tpu.memref_slice %arg3[%add3A_269, %dma_wait3A_414] : memref<8192x512xf32, #tpu.memory_space<hbm>> -> memref<64x512xf32, #tpu.memory_space<hbm>>
      tpu.wait_dma2 semaphore(%run_scoped3A : memref<!tpu.dma_semaphore, #tpu.memory_space<semaphore_mem>>) src(%dma_wait3A_415 : memref<64x512xf32, #tpu.memory_space<hbm>>) dst(%arg7 : memref<64x512xf32, #tpu.memory_space<vmem>>)
      tpu.yield
    }) : () -> ()
    %dma_start3A = arith.constant 0 : i32
    %dma_start3A_270 = arith.constant 0 : i32
    %dma_start3A_271 = tpu.memref_slice %arg5[%dma_start3A, %dma_start3A_270] : memref<8x64xi32, #tpu.memory_space<vmem>> -> memref<1x64xi32, #tpu.memory_space<vmem>>
    %dma_start3A_272 = tpu.memref_squeeze %dma_start3A_271 : memref<1x64xi32, #tpu.memory_space<vmem>> -> memref<64xi32, #tpu.memory_space<vmem>>
    %dma_start3A_273 = arith.constant 0 : i32
    %dma_start3A_274 = arith.constant 0 : i32
    %dma_start3A_275 = tpu.memref_slice %arg4[%dma_start3A_273, %dma_start3A_274] : memref<18760x512xf32, #tpu.memory_space<hbm>> -> memref<18760x512xf32, #tpu.memory_space<hbm>>
    tpu.enqueue_indirect_dma source(%arg7 : memref<64x512xf32, #tpu.memory_space<vmem>>) target(%dma_start3A_275 : memref<18760x512xf32, #tpu.memory_space<hbm>>) offsets(%dma_start3A_272 : memref<64xi32, #tpu.memory_space<vmem>>) semaphore(%arg8 : memref<!tpu.dma_semaphore, #tpu.memory_space<semaphore_mem>>)
    %dma_wait3A = arith.constant 0 : i32
    %dma_wait3A_276 = arith.constant 0 : i32
    %dma_wait3A_277 = tpu.memref_slice %arg5[%dma_wait3A, %dma_wait3A_276] : memref<8x64xi32, #tpu.memory_space<vmem>> -> memref<1x64xi32, #tpu.memory_space<vmem>>
    %dma_wait3A_278 = tpu.memref_squeeze %dma_wait3A_277 : memref<1x64xi32, #tpu.memory_space<vmem>> -> memref<64xi32, #tpu.memory_space<vmem>>
    %dma_wait3A_279 = arith.constant 0 : i32
    %dma_wait3A_280 = arith.constant 0 : i32
    %dma_wait3A_281 = tpu.memref_slice %arg4[%dma_wait3A_279, %dma_wait3A_280] : memref<18760x512xf32, #tpu.memory_space<hbm>> -> memref<18760x512xf32, #tpu.memory_space<hbm>>
    tpu.wait_indirect_dma semaphore(%arg8 : memref<!tpu.dma_semaphore, #tpu.memory_space<semaphore_mem>>) src(%arg7 : memref<64x512xf32, #tpu.memory_space<vmem>>) dst(%dma_wait3A_281 : memref<18760x512xf32, #tpu.memory_space<hbm>>)
    %mul3A_282 = arith.constant 512 : i32
    %mul3A_283 = arith.muli %arg1, %mul3A_282 : i32
    %add3A_284 = arith.constant 64 : i32
    %add3A_285 = arith.addi %mul3A_283, %add3A_284 : i32
    "tpu.region"() ({
      %run_scoped3A = tpu.sem_alloc : memref<!tpu.dma_semaphore, #tpu.memory_space<semaphore_mem>>
      %dma_start3A_408 = arith.constant 0 : i32
      %dma_start3A_409 = tpu.memref_slice %arg3[%add3A_285, %dma_start3A_408] : memref<8192x512xf32, #tpu.memory_space<hbm>> -> memref<64x512xf32, #tpu.memory_space<hbm>>
      %dma_start3A_410 = arith.constant 0 : i32
      %dma_start3A_411 = tpu.memref_slice %arg3[%add3A_285, %dma_start3A_410] : memref<8192x512xf32, #tpu.memory_space<hbm>> -> memref<64x512xf32, #tpu.memory_space<hbm>>
      tpu.enqueue_dma source(%dma_start3A_411 : memref<64x512xf32, #tpu.memory_space<hbm>>) target(%arg7 : memref<64x512xf32, #tpu.memory_space<vmem>>) target_semaphore(%run_scoped3A : memref<!tpu.dma_semaphore, #tpu.memory_space<semaphore_mem>>)
      %dma_wait3A_412 = arith.constant 0 : i32
      %dma_wait3A_413 = tpu.memref_slice %arg3[%add3A_285, %dma_wait3A_412] : memref<8192x512xf32, #tpu.memory_space<hbm>> -> memref<64x512xf32, #tpu.memory_space<hbm>>
      %dma_wait3A_414 = arith.constant 0 : i32
      %dma_wait3A_415 = tpu.memref_slice %arg3[%add3A_285, %dma_wait3A_414] : memref<8192x512xf32, #tpu.memory_space<hbm>> -> memref<64x512xf32, #tpu.memory_space<hbm>>
      tpu.wait_dma2 semaphore(%run_scoped3A : memref<!tpu.dma_semaphore, #tpu.memory_space<semaphore_mem>>) src(%dma_wait3A_415 : memref<64x512xf32, #tpu.memory_space<hbm>>) dst(%arg7 : memref<64x512xf32, #tpu.memory_space<vmem>>)
      tpu.yield
    }) : () -> ()
    %dma_start3A_286 = arith.constant 1 : i32
    %dma_start3A_287 = arith.constant 0 : i32
    %dma_start3A_288 = tpu.memref_slice %arg5[%dma_start3A_286, %dma_start3A_287] : memref<8x64xi32, #tpu.memory_space<vmem>> -> memref<1x64xi32, #tpu.memory_space<vmem>>
    %dma_start3A_289 = tpu.memref_squeeze %dma_start3A_288 : memref<1x64xi32, #tpu.memory_space<vmem>> -> memref<64xi32, #tpu.memory_space<vmem>>
    %dma_start3A_290 = arith.constant 0 : i32
    %dma_start3A_291 = arith.constant 0 : i32
    %dma_start3A_292 = tpu.memref_slice %arg4[%dma_start3A_290, %dma_start3A_291] : memref<18760x512xf32, #tpu.memory_space<hbm>> -> memref<18760x512xf32, #tpu.memory_space<hbm>>
    tpu.enqueue_indirect_dma source(%arg7 : memref<64x512xf32, #tpu.memory_space<vmem>>) target(%dma_start3A_292 : memref<18760x512xf32, #tpu.memory_space<hbm>>) offsets(%dma_start3A_289 : memref<64xi32, #tpu.memory_space<vmem>>) semaphore(%arg8 : memref<!tpu.dma_semaphore, #tpu.memory_space<semaphore_mem>>)
    %dma_wait3A_293 = arith.constant 1 : i32
    %dma_wait3A_294 = arith.constant 0 : i32
    %dma_wait3A_295 = tpu.memref_slice %arg5[%dma_wait3A_293, %dma_wait3A_294] : memref<8x64xi32, #tpu.memory_space<vmem>> -> memref<1x64xi32, #tpu.memory_space<vmem>>
    %dma_wait3A_296 = tpu.memref_squeeze %dma_wait3A_295 : memref<1x64xi32, #tpu.memory_space<vmem>> -> memref<64xi32, #tpu.memory_space<vmem>>
    %dma_wait3A_297 = arith.constant 0 : i32
    %dma_wait3A_298 = arith.constant 0 : i32
    %dma_wait3A_299 = tpu.memref_slice %arg4[%dma_wait3A_297, %dma_wait3A_298] : memref<18760x512xf32, #tpu.memory_space<hbm>> -> memref<18760x512xf32, #tpu.memory_space<hbm>>
    tpu.wait_indirect_dma semaphore(%arg8 : memref<!tpu.dma_semaphore, #tpu.memory_space<semaphore_mem>>) src(%arg7 : memref<64x512xf32, #tpu.memory_space<vmem>>) dst(%dma_wait3A_299 : memref<18760x512xf32, #tpu.memory_space<hbm>>)
    %mul3A_300 = arith.constant 512 : i32
    %mul3A_301 = arith.muli %arg1, %mul3A_300 : i32
    %add3A_302 = arith.constant 128 : i32
    %add3A_303 = arith.addi %mul3A_301, %add3A_302 : i32
    "tpu.region"() ({
      %run_scoped3A = tpu.sem_alloc : memref<!tpu.dma_semaphore, #tpu.memory_space<semaphore_mem>>
      %dma_start3A_408 = arith.constant 0 : i32
      %dma_start3A_409 = tpu.memref_slice %arg3[%add3A_303, %dma_start3A_408] : memref<8192x512xf32, #tpu.memory_space<hbm>> -> memref<64x512xf32, #tpu.memory_space<hbm>>
      %dma_start3A_410 = arith.constant 0 : i32
      %dma_start3A_411 = tpu.memref_slice %arg3[%add3A_303, %dma_start3A_410] : memref<8192x512xf32, #tpu.memory_space<hbm>> -> memref<64x512xf32, #tpu.memory_space<hbm>>
      tpu.enqueue_dma source(%dma_start3A_411 : memref<64x512xf32, #tpu.memory_space<hbm>>) target(%arg7 : memref<64x512xf32, #tpu.memory_space<vmem>>) target_semaphore(%run_scoped3A : memref<!tpu.dma_semaphore, #tpu.memory_space<semaphore_mem>>)
      %dma_wait3A_412 = arith.constant 0 : i32
      %dma_wait3A_413 = tpu.memref_slice %arg3[%add3A_303, %dma_wait3A_412] : memref<8192x512xf32, #tpu.memory_space<hbm>> -> memref<64x512xf32, #tpu.memory_space<hbm>>
      %dma_wait3A_414 = arith.constant 0 : i32
      %dma_wait3A_415 = tpu.memref_slice %arg3[%add3A_303, %dma_wait3A_414] : memref<8192x512xf32, #tpu.memory_space<hbm>> -> memref<64x512xf32, #tpu.memory_space<hbm>>
      tpu.wait_dma2 semaphore(%run_scoped3A : memref<!tpu.dma_semaphore, #tpu.memory_space<semaphore_mem>>) src(%dma_wait3A_415 : memref<64x512xf32, #tpu.memory_space<hbm>>) dst(%arg7 : memref<64x512xf32, #tpu.memory_space<vmem>>)
      tpu.yield
    }) : () -> ()
    %dma_start3A_304 = arith.constant 2 : i32
    %dma_start3A_305 = arith.constant 0 : i32
    %dma_start3A_306 = tpu.memref_slice %arg5[%dma_start3A_304, %dma_start3A_305] : memref<8x64xi32, #tpu.memory_space<vmem>> -> memref<1x64xi32, #tpu.memory_space<vmem>>
    %dma_start3A_307 = tpu.memref_squeeze %dma_start3A_306 : memref<1x64xi32, #tpu.memory_space<vmem>> -> memref<64xi32, #tpu.memory_space<vmem>>
    %dma_start3A_308 = arith.constant 0 : i32
    %dma_start3A_309 = arith.constant 0 : i32
    %dma_start3A_310 = tpu.memref_slice %arg4[%dma_start3A_308, %dma_start3A_309] : memref<18760x512xf32, #tpu.memory_space<hbm>> -> memref<18760x512xf32, #tpu.memory_space<hbm>>
    tpu.enqueue_indirect_dma source(%arg7 : memref<64x512xf32, #tpu.memory_space<vmem>>) target(%dma_start3A_310 : memref<18760x512xf32, #tpu.memory_space<hbm>>) offsets(%dma_start3A_307 : memref<64xi32, #tpu.memory_space<vmem>>) semaphore(%arg8 : memref<!tpu.dma_semaphore, #tpu.memory_space<semaphore_mem>>)
    %dma_wait3A_311 = arith.constant 2 : i32
    %dma_wait3A_312 = arith.constant 0 : i32
    %dma_wait3A_313 = tpu.memref_slice %arg5[%dma_wait3A_311, %dma_wait3A_312] : memref<8x64xi32, #tpu.memory_space<vmem>> -> memref<1x64xi32, #tpu.memory_space<vmem>>
    %dma_wait3A_314 = tpu.memref_squeeze %dma_wait3A_313 : memref<1x64xi32, #tpu.memory_space<vmem>> -> memref<64xi32, #tpu.memory_space<vmem>>
    %dma_wait3A_315 = arith.constant 0 : i32
    %dma_wait3A_316 = arith.constant 0 : i32
    %dma_wait3A_317 = tpu.memref_slice %arg4[%dma_wait3A_315, %dma_wait3A_316] : memref<18760x512xf32, #tpu.memory_space<hbm>> -> memref<18760x512xf32, #tpu.memory_space<hbm>>
    tpu.wait_indirect_dma semaphore(%arg8 : memref<!tpu.dma_semaphore, #tpu.memory_space<semaphore_mem>>) src(%arg7 : memref<64x512xf32, #tpu.memory_space<vmem>>) dst(%dma_wait3A_317 : memref<18760x512xf32, #tpu.memory_space<hbm>>)
    %mul3A_318 = arith.constant 512 : i32
    %mul3A_319 = arith.muli %arg1, %mul3A_318 : i32
    %add3A_320 = arith.constant 192 : i32
    %add3A_321 = arith.addi %mul3A_319, %add3A_320 : i32
    "tpu.region"() ({
      %run_scoped3A = tpu.sem_alloc : memref<!tpu.dma_semaphore, #tpu.memory_space<semaphore_mem>>
      %dma_start3A_408 = arith.constant 0 : i32
      %dma_start3A_409 = tpu.memref_slice %arg3[%add3A_321, %dma_start3A_408] : memref<8192x512xf32, #tpu.memory_space<hbm>> -> memref<64x512xf32, #tpu.memory_space<hbm>>
      %dma_start3A_410 = arith.constant 0 : i32
      %dma_start3A_411 = tpu.memref_slice %arg3[%add3A_321, %dma_start3A_410] : memref<8192x512xf32, #tpu.memory_space<hbm>> -> memref<64x512xf32, #tpu.memory_space<hbm>>
      tpu.enqueue_dma source(%dma_start3A_411 : memref<64x512xf32, #tpu.memory_space<hbm>>) target(%arg7 : memref<64x512xf32, #tpu.memory_space<vmem>>) target_semaphore(%run_scoped3A : memref<!tpu.dma_semaphore, #tpu.memory_space<semaphore_mem>>)
      %dma_wait3A_412 = arith.constant 0 : i32
      %dma_wait3A_413 = tpu.memref_slice %arg3[%add3A_321, %dma_wait3A_412] : memref<8192x512xf32, #tpu.memory_space<hbm>> -> memref<64x512xf32, #tpu.memory_space<hbm>>
      %dma_wait3A_414 = arith.constant 0 : i32
      %dma_wait3A_415 = tpu.memref_slice %arg3[%add3A_321, %dma_wait3A_414] : memref<8192x512xf32, #tpu.memory_space<hbm>> -> memref<64x512xf32, #tpu.memory_space<hbm>>
      tpu.wait_dma2 semaphore(%run_scoped3A : memref<!tpu.dma_semaphore, #tpu.memory_space<semaphore_mem>>) src(%dma_wait3A_415 : memref<64x512xf32, #tpu.memory_space<hbm>>) dst(%arg7 : memref<64x512xf32, #tpu.memory_space<vmem>>)
      tpu.yield
    }) : () -> ()
    %dma_start3A_322 = arith.constant 3 : i32
    %dma_start3A_323 = arith.constant 0 : i32
    %dma_start3A_324 = tpu.memref_slice %arg5[%dma_start3A_322, %dma_start3A_323] : memref<8x64xi32, #tpu.memory_space<vmem>> -> memref<1x64xi32, #tpu.memory_space<vmem>>
    %dma_start3A_325 = tpu.memref_squeeze %dma_start3A_324 : memref<1x64xi32, #tpu.memory_space<vmem>> -> memref<64xi32, #tpu.memory_space<vmem>>
    %dma_start3A_326 = arith.constant 0 : i32
    %dma_start3A_327 = arith.constant 0 : i32
    %dma_start3A_328 = tpu.memref_slice %arg4[%dma_start3A_326, %dma_start3A_327] : memref<18760x512xf32, #tpu.memory_space<hbm>> -> memref<18760x512xf32, #tpu.memory_space<hbm>>
    tpu.enqueue_indirect_dma source(%arg7 : memref<64x512xf32, #tpu.memory_space<vmem>>) target(%dma_start3A_328 : memref<18760x512xf32, #tpu.memory_space<hbm>>) offsets(%dma_start3A_325 : memref<64xi32, #tpu.memory_space<vmem>>) semaphore(%arg8 : memref<!tpu.dma_semaphore, #tpu.memory_space<semaphore_mem>>)
    %dma_wait3A_329 = arith.constant 3 : i32
    %dma_wait3A_330 = arith.constant 0 : i32
    %dma_wait3A_331 = tpu.memref_slice %arg5[%dma_wait3A_329, %dma_wait3A_330] : memref<8x64xi32, #tpu.memory_space<vmem>> -> memref<1x64xi32, #tpu.memory_space<vmem>>
    %dma_wait3A_332 = tpu.memref_squeeze %dma_wait3A_331 : memref<1x64xi32, #tpu.memory_space<vmem>> -> memref<64xi32, #tpu.memory_space<vmem>>
    %dma_wait3A_333 = arith.constant 0 : i32
    %dma_wait3A_334 = arith.constant 0 : i32
    %dma_wait3A_335 = tpu.memref_slice %arg4[%dma_wait3A_333, %dma_wait3A_334] : memref<18760x512xf32, #tpu.memory_space<hbm>> -> memref<18760x512xf32, #tpu.memory_space<hbm>>
    tpu.wait_indirect_dma semaphore(%arg8 : memref<!tpu.dma_semaphore, #tpu.memory_space<semaphore_mem>>) src(%arg7 : memref<64x512xf32, #tpu.memory_space<vmem>>) dst(%dma_wait3A_335 : memref<18760x512xf32, #tpu.memory_space<hbm>>)
    %mul3A_336 = arith.constant 512 : i32
    %mul3A_337 = arith.muli %arg1, %mul3A_336 : i32
    %add3A_338 = arith.constant 256 : i32
    %add3A_339 = arith.addi %mul3A_337, %add3A_338 : i32
    "tpu.region"() ({
      %run_scoped3A = tpu.sem_alloc : memref<!tpu.dma_semaphore, #tpu.memory_space<semaphore_mem>>
      %dma_start3A_408 = arith.constant 0 : i32
      %dma_start3A_409 = tpu.memref_slice %arg3[%add3A_339, %dma_start3A_408] : memref<8192x512xf32, #tpu.memory_space<hbm>> -> memref<64x512xf32, #tpu.memory_space<hbm>>
      %dma_start3A_410 = arith.constant 0 : i32
      %dma_start3A_411 = tpu.memref_slice %arg3[%add3A_339, %dma_start3A_410] : memref<8192x512xf32, #tpu.memory_space<hbm>> -> memref<64x512xf32, #tpu.memory_space<hbm>>
      tpu.enqueue_dma source(%dma_start3A_411 : memref<64x512xf32, #tpu.memory_space<hbm>>) target(%arg7 : memref<64x512xf32, #tpu.memory_space<vmem>>) target_semaphore(%run_scoped3A : memref<!tpu.dma_semaphore, #tpu.memory_space<semaphore_mem>>)
      %dma_wait3A_412 = arith.constant 0 : i32
      %dma_wait3A_413 = tpu.memref_slice %arg3[%add3A_339, %dma_wait3A_412] : memref<8192x512xf32, #tpu.memory_space<hbm>> -> memref<64x512xf32, #tpu.memory_space<hbm>>
      %dma_wait3A_414 = arith.constant 0 : i32
      %dma_wait3A_415 = tpu.memref_slice %arg3[%add3A_339, %dma_wait3A_414] : memref<8192x512xf32, #tpu.memory_space<hbm>> -> memref<64x512xf32, #tpu.memory_space<hbm>>
      tpu.wait_dma2 semaphore(%run_scoped3A : memref<!tpu.dma_semaphore, #tpu.memory_space<semaphore_mem>>) src(%dma_wait3A_415 : memref<64x512xf32, #tpu.memory_space<hbm>>) dst(%arg7 : memref<64x512xf32, #tpu.memory_space<vmem>>)
      tpu.yield
    }) : () -> ()
    %dma_start3A_340 = arith.constant 4 : i32
    %dma_start3A_341 = arith.constant 0 : i32
    %dma_start3A_342 = tpu.memref_slice %arg5[%dma_start3A_340, %dma_start3A_341] : memref<8x64xi32, #tpu.memory_space<vmem>> -> memref<1x64xi32, #tpu.memory_space<vmem>>
    %dma_start3A_343 = tpu.memref_squeeze %dma_start3A_342 : memref<1x64xi32, #tpu.memory_space<vmem>> -> memref<64xi32, #tpu.memory_space<vmem>>
    %dma_start3A_344 = arith.constant 0 : i32
    %dma_start3A_345 = arith.constant 0 : i32
    %dma_start3A_346 = tpu.memref_slice %arg4[%dma_start3A_344, %dma_start3A_345] : memref<18760x512xf32, #tpu.memory_space<hbm>> -> memref<18760x512xf32, #tpu.memory_space<hbm>>
    tpu.enqueue_indirect_dma source(%arg7 : memref<64x512xf32, #tpu.memory_space<vmem>>) target(%dma_start3A_346 : memref<18760x512xf32, #tpu.memory_space<hbm>>) offsets(%dma_start3A_343 : memref<64xi32, #tpu.memory_space<vmem>>) semaphore(%arg8 : memref<!tpu.dma_semaphore, #tpu.memory_space<semaphore_mem>>)
    %dma_wait3A_347 = arith.constant 4 : i32
    %dma_wait3A_348 = arith.constant 0 : i32
    %dma_wait3A_349 = tpu.memref_slice %arg5[%dma_wait3A_347, %dma_wait3A_348] : memref<8x64xi32, #tpu.memory_space<vmem>> -> memref<1x64xi32, #tpu.memory_space<vmem>>
    %dma_wait3A_350 = tpu.memref_squeeze %dma_wait3A_349 : memref<1x64xi32, #tpu.memory_space<vmem>> -> memref<64xi32, #tpu.memory_space<vmem>>
    %dma_wait3A_351 = arith.constant 0 : i32
    %dma_wait3A_352 = arith.constant 0 : i32
    %dma_wait3A_353 = tpu.memref_slice %arg4[%dma_wait3A_351, %dma_wait3A_352] : memref<18760x512xf32, #tpu.memory_space<hbm>> -> memref<18760x512xf32, #tpu.memory_space<hbm>>
    tpu.wait_indirect_dma semaphore(%arg8 : memref<!tpu.dma_semaphore, #tpu.memory_space<semaphore_mem>>) src(%arg7 : memref<64x512xf32, #tpu.memory_space<vmem>>) dst(%dma_wait3A_353 : memref<18760x512xf32, #tpu.memory_space<hbm>>)
    %mul3A_354 = arith.constant 512 : i32
    %mul3A_355 = arith.muli %arg1, %mul3A_354 : i32
    %add3A_356 = arith.constant 320 : i32
    %add3A_357 = arith.addi %mul3A_355, %add3A_356 : i32
    "tpu.region"() ({
      %run_scoped3A = tpu.sem_alloc : memref<!tpu.dma_semaphore, #tpu.memory_space<semaphore_mem>>
      %dma_start3A_408 = arith.constant 0 : i32
      %dma_start3A_409 = tpu.memref_slice %arg3[%add3A_357, %dma_start3A_408] : memref<8192x512xf32, #tpu.memory_space<hbm>> -> memref<64x512xf32, #tpu.memory_space<hbm>>
      %dma_start3A_410 = arith.constant 0 : i32
      %dma_start3A_411 = tpu.memref_slice %arg3[%add3A_357, %dma_start3A_410] : memref<8192x512xf32, #tpu.memory_space<hbm>> -> memref<64x512xf32, #tpu.memory_space<hbm>>
      tpu.enqueue_dma source(%dma_start3A_411 : memref<64x512xf32, #tpu.memory_space<hbm>>) target(%arg7 : memref<64x512xf32, #tpu.memory_space<vmem>>) target_semaphore(%run_scoped3A : memref<!tpu.dma_semaphore, #tpu.memory_space<semaphore_mem>>)
      %dma_wait3A_412 = arith.constant 0 : i32
      %dma_wait3A_413 = tpu.memref_slice %arg3[%add3A_357, %dma_wait3A_412] : memref<8192x512xf32, #tpu.memory_space<hbm>> -> memref<64x512xf32, #tpu.memory_space<hbm>>
      %dma_wait3A_414 = arith.constant 0 : i32
      %dma_wait3A_415 = tpu.memref_slice %arg3[%add3A_357, %dma_wait3A_414] : memref<8192x512xf32, #tpu.memory_space<hbm>> -> memref<64x512xf32, #tpu.memory_space<hbm>>
      tpu.wait_dma2 semaphore(%run_scoped3A : memref<!tpu.dma_semaphore, #tpu.memory_space<semaphore_mem>>) src(%dma_wait3A_415 : memref<64x512xf32, #tpu.memory_space<hbm>>) dst(%arg7 : memref<64x512xf32, #tpu.memory_space<vmem>>)
      tpu.yield
    }) : () -> ()
    %dma_start3A_358 = arith.constant 5 : i32
    %dma_start3A_359 = arith.constant 0 : i32
    %dma_start3A_360 = tpu.memref_slice %arg5[%dma_start3A_358, %dma_start3A_359] : memref<8x64xi32, #tpu.memory_space<vmem>> -> memref<1x64xi32, #tpu.memory_space<vmem>>
    %dma_start3A_361 = tpu.memref_squeeze %dma_start3A_360 : memref<1x64xi32, #tpu.memory_space<vmem>> -> memref<64xi32, #tpu.memory_space<vmem>>
    %dma_start3A_362 = arith.constant 0 : i32
    %dma_start3A_363 = arith.constant 0 : i32
    %dma_start3A_364 = tpu.memref_slice %arg4[%dma_start3A_362, %dma_start3A_363] : memref<18760x512xf32, #tpu.memory_space<hbm>> -> memref<18760x512xf32, #tpu.memory_space<hbm>>
    tpu.enqueue_indirect_dma source(%arg7 : memref<64x512xf32, #tpu.memory_space<vmem>>) target(%dma_start3A_364 : memref<18760x512xf32, #tpu.memory_space<hbm>>) offsets(%dma_start3A_361 : memref<64xi32, #tpu.memory_space<vmem>>) semaphore(%arg8 : memref<!tpu.dma_semaphore, #tpu.memory_space<semaphore_mem>>)
    %dma_wait3A_365 = arith.constant 5 : i32
    %dma_wait3A_366 = arith.constant 0 : i32
    %dma_wait3A_367 = tpu.memref_slice %arg5[%dma_wait3A_365, %dma_wait3A_366] : memref<8x64xi32, #tpu.memory_space<vmem>> -> memref<1x64xi32, #tpu.memory_space<vmem>>
    %dma_wait3A_368 = tpu.memref_squeeze %dma_wait3A_367 : memref<1x64xi32, #tpu.memory_space<vmem>> -> memref<64xi32, #tpu.memory_space<vmem>>
    %dma_wait3A_369 = arith.constant 0 : i32
    %dma_wait3A_370 = arith.constant 0 : i32
    %dma_wait3A_371 = tpu.memref_slice %arg4[%dma_wait3A_369, %dma_wait3A_370] : memref<18760x512xf32, #tpu.memory_space<hbm>> -> memref<18760x512xf32, #tpu.memory_space<hbm>>
    tpu.wait_indirect_dma semaphore(%arg8 : memref<!tpu.dma_semaphore, #tpu.memory_space<semaphore_mem>>) src(%arg7 : memref<64x512xf32, #tpu.memory_space<vmem>>) dst(%dma_wait3A_371 : memref<18760x512xf32, #tpu.memory_space<hbm>>)
    %mul3A_372 = arith.constant 512 : i32
    %mul3A_373 = arith.muli %arg1, %mul3A_372 : i32
    %add3A_374 = arith.constant 384 : i32
    %add3A_375 = arith.addi %mul3A_373, %add3A_374 : i32
    "tpu.region"() ({
      %run_scoped3A = tpu.sem_alloc : memref<!tpu.dma_semaphore, #tpu.memory_space<semaphore_mem>>
      %dma_start3A_408 = arith.constant 0 : i32
      %dma_start3A_409 = tpu.memref_slice %arg3[%add3A_375, %dma_start3A_408] : memref<8192x512xf32, #tpu.memory_space<hbm>> -> memref<64x512xf32, #tpu.memory_space<hbm>>
      %dma_start3A_410 = arith.constant 0 : i32
      %dma_start3A_411 = tpu.memref_slice %arg3[%add3A_375, %dma_start3A_410] : memref<8192x512xf32, #tpu.memory_space<hbm>> -> memref<64x512xf32, #tpu.memory_space<hbm>>
      tpu.enqueue_dma source(%dma_start3A_411 : memref<64x512xf32, #tpu.memory_space<hbm>>) target(%arg7 : memref<64x512xf32, #tpu.memory_space<vmem>>) target_semaphore(%run_scoped3A : memref<!tpu.dma_semaphore, #tpu.memory_space<semaphore_mem>>)
      %dma_wait3A_412 = arith.constant 0 : i32
      %dma_wait3A_413 = tpu.memref_slice %arg3[%add3A_375, %dma_wait3A_412] : memref<8192x512xf32, #tpu.memory_space<hbm>> -> memref<64x512xf32, #tpu.memory_space<hbm>>
      %dma_wait3A_414 = arith.constant 0 : i32
      %dma_wait3A_415 = tpu.memref_slice %arg3[%add3A_375, %dma_wait3A_414] : memref<8192x512xf32, #tpu.memory_space<hbm>> -> memref<64x512xf32, #tpu.memory_space<hbm>>
      tpu.wait_dma2 semaphore(%run_scoped3A : memref<!tpu.dma_semaphore, #tpu.memory_space<semaphore_mem>>) src(%dma_wait3A_415 : memref<64x512xf32, #tpu.memory_space<hbm>>) dst(%arg7 : memref<64x512xf32, #tpu.memory_space<vmem>>)
      tpu.yield
    }) : () -> ()
    %dma_start3A_376 = arith.constant 6 : i32
    %dma_start3A_377 = arith.constant 0 : i32
    %dma_start3A_378 = tpu.memref_slice %arg5[%dma_start3A_376, %dma_start3A_377] : memref<8x64xi32, #tpu.memory_space<vmem>> -> memref<1x64xi32, #tpu.memory_space<vmem>>
    %dma_start3A_379 = tpu.memref_squeeze %dma_start3A_378 : memref<1x64xi32, #tpu.memory_space<vmem>> -> memref<64xi32, #tpu.memory_space<vmem>>
    %dma_start3A_380 = arith.constant 0 : i32
    %dma_start3A_381 = arith.constant 0 : i32
    %dma_start3A_382 = tpu.memref_slice %arg4[%dma_start3A_380, %dma_start3A_381] : memref<18760x512xf32, #tpu.memory_space<hbm>> -> memref<18760x512xf32, #tpu.memory_space<hbm>>
    tpu.enqueue_indirect_dma source(%arg7 : memref<64x512xf32, #tpu.memory_space<vmem>>) target(%dma_start3A_382 : memref<18760x512xf32, #tpu.memory_space<hbm>>) offsets(%dma_start3A_379 : memref<64xi32, #tpu.memory_space<vmem>>) semaphore(%arg8 : memref<!tpu.dma_semaphore, #tpu.memory_space<semaphore_mem>>)
    %dma_wait3A_383 = arith.constant 6 : i32
    %dma_wait3A_384 = arith.constant 0 : i32
    %dma_wait3A_385 = tpu.memref_slice %arg5[%dma_wait3A_383, %dma_wait3A_384] : memref<8x64xi32, #tpu.memory_space<vmem>> -> memref<1x64xi32, #tpu.memory_space<vmem>>
    %dma_wait3A_386 = tpu.memref_squeeze %dma_wait3A_385 : memref<1x64xi32, #tpu.memory_space<vmem>> -> memref<64xi32, #tpu.memory_space<vmem>>
    %dma_wait3A_387 = arith.constant 0 : i32
    %dma_wait3A_388 = arith.constant 0 : i32
    %dma_wait3A_389 = tpu.memref_slice %arg4[%dma_wait3A_387, %dma_wait3A_388] : memref<18760x512xf32, #tpu.memory_space<hbm>> -> memref<18760x512xf32, #tpu.memory_space<hbm>>
    tpu.wait_indirect_dma semaphore(%arg8 : memref<!tpu.dma_semaphore, #tpu.memory_space<semaphore_mem>>) src(%arg7 : memref<64x512xf32, #tpu.memory_space<vmem>>) dst(%dma_wait3A_389 : memref<18760x512xf32, #tpu.memory_space<hbm>>)
    %mul3A_390 = arith.constant 512 : i32
    %mul3A_391 = arith.muli %arg1, %mul3A_390 : i32
    %add3A_392 = arith.constant 448 : i32
    %add3A_393 = arith.addi %mul3A_391, %add3A_392 : i32
    "tpu.region"() ({
      %run_scoped3A = tpu.sem_alloc : memref<!tpu.dma_semaphore, #tpu.memory_space<semaphore_mem>>
      %dma_start3A_408 = arith.constant 0 : i32
      %dma_start3A_409 = tpu.memref_slice %arg3[%add3A_393, %dma_start3A_408] : memref<8192x512xf32, #tpu.memory_space<hbm>> -> memref<64x512xf32, #tpu.memory_space<hbm>>
      %dma_start3A_410 = arith.constant 0 : i32
      %dma_start3A_411 = tpu.memref_slice %arg3[%add3A_393, %dma_start3A_410] : memref<8192x512xf32, #tpu.memory_space<hbm>> -> memref<64x512xf32, #tpu.memory_space<hbm>>
      tpu.enqueue_dma source(%dma_start3A_411 : memref<64x512xf32, #tpu.memory_space<hbm>>) target(%arg7 : memref<64x512xf32, #tpu.memory_space<vmem>>) target_semaphore(%run_scoped3A : memref<!tpu.dma_semaphore, #tpu.memory_space<semaphore_mem>>)
      %dma_wait3A_412 = arith.constant 0 : i32
      %dma_wait3A_413 = tpu.memref_slice %arg3[%add3A_393, %dma_wait3A_412] : memref<8192x512xf32, #tpu.memory_space<hbm>> -> memref<64x512xf32, #tpu.memory_space<hbm>>
      %dma_wait3A_414 = arith.constant 0 : i32
      %dma_wait3A_415 = tpu.memref_slice %arg3[%add3A_393, %dma_wait3A_414] : memref<8192x512xf32, #tpu.memory_space<hbm>> -> memref<64x512xf32, #tpu.memory_space<hbm>>
      tpu.wait_dma2 semaphore(%run_scoped3A : memref<!tpu.dma_semaphore, #tpu.memory_space<semaphore_mem>>) src(%dma_wait3A_415 : memref<64x512xf32, #tpu.memory_space<hbm>>) dst(%arg7 : memref<64x512xf32, #tpu.memory_space<vmem>>)
      tpu.yield
    }) : () -> ()
    %dma_start3A_394 = arith.constant 7 : i32
    %dma_start3A_395 = arith.constant 0 : i32
    %dma_start3A_396 = tpu.memref_slice %arg5[%dma_start3A_394, %dma_start3A_395] : memref<8x64xi32, #tpu.memory_space<vmem>> -> memref<1x64xi32, #tpu.memory_space<vmem>>
    %dma_start3A_397 = tpu.memref_squeeze %dma_start3A_396 : memref<1x64xi32, #tpu.memory_space<vmem>> -> memref<64xi32, #tpu.memory_space<vmem>>
    %dma_start3A_398 = arith.constant 0 : i32
    %dma_start3A_399 = arith.constant 0 : i32
    %dma_start3A_400 = tpu.memref_slice %arg4[%dma_start3A_398, %dma_start3A_399] : memref<18760x512xf32, #tpu.memory_space<hbm>> -> memref<18760x512xf32, #tpu.memory_space<hbm>>
    tpu.enqueue_indirect_dma source(%arg7 : memref<64x512xf32, #tpu.memory_space<vmem>>) target(%dma_start3A_400 : memref<18760x512xf32, #tpu.memory_space<hbm>>) offsets(%dma_start3A_397 : memref<64xi32, #tpu.memory_space<vmem>>) semaphore(%arg8 : memref<!tpu.dma_semaphore, #tpu.memory_space<semaphore_mem>>)
    %dma_wait3A_401 = arith.constant 7 : i32
    %dma_wait3A_402 = arith.constant 0 : i32
    %dma_wait3A_403 = tpu.memref_slice %arg5[%dma_wait3A_401, %dma_wait3A_402] : memref<8x64xi32, #tpu.memory_space<vmem>> -> memref<1x64xi32, #tpu.memory_space<vmem>>
    %dma_wait3A_404 = tpu.memref_squeeze %dma_wait3A_403 : memref<1x64xi32, #tpu.memory_space<vmem>> -> memref<64xi32, #tpu.memory_space<vmem>>
    %dma_wait3A_405 = arith.constant 0 : i32
    %dma_wait3A_406 = arith.constant 0 : i32
    %dma_wait3A_407 = tpu.memref_slice %arg4[%dma_wait3A_405, %dma_wait3A_406] : memref<18760x512xf32, #tpu.memory_space<hbm>> -> memref<18760x512xf32, #tpu.memory_space<hbm>>
    tpu.wait_indirect_dma semaphore(%arg8 : memref<!tpu.dma_semaphore, #tpu.memory_space<semaphore_mem>>) src(%arg7 : memref<64x512xf32, #tpu.memory_space<vmem>>) dst(%dma_wait3A_407 : memref<18760x512xf32, #tpu.memory_space<hbm>>)
    return
  }
}

#map = affine_map<(d0, d1) -> (0, 0)>
#map1 = affine_map<(d0, d1) -> (0, 0, 0)>
module attributes {stable_mosaic.version = 14 : i64} {
  func.func @_gather_body(%arg0: i32, %arg1: i32, %arg2: memref<16384x512xf32, #tpu.memory_space<hbm>>, %arg3: memref<32x4x64xi32, #tpu.memory_space<hbm>>, %arg4: memref<8192x512xf32, #tpu.memory_space<hbm>>, %arg5: memref<4x64xi32, #tpu.memory_space<vmem>>, %arg6: memref<2x64x512xf32, #tpu.memory_space<vmem>>, %arg7: memref<!tpu.dma_semaphore, #tpu.memory_space<semaphore_mem>>, %arg8: memref<!tpu.dma_semaphore, #tpu.memory_space<semaphore_mem>>) attributes {dimension_semantics = [#tpu.dimension_semantics<core_parallel>, #tpu.dimension_semantics<subcore_parallel>], iteration_bounds = array<i64: 2, 16>, scalar_prefetch = 0 : i64, scratch_operands = 4 : i64, tpu.core_type = #tpu.core_type<sc_vector_subcore>, window_params = [{transform_indices = #map}, {transform_indices = #map1}, {transform_indices = #map}]} {
    %mul3A = arith.constant 2 : i32
    %mul3A_0 = arith.muli %arg1, %mul3A : i32
    %add3A = arith.addi %mul3A_0, %arg0 : i32
    "tpu.region"() ({
      %run_scoped3A_114 = tpu.sem_alloc : memref<!tpu.dma_semaphore, #tpu.memory_space<semaphore_mem>>
      %dma_start3A_115 = arith.constant 0 : i32
      %dma_start3A_116 = arith.constant 0 : i32
      %dma_start3A_117 = tpu.memref_slice %arg3[%add3A, %dma_start3A_115, %dma_start3A_116] : memref<32x4x64xi32, #tpu.memory_space<hbm>> -> memref<1x4x64xi32, #tpu.memory_space<hbm>>
      %dma_start3A_118 = tpu.memref_squeeze %dma_start3A_117 : memref<1x4x64xi32, #tpu.memory_space<hbm>> -> memref<4x64xi32, #tpu.memory_space<hbm>>
      %dma_start3A_119 = arith.constant 0 : i32
      %dma_start3A_120 = arith.constant 0 : i32
      %dma_start3A_121 = tpu.memref_slice %arg3[%add3A, %dma_start3A_119, %dma_start3A_120] : memref<32x4x64xi32, #tpu.memory_space<hbm>> -> memref<1x4x64xi32, #tpu.memory_space<hbm>>
      %dma_start3A_122 = tpu.memref_squeeze %dma_start3A_121 : memref<1x4x64xi32, #tpu.memory_space<hbm>> -> memref<4x64xi32, #tpu.memory_space<hbm>>
      tpu.enqueue_dma source(%dma_start3A_122 : memref<4x64xi32, #tpu.memory_space<hbm>>) target(%arg5 : memref<4x64xi32, #tpu.memory_space<vmem>>) target_semaphore(%run_scoped3A_114 : memref<!tpu.dma_semaphore, #tpu.memory_space<semaphore_mem>>)
      %dma_wait3A_123 = arith.constant 0 : i32
      %dma_wait3A_124 = arith.constant 0 : i32
      %dma_wait3A_125 = tpu.memref_slice %arg3[%add3A, %dma_wait3A_123, %dma_wait3A_124] : memref<32x4x64xi32, #tpu.memory_space<hbm>> -> memref<1x4x64xi32, #tpu.memory_space<hbm>>
      %dma_wait3A_126 = tpu.memref_squeeze %dma_wait3A_125 : memref<1x4x64xi32, #tpu.memory_space<hbm>> -> memref<4x64xi32, #tpu.memory_space<hbm>>
      %dma_wait3A_127 = arith.constant 0 : i32
      %dma_wait3A_128 = arith.constant 0 : i32
      %dma_wait3A_129 = tpu.memref_slice %arg3[%add3A, %dma_wait3A_127, %dma_wait3A_128] : memref<32x4x64xi32, #tpu.memory_space<hbm>> -> memref<1x4x64xi32, #tpu.memory_space<hbm>>
      %dma_wait3A_130 = tpu.memref_squeeze %dma_wait3A_129 : memref<1x4x64xi32, #tpu.memory_space<hbm>> -> memref<4x64xi32, #tpu.memory_space<hbm>>
      tpu.wait_dma2 semaphore(%run_scoped3A_114 : memref<!tpu.dma_semaphore, #tpu.memory_space<semaphore_mem>>) src(%dma_wait3A_130 : memref<4x64xi32, #tpu.memory_space<hbm>>) dst(%arg5 : memref<4x64xi32, #tpu.memory_space<vmem>>)
      tpu.yield
    }) : () -> ()
    %dma_start3A = arith.constant 0 : i32
    %dma_start3A_1 = arith.constant 0 : i32
    %dma_start3A_2 = arith.constant 0 : i32
    %dma_start3A_3 = arith.constant 0 : i32
    %dma_start3A_4 = tpu.memref_slice %arg6[%dma_start3A_1, %dma_start3A_2, %dma_start3A_3] : memref<2x64x512xf32, #tpu.memory_space<vmem>> -> memref<1x64x512xf32, #tpu.memory_space<vmem>>
    %dma_start3A_5 = tpu.memref_squeeze %dma_start3A_4 : memref<1x64x512xf32, #tpu.memory_space<vmem>> -> memref<64x512xf32, #tpu.memory_space<vmem>>
    %dma_start3A_6 = arith.constant 0 : i32
    %dma_start3A_7 = tpu.memref_slice %arg5[%dma_start3A, %dma_start3A_6] : memref<4x64xi32, #tpu.memory_space<vmem>> -> memref<1x64xi32, #tpu.memory_space<vmem>>
    %dma_start3A_8 = tpu.memref_squeeze %dma_start3A_7 : memref<1x64xi32, #tpu.memory_space<vmem>> -> memref<64xi32, #tpu.memory_space<vmem>>
    %dma_start3A_9 = arith.constant 0 : i32
    %dma_start3A_10 = arith.constant 0 : i32
    %dma_start3A_11 = tpu.memref_slice %arg2[%dma_start3A_9, %dma_start3A_10] : memref<16384x512xf32, #tpu.memory_space<hbm>> -> memref<16384x512xf32, #tpu.memory_space<hbm>>
    tpu.enqueue_indirect_dma source(%dma_start3A_11 : memref<16384x512xf32, #tpu.memory_space<hbm>>) target(%dma_start3A_5 : memref<64x512xf32, #tpu.memory_space<vmem>>) offsets(%dma_start3A_8 : memref<64xi32, #tpu.memory_space<vmem>>) semaphore(%arg7 : memref<!tpu.dma_semaphore, #tpu.memory_space<semaphore_mem>>)
    %dma_start3A_12 = arith.constant 1 : i32
    %dma_start3A_13 = arith.constant 1 : i32
    %dma_start3A_14 = arith.constant 0 : i32
    %dma_start3A_15 = arith.constant 0 : i32
    %dma_start3A_16 = tpu.memref_slice %arg6[%dma_start3A_13, %dma_start3A_14, %dma_start3A_15] : memref<2x64x512xf32, #tpu.memory_space<vmem>> -> memref<1x64x512xf32, #tpu.memory_space<vmem>>
    %dma_start3A_17 = tpu.memref_squeeze %dma_start3A_16 : memref<1x64x512xf32, #tpu.memory_space<vmem>> -> memref<64x512xf32, #tpu.memory_space<vmem>>
    %dma_start3A_18 = arith.constant 0 : i32
    %dma_start3A_19 = tpu.memref_slice %arg5[%dma_start3A_12, %dma_start3A_18] : memref<4x64xi32, #tpu.memory_space<vmem>> -> memref<1x64xi32, #tpu.memory_space<vmem>>
    %dma_start3A_20 = tpu.memref_squeeze %dma_start3A_19 : memref<1x64xi32, #tpu.memory_space<vmem>> -> memref<64xi32, #tpu.memory_space<vmem>>
    %dma_start3A_21 = arith.constant 0 : i32
    %dma_start3A_22 = arith.constant 0 : i32
    %dma_start3A_23 = tpu.memref_slice %arg2[%dma_start3A_21, %dma_start3A_22] : memref<16384x512xf32, #tpu.memory_space<hbm>> -> memref<16384x512xf32, #tpu.memory_space<hbm>>
    tpu.enqueue_indirect_dma source(%dma_start3A_23 : memref<16384x512xf32, #tpu.memory_space<hbm>>) target(%dma_start3A_17 : memref<64x512xf32, #tpu.memory_space<vmem>>) offsets(%dma_start3A_20 : memref<64xi32, #tpu.memory_space<vmem>>) semaphore(%arg8 : memref<!tpu.dma_semaphore, #tpu.memory_space<semaphore_mem>>)
    %dma_wait3A = arith.constant 0 : i32
    %dma_wait3A_24 = arith.constant 0 : i32
    %dma_wait3A_25 = arith.constant 0 : i32
    %dma_wait3A_26 = arith.constant 0 : i32
    %dma_wait3A_27 = tpu.memref_slice %arg6[%dma_wait3A_24, %dma_wait3A_25, %dma_wait3A_26] : memref<2x64x512xf32, #tpu.memory_space<vmem>> -> memref<1x64x512xf32, #tpu.memory_space<vmem>>
    %dma_wait3A_28 = tpu.memref_squeeze %dma_wait3A_27 : memref<1x64x512xf32, #tpu.memory_space<vmem>> -> memref<64x512xf32, #tpu.memory_space<vmem>>
    %dma_wait3A_29 = arith.constant 0 : i32
    %dma_wait3A_30 = tpu.memref_slice %arg5[%dma_wait3A, %dma_wait3A_29] : memref<4x64xi32, #tpu.memory_space<vmem>> -> memref<1x64xi32, #tpu.memory_space<vmem>>
    %dma_wait3A_31 = tpu.memref_squeeze %dma_wait3A_30 : memref<1x64xi32, #tpu.memory_space<vmem>> -> memref<64xi32, #tpu.memory_space<vmem>>
    %dma_wait3A_32 = arith.constant 0 : i32
    %dma_wait3A_33 = arith.constant 0 : i32
    %dma_wait3A_34 = tpu.memref_slice %arg2[%dma_wait3A_32, %dma_wait3A_33] : memref<16384x512xf32, #tpu.memory_space<hbm>> -> memref<16384x512xf32, #tpu.memory_space<hbm>>
    tpu.wait_indirect_dma semaphore(%arg7 : memref<!tpu.dma_semaphore, #tpu.memory_space<semaphore_mem>>) src(%dma_wait3A_34 : memref<16384x512xf32, #tpu.memory_space<hbm>>) dst(%dma_wait3A_28 : memref<64x512xf32, #tpu.memory_space<vmem>>)
    %mul3A_35 = arith.constant 256 : i32
    %mul3A_36 = arith.muli %add3A, %mul3A_35 : i32
    %add3A_37 = arith.constant 0 : i32
    %add3A_38 = arith.addi %mul3A_36, %add3A_37 : i32
    %run_scoped3A = arith.constant 0 : i32
    "tpu.region"() ({
      %run_scoped3A_114 = tpu.sem_alloc : memref<!tpu.dma_semaphore, #tpu.memory_space<semaphore_mem>>
      %dma_start3A_115 = arith.constant 0 : i32
      %dma_start3A_116 = arith.constant 0 : i32
      %dma_start3A_117 = tpu.memref_slice %arg6[%run_scoped3A, %dma_start3A_115, %dma_start3A_116] : memref<2x64x512xf32, #tpu.memory_space<vmem>> -> memref<1x64x512xf32, #tpu.memory_space<vmem>>
      %dma_start3A_118 = tpu.memref_squeeze %dma_start3A_117 : memref<1x64x512xf32, #tpu.memory_space<vmem>> -> memref<64x512xf32, #tpu.memory_space<vmem>>
      %dma_start3A_119 = arith.constant 0 : i32
      %dma_start3A_120 = tpu.memref_slice %arg4[%add3A_38, %dma_start3A_119] : memref<8192x512xf32, #tpu.memory_space<hbm>> -> memref<64x512xf32, #tpu.memory_space<hbm>>
      %dma_start3A_121 = arith.constant 0 : i32
      %dma_start3A_122 = tpu.memref_slice %arg4[%add3A_38, %dma_start3A_121] : memref<8192x512xf32, #tpu.memory_space<hbm>> -> memref<64x512xf32, #tpu.memory_space<hbm>>
      %dma_start3A_123 = arith.constant 0 : i32
      %dma_start3A_124 = arith.constant 0 : i32
      %dma_start3A_125 = tpu.memref_slice %arg6[%run_scoped3A, %dma_start3A_123, %dma_start3A_124] : memref<2x64x512xf32, #tpu.memory_space<vmem>> -> memref<1x64x512xf32, #tpu.memory_space<vmem>>
      %dma_start3A_126 = tpu.memref_squeeze %dma_start3A_125 : memref<1x64x512xf32, #tpu.memory_space<vmem>> -> memref<64x512xf32, #tpu.memory_space<vmem>>
      tpu.enqueue_dma source(%dma_start3A_126 : memref<64x512xf32, #tpu.memory_space<vmem>>) target(%dma_start3A_122 : memref<64x512xf32, #tpu.memory_space<hbm>>) target_semaphore(%run_scoped3A_114 : memref<!tpu.dma_semaphore, #tpu.memory_space<semaphore_mem>>)
      %dma_wait3A_127 = arith.constant 0 : i32
      %dma_wait3A_128 = arith.constant 0 : i32
      %dma_wait3A_129 = tpu.memref_slice %arg6[%run_scoped3A, %dma_wait3A_127, %dma_wait3A_128] : memref<2x64x512xf32, #tpu.memory_space<vmem>> -> memref<1x64x512xf32, #tpu.memory_space<vmem>>
      %dma_wait3A_130 = tpu.memref_squeeze %dma_wait3A_129 : memref<1x64x512xf32, #tpu.memory_space<vmem>> -> memref<64x512xf32, #tpu.memory_space<vmem>>
      %dma_wait3A_131 = arith.constant 0 : i32
      %dma_wait3A_132 = tpu.memref_slice %arg4[%add3A_38, %dma_wait3A_131] : memref<8192x512xf32, #tpu.memory_space<hbm>> -> memref<64x512xf32, #tpu.memory_space<hbm>>
      %dma_wait3A_133 = arith.constant 0 : i32
      %dma_wait3A_134 = tpu.memref_slice %arg4[%add3A_38, %dma_wait3A_133] : memref<8192x512xf32, #tpu.memory_space<hbm>> -> memref<64x512xf32, #tpu.memory_space<hbm>>
      %dma_wait3A_135 = arith.constant 0 : i32
      %dma_wait3A_136 = arith.constant 0 : i32
      %dma_wait3A_137 = tpu.memref_slice %arg6[%run_scoped3A, %dma_wait3A_135, %dma_wait3A_136] : memref<2x64x512xf32, #tpu.memory_space<vmem>> -> memref<1x64x512xf32, #tpu.memory_space<vmem>>
      %dma_wait3A_138 = tpu.memref_squeeze %dma_wait3A_137 : memref<1x64x512xf32, #tpu.memory_space<vmem>> -> memref<64x512xf32, #tpu.memory_space<vmem>>
      tpu.wait_dma2 semaphore(%run_scoped3A_114 : memref<!tpu.dma_semaphore, #tpu.memory_space<semaphore_mem>>) src(%dma_wait3A_138 : memref<64x512xf32, #tpu.memory_space<vmem>>) dst(%dma_wait3A_134 : memref<64x512xf32, #tpu.memory_space<hbm>>)
      tpu.yield
    }) : () -> ()
    %dma_start3A_39 = arith.constant 2 : i32
    %dma_start3A_40 = arith.constant 0 : i32
    %dma_start3A_41 = arith.constant 0 : i32
    %dma_start3A_42 = arith.constant 0 : i32
    %dma_start3A_43 = tpu.memref_slice %arg6[%dma_start3A_40, %dma_start3A_41, %dma_start3A_42] : memref<2x64x512xf32, #tpu.memory_space<vmem>> -> memref<1x64x512xf32, #tpu.memory_space<vmem>>
    %dma_start3A_44 = tpu.memref_squeeze %dma_start3A_43 : memref<1x64x512xf32, #tpu.memory_space<vmem>> -> memref<64x512xf32, #tpu.memory_space<vmem>>
    %dma_start3A_45 = arith.constant 0 : i32
    %dma_start3A_46 = tpu.memref_slice %arg5[%dma_start3A_39, %dma_start3A_45] : memref<4x64xi32, #tpu.memory_space<vmem>> -> memref<1x64xi32, #tpu.memory_space<vmem>>
    %dma_start3A_47 = tpu.memref_squeeze %dma_start3A_46 : memref<1x64xi32, #tpu.memory_space<vmem>> -> memref<64xi32, #tpu.memory_space<vmem>>
    %dma_start3A_48 = arith.constant 0 : i32
    %dma_start3A_49 = arith.constant 0 : i32
    %dma_start3A_50 = tpu.memref_slice %arg2[%dma_start3A_48, %dma_start3A_49] : memref<16384x512xf32, #tpu.memory_space<hbm>> -> memref<16384x512xf32, #tpu.memory_space<hbm>>
    tpu.enqueue_indirect_dma source(%dma_start3A_50 : memref<16384x512xf32, #tpu.memory_space<hbm>>) target(%dma_start3A_44 : memref<64x512xf32, #tpu.memory_space<vmem>>) offsets(%dma_start3A_47 : memref<64xi32, #tpu.memory_space<vmem>>) semaphore(%arg7 : memref<!tpu.dma_semaphore, #tpu.memory_space<semaphore_mem>>)
    %dma_wait3A_51 = arith.constant 1 : i32
    %dma_wait3A_52 = arith.constant 1 : i32
    %dma_wait3A_53 = arith.constant 0 : i32
    %dma_wait3A_54 = arith.constant 0 : i32
    %dma_wait3A_55 = tpu.memref_slice %arg6[%dma_wait3A_52, %dma_wait3A_53, %dma_wait3A_54] : memref<2x64x512xf32, #tpu.memory_space<vmem>> -> memref<1x64x512xf32, #tpu.memory_space<vmem>>
    %dma_wait3A_56 = tpu.memref_squeeze %dma_wait3A_55 : memref<1x64x512xf32, #tpu.memory_space<vmem>> -> memref<64x512xf32, #tpu.memory_space<vmem>>
    %dma_wait3A_57 = arith.constant 0 : i32
    %dma_wait3A_58 = tpu.memref_slice %arg5[%dma_wait3A_51, %dma_wait3A_57] : memref<4x64xi32, #tpu.memory_space<vmem>> -> memref<1x64xi32, #tpu.memory_space<vmem>>
    %dma_wait3A_59 = tpu.memref_squeeze %dma_wait3A_58 : memref<1x64xi32, #tpu.memory_space<vmem>> -> memref<64xi32, #tpu.memory_space<vmem>>
    %dma_wait3A_60 = arith.constant 0 : i32
    %dma_wait3A_61 = arith.constant 0 : i32
    %dma_wait3A_62 = tpu.memref_slice %arg2[%dma_wait3A_60, %dma_wait3A_61] : memref<16384x512xf32, #tpu.memory_space<hbm>> -> memref<16384x512xf32, #tpu.memory_space<hbm>>
    tpu.wait_indirect_dma semaphore(%arg8 : memref<!tpu.dma_semaphore, #tpu.memory_space<semaphore_mem>>) src(%dma_wait3A_62 : memref<16384x512xf32, #tpu.memory_space<hbm>>) dst(%dma_wait3A_56 : memref<64x512xf32, #tpu.memory_space<vmem>>)
    %mul3A_63 = arith.constant 256 : i32
    %mul3A_64 = arith.muli %add3A, %mul3A_63 : i32
    %add3A_65 = arith.constant 64 : i32
    %add3A_66 = arith.addi %mul3A_64, %add3A_65 : i32
    %run_scoped3A_67 = arith.constant 1 : i32
    "tpu.region"() ({
      %run_scoped3A_114 = tpu.sem_alloc : memref<!tpu.dma_semaphore, #tpu.memory_space<semaphore_mem>>
      %dma_start3A_115 = arith.constant 0 : i32
      %dma_start3A_116 = arith.constant 0 : i32
      %dma_start3A_117 = tpu.memref_slice %arg6[%run_scoped3A_67, %dma_start3A_115, %dma_start3A_116] : memref<2x64x512xf32, #tpu.memory_space<vmem>> -> memref<1x64x512xf32, #tpu.memory_space<vmem>>
      %dma_start3A_118 = tpu.memref_squeeze %dma_start3A_117 : memref<1x64x512xf32, #tpu.memory_space<vmem>> -> memref<64x512xf32, #tpu.memory_space<vmem>>
      %dma_start3A_119 = arith.constant 0 : i32
      %dma_start3A_120 = tpu.memref_slice %arg4[%add3A_66, %dma_start3A_119] : memref<8192x512xf32, #tpu.memory_space<hbm>> -> memref<64x512xf32, #tpu.memory_space<hbm>>
      %dma_start3A_121 = arith.constant 0 : i32
      %dma_start3A_122 = tpu.memref_slice %arg4[%add3A_66, %dma_start3A_121] : memref<8192x512xf32, #tpu.memory_space<hbm>> -> memref<64x512xf32, #tpu.memory_space<hbm>>
      %dma_start3A_123 = arith.constant 0 : i32
      %dma_start3A_124 = arith.constant 0 : i32
      %dma_start3A_125 = tpu.memref_slice %arg6[%run_scoped3A_67, %dma_start3A_123, %dma_start3A_124] : memref<2x64x512xf32, #tpu.memory_space<vmem>> -> memref<1x64x512xf32, #tpu.memory_space<vmem>>
      %dma_start3A_126 = tpu.memref_squeeze %dma_start3A_125 : memref<1x64x512xf32, #tpu.memory_space<vmem>> -> memref<64x512xf32, #tpu.memory_space<vmem>>
      tpu.enqueue_dma source(%dma_start3A_126 : memref<64x512xf32, #tpu.memory_space<vmem>>) target(%dma_start3A_122 : memref<64x512xf32, #tpu.memory_space<hbm>>) target_semaphore(%run_scoped3A_114 : memref<!tpu.dma_semaphore, #tpu.memory_space<semaphore_mem>>)
      %dma_wait3A_127 = arith.constant 0 : i32
      %dma_wait3A_128 = arith.constant 0 : i32
      %dma_wait3A_129 = tpu.memref_slice %arg6[%run_scoped3A_67, %dma_wait3A_127, %dma_wait3A_128] : memref<2x64x512xf32, #tpu.memory_space<vmem>> -> memref<1x64x512xf32, #tpu.memory_space<vmem>>
      %dma_wait3A_130 = tpu.memref_squeeze %dma_wait3A_129 : memref<1x64x512xf32, #tpu.memory_space<vmem>> -> memref<64x512xf32, #tpu.memory_space<vmem>>
      %dma_wait3A_131 = arith.constant 0 : i32
      %dma_wait3A_132 = tpu.memref_slice %arg4[%add3A_66, %dma_wait3A_131] : memref<8192x512xf32, #tpu.memory_space<hbm>> -> memref<64x512xf32, #tpu.memory_space<hbm>>
      %dma_wait3A_133 = arith.constant 0 : i32
      %dma_wait3A_134 = tpu.memref_slice %arg4[%add3A_66, %dma_wait3A_133] : memref<8192x512xf32, #tpu.memory_space<hbm>> -> memref<64x512xf32, #tpu.memory_space<hbm>>
      %dma_wait3A_135 = arith.constant 0 : i32
      %dma_wait3A_136 = arith.constant 0 : i32
      %dma_wait3A_137 = tpu.memref_slice %arg6[%run_scoped3A_67, %dma_wait3A_135, %dma_wait3A_136] : memref<2x64x512xf32, #tpu.memory_space<vmem>> -> memref<1x64x512xf32, #tpu.memory_space<vmem>>
      %dma_wait3A_138 = tpu.memref_squeeze %dma_wait3A_137 : memref<1x64x512xf32, #tpu.memory_space<vmem>> -> memref<64x512xf32, #tpu.memory_space<vmem>>
      tpu.wait_dma2 semaphore(%run_scoped3A_114 : memref<!tpu.dma_semaphore, #tpu.memory_space<semaphore_mem>>) src(%dma_wait3A_138 : memref<64x512xf32, #tpu.memory_space<vmem>>) dst(%dma_wait3A_134 : memref<64x512xf32, #tpu.memory_space<hbm>>)
      tpu.yield
    }) : () -> ()
    %dma_start3A_68 = arith.constant 3 : i32
    %dma_start3A_69 = arith.constant 1 : i32
    %dma_start3A_70 = arith.constant 0 : i32
    %dma_start3A_71 = arith.constant 0 : i32
    %dma_start3A_72 = tpu.memref_slice %arg6[%dma_start3A_69, %dma_start3A_70, %dma_start3A_71] : memref<2x64x512xf32, #tpu.memory_space<vmem>> -> memref<1x64x512xf32, #tpu.memory_space<vmem>>
    %dma_start3A_73 = tpu.memref_squeeze %dma_start3A_72 : memref<1x64x512xf32, #tpu.memory_space<vmem>> -> memref<64x512xf32, #tpu.memory_space<vmem>>
    %dma_start3A_74 = arith.constant 0 : i32
    %dma_start3A_75 = tpu.memref_slice %arg5[%dma_start3A_68, %dma_start3A_74] : memref<4x64xi32, #tpu.memory_space<vmem>> -> memref<1x64xi32, #tpu.memory_space<vmem>>
    %dma_start3A_76 = tpu.memref_squeeze %dma_start3A_75 : memref<1x64xi32, #tpu.memory_space<vmem>> -> memref<64xi32, #tpu.memory_space<vmem>>
    %dma_start3A_77 = arith.constant 0 : i32
    %dma_start3A_78 = arith.constant 0 : i32
    %dma_start3A_79 = tpu.memref_slice %arg2[%dma_start3A_77, %dma_start3A_78] : memref<16384x512xf32, #tpu.memory_space<hbm>> -> memref<16384x512xf32, #tpu.memory_space<hbm>>
    tpu.enqueue_indirect_dma source(%dma_start3A_79 : memref<16384x512xf32, #tpu.memory_space<hbm>>) target(%dma_start3A_73 : memref<64x512xf32, #tpu.memory_space<vmem>>) offsets(%dma_start3A_76 : memref<64xi32, #tpu.memory_space<vmem>>) semaphore(%arg8 : memref<!tpu.dma_semaphore, #tpu.memory_space<semaphore_mem>>)
    %dma_wait3A_80 = arith.constant 2 : i32
    %dma_wait3A_81 = arith.constant 0 : i32
    %dma_wait3A_82 = arith.constant 0 : i32
    %dma_wait3A_83 = arith.constant 0 : i32
    %dma_wait3A_84 = tpu.memref_slice %arg6[%dma_wait3A_81, %dma_wait3A_82, %dma_wait3A_83] : memref<2x64x512xf32, #tpu.memory_space<vmem>> -> memref<1x64x512xf32, #tpu.memory_space<vmem>>
    %dma_wait3A_85 = tpu.memref_squeeze %dma_wait3A_84 : memref<1x64x512xf32, #tpu.memory_space<vmem>> -> memref<64x512xf32, #tpu.memory_space<vmem>>
    %dma_wait3A_86 = arith.constant 0 : i32
    %dma_wait3A_87 = tpu.memref_slice %arg5[%dma_wait3A_80, %dma_wait3A_86] : memref<4x64xi32, #tpu.memory_space<vmem>> -> memref<1x64xi32, #tpu.memory_space<vmem>>
    %dma_wait3A_88 = tpu.memref_squeeze %dma_wait3A_87 : memref<1x64xi32, #tpu.memory_space<vmem>> -> memref<64xi32, #tpu.memory_space<vmem>>
    %dma_wait3A_89 = arith.constant 0 : i32
    %dma_wait3A_90 = arith.constant 0 : i32
    %dma_wait3A_91 = tpu.memref_slice %arg2[%dma_wait3A_89, %dma_wait3A_90] : memref<16384x512xf32, #tpu.memory_space<hbm>> -> memref<16384x512xf32, #tpu.memory_space<hbm>>
    tpu.wait_indirect_dma semaphore(%arg7 : memref<!tpu.dma_semaphore, #tpu.memory_space<semaphore_mem>>) src(%dma_wait3A_91 : memref<16384x512xf32, #tpu.memory_space<hbm>>) dst(%dma_wait3A_85 : memref<64x512xf32, #tpu.memory_space<vmem>>)
    %mul3A_92 = arith.constant 256 : i32
    %mul3A_93 = arith.muli %add3A, %mul3A_92 : i32
    %add3A_94 = arith.constant 128 : i32
    %add3A_95 = arith.addi %mul3A_93, %add3A_94 : i32
    %run_scoped3A_96 = arith.constant 0 : i32
    "tpu.region"() ({
      %run_scoped3A_114 = tpu.sem_alloc : memref<!tpu.dma_semaphore, #tpu.memory_space<semaphore_mem>>
      %dma_start3A_115 = arith.constant 0 : i32
      %dma_start3A_116 = arith.constant 0 : i32
      %dma_start3A_117 = tpu.memref_slice %arg6[%run_scoped3A_96, %dma_start3A_115, %dma_start3A_116] : memref<2x64x512xf32, #tpu.memory_space<vmem>> -> memref<1x64x512xf32, #tpu.memory_space<vmem>>
      %dma_start3A_118 = tpu.memref_squeeze %dma_start3A_117 : memref<1x64x512xf32, #tpu.memory_space<vmem>> -> memref<64x512xf32, #tpu.memory_space<vmem>>
      %dma_start3A_119 = arith.constant 0 : i32
      %dma_start3A_120 = tpu.memref_slice %arg4[%add3A_95, %dma_start3A_119] : memref<8192x512xf32, #tpu.memory_space<hbm>> -> memref<64x512xf32, #tpu.memory_space<hbm>>
      %dma_start3A_121 = arith.constant 0 : i32
      %dma_start3A_122 = tpu.memref_slice %arg4[%add3A_95, %dma_start3A_121] : memref<8192x512xf32, #tpu.memory_space<hbm>> -> memref<64x512xf32, #tpu.memory_space<hbm>>
      %dma_start3A_123 = arith.constant 0 : i32
      %dma_start3A_124 = arith.constant 0 : i32
      %dma_start3A_125 = tpu.memref_slice %arg6[%run_scoped3A_96, %dma_start3A_123, %dma_start3A_124] : memref<2x64x512xf32, #tpu.memory_space<vmem>> -> memref<1x64x512xf32, #tpu.memory_space<vmem>>
      %dma_start3A_126 = tpu.memref_squeeze %dma_start3A_125 : memref<1x64x512xf32, #tpu.memory_space<vmem>> -> memref<64x512xf32, #tpu.memory_space<vmem>>
      tpu.enqueue_dma source(%dma_start3A_126 : memref<64x512xf32, #tpu.memory_space<vmem>>) target(%dma_start3A_122 : memref<64x512xf32, #tpu.memory_space<hbm>>) target_semaphore(%run_scoped3A_114 : memref<!tpu.dma_semaphore, #tpu.memory_space<semaphore_mem>>)
      %dma_wait3A_127 = arith.constant 0 : i32
      %dma_wait3A_128 = arith.constant 0 : i32
      %dma_wait3A_129 = tpu.memref_slice %arg6[%run_scoped3A_96, %dma_wait3A_127, %dma_wait3A_128] : memref<2x64x512xf32, #tpu.memory_space<vmem>> -> memref<1x64x512xf32, #tpu.memory_space<vmem>>
      %dma_wait3A_130 = tpu.memref_squeeze %dma_wait3A_129 : memref<1x64x512xf32, #tpu.memory_space<vmem>> -> memref<64x512xf32, #tpu.memory_space<vmem>>
      %dma_wait3A_131 = arith.constant 0 : i32
      %dma_wait3A_132 = tpu.memref_slice %arg4[%add3A_95, %dma_wait3A_131] : memref<8192x512xf32, #tpu.memory_space<hbm>> -> memref<64x512xf32, #tpu.memory_space<hbm>>
      %dma_wait3A_133 = arith.constant 0 : i32
      %dma_wait3A_134 = tpu.memref_slice %arg4[%add3A_95, %dma_wait3A_133] : memref<8192x512xf32, #tpu.memory_space<hbm>> -> memref<64x512xf32, #tpu.memory_space<hbm>>
      %dma_wait3A_135 = arith.constant 0 : i32
      %dma_wait3A_136 = arith.constant 0 : i32
      %dma_wait3A_137 = tpu.memref_slice %arg6[%run_scoped3A_96, %dma_wait3A_135, %dma_wait3A_136] : memref<2x64x512xf32, #tpu.memory_space<vmem>> -> memref<1x64x512xf32, #tpu.memory_space<vmem>>
      %dma_wait3A_138 = tpu.memref_squeeze %dma_wait3A_137 : memref<1x64x512xf32, #tpu.memory_space<vmem>> -> memref<64x512xf32, #tpu.memory_space<vmem>>
      tpu.wait_dma2 semaphore(%run_scoped3A_114 : memref<!tpu.dma_semaphore, #tpu.memory_space<semaphore_mem>>) src(%dma_wait3A_138 : memref<64x512xf32, #tpu.memory_space<vmem>>) dst(%dma_wait3A_134 : memref<64x512xf32, #tpu.memory_space<hbm>>)
      tpu.yield
    }) : () -> ()
    %dma_wait3A_97 = arith.constant 3 : i32
    %dma_wait3A_98 = arith.constant 1 : i32
    %dma_wait3A_99 = arith.constant 0 : i32
    %dma_wait3A_100 = arith.constant 0 : i32
    %dma_wait3A_101 = tpu.memref_slice %arg6[%dma_wait3A_98, %dma_wait3A_99, %dma_wait3A_100] : memref<2x64x512xf32, #tpu.memory_space<vmem>> -> memref<1x64x512xf32, #tpu.memory_space<vmem>>
    %dma_wait3A_102 = tpu.memref_squeeze %dma_wait3A_101 : memref<1x64x512xf32, #tpu.memory_space<vmem>> -> memref<64x512xf32, #tpu.memory_space<vmem>>
    %dma_wait3A_103 = arith.constant 0 : i32
    %dma_wait3A_104 = tpu.memref_slice %arg5[%dma_wait3A_97, %dma_wait3A_103] : memref<4x64xi32, #tpu.memory_space<vmem>> -> memref<1x64xi32, #tpu.memory_space<vmem>>
    %dma_wait3A_105 = tpu.memref_squeeze %dma_wait3A_104 : memref<1x64xi32, #tpu.memory_space<vmem>> -> memref<64xi32, #tpu.memory_space<vmem>>
    %dma_wait3A_106 = arith.constant 0 : i32
    %dma_wait3A_107 = arith.constant 0 : i32
    %dma_wait3A_108 = tpu.memref_slice %arg2[%dma_wait3A_106, %dma_wait3A_107] : memref<16384x512xf32, #tpu.memory_space<hbm>> -> memref<16384x512xf32, #tpu.memory_space<hbm>>
    tpu.wait_indirect_dma semaphore(%arg8 : memref<!tpu.dma_semaphore, #tpu.memory_space<semaphore_mem>>) src(%dma_wait3A_108 : memref<16384x512xf32, #tpu.memory_space<hbm>>) dst(%dma_wait3A_102 : memref<64x512xf32, #tpu.memory_space<vmem>>)
    %mul3A_109 = arith.constant 256 : i32
    %mul3A_110 = arith.muli %add3A, %mul3A_109 : i32
    %add3A_111 = arith.constant 192 : i32
    %add3A_112 = arith.addi %mul3A_110, %add3A_111 : i32
    %run_scoped3A_113 = arith.constant 1 : i32
    "tpu.region"() ({
      %run_scoped3A_114 = tpu.sem_alloc : memref<!tpu.dma_semaphore, #tpu.memory_space<semaphore_mem>>
      %dma_start3A_115 = arith.constant 0 : i32
      %dma_start3A_116 = arith.constant 0 : i32
      %dma_start3A_117 = tpu.memref_slice %arg6[%run_scoped3A_113, %dma_start3A_115, %dma_start3A_116] : memref<2x64x512xf32, #tpu.memory_space<vmem>> -> memref<1x64x512xf32, #tpu.memory_space<vmem>>
      %dma_start3A_118 = tpu.memref_squeeze %dma_start3A_117 : memref<1x64x512xf32, #tpu.memory_space<vmem>> -> memref<64x512xf32, #tpu.memory_space<vmem>>
      %dma_start3A_119 = arith.constant 0 : i32
      %dma_start3A_120 = tpu.memref_slice %arg4[%add3A_112, %dma_start3A_119] : memref<8192x512xf32, #tpu.memory_space<hbm>> -> memref<64x512xf32, #tpu.memory_space<hbm>>
      %dma_start3A_121 = arith.constant 0 : i32
      %dma_start3A_122 = tpu.memref_slice %arg4[%add3A_112, %dma_start3A_121] : memref<8192x512xf32, #tpu.memory_space<hbm>> -> memref<64x512xf32, #tpu.memory_space<hbm>>
      %dma_start3A_123 = arith.constant 0 : i32
      %dma_start3A_124 = arith.constant 0 : i32
      %dma_start3A_125 = tpu.memref_slice %arg6[%run_scoped3A_113, %dma_start3A_123, %dma_start3A_124] : memref<2x64x512xf32, #tpu.memory_space<vmem>> -> memref<1x64x512xf32, #tpu.memory_space<vmem>>
      %dma_start3A_126 = tpu.memref_squeeze %dma_start3A_125 : memref<1x64x512xf32, #tpu.memory_space<vmem>> -> memref<64x512xf32, #tpu.memory_space<vmem>>
      tpu.enqueue_dma source(%dma_start3A_126 : memref<64x512xf32, #tpu.memory_space<vmem>>) target(%dma_start3A_122 : memref<64x512xf32, #tpu.memory_space<hbm>>) target_semaphore(%run_scoped3A_114 : memref<!tpu.dma_semaphore, #tpu.memory_space<semaphore_mem>>)
      %dma_wait3A_127 = arith.constant 0 : i32
      %dma_wait3A_128 = arith.constant 0 : i32
      %dma_wait3A_129 = tpu.memref_slice %arg6[%run_scoped3A_113, %dma_wait3A_127, %dma_wait3A_128] : memref<2x64x512xf32, #tpu.memory_space<vmem>> -> memref<1x64x512xf32, #tpu.memory_space<vmem>>
      %dma_wait3A_130 = tpu.memref_squeeze %dma_wait3A_129 : memref<1x64x512xf32, #tpu.memory_space<vmem>> -> memref<64x512xf32, #tpu.memory_space<vmem>>
      %dma_wait3A_131 = arith.constant 0 : i32
      %dma_wait3A_132 = tpu.memref_slice %arg4[%add3A_112, %dma_wait3A_131] : memref<8192x512xf32, #tpu.memory_space<hbm>> -> memref<64x512xf32, #tpu.memory_space<hbm>>
      %dma_wait3A_133 = arith.constant 0 : i32
      %dma_wait3A_134 = tpu.memref_slice %arg4[%add3A_112, %dma_wait3A_133] : memref<8192x512xf32, #tpu.memory_space<hbm>> -> memref<64x512xf32, #tpu.memory_space<hbm>>
      %dma_wait3A_135 = arith.constant 0 : i32
      %dma_wait3A_136 = arith.constant 0 : i32
      %dma_wait3A_137 = tpu.memref_slice %arg6[%run_scoped3A_113, %dma_wait3A_135, %dma_wait3A_136] : memref<2x64x512xf32, #tpu.memory_space<vmem>> -> memref<1x64x512xf32, #tpu.memory_space<vmem>>
      %dma_wait3A_138 = tpu.memref_squeeze %dma_wait3A_137 : memref<1x64x512xf32, #tpu.memory_space<vmem>> -> memref<64x512xf32, #tpu.memory_space<vmem>>
      tpu.wait_dma2 semaphore(%run_scoped3A_114 : memref<!tpu.dma_semaphore, #tpu.memory_space<semaphore_mem>>) src(%dma_wait3A_138 : memref<64x512xf32, #tpu.memory_space<vmem>>) dst(%dma_wait3A_134 : memref<64x512xf32, #tpu.memory_space<hbm>>)
      tpu.yield
    }) : () -> ()
    return
  }
}

module attributes {stable_mosaic.version = 14 : i64} {
  func.func @_prep_body(%arg0: memref<2x8192xi32, #tpu.memory_space<vmem>>, %arg1: memref<2x8192xi32, #tpu.memory_space<vmem>>) attributes {dimension_semantics = [], scalar_prefetch = 0 : i64, scratch_operands = 0 : i64, tpu.core_type = #tpu.core_type<tc>} {
    %get3A = arith.constant 0 : index
    %get3A_0 = arith.constant 0 : index
    %get3A_1 = vector.load %arg0[%get3A, %get3A_0] : memref<2x8192xi32, #tpu.memory_space<vmem>>, vector<1x8192xi32>
    %get3A_2 = arith.constant 1 : index
    %get3A_3 = arith.constant 0 : index
    %get3A_4 = vector.load %arg0[%get3A_2, %get3A_3] : memref<2x8192xi32, #tpu.memory_space<vmem>>, vector<1x8192xi32>
    %reduce_min3A = vector.shape_cast %get3A_1 : vector<1x8192xi32> to vector<1x1x8192xi32>
    %reduce_min3A_5 = arith.constant dense<2147483647> : vector<1xi32>
    %reduce_min3A_6 = vector.multi_reduction <minsi>, %reduce_min3A, %reduce_min3A_5 [1, 2] : vector<1x1x8192xi32> to vector<1xi32>
    %reduce_min3A_7 = vector.shape_cast %reduce_min3A_6 : vector<1xi32> to vector<1x1x1xi32>
    %reduce_min3A_8 = vector.extract %reduce_min3A_7[0, 0, 0] : i32 from vector<1x1x1xi32>
    %sub3A = vector.broadcast %reduce_min3A_8 : i32 to vector<1x8192xi32>
    %sub3A_9 = arith.subi %get3A_1, %sub3A : vector<1x8192xi32>
    %reduce_min3A_10 = vector.shape_cast %get3A_4 : vector<1x8192xi32> to vector<1x1x8192xi32>
    %reduce_min3A_11 = arith.constant dense<2147483647> : vector<1xi32>
    %reduce_min3A_12 = vector.multi_reduction <minsi>, %reduce_min3A_10, %reduce_min3A_11 [1, 2] : vector<1x1x8192xi32> to vector<1xi32>
    %reduce_min3A_13 = vector.shape_cast %reduce_min3A_12 : vector<1xi32> to vector<1x1x1xi32>
    %reduce_min3A_14 = vector.extract %reduce_min3A_13[0, 0, 0] : i32 from vector<1x1x1xi32>
    %sub3A_15 = vector.broadcast %reduce_min3A_14 : i32 to vector<1x8192xi32>
    %sub3A_16 = arith.subi %get3A_4, %sub3A_15 : vector<1x8192xi32>
    %add3A = arith.constant 3 : i32
    %add3A_17 = vector.broadcast %add3A : i32 to vector<1x8192xi32>
    %add3A_18 = arith.addi %sub3A_16, %add3A_17 : vector<1x8192xi32>
    %mul3A = arith.constant 134 : i32
    %mul3A_19 = vector.broadcast %mul3A : i32 to vector<1x8192xi32>
    %mul3A_20 = arith.muli %add3A_18, %mul3A_19 : vector<1x8192xi32>
    %add3A_21 = arith.constant 3 : i32
    %add3A_22 = vector.broadcast %add3A_21 : i32 to vector<1x8192xi32>
    %add3A_23 = arith.addi %sub3A_9, %add3A_22 : vector<1x8192xi32>
    %add3A_24 = arith.addi %mul3A_20, %add3A_23 : vector<1x8192xi32>
    %swap3A = arith.constant 0 : index
    %swap3A_25 = arith.constant 0 : index
    %swap3A_26 = vector.load %arg1[%swap3A, %swap3A_25] : memref<2x8192xi32, #tpu.memory_space<vmem>>, vector<1x8192xi32>
    tpu.vector_store %arg1[%swap3A, %swap3A_25], %add3A_24 {strides = array<i32>} : memref<2x8192xi32, #tpu.memory_space<vmem>>, vector<1x8192xi32>,
    %mul3A_27 = arith.constant 128 : i32
    %mul3A_28 = vector.broadcast %mul3A_27 : i32 to vector<1x8192xi32>
    %mul3A_29 = arith.muli %sub3A_16, %mul3A_28 : vector<1x8192xi32>
    %add3A_30 = arith.addi %mul3A_29, %sub3A_9 : vector<1x8192xi32>
    %swap3A_31 = arith.constant 1 : index
    %swap3A_32 = arith.constant 0 : index
    %swap3A_33 = vector.load %arg1[%swap3A_31, %swap3A_32] : memref<2x8192xi32, #tpu.memory_space<vmem>>, vector<1x8192xi32>
    tpu.vector_store %arg1[%swap3A_31, %swap3A_32], %add3A_30 {strides = array<i32>} : memref<2x8192xi32, #tpu.memory_space<vmem>>, vector<1x8192xi32>,
    return
  }
}

module attributes {stable_mosaic.version = 14 : i64} {
  func.func @_combine_body(%arg0: i32, %arg1: memref<1024x512xf32, #tpu.memory_space<vmem>>, %arg2: memref<1024x512xf32, #tpu.memory_space<vmem>>, %arg3: memref<1x512xf32, #tpu.memory_space<vmem>>, %arg4: memref<1x512xf32, #tpu.memory_space<vmem>>, %arg5: memref<1024x512xf32, #tpu.memory_space<vmem>>) attributes {dimension_semantics = [#tpu.dimension_semantics<arbitrary>], iteration_bounds = array<i64: 8>, scalar_prefetch = 0 : i64, scratch_operands = 0 : i64, tpu.core_type = #tpu.core_type<tc>, window_params = [{transform_indices = @transform_0, window_bounds = array<i64: 1024, 512>}, {transform_indices = @transform_1, window_bounds = array<i64: 1024, 512>}, {pipeline_mode = #tpu.pipeline_mode<synchronous>, transform_indices = @transform_2, window_bounds = array<i64: 1, 512>}, {pipeline_mode = #tpu.pipeline_mode<synchronous>, transform_indices = @transform_3, window_bounds = array<i64: 1, 512>}, {transform_indices = @transform_4, window_bounds = array<i64: 1024, 512>}]} {
    %get3A = arith.constant 0 : index
    %get3A_0 = arith.constant 0 : index
    %get3A_1 = vector.load %arg1[%get3A, %get3A_0] : memref<1024x512xf32, #tpu.memory_space<vmem>>, vector<1024x512xf32>
    %get3A_2 = arith.constant 0 : index
    %get3A_3 = arith.constant 0 : index
    %get3A_4 = vector.load %arg3[%get3A_2, %get3A_3] : memref<1x512xf32, #tpu.memory_space<vmem>>, vector<1x512xf32>
    %mul3A = vector.broadcast %get3A_4 : vector<1x512xf32> to vector<1024x512xf32>
    %mul3A_5 = arith.mulf %get3A_1, %mul3A : vector<1024x512xf32>
    %get3A_6 = arith.constant 0 : index
    %get3A_7 = arith.constant 0 : index
    %get3A_8 = vector.load %arg4[%get3A_6, %get3A_7] : memref<1x512xf32, #tpu.memory_space<vmem>>, vector<1x512xf32>
    %add3A = vector.broadcast %get3A_8 : vector<1x512xf32> to vector<1024x512xf32>
    %add3A_9 = arith.addf %mul3A_5, %add3A : vector<1024x512xf32>
    %get3A_10 = arith.constant 0 : index
    %get3A_11 = arith.constant 0 : index
    %get3A_12 = vector.load %arg2[%get3A_10, %get3A_11] : memref<1024x512xf32, #tpu.memory_space<vmem>>, vector<1024x512xf32>
    %add3A_13 = arith.addf %add3A_9, %get3A_12 : vector<1024x512xf32>
    %swap3A = arith.constant 0 : index
    %swap3A_14 = arith.constant 0 : index
    %swap3A_15 = vector.load %arg5[%swap3A, %swap3A_14] : memref<1024x512xf32, #tpu.memory_space<vmem>>, vector<1024x512xf32>
    tpu.vector_store %arg5[%swap3A, %swap3A_14], %add3A_13 {strides = array<i32>} : memref<1024x512xf32, #tpu.memory_space<vmem>>, vector<1024x512xf32>,
    return
  }
  func.func @transform_0(%arg0: i32) -> (i32, i32) {
    %c0_i32 = arith.constant 0 : i32
    %c0_i32_0 = arith.constant 0 : i32
    return %arg0, %c0_i32 : i32, i32
  }
  func.func @transform_1(%arg0: i32) -> (i32, i32) {
    %c0_i32 = arith.constant 0 : i32
    %c0_i32_0 = arith.constant 0 : i32
    return %arg0, %c0_i32 : i32, i32
  }
  func.func @transform_2(%arg0: i32) -> (i32, i32) {
    %c0_i32 = arith.constant 0 : i32
    %c0_i32_0 = arith.constant 0 : i32
    %c0_i32_1 = arith.constant 0 : i32
    return %c0_i32, %c0_i32_0 : i32, i32
  }
  func.func @transform_3(%arg0: i32) -> (i32, i32) {
    %c0_i32 = arith.constant 0 : i32
    %c0_i32_0 = arith.constant 0 : i32
    %c0_i32_1 = arith.constant 0 : i32
    return %c0_i32, %c0_i32_0 : i32, i32
  }
  func.func @transform_4(%arg0: i32) -> (i32, i32) {
    %c0_i32 = arith.constant 0 : i32
    %c0_i32_0 = arith.constant 0 : i32
    return %arg0, %c0_i32 : i32, i32
  }
}

module attributes {stable_mosaic.version = 14 : i64} {
  func.func @_conv_body(%arg0: i32, %arg1: memref<140x134x512xf32, #tpu.memory_space<any>>, %arg2: memref<7x7x512xf32, #tpu.memory_space<vmem>>, %arg3: memref<1x512xf32, #tpu.memory_space<vmem>>, %arg4: memref<1x512xf32, #tpu.memory_space<vmem>>, %arg5: memref<1x512xf32, #tpu.memory_space<vmem>>, %arg6: memref<16x128x512xf32, #tpu.memory_space<vmem>>, %arg7: memref<1x512xf32, #tpu.memory_space<vmem>>, %arg8: memref<1x512xf32, #tpu.memory_space<vmem>>, %arg9: memref<2x22x134x512xf32, #tpu.memory_space<vmem>>, %arg10: memref<22x128x512xf32, #tpu.memory_space<vmem>>, %arg11: memref<1x512xf32, #tpu.memory_space<vmem>>, %arg12: memref<1x512xf32, #tpu.memory_space<vmem>>, %arg13: memref<2x!tpu.dma_semaphore, #tpu.memory_space<semaphore_mem>>) attributes {dimension_semantics = [#tpu.dimension_semantics<arbitrary>], iteration_bounds = array<i64: 8>, scalar_prefetch = 0 : i64, scratch_operands = 5 : i64, tpu.core_type = #tpu.core_type<tc>, window_params = [{}, {pipeline_mode = #tpu.pipeline_mode<synchronous>, transform_indices = @transform_1, window_bounds = array<i64: 7, 7, 512>}, {pipeline_mode = #tpu.pipeline_mode<synchronous>, transform_indices = @transform_2, window_bounds = array<i64: 1, 512>}, {pipeline_mode = #tpu.pipeline_mode<synchronous>, transform_indices = @transform_3, window_bounds = array<i64: 1, 512>}, {pipeline_mode = #tpu.pipeline_mode<synchronous>, transform_indices = @transform_4, window_bounds = array<i64: 1, 512>}, {transform_indices = @transform_5, window_bounds = array<i64: 16, 128, 512>}, {pipeline_mode = #tpu.pipeline_mode<synchronous>, transform_indices = @transform_6, window_bounds = array<i64: 1, 512>}, {pipeline_mode = #tpu.pipeline_mode<synchronous>, transform_indices = @transform_7, window_bounds = array<i64: 1, 512>}]} {
    %rem3A = arith.constant 2 : i32
    %rem3A_0 = arith.remsi %arg0, %rem3A : i32
    %add3A = arith.constant 1 : i32
    %add3A_1 = arith.addi %arg0, %add3A : i32
    %rem3A_2 = arith.constant 2 : i32
    %rem3A_3 = arith.remsi %add3A_1, %rem3A_2 : i32
    %eq3A = arith.constant 0 : i32
    %eq3A_4 = arith.cmpi eq, %arg0, %eq3A : i32
    %convert_element_type3A = arith.extui %eq3A_4 : i1 to i32
    %cond3A = arith.constant 0 : i32
    %cond3A_5 = arith.cmpi ne, %convert_element_type3A, %cond3A : i32
    scf.if %cond3A_5 {
      %dma_start3A = arith.constant 0 : i32
      %dma_start3A_713 = arith.constant 0 : i32
      %dma_start3A_714 = tpu.memref_slice %arg13[%dma_start3A_713] : memref<2x!tpu.dma_semaphore, #tpu.memory_space<semaphore_mem>> -> memref<1x!tpu.dma_semaphore, #tpu.memory_space<semaphore_mem>>
      %dma_start3A_715 = tpu.memref_squeeze %dma_start3A_714 : memref<1x!tpu.dma_semaphore, #tpu.memory_space<semaphore_mem>> -> memref<!tpu.dma_semaphore, #tpu.memory_space<semaphore_mem>>
      %dma_start3A_716 = arith.constant 0 : i32
      %dma_start3A_717 = arith.constant 0 : i32
      %dma_start3A_718 = arith.constant 0 : i32
      %dma_start3A_719 = tpu.memref_slice %arg9[%dma_start3A, %dma_start3A_716, %dma_start3A_717, %dma_start3A_718] : memref<2x22x134x512xf32, #tpu.memory_space<vmem>> -> memref<1x22x134x512xf32, #tpu.memory_space<vmem>>
      %dma_start3A_720 = tpu.memref_squeeze %dma_start3A_719 : memref<1x22x134x512xf32, #tpu.memory_space<vmem>> -> memref<22x134x512xf32, #tpu.memory_space<vmem>>
      %dma_start3A_721 = arith.constant 0 : i32
      %dma_start3A_722 = arith.constant 0 : i32
      %dma_start3A_723 = arith.constant 0 : i32
      %dma_start3A_724 = tpu.memref_slice %arg1[%dma_start3A_721, %dma_start3A_722, %dma_start3A_723] : memref<140x134x512xf32, #tpu.memory_space<any>> -> memref<22x134x512xf32, #tpu.memory_space<any>>
      tpu.enqueue_dma source(%dma_start3A_724 : memref<22x134x512xf32, #tpu.memory_space<any>>) target(%dma_start3A_720 : memref<22x134x512xf32, #tpu.memory_space<vmem>>) target_semaphore(%dma_start3A_715 : memref<!tpu.dma_semaphore, #tpu.memory_space<semaphore_mem>>)
    } else {
    }
    %add3A_6 = arith.constant 1 : i32
    %add3A_7 = arith.addi %arg0, %add3A_6 : i32
    %lt3A = arith.constant 8 : i32
    %lt3A_8 = arith.cmpi slt, %add3A_7, %lt3A : i32
    %convert_element_type3A_9 = arith.extui %lt3A_8 : i1 to i32
    %cond3A_10 = arith.constant 0 : i32
    %cond3A_11 = arith.cmpi ne, %convert_element_type3A_9, %cond3A_10 : i32
    scf.if %cond3A_11 {
      %add3A_713 = arith.constant 1 : i32
      %add3A_714 = arith.addi %arg0, %add3A_713 : i32
      %mul3A_715 = arith.constant 16 : i32
      %mul3A_716 = arith.muli %add3A_714, %mul3A_715 : i32
      %dma_start3A = tpu.memref_slice %arg13[%rem3A_3] : memref<2x!tpu.dma_semaphore, #tpu.memory_space<semaphore_mem>> -> memref<1x!tpu.dma_semaphore, #tpu.memory_space<semaphore_mem>>
      %dma_start3A_717 = tpu.memref_squeeze %dma_start3A : memref<1x!tpu.dma_semaphore, #tpu.memory_space<semaphore_mem>> -> memref<!tpu.dma_semaphore, #tpu.memory_space<semaphore_mem>>
      %dma_start3A_718 = arith.constant 0 : i32
      %dma_start3A_719 = arith.constant 0 : i32
      %dma_start3A_720 = arith.constant 0 : i32
      %dma_start3A_721 = tpu.memref_slice %arg9[%rem3A_3, %dma_start3A_718, %dma_start3A_719, %dma_start3A_720] : memref<2x22x134x512xf32, #tpu.memory_space<vmem>> -> memref<1x22x134x512xf32, #tpu.memory_space<vmem>>
      %dma_start3A_722 = tpu.memref_squeeze %dma_start3A_721 : memref<1x22x134x512xf32, #tpu.memory_space<vmem>> -> memref<22x134x512xf32, #tpu.memory_space<vmem>>
      %dma_start3A_723 = arith.constant 0 : i32
      %dma_start3A_724 = arith.constant 0 : i32
      %dma_start3A_725 = tpu.memref_slice %arg1[%mul3A_716, %dma_start3A_723, %dma_start3A_724] : memref<140x134x512xf32, #tpu.memory_space<any>> -> memref<22x134x512xf32, #tpu.memory_space<any>>
      tpu.enqueue_dma source(%dma_start3A_725 : memref<22x134x512xf32, #tpu.memory_space<any>>) target(%dma_start3A_722 : memref<22x134x512xf32, #tpu.memory_space<vmem>>) target_semaphore(%dma_start3A_717 : memref<!tpu.dma_semaphore, #tpu.memory_space<semaphore_mem>>)
    } else {
    }
    %mul3A = arith.constant 16 : i32
    %mul3A_12 = arith.muli %arg0, %mul3A : i32
    %dma_wait3A = tpu.memref_slice %arg13[%rem3A_0] : memref<2x!tpu.dma_semaphore, #tpu.memory_space<semaphore_mem>> -> memref<1x!tpu.dma_semaphore, #tpu.memory_space<semaphore_mem>>
    %dma_wait3A_13 = tpu.memref_squeeze %dma_wait3A : memref<1x!tpu.dma_semaphore, #tpu.memory_space<semaphore_mem>> -> memref<!tpu.dma_semaphore, #tpu.memory_space<semaphore_mem>>
    %dma_wait3A_14 = arith.constant 0 : i32
    %dma_wait3A_15 = arith.constant 0 : i32
    %dma_wait3A_16 = arith.constant 0 : i32
    %dma_wait3A_17 = tpu.memref_slice %arg9[%rem3A_0, %dma_wait3A_14, %dma_wait3A_15, %dma_wait3A_16] : memref<2x22x134x512xf32, #tpu.memory_space<vmem>> -> memref<1x22x134x512xf32, #tpu.memory_space<vmem>>
    %dma_wait3A_18 = tpu.memref_squeeze %dma_wait3A_17 : memref<1x22x134x512xf32, #tpu.memory_space<vmem>> -> memref<22x134x512xf32, #tpu.memory_space<vmem>>
    %dma_wait3A_19 = arith.constant 0 : i32
    %dma_wait3A_20 = arith.constant 0 : i32
    %dma_wait3A_21 = tpu.memref_slice %arg1[%mul3A_12, %dma_wait3A_19, %dma_wait3A_20] : memref<140x134x512xf32, #tpu.memory_space<any>> -> memref<22x134x512xf32, #tpu.memory_space<any>>
    tpu.wait_dma2 semaphore(%dma_wait3A_13 : memref<!tpu.dma_semaphore, #tpu.memory_space<semaphore_mem>>) src(%dma_wait3A_21 : memref<22x134x512xf32, #tpu.memory_space<any>>) dst(%dma_wait3A_18 : memref<22x134x512xf32, #tpu.memory_space<vmem>>)
    %get3A = arith.index_cast %rem3A_0 : i32 to index
    %get3A_22 = arith.constant 0 : index
    %get3A_23 = arith.constant 0 : index
    %get3A_24 = arith.constant 0 : index
    %get3A_25 = vector.load %arg9[%get3A, %get3A_22, %get3A_23, %get3A_24] : memref<2x22x134x512xf32, #tpu.memory_space<vmem>>, vector<1x22x128x512xf32>
    %get3A_26 = vector.shape_cast %get3A_25 : vector<1x22x128x512xf32> to vector<22x128x512xf32>
    %swap3A = arith.constant 0 : index
    %swap3A_27 = arith.constant 0 : index
    %swap3A_28 = arith.constant 0 : index
    %swap3A_29 = vector.load %arg10[%swap3A, %swap3A_27, %swap3A_28] : memref<22x128x512xf32, #tpu.memory_space<vmem>>, vector<22x128x512xf32>
    tpu.vector_store %arg10[%swap3A, %swap3A_27, %swap3A_28], %get3A_26 {strides = array<i32>} : memref<22x128x512xf32, #tpu.memory_space<vmem>>, vector<22x128x512xf32>,
    %get3A_30 = arith.constant 0 : index
    %get3A_31 = arith.constant 0 : index
    %get3A_32 = arith.constant 0 : index
    %get3A_33 = vector.load %arg10[%get3A_30, %get3A_31, %get3A_32] : memref<22x128x512xf32, #tpu.memory_space<vmem>>, vector<22x128x512xf32>
    %slice3A = vector.extract_strided_slice %get3A_33 {offsets = [0, 0, 0], sizes = [16, 128, 512], strides = [1, 1, 1]} : vector<22x128x512xf32> to vector<16x128x512xf32>
    %get3A_34 = arith.constant 0 : index
    %get3A_35 = arith.constant 0 : index
    %get3A_36 = arith.constant 0 : index
    %get3A_37 = vector.load %arg2[%get3A_34, %get3A_35, %get3A_36] : memref<7x7x512xf32, #tpu.memory_space<vmem>>, vector<1x1x512xf32>
    %get3A_38 = vector.shape_cast %get3A_37 : vector<1x1x512xf32> to vector<512xf32>
    %broadcast_in_dim3A = vector.shape_cast %get3A_38 : vector<512xf32> to vector<1x1x512xf32>
    %mul3A_39 = vector.broadcast %broadcast_in_dim3A : vector<1x1x512xf32> to vector<16x128x512xf32>
    %mul3A_40 = arith.mulf %slice3A, %mul3A_39 : vector<16x128x512xf32>
    %slice3A_41 = vector.extract_strided_slice %get3A_33 {offsets = [1, 0, 0], sizes = [16, 128, 512], strides = [1, 1, 1]} : vector<22x128x512xf32> to vector<16x128x512xf32>
    %get3A_42 = arith.constant 0 : index
    %get3A_43 = arith.constant 1 : index
    %get3A_44 = arith.constant 0 : index
    %get3A_45 = vector.load %arg2[%get3A_42, %get3A_43, %get3A_44] : memref<7x7x512xf32, #tpu.memory_space<vmem>>, vector<1x1x512xf32>
    %get3A_46 = vector.shape_cast %get3A_45 : vector<1x1x512xf32> to vector<512xf32>
    %broadcast_in_dim3A_47 = vector.shape_cast %get3A_46 : vector<512xf32> to vector<1x1x512xf32>
    %mul3A_48 = vector.broadcast %broadcast_in_dim3A_47 : vector<1x1x512xf32> to vector<16x128x512xf32>
    %mul3A_49 = arith.mulf %slice3A_41, %mul3A_48 : vector<16x128x512xf32>
    %add3A_50 = arith.addf %mul3A_40, %mul3A_49 : vector<16x128x512xf32>
    %slice3A_51 = vector.extract_strided_slice %get3A_33 {offsets = [2, 0, 0], sizes = [16, 128, 512], strides = [1, 1, 1]} : vector<22x128x512xf32> to vector<16x128x512xf32>
    %get3A_52 = arith.constant 0 : index
    %get3A_53 = arith.constant 2 : index
    %get3A_54 = arith.constant 0 : index
    %get3A_55 = vector.load %arg2[%get3A_52, %get3A_53, %get3A_54] : memref<7x7x512xf32, #tpu.memory_space<vmem>>, vector<1x1x512xf32>
    %get3A_56 = vector.shape_cast %get3A_55 : vector<1x1x512xf32> to vector<512xf32>
    %broadcast_in_dim3A_57 = vector.shape_cast %get3A_56 : vector<512xf32> to vector<1x1x512xf32>
    %mul3A_58 = vector.broadcast %broadcast_in_dim3A_57 : vector<1x1x512xf32> to vector<16x128x512xf32>
    %mul3A_59 = arith.mulf %slice3A_51, %mul3A_58 : vector<16x128x512xf32>
    %add3A_60 = arith.addf %add3A_50, %mul3A_59 : vector<16x128x512xf32>
    %slice3A_61 = vector.extract_strided_slice %get3A_33 {offsets = [3, 0, 0], sizes = [16, 128, 512], strides = [1, 1, 1]} : vector<22x128x512xf32> to vector<16x128x512xf32>
    %get3A_62 = arith.constant 0 : index
    %get3A_63 = arith.constant 3 : index
    %get3A_64 = arith.constant 0 : index
    %get3A_65 = vector.load %arg2[%get3A_62, %get3A_63, %get3A_64] : memref<7x7x512xf32, #tpu.memory_space<vmem>>, vector<1x1x512xf32>
    %get3A_66 = vector.shape_cast %get3A_65 : vector<1x1x512xf32> to vector<512xf32>
    %broadcast_in_dim3A_67 = vector.shape_cast %get3A_66 : vector<512xf32> to vector<1x1x512xf32>
    %mul3A_68 = vector.broadcast %broadcast_in_dim3A_67 : vector<1x1x512xf32> to vector<16x128x512xf32>
    %mul3A_69 = arith.mulf %slice3A_61, %mul3A_68 : vector<16x128x512xf32>
    %add3A_70 = arith.addf %add3A_60, %mul3A_69 : vector<16x128x512xf32>
    %slice3A_71 = vector.extract_strided_slice %get3A_33 {offsets = [4, 0, 0], sizes = [16, 128, 512], strides = [1, 1, 1]} : vector<22x128x512xf32> to vector<16x128x512xf32>
    %get3A_72 = arith.constant 0 : index
    %get3A_73 = arith.constant 4 : index
    %get3A_74 = arith.constant 0 : index
    %get3A_75 = vector.load %arg2[%get3A_72, %get3A_73, %get3A_74] : memref<7x7x512xf32, #tpu.memory_space<vmem>>, vector<1x1x512xf32>
    %get3A_76 = vector.shape_cast %get3A_75 : vector<1x1x512xf32> to vector<512xf32>
    %broadcast_in_dim3A_77 = vector.shape_cast %get3A_76 : vector<512xf32> to vector<1x1x512xf32>
    %mul3A_78 = vector.broadcast %broadcast_in_dim3A_77 : vector<1x1x512xf32> to vector<16x128x512xf32>
    %mul3A_79 = arith.mulf %slice3A_71, %mul3A_78 : vector<16x128x512xf32>
    %add3A_80 = arith.addf %add3A_70, %mul3A_79 : vector<16x128x512xf32>
    %slice3A_81 = vector.extract_strided_slice %get3A_33 {offsets = [5, 0, 0], sizes = [16, 128, 512], strides = [1, 1, 1]} : vector<22x128x512xf32> to vector<16x128x512xf32>
    %get3A_82 = arith.constant 0 : index
    %get3A_83 = arith.constant 5 : index
    %get3A_84 = arith.constant 0 : index
    %get3A_85 = vector.load %arg2[%get3A_82, %get3A_83, %get3A_84] : memref<7x7x512xf32, #tpu.memory_space<vmem>>, vector<1x1x512xf32>
    %get3A_86 = vector.shape_cast %get3A_85 : vector<1x1x512xf32> to vector<512xf32>
    %broadcast_in_dim3A_87 = vector.shape_cast %get3A_86 : vector<512xf32> to vector<1x1x512xf32>
    %mul3A_88 = vector.broadcast %broadcast_in_dim3A_87 : vector<1x1x512xf32> to vector<16x128x512xf32>
    %mul3A_89 = arith.mulf %slice3A_81, %mul3A_88 : vector<16x128x512xf32>
    %add3A_90 = arith.addf %add3A_80, %mul3A_89 : vector<16x128x512xf32>
    %slice3A_91 = vector.extract_strided_slice %get3A_33 {offsets = [6, 0, 0], sizes = [16, 128, 512], strides = [1, 1, 1]} : vector<22x128x512xf32> to vector<16x128x512xf32>
    %get3A_92 = arith.constant 0 : index
    %get3A_93 = arith.constant 6 : index
    %get3A_94 = arith.constant 0 : index
    %get3A_95 = vector.load %arg2[%get3A_92, %get3A_93, %get3A_94] : memref<7x7x512xf32, #tpu.memory_space<vmem>>, vector<1x1x512xf32>
    %get3A_96 = vector.shape_cast %get3A_95 : vector<1x1x512xf32> to vector<512xf32>
    %broadcast_in_dim3A_97 = vector.shape_cast %get3A_96 : vector<512xf32> to vector<1x1x512xf32>
    %mul3A_98 = vector.broadcast %broadcast_in_dim3A_97 : vector<1x1x512xf32> to vector<16x128x512xf32>
    %mul3A_99 = arith.mulf %slice3A_91, %mul3A_98 : vector<16x128x512xf32>
    %add3A_100 = arith.addf %add3A_90, %mul3A_99 : vector<16x128x512xf32>
    %get3A_101 = arith.constant 0 : index
    %get3A_102 = arith.constant 0 : index
    %get3A_103 = vector.load %arg3[%get3A_101, %get3A_102] : memref<1x512xf32, #tpu.memory_space<vmem>>, vector<1x512xf32>
    %get3A_104 = vector.shape_cast %get3A_103 : vector<1x512xf32> to vector<512xf32>
    %broadcast_in_dim3A_105 = vector.shape_cast %get3A_104 : vector<512xf32> to vector<1x1x512xf32>
    %add3A_106 = vector.broadcast %broadcast_in_dim3A_105 : vector<1x1x512xf32> to vector<16x128x512xf32>
    %add3A_107 = arith.addf %add3A_100, %add3A_106 : vector<16x128x512xf32>
    %swap3A_108 = arith.constant 0 : index
    %swap3A_109 = arith.constant 0 : index
    %swap3A_110 = arith.constant 0 : index
    %swap3A_111 = vector.load %arg6[%swap3A_108, %swap3A_109, %swap3A_110] : memref<16x128x512xf32, #tpu.memory_space<vmem>>, vector<16x128x512xf32>
    tpu.vector_store %arg6[%swap3A_108, %swap3A_109, %swap3A_110], %add3A_107 {strides = array<i32>} : memref<16x128x512xf32, #tpu.memory_space<vmem>>, vector<16x128x512xf32>,
    %get3A_112 = arith.index_cast %rem3A_0 : i32 to index
    %get3A_113 = arith.constant 0 : index
    %get3A_114 = arith.constant 1 : index
    %get3A_115 = arith.constant 0 : index
    %get3A_116 = vector.load %arg9[%get3A_112, %get3A_113, %get3A_114, %get3A_115] : memref<2x22x134x512xf32, #tpu.memory_space<vmem>>, vector<1x22x128x512xf32>
    %get3A_117 = vector.shape_cast %get3A_116 : vector<1x22x128x512xf32> to vector<22x128x512xf32>
    %swap3A_118 = arith.constant 0 : index
    %swap3A_119 = arith.constant 0 : index
    %swap3A_120 = arith.constant 0 : index
    %swap3A_121 = vector.load %arg10[%swap3A_118, %swap3A_119, %swap3A_120] : memref<22x128x512xf32, #tpu.memory_space<vmem>>, vector<22x128x512xf32>
    tpu.vector_store %arg10[%swap3A_118, %swap3A_119, %swap3A_120], %get3A_117 {strides = array<i32>} : memref<22x128x512xf32, #tpu.memory_space<vmem>>, vector<22x128x512xf32>,
    %get3A_122 = arith.constant 0 : index
    %get3A_123 = arith.constant 0 : index
    %get3A_124 = arith.constant 0 : index
    %get3A_125 = vector.load %arg10[%get3A_122, %get3A_123, %get3A_124] : memref<22x128x512xf32, #tpu.memory_space<vmem>>, vector<22x128x512xf32>
    %slice3A_126 = vector.extract_strided_slice %get3A_125 {offsets = [0, 0, 0], sizes = [16, 128, 512], strides = [1, 1, 1]} : vector<22x128x512xf32> to vector<16x128x512xf32>
    %get3A_127 = arith.constant 1 : index
    %get3A_128 = arith.constant 0 : index
    %get3A_129 = arith.constant 0 : index
    %get3A_130 = vector.load %arg2[%get3A_127, %get3A_128, %get3A_129] : memref<7x7x512xf32, #tpu.memory_space<vmem>>, vector<1x1x512xf32>
    %get3A_131 = vector.shape_cast %get3A_130 : vector<1x1x512xf32> to vector<512xf32>
    %broadcast_in_dim3A_132 = vector.shape_cast %get3A_131 : vector<512xf32> to vector<1x1x512xf32>
    %mul3A_133 = vector.broadcast %broadcast_in_dim3A_132 : vector<1x1x512xf32> to vector<16x128x512xf32>
    %mul3A_134 = arith.mulf %slice3A_126, %mul3A_133 : vector<16x128x512xf32>
    %slice3A_135 = vector.extract_strided_slice %get3A_125 {offsets = [1, 0, 0], sizes = [16, 128, 512], strides = [1, 1, 1]} : vector<22x128x512xf32> to vector<16x128x512xf32>
    %get3A_136 = arith.constant 1 : index
    %get3A_137 = arith.constant 1 : index
    %get3A_138 = arith.constant 0 : index
    %get3A_139 = vector.load %arg2[%get3A_136, %get3A_137, %get3A_138] : memref<7x7x512xf32, #tpu.memory_space<vmem>>, vector<1x1x512xf32>
    %get3A_140 = vector.shape_cast %get3A_139 : vector<1x1x512xf32> to vector<512xf32>
    %broadcast_in_dim3A_141 = vector.shape_cast %get3A_140 : vector<512xf32> to vector<1x1x512xf32>
    %mul3A_142 = vector.broadcast %broadcast_in_dim3A_141 : vector<1x1x512xf32> to vector<16x128x512xf32>
    %mul3A_143 = arith.mulf %slice3A_135, %mul3A_142 : vector<16x128x512xf32>
    %add3A_144 = arith.addf %mul3A_134, %mul3A_143 : vector<16x128x512xf32>
    %slice3A_145 = vector.extract_strided_slice %get3A_125 {offsets = [2, 0, 0], sizes = [16, 128, 512], strides = [1, 1, 1]} : vector<22x128x512xf32> to vector<16x128x512xf32>
    %get3A_146 = arith.constant 1 : index
    %get3A_147 = arith.constant 2 : index
    %get3A_148 = arith.constant 0 : index
    %get3A_149 = vector.load %arg2[%get3A_146, %get3A_147, %get3A_148] : memref<7x7x512xf32, #tpu.memory_space<vmem>>, vector<1x1x512xf32>
    %get3A_150 = vector.shape_cast %get3A_149 : vector<1x1x512xf32> to vector<512xf32>
    %broadcast_in_dim3A_151 = vector.shape_cast %get3A_150 : vector<512xf32> to vector<1x1x512xf32>
    %mul3A_152 = vector.broadcast %broadcast_in_dim3A_151 : vector<1x1x512xf32> to vector<16x128x512xf32>
    %mul3A_153 = arith.mulf %slice3A_145, %mul3A_152 : vector<16x128x512xf32>
    %add3A_154 = arith.addf %add3A_144, %mul3A_153 : vector<16x128x512xf32>
    %slice3A_155 = vector.extract_strided_slice %get3A_125 {offsets = [3, 0, 0], sizes = [16, 128, 512], strides = [1, 1, 1]} : vector<22x128x512xf32> to vector<16x128x512xf32>
    %get3A_156 = arith.constant 1 : index
    %get3A_157 = arith.constant 3 : index
    %get3A_158 = arith.constant 0 : index
    %get3A_159 = vector.load %arg2[%get3A_156, %get3A_157, %get3A_158] : memref<7x7x512xf32, #tpu.memory_space<vmem>>, vector<1x1x512xf32>
    %get3A_160 = vector.shape_cast %get3A_159 : vector<1x1x512xf32> to vector<512xf32>
    %broadcast_in_dim3A_161 = vector.shape_cast %get3A_160 : vector<512xf32> to vector<1x1x512xf32>
    %mul3A_162 = vector.broadcast %broadcast_in_dim3A_161 : vector<1x1x512xf32> to vector<16x128x512xf32>
    %mul3A_163 = arith.mulf %slice3A_155, %mul3A_162 : vector<16x128x512xf32>
    %add3A_164 = arith.addf %add3A_154, %mul3A_163 : vector<16x128x512xf32>
    %slice3A_165 = vector.extract_strided_slice %get3A_125 {offsets = [4, 0, 0], sizes = [16, 128, 512], strides = [1, 1, 1]} : vector<22x128x512xf32> to vector<16x128x512xf32>
    %get3A_166 = arith.constant 1 : index
    %get3A_167 = arith.constant 4 : index
    %get3A_168 = arith.constant 0 : index
    %get3A_169 = vector.load %arg2[%get3A_166, %get3A_167, %get3A_168] : memref<7x7x512xf32, #tpu.memory_space<vmem>>, vector<1x1x512xf32>
    %get3A_170 = vector.shape_cast %get3A_169 : vector<1x1x512xf32> to vector<512xf32>
    %broadcast_in_dim3A_171 = vector.shape_cast %get3A_170 : vector<512xf32> to vector<1x1x512xf32>
    %mul3A_172 = vector.broadcast %broadcast_in_dim3A_171 : vector<1x1x512xf32> to vector<16x128x512xf32>
    %mul3A_173 = arith.mulf %slice3A_165, %mul3A_172 : vector<16x128x512xf32>
    %add3A_174 = arith.addf %add3A_164, %mul3A_173 : vector<16x128x512xf32>
    %slice3A_175 = vector.extract_strided_slice %get3A_125 {offsets = [5, 0, 0], sizes = [16, 128, 512], strides = [1, 1, 1]} : vector<22x128x512xf32> to vector<16x128x512xf32>
    %get3A_176 = arith.constant 1 : index
    %get3A_177 = arith.constant 5 : index
    %get3A_178 = arith.constant 0 : index
    %get3A_179 = vector.load %arg2[%get3A_176, %get3A_177, %get3A_178] : memref<7x7x512xf32, #tpu.memory_space<vmem>>, vector<1x1x512xf32>
    %get3A_180 = vector.shape_cast %get3A_179 : vector<1x1x512xf32> to vector<512xf32>
    %broadcast_in_dim3A_181 = vector.shape_cast %get3A_180 : vector<512xf32> to vector<1x1x512xf32>
    %mul3A_182 = vector.broadcast %broadcast_in_dim3A_181 : vector<1x1x512xf32> to vector<16x128x512xf32>
    %mul3A_183 = arith.mulf %slice3A_175, %mul3A_182 : vector<16x128x512xf32>
    %add3A_184 = arith.addf %add3A_174, %mul3A_183 : vector<16x128x512xf32>
    %slice3A_185 = vector.extract_strided_slice %get3A_125 {offsets = [6, 0, 0], sizes = [16, 128, 512], strides = [1, 1, 1]} : vector<22x128x512xf32> to vector<16x128x512xf32>
    %get3A_186 = arith.constant 1 : index
    %get3A_187 = arith.constant 6 : index
    %get3A_188 = arith.constant 0 : index
    %get3A_189 = vector.load %arg2[%get3A_186, %get3A_187, %get3A_188] : memref<7x7x512xf32, #tpu.memory_space<vmem>>, vector<1x1x512xf32>
    %get3A_190 = vector.shape_cast %get3A_189 : vector<1x1x512xf32> to vector<512xf32>
    %broadcast_in_dim3A_191 = vector.shape_cast %get3A_190 : vector<512xf32> to vector<1x1x512xf32>
    %mul3A_192 = vector.broadcast %broadcast_in_dim3A_191 : vector<1x1x512xf32> to vector<16x128x512xf32>
    %mul3A_193 = arith.mulf %slice3A_185, %mul3A_192 : vector<16x128x512xf32>
    %add3A_194 = arith.addf %add3A_184, %mul3A_193 : vector<16x128x512xf32>
    %get3A_195 = arith.constant 0 : index
    %get3A_196 = arith.constant 0 : index
    %get3A_197 = arith.constant 0 : index
    %get3A_198 = vector.load %arg6[%get3A_195, %get3A_196, %get3A_197] : memref<16x128x512xf32, #tpu.memory_space<vmem>>, vector<16x128x512xf32>
    %add3A_199 = arith.addf %get3A_198, %add3A_194 : vector<16x128x512xf32>
    %swap3A_200 = arith.constant 0 : index
    %swap3A_201 = arith.constant 0 : index
    %swap3A_202 = arith.constant 0 : index
    %swap3A_203 = vector.load %arg6[%swap3A_200, %swap3A_201, %swap3A_202] : memref<16x128x512xf32, #tpu.memory_space<vmem>>, vector<16x128x512xf32>
    tpu.vector_store %arg6[%swap3A_200, %swap3A_201, %swap3A_202], %add3A_199 {strides = array<i32>} : memref<16x128x512xf32, #tpu.memory_space<vmem>>, vector<16x128x512xf32>,
    %get3A_204 = arith.index_cast %rem3A_0 : i32 to index
    %get3A_205 = arith.constant 0 : index
    %get3A_206 = arith.constant 2 : index
    %get3A_207 = arith.constant 0 : index
    %get3A_208 = vector.load %arg9[%get3A_204, %get3A_205, %get3A_206, %get3A_207] : memref<2x22x134x512xf32, #tpu.memory_space<vmem>>, vector<1x22x128x512xf32>
    %get3A_209 = vector.shape_cast %get3A_208 : vector<1x22x128x512xf32> to vector<22x128x512xf32>
    %swap3A_210 = arith.constant 0 : index
    %swap3A_211 = arith.constant 0 : index
    %swap3A_212 = arith.constant 0 : index
    %swap3A_213 = vector.load %arg10[%swap3A_210, %swap3A_211, %swap3A_212] : memref<22x128x512xf32, #tpu.memory_space<vmem>>, vector<22x128x512xf32>
    tpu.vector_store %arg10[%swap3A_210, %swap3A_211, %swap3A_212], %get3A_209 {strides = array<i32>} : memref<22x128x512xf32, #tpu.memory_space<vmem>>, vector<22x128x512xf32>,
    %get3A_214 = arith.constant 0 : index
    %get3A_215 = arith.constant 0 : index
    %get3A_216 = arith.constant 0 : index
    %get3A_217 = vector.load %arg10[%get3A_214, %get3A_215, %get3A_216] : memref<22x128x512xf32, #tpu.memory_space<vmem>>, vector<22x128x512xf32>
    %slice3A_218 = vector.extract_strided_slice %get3A_217 {offsets = [0, 0, 0], sizes = [16, 128, 512], strides = [1, 1, 1]} : vector<22x128x512xf32> to vector<16x128x512xf32>
    %get3A_219 = arith.constant 2 : index
    %get3A_220 = arith.constant 0 : index
    %get3A_221 = arith.constant 0 : index
    %get3A_222 = vector.load %arg2[%get3A_219, %get3A_220, %get3A_221] : memref<7x7x512xf32, #tpu.memory_space<vmem>>, vector<1x1x512xf32>
    %get3A_223 = vector.shape_cast %get3A_222 : vector<1x1x512xf32> to vector<512xf32>
    %broadcast_in_dim3A_224 = vector.shape_cast %get3A_223 : vector<512xf32> to vector<1x1x512xf32>
    %mul3A_225 = vector.broadcast %broadcast_in_dim3A_224 : vector<1x1x512xf32> to vector<16x128x512xf32>
    %mul3A_226 = arith.mulf %slice3A_218, %mul3A_225 : vector<16x128x512xf32>
    %slice3A_227 = vector.extract_strided_slice %get3A_217 {offsets = [1, 0, 0], sizes = [16, 128, 512], strides = [1, 1, 1]} : vector<22x128x512xf32> to vector<16x128x512xf32>
    %get3A_228 = arith.constant 2 : index
    %get3A_229 = arith.constant 1 : index
    %get3A_230 = arith.constant 0 : index
    %get3A_231 = vector.load %arg2[%get3A_228, %get3A_229, %get3A_230] : memref<7x7x512xf32, #tpu.memory_space<vmem>>, vector<1x1x512xf32>
    %get3A_232 = vector.shape_cast %get3A_231 : vector<1x1x512xf32> to vector<512xf32>
    %broadcast_in_dim3A_233 = vector.shape_cast %get3A_232 : vector<512xf32> to vector<1x1x512xf32>
    %mul3A_234 = vector.broadcast %broadcast_in_dim3A_233 : vector<1x1x512xf32> to vector<16x128x512xf32>
    %mul3A_235 = arith.mulf %slice3A_227, %mul3A_234 : vector<16x128x512xf32>
    %add3A_236 = arith.addf %mul3A_226, %mul3A_235 : vector<16x128x512xf32>
    %slice3A_237 = vector.extract_strided_slice %get3A_217 {offsets = [2, 0, 0], sizes = [16, 128, 512], strides = [1, 1, 1]} : vector<22x128x512xf32> to vector<16x128x512xf32>
    %get3A_238 = arith.constant 2 : index
    %get3A_239 = arith.constant 2 : index
    %get3A_240 = arith.constant 0 : index
    %get3A_241 = vector.load %arg2[%get3A_238, %get3A_239, %get3A_240] : memref<7x7x512xf32, #tpu.memory_space<vmem>>, vector<1x1x512xf32>
    %get3A_242 = vector.shape_cast %get3A_241 : vector<1x1x512xf32> to vector<512xf32>
    %broadcast_in_dim3A_243 = vector.shape_cast %get3A_242 : vector<512xf32> to vector<1x1x512xf32>
    %mul3A_244 = vector.broadcast %broadcast_in_dim3A_243 : vector<1x1x512xf32> to vector<16x128x512xf32>
    %mul3A_245 = arith.mulf %slice3A_237, %mul3A_244 : vector<16x128x512xf32>
    %add3A_246 = arith.addf %add3A_236, %mul3A_245 : vector<16x128x512xf32>
    %slice3A_247 = vector.extract_strided_slice %get3A_217 {offsets = [3, 0, 0], sizes = [16, 128, 512], strides = [1, 1, 1]} : vector<22x128x512xf32> to vector<16x128x512xf32>
    %get3A_248 = arith.constant 2 : index
    %get3A_249 = arith.constant 3 : index
    %get3A_250 = arith.constant 0 : index
    %get3A_251 = vector.load %arg2[%get3A_248, %get3A_249, %get3A_250] : memref<7x7x512xf32, #tpu.memory_space<vmem>>, vector<1x1x512xf32>
    %get3A_252 = vector.shape_cast %get3A_251 : vector<1x1x512xf32> to vector<512xf32>
    %broadcast_in_dim3A_253 = vector.shape_cast %get3A_252 : vector<512xf32> to vector<1x1x512xf32>
    %mul3A_254 = vector.broadcast %broadcast_in_dim3A_253 : vector<1x1x512xf32> to vector<16x128x512xf32>
    %mul3A_255 = arith.mulf %slice3A_247, %mul3A_254 : vector<16x128x512xf32>
    %add3A_256 = arith.addf %add3A_246, %mul3A_255 : vector<16x128x512xf32>
    %slice3A_257 = vector.extract_strided_slice %get3A_217 {offsets = [4, 0, 0], sizes = [16, 128, 512], strides = [1, 1, 1]} : vector<22x128x512xf32> to vector<16x128x512xf32>
    %get3A_258 = arith.constant 2 : index
    %get3A_259 = arith.constant 4 : index
    %get3A_260 = arith.constant 0 : index
    %get3A_261 = vector.load %arg2[%get3A_258, %get3A_259, %get3A_260] : memref<7x7x512xf32, #tpu.memory_space<vmem>>, vector<1x1x512xf32>
    %get3A_262 = vector.shape_cast %get3A_261 : vector<1x1x512xf32> to vector<512xf32>
    %broadcast_in_dim3A_263 = vector.shape_cast %get3A_262 : vector<512xf32> to vector<1x1x512xf32>
    %mul3A_264 = vector.broadcast %broadcast_in_dim3A_263 : vector<1x1x512xf32> to vector<16x128x512xf32>
    %mul3A_265 = arith.mulf %slice3A_257, %mul3A_264 : vector<16x128x512xf32>
    %add3A_266 = arith.addf %add3A_256, %mul3A_265 : vector<16x128x512xf32>
    %slice3A_267 = vector.extract_strided_slice %get3A_217 {offsets = [5, 0, 0], sizes = [16, 128, 512], strides = [1, 1, 1]} : vector<22x128x512xf32> to vector<16x128x512xf32>
    %get3A_268 = arith.constant 2 : index
    %get3A_269 = arith.constant 5 : index
    %get3A_270 = arith.constant 0 : index
    %get3A_271 = vector.load %arg2[%get3A_268, %get3A_269, %get3A_270] : memref<7x7x512xf32, #tpu.memory_space<vmem>>, vector<1x1x512xf32>
    %get3A_272 = vector.shape_cast %get3A_271 : vector<1x1x512xf32> to vector<512xf32>
    %broadcast_in_dim3A_273 = vector.shape_cast %get3A_272 : vector<512xf32> to vector<1x1x512xf32>
    %mul3A_274 = vector.broadcast %broadcast_in_dim3A_273 : vector<1x1x512xf32> to vector<16x128x512xf32>
    %mul3A_275 = arith.mulf %slice3A_267, %mul3A_274 : vector<16x128x512xf32>
    %add3A_276 = arith.addf %add3A_266, %mul3A_275 : vector<16x128x512xf32>
    %slice3A_277 = vector.extract_strided_slice %get3A_217 {offsets = [6, 0, 0], sizes = [16, 128, 512], strides = [1, 1, 1]} : vector<22x128x512xf32> to vector<16x128x512xf32>
    %get3A_278 = arith.constant 2 : index
    %get3A_279 = arith.constant 6 : index
    %get3A_280 = arith.constant 0 : index
    %get3A_281 = vector.load %arg2[%get3A_278, %get3A_279, %get3A_280] : memref<7x7x512xf32, #tpu.memory_space<vmem>>, vector<1x1x512xf32>
    %get3A_282 = vector.shape_cast %get3A_281 : vector<1x1x512xf32> to vector<512xf32>
    %broadcast_in_dim3A_283 = vector.shape_cast %get3A_282 : vector<512xf32> to vector<1x1x512xf32>
    %mul3A_284 = vector.broadcast %broadcast_in_dim3A_283 : vector<1x1x512xf32> to vector<16x128x512xf32>
    %mul3A_285 = arith.mulf %slice3A_277, %mul3A_284 : vector<16x128x512xf32>
    %add3A_286 = arith.addf %add3A_276, %mul3A_285 : vector<16x128x512xf32>
    %get3A_287 = arith.constant 0 : index
    %get3A_288 = arith.constant 0 : index
    %get3A_289 = arith.constant 0 : index
    %get3A_290 = vector.load %arg6[%get3A_287, %get3A_288, %get3A_289] : memref<16x128x512xf32, #tpu.memory_space<vmem>>, vector<16x128x512xf32>
    %add3A_291 = arith.addf %get3A_290, %add3A_286 : vector<16x128x512xf32>
    %swap3A_292 = arith.constant 0 : index
    %swap3A_293 = arith.constant 0 : index
    %swap3A_294 = arith.constant 0 : index
    %swap3A_295 = vector.load %arg6[%swap3A_292, %swap3A_293, %swap3A_294] : memref<16x128x512xf32, #tpu.memory_space<vmem>>, vector<16x128x512xf32>
    tpu.vector_store %arg6[%swap3A_292, %swap3A_293, %swap3A_294], %add3A_291 {strides = array<i32>} : memref<16x128x512xf32, #tpu.memory_space<vmem>>, vector<16x128x512xf32>,
    %get3A_296 = arith.index_cast %rem3A_0 : i32 to index
    %get3A_297 = arith.constant 0 : index
    %get3A_298 = arith.constant 3 : index
    %get3A_299 = arith.constant 0 : index
    %get3A_300 = vector.load %arg9[%get3A_296, %get3A_297, %get3A_298, %get3A_299] : memref<2x22x134x512xf32, #tpu.memory_space<vmem>>, vector<1x22x128x512xf32>
    %get3A_301 = vector.shape_cast %get3A_300 : vector<1x22x128x512xf32> to vector<22x128x512xf32>
    %swap3A_302 = arith.constant 0 : index
    %swap3A_303 = arith.constant 0 : index
    %swap3A_304 = arith.constant 0 : index
    %swap3A_305 = vector.load %arg10[%swap3A_302, %swap3A_303, %swap3A_304] : memref<22x128x512xf32, #tpu.memory_space<vmem>>, vector<22x128x512xf32>
    tpu.vector_store %arg10[%swap3A_302, %swap3A_303, %swap3A_304], %get3A_301 {strides = array<i32>} : memref<22x128x512xf32, #tpu.memory_space<vmem>>, vector<22x128x512xf32>,
    %get3A_306 = arith.constant 0 : index
    %get3A_307 = arith.constant 0 : index
    %get3A_308 = arith.constant 0 : index
    %get3A_309 = vector.load %arg10[%get3A_306, %get3A_307, %get3A_308] : memref<22x128x512xf32, #tpu.memory_space<vmem>>, vector<22x128x512xf32>
    %slice3A_310 = vector.extract_strided_slice %get3A_309 {offsets = [0, 0, 0], sizes = [16, 128, 512], strides = [1, 1, 1]} : vector<22x128x512xf32> to vector<16x128x512xf32>
    %get3A_311 = arith.constant 3 : index
    %get3A_312 = arith.constant 0 : index
    %get3A_313 = arith.constant 0 : index
    %get3A_314 = vector.load %arg2[%get3A_311, %get3A_312, %get3A_313] : memref<7x7x512xf32, #tpu.memory_space<vmem>>, vector<1x1x512xf32>
    %get3A_315 = vector.shape_cast %get3A_314 : vector<1x1x512xf32> to vector<512xf32>
    %broadcast_in_dim3A_316 = vector.shape_cast %get3A_315 : vector<512xf32> to vector<1x1x512xf32>
    %mul3A_317 = vector.broadcast %broadcast_in_dim3A_316 : vector<1x1x512xf32> to vector<16x128x512xf32>
    %mul3A_318 = arith.mulf %slice3A_310, %mul3A_317 : vector<16x128x512xf32>
    %slice3A_319 = vector.extract_strided_slice %get3A_309 {offsets = [1, 0, 0], sizes = [16, 128, 512], strides = [1, 1, 1]} : vector<22x128x512xf32> to vector<16x128x512xf32>
    %get3A_320 = arith.constant 3 : index
    %get3A_321 = arith.constant 1 : index
    %get3A_322 = arith.constant 0 : index
    %get3A_323 = vector.load %arg2[%get3A_320, %get3A_321, %get3A_322] : memref<7x7x512xf32, #tpu.memory_space<vmem>>, vector<1x1x512xf32>
    %get3A_324 = vector.shape_cast %get3A_323 : vector<1x1x512xf32> to vector<512xf32>
    %broadcast_in_dim3A_325 = vector.shape_cast %get3A_324 : vector<512xf32> to vector<1x1x512xf32>
    %mul3A_326 = vector.broadcast %broadcast_in_dim3A_325 : vector<1x1x512xf32> to vector<16x128x512xf32>
    %mul3A_327 = arith.mulf %slice3A_319, %mul3A_326 : vector<16x128x512xf32>
    %add3A_328 = arith.addf %mul3A_318, %mul3A_327 : vector<16x128x512xf32>
    %slice3A_329 = vector.extract_strided_slice %get3A_309 {offsets = [2, 0, 0], sizes = [16, 128, 512], strides = [1, 1, 1]} : vector<22x128x512xf32> to vector<16x128x512xf32>
    %get3A_330 = arith.constant 3 : index
    %get3A_331 = arith.constant 2 : index
    %get3A_332 = arith.constant 0 : index
    %get3A_333 = vector.load %arg2[%get3A_330, %get3A_331, %get3A_332] : memref<7x7x512xf32, #tpu.memory_space<vmem>>, vector<1x1x512xf32>
    %get3A_334 = vector.shape_cast %get3A_333 : vector<1x1x512xf32> to vector<512xf32>
    %broadcast_in_dim3A_335 = vector.shape_cast %get3A_334 : vector<512xf32> to vector<1x1x512xf32>
    %mul3A_336 = vector.broadcast %broadcast_in_dim3A_335 : vector<1x1x512xf32> to vector<16x128x512xf32>
    %mul3A_337 = arith.mulf %slice3A_329, %mul3A_336 : vector<16x128x512xf32>
    %add3A_338 = arith.addf %add3A_328, %mul3A_337 : vector<16x128x512xf32>
    %slice3A_339 = vector.extract_strided_slice %get3A_309 {offsets = [3, 0, 0], sizes = [16, 128, 512], strides = [1, 1, 1]} : vector<22x128x512xf32> to vector<16x128x512xf32>
    %get3A_340 = arith.constant 3 : index
    %get3A_341 = arith.constant 3 : index
    %get3A_342 = arith.constant 0 : index
    %get3A_343 = vector.load %arg2[%get3A_340, %get3A_341, %get3A_342] : memref<7x7x512xf32, #tpu.memory_space<vmem>>, vector<1x1x512xf32>
    %get3A_344 = vector.shape_cast %get3A_343 : vector<1x1x512xf32> to vector<512xf32>
    %broadcast_in_dim3A_345 = vector.shape_cast %get3A_344 : vector<512xf32> to vector<1x1x512xf32>
    %mul3A_346 = vector.broadcast %broadcast_in_dim3A_345 : vector<1x1x512xf32> to vector<16x128x512xf32>
    %mul3A_347 = arith.mulf %slice3A_339, %mul3A_346 : vector<16x128x512xf32>
    %add3A_348 = arith.addf %add3A_338, %mul3A_347 : vector<16x128x512xf32>
    %slice3A_349 = vector.extract_strided_slice %get3A_309 {offsets = [4, 0, 0], sizes = [16, 128, 512], strides = [1, 1, 1]} : vector<22x128x512xf32> to vector<16x128x512xf32>
    %get3A_350 = arith.constant 3 : index
    %get3A_351 = arith.constant 4 : index
    %get3A_352 = arith.constant 0 : index
    %get3A_353 = vector.load %arg2[%get3A_350, %get3A_351, %get3A_352] : memref<7x7x512xf32, #tpu.memory_space<vmem>>, vector<1x1x512xf32>
    %get3A_354 = vector.shape_cast %get3A_353 : vector<1x1x512xf32> to vector<512xf32>
    %broadcast_in_dim3A_355 = vector.shape_cast %get3A_354 : vector<512xf32> to vector<1x1x512xf32>
    %mul3A_356 = vector.broadcast %broadcast_in_dim3A_355 : vector<1x1x512xf32> to vector<16x128x512xf32>
    %mul3A_357 = arith.mulf %slice3A_349, %mul3A_356 : vector<16x128x512xf32>
    %add3A_358 = arith.addf %add3A_348, %mul3A_357 : vector<16x128x512xf32>
    %slice3A_359 = vector.extract_strided_slice %get3A_309 {offsets = [5, 0, 0], sizes = [16, 128, 512], strides = [1, 1, 1]} : vector<22x128x512xf32> to vector<16x128x512xf32>
    %get3A_360 = arith.constant 3 : index
    %get3A_361 = arith.constant 5 : index
    %get3A_362 = arith.constant 0 : index
    %get3A_363 = vector.load %arg2[%get3A_360, %get3A_361, %get3A_362] : memref<7x7x512xf32, #tpu.memory_space<vmem>>, vector<1x1x512xf32>
    %get3A_364 = vector.shape_cast %get3A_363 : vector<1x1x512xf32> to vector<512xf32>
    %broadcast_in_dim3A_365 = vector.shape_cast %get3A_364 : vector<512xf32> to vector<1x1x512xf32>
    %mul3A_366 = vector.broadcast %broadcast_in_dim3A_365 : vector<1x1x512xf32> to vector<16x128x512xf32>
    %mul3A_367 = arith.mulf %slice3A_359, %mul3A_366 : vector<16x128x512xf32>
    %add3A_368 = arith.addf %add3A_358, %mul3A_367 : vector<16x128x512xf32>
    %slice3A_369 = vector.extract_strided_slice %get3A_309 {offsets = [6, 0, 0], sizes = [16, 128, 512], strides = [1, 1, 1]} : vector<22x128x512xf32> to vector<16x128x512xf32>
    %get3A_370 = arith.constant 3 : index
    %get3A_371 = arith.constant 6 : index
    %get3A_372 = arith.constant 0 : index
    %get3A_373 = vector.load %arg2[%get3A_370, %get3A_371, %get3A_372] : memref<7x7x512xf32, #tpu.memory_space<vmem>>, vector<1x1x512xf32>
    %get3A_374 = vector.shape_cast %get3A_373 : vector<1x1x512xf32> to vector<512xf32>
    %broadcast_in_dim3A_375 = vector.shape_cast %get3A_374 : vector<512xf32> to vector<1x1x512xf32>
    %mul3A_376 = vector.broadcast %broadcast_in_dim3A_375 : vector<1x1x512xf32> to vector<16x128x512xf32>
    %mul3A_377 = arith.mulf %slice3A_369, %mul3A_376 : vector<16x128x512xf32>
    %add3A_378 = arith.addf %add3A_368, %mul3A_377 : vector<16x128x512xf32>
    %get3A_379 = arith.constant 0 : index
    %get3A_380 = arith.constant 0 : index
    %get3A_381 = arith.constant 0 : index
    %get3A_382 = vector.load %arg6[%get3A_379, %get3A_380, %get3A_381] : memref<16x128x512xf32, #tpu.memory_space<vmem>>, vector<16x128x512xf32>
    %add3A_383 = arith.addf %get3A_382, %add3A_378 : vector<16x128x512xf32>
    %swap3A_384 = arith.constant 0 : index
    %swap3A_385 = arith.constant 0 : index
    %swap3A_386 = arith.constant 0 : index
    %swap3A_387 = vector.load %arg6[%swap3A_384, %swap3A_385, %swap3A_386] : memref<16x128x512xf32, #tpu.memory_space<vmem>>, vector<16x128x512xf32>
    tpu.vector_store %arg6[%swap3A_384, %swap3A_385, %swap3A_386], %add3A_383 {strides = array<i32>} : memref<16x128x512xf32, #tpu.memory_space<vmem>>, vector<16x128x512xf32>,
    %get3A_388 = arith.index_cast %rem3A_0 : i32 to index
    %get3A_389 = arith.constant 0 : index
    %get3A_390 = arith.constant 4 : index
    %get3A_391 = arith.constant 0 : index
    %get3A_392 = vector.load %arg9[%get3A_388, %get3A_389, %get3A_390, %get3A_391] : memref<2x22x134x512xf32, #tpu.memory_space<vmem>>, vector<1x22x128x512xf32>
    %get3A_393 = vector.shape_cast %get3A_392 : vector<1x22x128x512xf32> to vector<22x128x512xf32>
    %swap3A_394 = arith.constant 0 : index
    %swap3A_395 = arith.constant 0 : index
    %swap3A_396 = arith.constant 0 : index
    %swap3A_397 = vector.load %arg10[%swap3A_394, %swap3A_395, %swap3A_396] : memref<22x128x512xf32, #tpu.memory_space<vmem>>, vector<22x128x512xf32>
    tpu.vector_store %arg10[%swap3A_394, %swap3A_395, %swap3A_396], %get3A_393 {strides = array<i32>} : memref<22x128x512xf32, #tpu.memory_space<vmem>>, vector<22x128x512xf32>,
    %get3A_398 = arith.constant 0 : index
    %get3A_399 = arith.constant 0 : index
    %get3A_400 = arith.constant 0 : index
    %get3A_401 = vector.load %arg10[%get3A_398, %get3A_399, %get3A_400] : memref<22x128x512xf32, #tpu.memory_space<vmem>>, vector<22x128x512xf32>
    %slice3A_402 = vector.extract_strided_slice %get3A_401 {offsets = [0, 0, 0], sizes = [16, 128, 512], strides = [1, 1, 1]} : vector<22x128x512xf32> to vector<16x128x512xf32>
    %get3A_403 = arith.constant 4 : index
    %get3A_404 = arith.constant 0 : index
    %get3A_405 = arith.constant 0 : index
    %get3A_406 = vector.load %arg2[%get3A_403, %get3A_404, %get3A_405] : memref<7x7x512xf32, #tpu.memory_space<vmem>>, vector<1x1x512xf32>
    %get3A_407 = vector.shape_cast %get3A_406 : vector<1x1x512xf32> to vector<512xf32>
    %broadcast_in_dim3A_408 = vector.shape_cast %get3A_407 : vector<512xf32> to vector<1x1x512xf32>
    %mul3A_409 = vector.broadcast %broadcast_in_dim3A_408 : vector<1x1x512xf32> to vector<16x128x512xf32>
    %mul3A_410 = arith.mulf %slice3A_402, %mul3A_409 : vector<16x128x512xf32>
    %slice3A_411 = vector.extract_strided_slice %get3A_401 {offsets = [1, 0, 0], sizes = [16, 128, 512], strides = [1, 1, 1]} : vector<22x128x512xf32> to vector<16x128x512xf32>
    %get3A_412 = arith.constant 4 : index
    %get3A_413 = arith.constant 1 : index
    %get3A_414 = arith.constant 0 : index
    %get3A_415 = vector.load %arg2[%get3A_412, %get3A_413, %get3A_414] : memref<7x7x512xf32, #tpu.memory_space<vmem>>, vector<1x1x512xf32>
    %get3A_416 = vector.shape_cast %get3A_415 : vector<1x1x512xf32> to vector<512xf32>
    %broadcast_in_dim3A_417 = vector.shape_cast %get3A_416 : vector<512xf32> to vector<1x1x512xf32>
    %mul3A_418 = vector.broadcast %broadcast_in_dim3A_417 : vector<1x1x512xf32> to vector<16x128x512xf32>
    %mul3A_419 = arith.mulf %slice3A_411, %mul3A_418 : vector<16x128x512xf32>
    %add3A_420 = arith.addf %mul3A_410, %mul3A_419 : vector<16x128x512xf32>
    %slice3A_421 = vector.extract_strided_slice %get3A_401 {offsets = [2, 0, 0], sizes = [16, 128, 512], strides = [1, 1, 1]} : vector<22x128x512xf32> to vector<16x128x512xf32>
    %get3A_422 = arith.constant 4 : index
    %get3A_423 = arith.constant 2 : index
    %get3A_424 = arith.constant 0 : index
    %get3A_425 = vector.load %arg2[%get3A_422, %get3A_423, %get3A_424] : memref<7x7x512xf32, #tpu.memory_space<vmem>>, vector<1x1x512xf32>
    %get3A_426 = vector.shape_cast %get3A_425 : vector<1x1x512xf32> to vector<512xf32>
    %broadcast_in_dim3A_427 = vector.shape_cast %get3A_426 : vector<512xf32> to vector<1x1x512xf32>
    %mul3A_428 = vector.broadcast %broadcast_in_dim3A_427 : vector<1x1x512xf32> to vector<16x128x512xf32>
    %mul3A_429 = arith.mulf %slice3A_421, %mul3A_428 : vector<16x128x512xf32>
    %add3A_430 = arith.addf %add3A_420, %mul3A_429 : vector<16x128x512xf32>
    %slice3A_431 = vector.extract_strided_slice %get3A_401 {offsets = [3, 0, 0], sizes = [16, 128, 512], strides = [1, 1, 1]} : vector<22x128x512xf32> to vector<16x128x512xf32>
    %get3A_432 = arith.constant 4 : index
    %get3A_433 = arith.constant 3 : index
    %get3A_434 = arith.constant 0 : index
    %get3A_435 = vector.load %arg2[%get3A_432, %get3A_433, %get3A_434] : memref<7x7x512xf32, #tpu.memory_space<vmem>>, vector<1x1x512xf32>
    %get3A_436 = vector.shape_cast %get3A_435 : vector<1x1x512xf32> to vector<512xf32>
    %broadcast_in_dim3A_437 = vector.shape_cast %get3A_436 : vector<512xf32> to vector<1x1x512xf32>
    %mul3A_438 = vector.broadcast %broadcast_in_dim3A_437 : vector<1x1x512xf32> to vector<16x128x512xf32>
    %mul3A_439 = arith.mulf %slice3A_431, %mul3A_438 : vector<16x128x512xf32>
    %add3A_440 = arith.addf %add3A_430, %mul3A_439 : vector<16x128x512xf32>
    %slice3A_441 = vector.extract_strided_slice %get3A_401 {offsets = [4, 0, 0], sizes = [16, 128, 512], strides = [1, 1, 1]} : vector<22x128x512xf32> to vector<16x128x512xf32>
    %get3A_442 = arith.constant 4 : index
    %get3A_443 = arith.constant 4 : index
    %get3A_444 = arith.constant 0 : index
    %get3A_445 = vector.load %arg2[%get3A_442, %get3A_443, %get3A_444] : memref<7x7x512xf32, #tpu.memory_space<vmem>>, vector<1x1x512xf32>
    %get3A_446 = vector.shape_cast %get3A_445 : vector<1x1x512xf32> to vector<512xf32>
    %broadcast_in_dim3A_447 = vector.shape_cast %get3A_446 : vector<512xf32> to vector<1x1x512xf32>
    %mul3A_448 = vector.broadcast %broadcast_in_dim3A_447 : vector<1x1x512xf32> to vector<16x128x512xf32>
    %mul3A_449 = arith.mulf %slice3A_441, %mul3A_448 : vector<16x128x512xf32>
    %add3A_450 = arith.addf %add3A_440, %mul3A_449 : vector<16x128x512xf32>
    %slice3A_451 = vector.extract_strided_slice %get3A_401 {offsets = [5, 0, 0], sizes = [16, 128, 512], strides = [1, 1, 1]} : vector<22x128x512xf32> to vector<16x128x512xf32>
    %get3A_452 = arith.constant 4 : index
    %get3A_453 = arith.constant 5 : index
    %get3A_454 = arith.constant 0 : index
    %get3A_455 = vector.load %arg2[%get3A_452, %get3A_453, %get3A_454] : memref<7x7x512xf32, #tpu.memory_space<vmem>>, vector<1x1x512xf32>
    %get3A_456 = vector.shape_cast %get3A_455 : vector<1x1x512xf32> to vector<512xf32>
    %broadcast_in_dim3A_457 = vector.shape_cast %get3A_456 : vector<512xf32> to vector<1x1x512xf32>
    %mul3A_458 = vector.broadcast %broadcast_in_dim3A_457 : vector<1x1x512xf32> to vector<16x128x512xf32>
    %mul3A_459 = arith.mulf %slice3A_451, %mul3A_458 : vector<16x128x512xf32>
    %add3A_460 = arith.addf %add3A_450, %mul3A_459 : vector<16x128x512xf32>
    %slice3A_461 = vector.extract_strided_slice %get3A_401 {offsets = [6, 0, 0], sizes = [16, 128, 512], strides = [1, 1, 1]} : vector<22x128x512xf32> to vector<16x128x512xf32>
    %get3A_462 = arith.constant 4 : index
    %get3A_463 = arith.constant 6 : index
    %get3A_464 = arith.constant 0 : index
    %get3A_465 = vector.load %arg2[%get3A_462, %get3A_463, %get3A_464] : memref<7x7x512xf32, #tpu.memory_space<vmem>>, vector<1x1x512xf32>
    %get3A_466 = vector.shape_cast %get3A_465 : vector<1x1x512xf32> to vector<512xf32>
    %broadcast_in_dim3A_467 = vector.shape_cast %get3A_466 : vector<512xf32> to vector<1x1x512xf32>
    %mul3A_468 = vector.broadcast %broadcast_in_dim3A_467 : vector<1x1x512xf32> to vector<16x128x512xf32>
    %mul3A_469 = arith.mulf %slice3A_461, %mul3A_468 : vector<16x128x512xf32>
    %add3A_470 = arith.addf %add3A_460, %mul3A_469 : vector<16x128x512xf32>
    %get3A_471 = arith.constant 0 : index
    %get3A_472 = arith.constant 0 : index
    %get3A_473 = arith.constant 0 : index
    %get3A_474 = vector.load %arg6[%get3A_471, %get3A_472, %get3A_473] : memref<16x128x512xf32, #tpu.memory_space<vmem>>, vector<16x128x512xf32>
    %add3A_475 = arith.addf %get3A_474, %add3A_470 : vector<16x128x512xf32>
    %swap3A_476 = arith.constant 0 : index
    %swap3A_477 = arith.constant 0 : index
    %swap3A_478 = arith.constant 0 : index
    %swap3A_479 = vector.load %arg6[%swap3A_476, %swap3A_477, %swap3A_478] : memref<16x128x512xf32, #tpu.memory_space<vmem>>, vector<16x128x512xf32>
    tpu.vector_store %arg6[%swap3A_476, %swap3A_477, %swap3A_478], %add3A_475 {strides = array<i32>} : memref<16x128x512xf32, #tpu.memory_space<vmem>>, vector<16x128x512xf32>,
    %get3A_480 = arith.index_cast %rem3A_0 : i32 to index
    %get3A_481 = arith.constant 0 : index
    %get3A_482 = arith.constant 5 : index
    %get3A_483 = arith.constant 0 : index
    %get3A_484 = vector.load %arg9[%get3A_480, %get3A_481, %get3A_482, %get3A_483] : memref<2x22x134x512xf32, #tpu.memory_space<vmem>>, vector<1x22x128x512xf32>
    %get3A_485 = vector.shape_cast %get3A_484 : vector<1x22x128x512xf32> to vector<22x128x512xf32>
    %swap3A_486 = arith.constant 0 : index
    %swap3A_487 = arith.constant 0 : index
    %swap3A_488 = arith.constant 0 : index
    %swap3A_489 = vector.load %arg10[%swap3A_486, %swap3A_487, %swap3A_488] : memref<22x128x512xf32, #tpu.memory_space<vmem>>, vector<22x128x512xf32>
    tpu.vector_store %arg10[%swap3A_486, %swap3A_487, %swap3A_488], %get3A_485 {strides = array<i32>} : memref<22x128x512xf32, #tpu.memory_space<vmem>>, vector<22x128x512xf32>,
    %get3A_490 = arith.constant 0 : index
    %get3A_491 = arith.constant 0 : index
    %get3A_492 = arith.constant 0 : index
    %get3A_493 = vector.load %arg10[%get3A_490, %get3A_491, %get3A_492] : memref<22x128x512xf32, #tpu.memory_space<vmem>>, vector<22x128x512xf32>
    %slice3A_494 = vector.extract_strided_slice %get3A_493 {offsets = [0, 0, 0], sizes = [16, 128, 512], strides = [1, 1, 1]} : vector<22x128x512xf32> to vector<16x128x512xf32>
    %get3A_495 = arith.constant 5 : index
    %get3A_496 = arith.constant 0 : index
    %get3A_497 = arith.constant 0 : index
    %get3A_498 = vector.load %arg2[%get3A_495, %get3A_496, %get3A_497] : memref<7x7x512xf32, #tpu.memory_space<vmem>>, vector<1x1x512xf32>
    %get3A_499 = vector.shape_cast %get3A_498 : vector<1x1x512xf32> to vector<512xf32>
    %broadcast_in_dim3A_500 = vector.shape_cast %get3A_499 : vector<512xf32> to vector<1x1x512xf32>
    %mul3A_501 = vector.broadcast %broadcast_in_dim3A_500 : vector<1x1x512xf32> to vector<16x128x512xf32>
    %mul3A_502 = arith.mulf %slice3A_494, %mul3A_501 : vector<16x128x512xf32>
    %slice3A_503 = vector.extract_strided_slice %get3A_493 {offsets = [1, 0, 0], sizes = [16, 128, 512], strides = [1, 1, 1]} : vector<22x128x512xf32> to vector<16x128x512xf32>
    %get3A_504 = arith.constant 5 : index
    %get3A_505 = arith.constant 1 : index
    %get3A_506 = arith.constant 0 : index
    %get3A_507 = vector.load %arg2[%get3A_504, %get3A_505, %get3A_506] : memref<7x7x512xf32, #tpu.memory_space<vmem>>, vector<1x1x512xf32>
    %get3A_508 = vector.shape_cast %get3A_507 : vector<1x1x512xf32> to vector<512xf32>
    %broadcast_in_dim3A_509 = vector.shape_cast %get3A_508 : vector<512xf32> to vector<1x1x512xf32>
    %mul3A_510 = vector.broadcast %broadcast_in_dim3A_509 : vector<1x1x512xf32> to vector<16x128x512xf32>
    %mul3A_511 = arith.mulf %slice3A_503, %mul3A_510 : vector<16x128x512xf32>
    %add3A_512 = arith.addf %mul3A_502, %mul3A_511 : vector<16x128x512xf32>
    %slice3A_513 = vector.extract_strided_slice %get3A_493 {offsets = [2, 0, 0], sizes = [16, 128, 512], strides = [1, 1, 1]} : vector<22x128x512xf32> to vector<16x128x512xf32>
    %get3A_514 = arith.constant 5 : index
    %get3A_515 = arith.constant 2 : index
    %get3A_516 = arith.constant 0 : index
    %get3A_517 = vector.load %arg2[%get3A_514, %get3A_515, %get3A_516] : memref<7x7x512xf32, #tpu.memory_space<vmem>>, vector<1x1x512xf32>
    %get3A_518 = vector.shape_cast %get3A_517 : vector<1x1x512xf32> to vector<512xf32>
    %broadcast_in_dim3A_519 = vector.shape_cast %get3A_518 : vector<512xf32> to vector<1x1x512xf32>
    %mul3A_520 = vector.broadcast %broadcast_in_dim3A_519 : vector<1x1x512xf32> to vector<16x128x512xf32>
    %mul3A_521 = arith.mulf %slice3A_513, %mul3A_520 : vector<16x128x512xf32>
    %add3A_522 = arith.addf %add3A_512, %mul3A_521 : vector<16x128x512xf32>
    %slice3A_523 = vector.extract_strided_slice %get3A_493 {offsets = [3, 0, 0], sizes = [16, 128, 512], strides = [1, 1, 1]} : vector<22x128x512xf32> to vector<16x128x512xf32>
    %get3A_524 = arith.constant 5 : index
    %get3A_525 = arith.constant 3 : index
    %get3A_526 = arith.constant 0 : index
    %get3A_527 = vector.load %arg2[%get3A_524, %get3A_525, %get3A_526] : memref<7x7x512xf32, #tpu.memory_space<vmem>>, vector<1x1x512xf32>
    %get3A_528 = vector.shape_cast %get3A_527 : vector<1x1x512xf32> to vector<512xf32>
    %broadcast_in_dim3A_529 = vector.shape_cast %get3A_528 : vector<512xf32> to vector<1x1x512xf32>
    %mul3A_530 = vector.broadcast %broadcast_in_dim3A_529 : vector<1x1x512xf32> to vector<16x128x512xf32>
    %mul3A_531 = arith.mulf %slice3A_523, %mul3A_530 : vector<16x128x512xf32>
    %add3A_532 = arith.addf %add3A_522, %mul3A_531 : vector<16x128x512xf32>
    %slice3A_533 = vector.extract_strided_slice %get3A_493 {offsets = [4, 0, 0], sizes = [16, 128, 512], strides = [1, 1, 1]} : vector<22x128x512xf32> to vector<16x128x512xf32>
    %get3A_534 = arith.constant 5 : index
    %get3A_535 = arith.constant 4 : index
    %get3A_536 = arith.constant 0 : index
    %get3A_537 = vector.load %arg2[%get3A_534, %get3A_535, %get3A_536] : memref<7x7x512xf32, #tpu.memory_space<vmem>>, vector<1x1x512xf32>
    %get3A_538 = vector.shape_cast %get3A_537 : vector<1x1x512xf32> to vector<512xf32>
    %broadcast_in_dim3A_539 = vector.shape_cast %get3A_538 : vector<512xf32> to vector<1x1x512xf32>
    %mul3A_540 = vector.broadcast %broadcast_in_dim3A_539 : vector<1x1x512xf32> to vector<16x128x512xf32>
    %mul3A_541 = arith.mulf %slice3A_533, %mul3A_540 : vector<16x128x512xf32>
    %add3A_542 = arith.addf %add3A_532, %mul3A_541 : vector<16x128x512xf32>
    %slice3A_543 = vector.extract_strided_slice %get3A_493 {offsets = [5, 0, 0], sizes = [16, 128, 512], strides = [1, 1, 1]} : vector<22x128x512xf32> to vector<16x128x512xf32>
    %get3A_544 = arith.constant 5 : index
    %get3A_545 = arith.constant 5 : index
    %get3A_546 = arith.constant 0 : index
    %get3A_547 = vector.load %arg2[%get3A_544, %get3A_545, %get3A_546] : memref<7x7x512xf32, #tpu.memory_space<vmem>>, vector<1x1x512xf32>
    %get3A_548 = vector.shape_cast %get3A_547 : vector<1x1x512xf32> to vector<512xf32>
    %broadcast_in_dim3A_549 = vector.shape_cast %get3A_548 : vector<512xf32> to vector<1x1x512xf32>
    %mul3A_550 = vector.broadcast %broadcast_in_dim3A_549 : vector<1x1x512xf32> to vector<16x128x512xf32>
    %mul3A_551 = arith.mulf %slice3A_543, %mul3A_550 : vector<16x128x512xf32>
    %add3A_552 = arith.addf %add3A_542, %mul3A_551 : vector<16x128x512xf32>
    %slice3A_553 = vector.extract_strided_slice %get3A_493 {offsets = [6, 0, 0], sizes = [16, 128, 512], strides = [1, 1, 1]} : vector<22x128x512xf32> to vector<16x128x512xf32>
    %get3A_554 = arith.constant 5 : index
    %get3A_555 = arith.constant 6 : index
    %get3A_556 = arith.constant 0 : index
    %get3A_557 = vector.load %arg2[%get3A_554, %get3A_555, %get3A_556] : memref<7x7x512xf32, #tpu.memory_space<vmem>>, vector<1x1x512xf32>
    %get3A_558 = vector.shape_cast %get3A_557 : vector<1x1x512xf32> to vector<512xf32>
    %broadcast_in_dim3A_559 = vector.shape_cast %get3A_558 : vector<512xf32> to vector<1x1x512xf32>
    %mul3A_560 = vector.broadcast %broadcast_in_dim3A_559 : vector<1x1x512xf32> to vector<16x128x512xf32>
    %mul3A_561 = arith.mulf %slice3A_553, %mul3A_560 : vector<16x128x512xf32>
    %add3A_562 = arith.addf %add3A_552, %mul3A_561 : vector<16x128x512xf32>
    %get3A_563 = arith.constant 0 : index
    %get3A_564 = arith.constant 0 : index
    %get3A_565 = arith.constant 0 : index
    %get3A_566 = vector.load %arg6[%get3A_563, %get3A_564, %get3A_565] : memref<16x128x512xf32, #tpu.memory_space<vmem>>, vector<16x128x512xf32>
    %add3A_567 = arith.addf %get3A_566, %add3A_562 : vector<16x128x512xf32>
    %swap3A_568 = arith.constant 0 : index
    %swap3A_569 = arith.constant 0 : index
    %swap3A_570 = arith.constant 0 : index
    %swap3A_571 = vector.load %arg6[%swap3A_568, %swap3A_569, %swap3A_570] : memref<16x128x512xf32, #tpu.memory_space<vmem>>, vector<16x128x512xf32>
    tpu.vector_store %arg6[%swap3A_568, %swap3A_569, %swap3A_570], %add3A_567 {strides = array<i32>} : memref<16x128x512xf32, #tpu.memory_space<vmem>>, vector<16x128x512xf32>,
    %get3A_572 = arith.index_cast %rem3A_0 : i32 to index
    %get3A_573 = arith.constant 0 : index
    %get3A_574 = arith.constant 6 : index
    %get3A_575 = arith.constant 0 : index
    %get3A_576 = vector.load %arg9[%get3A_572, %get3A_573, %get3A_574, %get3A_575] : memref<2x22x134x512xf32, #tpu.memory_space<vmem>>, vector<1x22x128x512xf32>
    %get3A_577 = vector.shape_cast %get3A_576 : vector<1x22x128x512xf32> to vector<22x128x512xf32>
    %swap3A_578 = arith.constant 0 : index
    %swap3A_579 = arith.constant 0 : index
    %swap3A_580 = arith.constant 0 : index
    %swap3A_581 = vector.load %arg10[%swap3A_578, %swap3A_579, %swap3A_580] : memref<22x128x512xf32, #tpu.memory_space<vmem>>, vector<22x128x512xf32>
    tpu.vector_store %arg10[%swap3A_578, %swap3A_579, %swap3A_580], %get3A_577 {strides = array<i32>} : memref<22x128x512xf32, #tpu.memory_space<vmem>>, vector<22x128x512xf32>,
    %get3A_582 = arith.constant 0 : index
    %get3A_583 = arith.constant 0 : index
    %get3A_584 = arith.constant 0 : index
    %get3A_585 = vector.load %arg10[%get3A_582, %get3A_583, %get3A_584] : memref<22x128x512xf32, #tpu.memory_space<vmem>>, vector<22x128x512xf32>
    %slice3A_586 = vector.extract_strided_slice %get3A_585 {offsets = [0, 0, 0], sizes = [16, 128, 512], strides = [1, 1, 1]} : vector<22x128x512xf32> to vector<16x128x512xf32>
    %get3A_587 = arith.constant 6 : index
    %get3A_588 = arith.constant 0 : index
    %get3A_589 = arith.constant 0 : index
    %get3A_590 = vector.load %arg2[%get3A_587, %get3A_588, %get3A_589] : memref<7x7x512xf32, #tpu.memory_space<vmem>>, vector<1x1x512xf32>
    %get3A_591 = vector.shape_cast %get3A_590 : vector<1x1x512xf32> to vector<512xf32>
    %broadcast_in_dim3A_592 = vector.shape_cast %get3A_591 : vector<512xf32> to vector<1x1x512xf32>
    %mul3A_593 = vector.broadcast %broadcast_in_dim3A_592 : vector<1x1x512xf32> to vector<16x128x512xf32>
    %mul3A_594 = arith.mulf %slice3A_586, %mul3A_593 : vector<16x128x512xf32>
    %slice3A_595 = vector.extract_strided_slice %get3A_585 {offsets = [1, 0, 0], sizes = [16, 128, 512], strides = [1, 1, 1]} : vector<22x128x512xf32> to vector<16x128x512xf32>
    %get3A_596 = arith.constant 6 : index
    %get3A_597 = arith.constant 1 : index
    %get3A_598 = arith.constant 0 : index
    %get3A_599 = vector.load %arg2[%get3A_596, %get3A_597, %get3A_598] : memref<7x7x512xf32, #tpu.memory_space<vmem>>, vector<1x1x512xf32>
    %get3A_600 = vector.shape_cast %get3A_599 : vector<1x1x512xf32> to vector<512xf32>
    %broadcast_in_dim3A_601 = vector.shape_cast %get3A_600 : vector<512xf32> to vector<1x1x512xf32>
    %mul3A_602 = vector.broadcast %broadcast_in_dim3A_601 : vector<1x1x512xf32> to vector<16x128x512xf32>
    %mul3A_603 = arith.mulf %slice3A_595, %mul3A_602 : vector<16x128x512xf32>
    %add3A_604 = arith.addf %mul3A_594, %mul3A_603 : vector<16x128x512xf32>
    %slice3A_605 = vector.extract_strided_slice %get3A_585 {offsets = [2, 0, 0], sizes = [16, 128, 512], strides = [1, 1, 1]} : vector<22x128x512xf32> to vector<16x128x512xf32>
    %get3A_606 = arith.constant 6 : index
    %get3A_607 = arith.constant 2 : index
    %get3A_608 = arith.constant 0 : index
    %get3A_609 = vector.load %arg2[%get3A_606, %get3A_607, %get3A_608] : memref<7x7x512xf32, #tpu.memory_space<vmem>>, vector<1x1x512xf32>
    %get3A_610 = vector.shape_cast %get3A_609 : vector<1x1x512xf32> to vector<512xf32>
    %broadcast_in_dim3A_611 = vector.shape_cast %get3A_610 : vector<512xf32> to vector<1x1x512xf32>
    %mul3A_612 = vector.broadcast %broadcast_in_dim3A_611 : vector<1x1x512xf32> to vector<16x128x512xf32>
    %mul3A_613 = arith.mulf %slice3A_605, %mul3A_612 : vector<16x128x512xf32>
    %add3A_614 = arith.addf %add3A_604, %mul3A_613 : vector<16x128x512xf32>
    %slice3A_615 = vector.extract_strided_slice %get3A_585 {offsets = [3, 0, 0], sizes = [16, 128, 512], strides = [1, 1, 1]} : vector<22x128x512xf32> to vector<16x128x512xf32>
    %get3A_616 = arith.constant 6 : index
    %get3A_617 = arith.constant 3 : index
    %get3A_618 = arith.constant 0 : index
    %get3A_619 = vector.load %arg2[%get3A_616, %get3A_617, %get3A_618] : memref<7x7x512xf32, #tpu.memory_space<vmem>>, vector<1x1x512xf32>
    %get3A_620 = vector.shape_cast %get3A_619 : vector<1x1x512xf32> to vector<512xf32>
    %broadcast_in_dim3A_621 = vector.shape_cast %get3A_620 : vector<512xf32> to vector<1x1x512xf32>
    %mul3A_622 = vector.broadcast %broadcast_in_dim3A_621 : vector<1x1x512xf32> to vector<16x128x512xf32>
    %mul3A_623 = arith.mulf %slice3A_615, %mul3A_622 : vector<16x128x512xf32>
    %add3A_624 = arith.addf %add3A_614, %mul3A_623 : vector<16x128x512xf32>
    %slice3A_625 = vector.extract_strided_slice %get3A_585 {offsets = [4, 0, 0], sizes = [16, 128, 512], strides = [1, 1, 1]} : vector<22x128x512xf32> to vector<16x128x512xf32>
    %get3A_626 = arith.constant 6 : index
    %get3A_627 = arith.constant 4 : index
    %get3A_628 = arith.constant 0 : index
    %get3A_629 = vector.load %arg2[%get3A_626, %get3A_627, %get3A_628] : memref<7x7x512xf32, #tpu.memory_space<vmem>>, vector<1x1x512xf32>
    %get3A_630 = vector.shape_cast %get3A_629 : vector<1x1x512xf32> to vector<512xf32>
    %broadcast_in_dim3A_631 = vector.shape_cast %get3A_630 : vector<512xf32> to vector<1x1x512xf32>
    %mul3A_632 = vector.broadcast %broadcast_in_dim3A_631 : vector<1x1x512xf32> to vector<16x128x512xf32>
    %mul3A_633 = arith.mulf %slice3A_625, %mul3A_632 : vector<16x128x512xf32>
    %add3A_634 = arith.addf %add3A_624, %mul3A_633 : vector<16x128x512xf32>
    %slice3A_635 = vector.extract_strided_slice %get3A_585 {offsets = [5, 0, 0], sizes = [16, 128, 512], strides = [1, 1, 1]} : vector<22x128x512xf32> to vector<16x128x512xf32>
    %get3A_636 = arith.constant 6 : index
    %get3A_637 = arith.constant 5 : index
    %get3A_638 = arith.constant 0 : index
    %get3A_639 = vector.load %arg2[%get3A_636, %get3A_637, %get3A_638] : memref<7x7x512xf32, #tpu.memory_space<vmem>>, vector<1x1x512xf32>
    %get3A_640 = vector.shape_cast %get3A_639 : vector<1x1x512xf32> to vector<512xf32>
    %broadcast_in_dim3A_641 = vector.shape_cast %get3A_640 : vector<512xf32> to vector<1x1x512xf32>
    %mul3A_642 = vector.broadcast %broadcast_in_dim3A_641 : vector<1x1x512xf32> to vector<16x128x512xf32>
    %mul3A_643 = arith.mulf %slice3A_635, %mul3A_642 : vector<16x128x512xf32>
    %add3A_644 = arith.addf %add3A_634, %mul3A_643 : vector<16x128x512xf32>
    %slice3A_645 = vector.extract_strided_slice %get3A_585 {offsets = [6, 0, 0], sizes = [16, 128, 512], strides = [1, 1, 1]} : vector<22x128x512xf32> to vector<16x128x512xf32>
    %get3A_646 = arith.constant 6 : index
    %get3A_647 = arith.constant 6 : index
    %get3A_648 = arith.constant 0 : index
    %get3A_649 = vector.load %arg2[%get3A_646, %get3A_647, %get3A_648] : memref<7x7x512xf32, #tpu.memory_space<vmem>>, vector<1x1x512xf32>
    %get3A_650 = vector.shape_cast %get3A_649 : vector<1x1x512xf32> to vector<512xf32>
    %broadcast_in_dim3A_651 = vector.shape_cast %get3A_650 : vector<512xf32> to vector<1x1x512xf32>
    %mul3A_652 = vector.broadcast %broadcast_in_dim3A_651 : vector<1x1x512xf32> to vector<16x128x512xf32>
    %mul3A_653 = arith.mulf %slice3A_645, %mul3A_652 : vector<16x128x512xf32>
    %add3A_654 = arith.addf %add3A_644, %mul3A_653 : vector<16x128x512xf32>
    %get3A_655 = arith.constant 0 : index
    %get3A_656 = arith.constant 0 : index
    %get3A_657 = arith.constant 0 : index
    %get3A_658 = vector.load %arg6[%get3A_655, %get3A_656, %get3A_657] : memref<16x128x512xf32, #tpu.memory_space<vmem>>, vector<16x128x512xf32>
    %add3A_659 = arith.addf %get3A_658, %add3A_654 : vector<16x128x512xf32>
    %swap3A_660 = arith.constant 0 : index
    %swap3A_661 = arith.constant 0 : index
    %swap3A_662 = arith.constant 0 : index
    %swap3A_663 = vector.load %arg6[%swap3A_660, %swap3A_661, %swap3A_662] : memref<16x128x512xf32, #tpu.memory_space<vmem>>, vector<16x128x512xf32>
    tpu.vector_store %arg6[%swap3A_660, %swap3A_661, %swap3A_662], %add3A_659 {strides = array<i32>} : memref<16x128x512xf32, #tpu.memory_space<vmem>>, vector<16x128x512xf32>,
    %get3A_664 = arith.constant 0 : index
    %get3A_665 = arith.constant 0 : index
    %get3A_666 = arith.constant 0 : index
    %get3A_667 = vector.load %arg6[%get3A_664, %get3A_665, %get3A_666] : memref<16x128x512xf32, #tpu.memory_space<vmem>>, vector<16x128x512xf32>
    %reduce_sum3A = arith.constant dense<0.000000e+00> : vector<512xf32>
    %reduce_sum3A_668 = vector.multi_reduction <add>, %get3A_667, %reduce_sum3A [0, 1] : vector<16x128x512xf32> to vector<512xf32>
    %broadcast_in_dim3A_669 = vector.shape_cast %reduce_sum3A_668 : vector<512xf32> to vector<1x512xf32>
    %mul3A_670 = arith.mulf %get3A_667, %get3A_667 : vector<16x128x512xf32>
    %reduce_sum3A_671 = arith.constant dense<0.000000e+00> : vector<512xf32>
    %reduce_sum3A_672 = vector.multi_reduction <add>, %mul3A_670, %reduce_sum3A_671 [0, 1] : vector<16x128x512xf32> to vector<512xf32>
    %broadcast_in_dim3A_673 = vector.shape_cast %reduce_sum3A_672 : vector<512xf32> to vector<1x512xf32>
    %eq3A_674 = arith.constant 0 : i32
    %eq3A_675 = arith.cmpi eq, %arg0, %eq3A_674 : i32
    %convert_element_type3A_676 = arith.extui %eq3A_675 : i1 to i32
    %cond3A_677 = arith.constant 0 : i32
    %cond3A_678 = arith.cmpi ne, %convert_element_type3A_676, %cond3A_677 : i32
    scf.if %cond3A_678 {
      %swap3A_713 = arith.constant 0 : index
      %swap3A_714 = arith.constant 0 : index
      %swap3A_715 = vector.load %arg11[%swap3A_713, %swap3A_714] : memref<1x512xf32, #tpu.memory_space<vmem>>, vector<1x512xf32>
      tpu.vector_store %arg11[%swap3A_713, %swap3A_714], %broadcast_in_dim3A_669 {strides = array<i32>} : memref<1x512xf32, #tpu.memory_space<vmem>>, vector<1x512xf32>,
      %swap3A_716 = arith.constant 0 : index
      %swap3A_717 = arith.constant 0 : index
      %swap3A_718 = vector.load %arg12[%swap3A_716, %swap3A_717] : memref<1x512xf32, #tpu.memory_space<vmem>>, vector<1x512xf32>
      tpu.vector_store %arg12[%swap3A_716, %swap3A_717], %broadcast_in_dim3A_673 {strides = array<i32>} : memref<1x512xf32, #tpu.memory_space<vmem>>, vector<1x512xf32>,
    } else {
    }
    %gt3A = arith.constant 0 : i32
    %gt3A_679 = arith.cmpi sgt, %arg0, %gt3A : i32
    %convert_element_type3A_680 = arith.extui %gt3A_679 : i1 to i32
    %cond3A_681 = arith.constant 0 : i32
    %cond3A_682 = arith.cmpi ne, %convert_element_type3A_680, %cond3A_681 : i32
    scf.if %cond3A_682 {
      %get3A_713 = arith.constant 0 : index
      %get3A_714 = arith.constant 0 : index
      %get3A_715 = vector.load %arg11[%get3A_713, %get3A_714] : memref<1x512xf32, #tpu.memory_space<vmem>>, vector<1x512xf32>
      %add3A_716 = arith.addf %get3A_715, %broadcast_in_dim3A_669 : vector<1x512xf32>
      %swap3A_717 = arith.constant 0 : index
      %swap3A_718 = arith.constant 0 : index
      %swap3A_719 = vector.load %arg11[%swap3A_717, %swap3A_718] : memref<1x512xf32, #tpu.memory_space<vmem>>, vector<1x512xf32>
      tpu.vector_store %arg11[%swap3A_717, %swap3A_718], %add3A_716 {strides = array<i32>} : memref<1x512xf32, #tpu.memory_space<vmem>>, vector<1x512xf32>,
      %get3A_720 = arith.constant 0 : index
      %get3A_721 = arith.constant 0 : index
      %get3A_722 = vector.load %arg12[%get3A_720, %get3A_721] : memref<1x512xf32, #tpu.memory_space<vmem>>, vector<1x512xf32>
      %add3A_723 = arith.addf %get3A_722, %broadcast_in_dim3A_673 : vector<1x512xf32>
      %swap3A_724 = arith.constant 0 : index
      %swap3A_725 = arith.constant 0 : index
      %swap3A_726 = vector.load %arg12[%swap3A_724, %swap3A_725] : memref<1x512xf32, #tpu.memory_space<vmem>>, vector<1x512xf32>
      tpu.vector_store %arg12[%swap3A_724, %swap3A_725], %add3A_723 {strides = array<i32>} : memref<1x512xf32, #tpu.memory_space<vmem>>, vector<1x512xf32>,
    } else {
    }
    %get3A_683 = arith.constant 0 : index
    %get3A_684 = arith.constant 0 : index
    %get3A_685 = vector.load %arg11[%get3A_683, %get3A_684] : memref<1x512xf32, #tpu.memory_space<vmem>>, vector<1x512xf32>
    %div3A = arith.constant 1.638400e+04 : f32
    %div3A_686 = vector.broadcast %div3A : f32 to vector<1x512xf32>
    %div3A_687 = arith.divf %get3A_685, %div3A_686 : vector<1x512xf32>
    %get3A_688 = arith.constant 0 : index
    %get3A_689 = arith.constant 0 : index
    %get3A_690 = vector.load %arg12[%get3A_688, %get3A_689] : memref<1x512xf32, #tpu.memory_space<vmem>>, vector<1x512xf32>
    %div3A_691 = arith.constant 1.638400e+04 : f32
    %div3A_692 = vector.broadcast %div3A_691 : f32 to vector<1x512xf32>
    %div3A_693 = arith.divf %get3A_690, %div3A_692 : vector<1x512xf32>
    %mul3A_694 = arith.mulf %div3A_687, %div3A_687 : vector<1x512xf32>
    %sub3A = arith.subf %div3A_693, %mul3A_694 : vector<1x512xf32>
    %get3A_695 = arith.constant 0 : index
    %get3A_696 = arith.constant 0 : index
    %get3A_697 = vector.load %arg4[%get3A_695, %get3A_696] : memref<1x512xf32, #tpu.memory_space<vmem>>, vector<1x512xf32>
    %add3A_698 = arith.constant 9.99999974E-6 : f32
    %add3A_699 = vector.broadcast %add3A_698 : f32 to vector<1x512xf32>
    %add3A_700 = arith.addf %sub3A, %add3A_699 : vector<1x512xf32>
    %rsqrt3A = math.rsqrt %add3A_700 : vector<1x512xf32>
    %mul3A_701 = arith.mulf %get3A_697, %rsqrt3A : vector<1x512xf32>
    %swap3A_702 = arith.constant 0 : index
    %swap3A_703 = arith.constant 0 : index
    %swap3A_704 = vector.load %arg7[%swap3A_702, %swap3A_703] : memref<1x512xf32, #tpu.memory_space<vmem>>, vector<1x512xf32>
    tpu.vector_store %arg7[%swap3A_702, %swap3A_703], %mul3A_701 {strides = array<i32>} : memref<1x512xf32, #tpu.memory_space<vmem>>, vector<1x512xf32>,
    %get3A_705 = arith.constant 0 : index
    %get3A_706 = arith.constant 0 : index
    %get3A_707 = vector.load %arg5[%get3A_705, %get3A_706] : memref<1x512xf32, #tpu.memory_space<vmem>>, vector<1x512xf32>
    %mul3A_708 = arith.mulf %div3A_687, %mul3A_701 : vector<1x512xf32>
    %sub3A_709 = arith.subf %get3A_707, %mul3A_708 : vector<1x512xf32>
    %swap3A_710 = arith.constant 0 : index
    %swap3A_711 = arith.constant 0 : index
    %swap3A_712 = vector.load %arg8[%swap3A_710, %swap3A_711] : memref<1x512xf32, #tpu.memory_space<vmem>>, vector<1x512xf32>
    tpu.vector_store %arg8[%swap3A_710, %swap3A_711], %sub3A_709 {strides = array<i32>} : memref<1x512xf32, #tpu.memory_space<vmem>>, vector<1x512xf32>,
    return
  }
  func.func @transform_1(%arg0: i32) -> (i32, i32, i32) {
    %c0_i32 = arith.constant 0 : i32
    %c0_i32_0 = arith.constant 0 : i32
    %c0_i32_1 = arith.constant 0 : i32
    %c0_i32_2 = arith.constant 0 : i32
    return %c0_i32, %c0_i32_0, %c0_i32_1 : i32, i32, i32
  }
  func.func @transform_2(%arg0: i32) -> (i32, i32) {
    %c0_i32 = arith.constant 0 : i32
    %c0_i32_0 = arith.constant 0 : i32
    %c0_i32_1 = arith.constant 0 : i32
    return %c0_i32, %c0_i32_0 : i32, i32
  }
  func.func @transform_3(%arg0: i32) -> (i32, i32) {
    %c0_i32 = arith.constant 0 : i32
    %c0_i32_0 = arith.constant 0 : i32
    %c0_i32_1 = arith.constant 0 : i32
    return %c0_i32, %c0_i32_0 : i32, i32
  }
  func.func @transform_4(%arg0: i32) -> (i32, i32) {
    %c0_i32 = arith.constant 0 : i32
    %c0_i32_0 = arith.constant 0 : i32
    %c0_i32_1 = arith.constant 0 : i32
    return %c0_i32, %c0_i32_0 : i32, i32
  }
  func.func @transform_5(%arg0: i32) -> (i32, i32, i32) {
    %c0_i32 = arith.constant 0 : i32
    %c0_i32_0 = arith.constant 0 : i32
    %c0_i32_1 = arith.constant 0 : i32
    return %arg0, %c0_i32, %c0_i32_0 : i32, i32, i32
  }
  func.func @transform_6(%arg0: i32) -> (i32, i32) {
    %c0_i32 = arith.constant 0 : i32
    %c0_i32_0 = arith.constant 0 : i32
    %c0_i32_1 = arith.constant 0 : i32
    return %c0_i32, %c0_i32_0 : i32, i32
  }
  func.func @transform_7(%arg0: i32) -> (i32, i32) {
    %c0_i32 = arith.constant 0 : i32
    %c0_i32_0 = arith.constant 0 : i32
    %c0_i32_1 = arith.constant 0 : i32
    return %c0_i32, %c0_i32_0 : i32, i32
  }
}

</mosaic_0001>

<sc_bundles>
// kernel: kernel.10.cloned.1.call-start
scs
__scs_entry_jumppad:
0x0: {  	(pc) =	sbr.rel $0x88, $3  }
0x1: {  	(tag) =	ssettag $0x0;
	lr =	simm.s32 $0x1  }
0x2: {  	[smem:$0x3F97] =	sst lr;
	_ =	strace $0xD0000000  }
0x3: {  	_ = 	snop  }
0x4: {  	_ = 	snop  }
0x5: {  	_ = 	snop  }
0x6: {  	_ = 	snop  }
0x7: {  	_ = 	snop  }
__scs_overlays_trampoline_lowered:
0x8: {  	[smem:$0x3FA6] =	sst s0  }
0x9: {  	[smem:$0x3FA7] =	sst s1  }
0xa: {  	[smem:$0x3FA8] =	sst s2  }
0xb: {  	[smem:$0x3FA9] =	sst s3  }
0xc: {  	[smem:$0x3FAA] =	sst s4  }
0xd: {  	[smem:$0x3FAB] =	sst s5  }
0xe: {  	[smem:$0x3FAC] =	sst s6  }
0xf: {  	[smem:$0x3FAD] =	sst s7  }
0x10: {  	[smem:$0x3FAE] =	sst s8  }
0x11: {  	[smem:$0x3FAF] =	sst s9;
	s0 =	simm.s32 @!p0 $0x0  }
0x12: {  	s1 =	sld [smem:$0x3F95];
	s0 =	simm.s32 @p0 $0x1  }
0x13: {  	[smem:$0x3FB0] =	sst s0;
	s0 =	simm.s32 @!p1 $0x0  }
0x14: {  	s2 =	sld [smem:$0x3F94];
	s0 =	simm.s32 @p1 $0x1  }
0x15: {  	[smem:$0x3FB1] =	sst s0;
	s0 =	simm.s32 @!p2 $0x0  }
0x16: {  	s3 =	sld [smem:$0x3FDB];
	s0 =	simm.s32 @p2 $0x1  }
0x17: {  	s4 =	simm.s32 $0x1BF5;
	[smem:$0x3FB3] =	sst s0  }
0x18: {  	s0 =	sld [smem:$0x3F96];
	_ =	swait.ge [sflag:s4], $0x0  }
0x19: {  	s7 =	sld [smem:$0x3F97]  }
0x1a: {  	s8 =	sadd.s32 $0xFFFFE003, lr  }
0x1b: {  	s9 =	sadd.s32 $0xFFFFFEF7, lr;
	s5 =	simm.s32 $0xFFFFFFFF;
	p2 =	slt.u32 s8, $0xFFFFF086  }
0x1c: {  	p1 =	slt.u32 s9, $0xF7A;
	s5 =	simm.s32 @!p2 $0x0  }
0x1d: {  	s5 =	simm.s32 @p1 $0x1;
	p0 =	seq.s32 s7, s2  }
0x1e: {  	s7 =	smul.u32 @!p0 $0xF7A, s2;
	p2 =	seq.s32 @!p0 s5, $0x0  }
0x1f: {  	s9 =	smul.u32 $0xF7A, s1;
	s8 =	simm.s32 @!p0 $0x1BF5;
	p2 =	por !p2, p0  }
0x20: {  	[sflag:s8] =	ssyncset.s32 @!p0 $0xFFFFF086;
	s6 =	sadd.s32 @!p0 s3, s7;
	s7 =	simm.s32 @!p0 $0x108  }
0x21: {  	s3 =	sadd.s32 s3, s9;
	s6 =	sadd.s32 @!p0 $0x88, s6;
	s7 =	simm.s32 @p2 $0x1082  }
0x22: {  	[simem:s7], [sflag:s8] =	dma.local @!p0 [hbm:s6], $0xF7A  }
0x23: {  	s9 =	sor.u32 $0xD0000000, s2;
	s6 =	simm.s32 $0x108;
	_ =	swait.ge @!p0 [sflag:s8], $0x0  }
0x24: {  	s3 =	sadd.s32 $0x88, s3;
	s6 =	simm.s32 @!p1 $0x1082;
	[sflag:s4] =	ssyncset.s32 $0xFFFFF086  }
0x25: {  	[simem:s6], [sflag:s4] =	dma.local [hbm:s3], $0xF7A  }
0x26: {  	[smem:$0x3F97] =	sst s1;
	(tag) =	ssettag s2;
	_ =	strace s9  }
0x27: {  	s1 =	sld [smem:$0x3FA7]  }
0x28: {  	s2 =	sld [smem:$0x3FA8]  }
0x29: {  	s4 =	sld [smem:$0x3FAA]  }
0x2a: {  	p0 =	seq.s32 s5, $0x0;
	s5 =	sld [smem:$0x3FAB]  }
0x2b: {  	s6 =	sld [smem:$0x3FAC]  }
0x2c: {  	s7 =	sld [smem:$0x3FAD]  }
0x2d: {  	s3 =	simm.s32 $0x108;
	s8 =	sld [smem:$0x3FAE]  }
0x2e: {  	s3 =	simm.s32 @!p0 $0x1082;
	s9 =	sld [smem:$0x3FAF]  }
0x2f: {  	lr =	sadd.s32 s0, s3;
	s0 =	sld [smem:$0x3FA6]  }
0x30: {  	s3 =	sld [smem:$0x3FA9]  }
0x31: {  	[smem:$0x3FB2] =	sst s10  }
0x32: {  	s10 =	sld [smem:$0x3FB0];
	_ =	sdelay $0x3  }
0x33: {  	p0 =	seq.s32 s10, $0x1;
	s10 =	sld [smem:$0x3FB2];
	_ =	sdelay $0x3  }
0x34: {  	[smem:$0x3FB2] =	sst s10  }
0x35: {  	s10 =	sld [smem:$0x3FB1];
	_ =	sdelay $0x3  }
0x36: {  	p1 =	seq.s32 s10, $0x1;
	s10 =	sld [smem:$0x3FB2];
	_ =	sdelay $0x3  }
0x37: {  	[smem:$0x3FB2] =	sst s10  }
0x38: {  	s10 =	sld [smem:$0x3FB3]  }
0x39: {  	_ = 	snop;
	(pc) =	sbr.ind lr, $3  }
0x3a: {  	_ = 	snop  }
0x3b: {  	_ = 	snop  }
0x3c: {  	p2 =	seq.s32 s10, $0x1;
	s10 =	sld [smem:$0x3FB2]  }
0x3d: {  	_ =	shalt  }
0x3e: {  	_ =	shalt  }
0x3f: {  	_ =	shalt  }
0x40: {  	_ =	shalt  }
0x41: {  	_ =	shalt  }
0x42: {  	_ =	shalt  }
0x43: {  	_ =	shalt  }
0x44: {  	_ =	shalt  }
0x45: {  	_ =	shalt  }
0x46: {  	_ =	shalt  }
0x47: {  	_ =	shalt  }
0x48: {  	_ =	shalt  }
0x49: {  	_ =	shalt  }
0x4a: {  	_ =	shalt  }
0x4b: {  	_ =	shalt  }
0x4c: {  	_ =	shalt  }
0x4d: {  	_ =	shalt  }
0x4e: {  	_ =	shalt  }
0x4f: {  	_ =	shalt  }
0x50: {  	_ =	shalt  }
0x51: {  	_ =	shalt  }
0x52: {  	_ =	shalt  }
0x53: {  	_ =	shalt  }
0x54: {  	_ =	shalt  }
0x55: {  	_ =	shalt  }
0x56: {  	_ =	shalt  }
0x57: {  	_ =	shalt  }
0x58: {  	_ =	shalt  }
0x59: {  	_ =	shalt  }
0x5a: {  	_ =	shalt  }
0x5b: {  	_ =	shalt  }
0x5c: {  	_ =	shalt  }
0x5d: {  	_ =	shalt  }
0x5e: {  	_ =	shalt  }
0x5f: {  	_ =	shalt  }
0x60: {  	_ =	shalt  }
0x61: {  	_ =	shalt  }
0x62: {  	_ =	shalt  }
0x63: {  	_ =	shalt  }
0x64: {  	_ =	shalt  }
0x65: {  	_ =	shalt  }
0x66: {  	_ =	shalt  }
0x67: {  	_ =	shalt  }
0x68: {  	_ =	shalt  }
0x69: {  	_ =	shalt  }
0x6a: {  	_ =	shalt  }
0x6b: {  	_ =	shalt  }
0x6c: {  	_ =	shalt  }
0x6d: {  	_ =	shalt  }
0x6e: {  	_ =	shalt  }
0x6f: {  	_ =	shalt  }
0x70: {  	_ =	shalt  }
0x71: {  	_ =	shalt  }
0x72: {  	_ =	shalt  }
0x73: {  	_ =	shalt  }
0x74: {  	_ =	shalt  }
0x75: {  	_ =	shalt  }
0x76: {  	_ =	shalt  }
0x77: {  	_ =	shalt  }
0x78: {  	_ =	shalt  }
0x79: {  	_ =	shalt  }
0x7a: {  	_ =	shalt  }
0x7b: {  	_ =	shalt  }
0x7c: {  	_ =	shalt  }
0x7d: {  	_ =	shalt  }
0x7e: {  	_ =	shalt  }
0x7f: {  	_ =	shalt  }
0x80: {  	_ =	shalt  }
0x81: {  	_ =	shalt  }
0x82: {  	_ =	shalt  }
0x83: {  	_ =	shalt  }
0x84: {  	_ =	shalt  }
0x85: {  	_ =	shalt  }
0x86: {  	_ =	shalt  }
0x87: {  	_ =	shalt  }
.Lfunc_end0:
.L_simem_size_0:
called_computation.1_lowered:
.L_overlay_start_0:
0x88: {  	s2 =	sld [smem:$0x3FD9]  }
0x89: {  	s3 =	sld [smem:$0x3FFE];
	_ =	sdelay $0x1  }
0x8a: {  	s1 =	srdreg.scid  }
0x8b: {  	s0 =	sand.u32 $0x1, s1  }
0x8c: {  	s16 =	sshll.u32 s0, $0xA;
	s2 =	sadd.s32 s3, s2  }
0x8d: {  	s2 =	sadd.s32 s2, s16  }
0x8e: {  	[smem:$0x3FBE] =	sst s2  }
0x8f: {  	_ = 	snop  }
0x90: {  	(tm) =	ssettm $0x1  }
0x91: {  	s17 =	sld [smem:$0x3FFB];
	_ =	sdelay $0x3  }
0x92: {  	_ =	strace s17  }
0x93: {  	s2 =	sld [smem:$0x3FFC];
	_ =	sdelay $0x3  }
0x94: {  	_ =	strace s2  }
0x95: {  	s2 =	sld [smem:$0x3FFD];
	_ =	sdelay $0x3  }
0x96: {  	_ =	strace s2  }
0x97: {  	_ =	strace $0x8FFFFFFF  }
0x98: {  	s18 =	sld [smem:$0x3FDB];
	_ =	sdelay $0x1  }
0x99: {  	s19 =	simm.s32 $_scs_section_size  }
0x9a: {  	s4 =	simm.s32 $_size__tile_overlayer_lowered;
	s5 =	simm.s32 $_tile_overlayer_lowered  }
0x9b: {  	s22 =	simm.s32 $0x1BFF;
	s21 =	sshll.u32 s5, $0x1;
	s2 =	sadd.s32 s19, s18  }
0x9c: {  	s6 =	simm.s32 $0x0;
	s20 =	sshll.u32 s4, $0x1;
	s4 =	sadd.s32 s21, s2  }
0x9d: {  	[timem:s6], [sflag:s22] =	dma.local [hbm:s4], s20  }
0x9e: {  	_ =	swait.ge [sflag:s22], s20  }
0x9f: {  	s3 =	ssub.s32 $0x0, s20;
	[sflag:s22] =	ssyncset.done $0x0  }
0xa0: {  	[sflag:s22] =	ssyncadd.s32 s3;
	_ =	sdelay $0x1  }
0xa1: {  	s23 =	simm.s32 $0x1B8B  }
0xa2: {  	_ =	swait.ge [sflag:s23], $0x1  }
0xa3: {  	[sflag:s23] =	ssyncset.done $0x0  }
0xa4: {  	s25 =	simm.s32 $0x1B8E;
	s24 =	sld [smem:$0x3FFE];
	[sflag:s23] =	ssyncadd.s32 $0xFFFFFFFF  }
0xa5: {  	s26 =	simm.s32 $execute0_lowered;
	[smem:$0x3FD2] =	sst s25  }
0xa6: {  	s4 =	sshll.u32 s26, $0x1;
	_ =	strace $0x80000049;
	[dreg:$0x1] =	wrdreg $0xFFFFFFFF  }
0xa7: {  	s28 =	simm.s32 $_size_execute0_lowered;
	s2 =	sadd.s32 s2, s4;
	[dreg:$0x0] =	wrdreg $0x0  }
0xa8: {  	s4 =	sshll.u32 s28, $0x1;
	[dreg:$0x2] =	wrdreg s2  }
0xa9: {  	[dreg:$0x3] =	wrdreg s4  }
0xaa: {  	[dreg:$0x4] =	wrdreg $0xC0  }
0xab: {  	_ =	task [dreg:s6], $0x5FFFF  }
0xac: {  	[dreg:$0x1] =	wrdreg $0xFFFFFFFF  }
0xad: {  	[dreg:$0x0] =	wrdreg $0x60  }
0xae: {  	[dreg:$0x2] =	wrdreg s24  }
0xaf: {  	[dreg:$0x3] =	wrdreg $0x9  }
0xb0: {  	_ =	task.clear_ibuf [dreg:s6], $0x4FFFF;
	_ =	strace $0x90000049  }
0xb1: {  	s29 =	simm.s32 $0x9;
	_ =	strace $0x8000004B  }
0xb2: {  	_ =	swait.ge [sflag:s29], $0x1  }
0xb3: {  	[sflag:s29] =	ssyncadd.s32 $0xFFFFFFFF  }
0xb4: {  	_ =	strace $0x9000004B  }
0xb5: {  	_ =	sfence  }
0xb6: {  	s30 =	sld [smem:$0x0];
	_ =	sdelay $0x2  }
0xb7: {  	s31 =	sshll.u32 s1, $0xD;
	s1 =	sshrl.u32 s1, $0x2  }
0xb8: {  	s3 =	sand.u32 $0x4000, s31;
	s1 =	sadd.s32 s1, s30  }
0xb9: {  	s0 =	sor.u32 s3, s0;
	s1 =	sshll.u32 s1, $0x11  }
0xba: {  	s0 =	sor.u32 s1, s0  }
0xbb: {  	s0 =	sadd.s32 $0x8F2B, s0  }
0xbc: {  	[sflag:s0] =	ssyncadd.remote.s32 $0x1  }
0xbd: {  	_ =	sfence.sel $0xFFFF  }
0xbe: {  	[dreg:$0x0] =	wrdreg $0xFFFFFFFF;
	(pc) =	sbr.abs _section_cstart, $3  }
0xbf: {  	[dreg:$0x1] =	wrdreg $0xFFFFFFFF  }
0xc0: {  	_ =	task.clear_ibuf [dreg:s6], $0x2FFFF;
	_ =	strace $0x9FFFFFFF  }
0xc1: {  	(tm) =	ssettm $0x7FFFFFFF  }
tec
execute0_lowered:
.L_overlay_start_1:
0x0: {  	(tag) =	ssettag $0x1  }
0x1: {  	s0 =	srdreg.scid;
	s1 =	stileid.u32  }
0x2: {  	s4 =	rddreg [dreg:$0x0];
	s2 =	simm.s32 $0x0;
	s7 =	simm.s32 $0x1  }
0x3: {  	s15 =	simm.s32 $0x2;
	s17 =	simm.s32 $0xA00;
	s18 =	simm.s32 $0x1200  }
0x4: {  	s19 =	simm.s32 $0x1A00;
	s20 =	simm.s32 $0x2200;
	s21 =	simm.s32 $0x2A00  }
0x5: {  	s22 =	simm.s32 $0x3200;
	s24 =	simm.s32 $0x3A00;
	s28 =	simm.s32 $0x5200  }
0x6: {  	s29 =	simm.s32 $0x5A00;
	s30 =	simm.s32 $0x6200;
	s31 =	simm.s32 $0x6A00  }
0x7: {  	s14 =	simm.s32 $0x8200;
	s8 =	simm.s32 $0x8A00;
	s9 =	simm.s32 $0x9200  }
0x8: {  	s10 =	simm.s32 $0x9A00;
	s0 =	sand.u32 $0x1, s0;
	s1 =	sshll.u32 s1, $0x1  }
0x9: {  	s11 =	simm.s32 $0xA200;
	s12 =	simm.s32 $0xAA00;
	s1 =	sor.u32 s0, s1  }
0xa: {  	s13 =	simm.s32 $0xB200;
	[smem:$0x7FF] =	sst s2;
	s3 =	sshll.u32 s1, $0x6  }
0xb: {  	_ =	strace $0x8000004A;
	s1 =	sshll.u32 s1, $0xE;
	s3 =	sadd.s32 s3, s4  }
0xc: {  	s0 =	ssub.s32 $0x2, s0;
	s1 =	sadd.s32 s1, s4;
	s3 =	sadd.s32 $0x127200, s3  }
0xd: {  	s6 =	sshrl.u32 s0, $0x1;
	s5 =	sadd.s32 $0x127A00, s1;
	[dreg:$0x2] =	wrdreg s3  }
0xe: {  	s0 =	ssub.s32 s0, s6;
	s25 =	sadd.s32 $0x128A00, s1;
	[dreg:$0x3] =	wrdreg s5  }
0xf: {  	s6 =	simm.s32 $0x3;
	s26 =	sadd.s32 $0x129A00, s1;
	[dreg:$0x4] =	wrdreg s25  }
0x10: {  	v2 =	vlaneseq.u32;
	s1 =	sadd.s32 $0x12AA00, s1;
	s3 =	sadd.s32 $0x1800, s4;
	[dreg:$0x5] =	wrdreg s26  }
0x11: {  	vm0 =	vmmov $0xffff;
	v1 =	vshrl.u32 v2, $0x3;
	s4 =	sadd.s32 $0x1900, s4;
	[dreg:$0x6] =	wrdreg s1;
	s5 =	smax.u32 s0, $0x1  }
0x12: {  	v0 =	vand.u32 $0x7, v2;
	v2 =	vor.u32 $0x8, v2;
	v1 =	vmul.u32 $0x8, v1;
	s25 =	simm.s32 $0x4200;
	s26 =	simm.s32 $0x4A00;
	s1 =	simm.s32 $0x7200  }
.LBB2_1:
0x13: {  	s16 =	rddreg [dreg:$0x2]  }
0x14: {  	[tilespmem:s2], [sflag:$0x3] =	stream.linear.gather [hbm4b:s16+s2], $0x200, $0x38;
	[tilespmem:$0x10200] =	vst v63  }
0x15: {  	_ =	swait.ge [sflag:s6], $0x200  }
0x16: {  	[sflag:s6] =	ssyncset.done $0x0  }
0x17: {  	[sflag:s6] =	ssyncadd.s32 $0xFFFFFE00  }
0x18: {  	v3 =	vld [tilespmem:$0x0];
	_ =	sdelay $0x4  }
0x19: {  	v4 =	vshll.u32 v3, $0x2  }
0x1a: {  	v3 =	vand.u32 $0x7, v3;
	v4 =	vand.u32 $0xFFFFFFE0, v4  }
0x1b: {  	v3 =	vor.u32 v3, v4  }
0x1c: {  	v4 =	vperm.xlane v3, v0;
	_ =	sdelay $0x1  }
0x1d: {  	v4 =	vadd.s32 v1, v4;
	_ =	sdelay $0x1  }
0x1e: {  	v3 =	vperm.xlane v3, v2;
	_ =	sdelay $0x1  }
0x1f: {  	s0 =	simm.s32 $0x200;
	v3 =	vadd.s32 v1, v3  }
0x20: {  	[tilespmem:s0], [sflag:$0x1] =	stream.indirect_vreg.gather [hbm4b:s3+s2], $0x80, v4, vm0, $0xb8;
	[tilespmem:$0x10200] =	vst v63  }
0x21: {  	_ = 	snop  }
0x22: {  	[tilespmem:s17], [sflag:$0x1] =	stream.indirect_vreg.gather [hbm4b:s4+s2], $0x80, v4, vm0, $0xb8;
	[tilespmem:$0x10200] =	vst v63  }
0x23: {  	_ = 	snop  }
0x24: {  	[tilespmem:s18], [sflag:$0x1] =	stream.indirect_vreg.gather [hbm4b:s3+s2], $0x80, v3, vm0, $0xb8;
	[tilespmem:$0x10200] =	vst v63  }
0x25: {  	_ = 	snop  }
0x26: {  	[tilespmem:s19], [sflag:$0x1] =	stream.indirect_vreg.gather [hbm4b:s4+s2], $0x80, v3, vm0, $0xb8;
	[tilespmem:$0x10200] =	vst v63  }
0x27: {  	v3 =	vld [tilespmem:$0x10];
	_ =	sdelay $0x4  }
0x28: {  	v49 =	vshll.u32 v3, $0x2  }
0x29: {  	v3 =	vand.u32 $0x7, v3;
	v4 =	vand.u32 $0xFFFFFFE0, v49  }
0x2a: {  	v3 =	vor.u32 v3, v4  }
0x2b: {  	v4 =	vperm.xlane v3, v0;
	_ =	sdelay $0x1  }
0x2c: {  	v4 =	vadd.s32 v1, v4;
	_ =	sdelay $0x1  }
0x2d: {  	v3 =	vperm.xlane v3, v2;
	_ =	sdelay $0x1  }
0x2e: {  	v3 =	vadd.s32 v1, v3  }
0x2f: {  	[tilespmem:s20], [sflag:$0x1] =	stream.indirect_vreg.gather [hbm4b:s3+s2], $0x80, v4, vm0, $0xb8;
	[tilespmem:$0x10200] =	vst v63  }
0x30: {  	_ = 	snop  }
0x31: {  	[tilespmem:s21], [sflag:$0x1] =	stream.indirect_vreg.gather [hbm4b:s4+s2], $0x80, v4, vm0, $0xb8;
	[tilespmem:$0x10200] =	vst v63  }
0x32: {  	_ = 	snop  }
0x33: {  	[tilespmem:s22], [sflag:$0x1] =	stream.indirect_vreg.gather [hbm4b:s3+s2], $0x80, v3, vm0, $0xb8;
	[tilespmem:$0x10200] =	vst v63  }
0x34: {  	_ = 	snop  }
0x35: {  	[tilespmem:s24], [sflag:$0x1] =	stream.indirect_vreg.gather [hbm4b:s4+s2], $0x80, v3, vm0, $0xb8;
	[tilespmem:$0x10200] =	vst v63  }
0x36: {  	v3 =	vld [tilespmem:$0x20];
	_ =	sdelay $0x4  }
0x37: {  	v50 =	vshll.u32 v3, $0x2  }
0x38: {  	v3 =	vand.u32 $0x7, v3;
	v4 =	vand.u32 $0xFFFFFFE0, v50  }
0x39: {  	v3 =	vor.u32 v3, v4  }
0x3a: {  	v4 =	vperm.xlane v3, v0;
	_ =	sdelay $0x1  }
0x3b: {  	v4 =	vadd.s32 v1, v4;
	_ =	sdelay $0x1  }
0x3c: {  	v3 =	vperm.xlane v3, v2;
	_ =	sdelay $0x1  }
0x3d: {  	v3 =	vadd.s32 v1, v3  }
0x3e: {  	[tilespmem:s25], [sflag:$0x1] =	stream.indirect_vreg.gather [hbm4b:s3+s2], $0x80, v4, vm0, $0xb8;
	[tilespmem:$0x10200] =	vst v63  }
0x3f: {  	_ = 	snop  }
0x40: {  	[tilespmem:s26], [sflag:$0x1] =	stream.indirect_vreg.gather [hbm4b:s4+s2], $0x80, v4, vm0, $0xb8;
	[tilespmem:$0x10200] =	vst v63  }
0x41: {  	_ = 	snop  }
0x42: {  	[tilespmem:s28], [sflag:$0x1] =	stream.indirect_vreg.gather [hbm4b:s3+s2], $0x80, v3, vm0, $0xb8;
	[tilespmem:$0x10200] =	vst v63  }
0x43: {  	_ = 	snop  }
0x44: {  	[tilespmem:s29], [sflag:$0x1] =	stream.indirect_vreg.gather [hbm4b:s4+s2], $0x80, v3, vm0, $0xb8;
	[tilespmem:$0x10200] =	vst v63  }
0x45: {  	v3 =	vld [tilespmem:$0x30];
	_ =	sdelay $0x4  }
0x46: {  	v51 =	vshll.u32 v3, $0x2  }
0x47: {  	v3 =	vand.u32 $0x7, v3;
	v4 =	vand.u32 $0xFFFFFFE0, v51  }
0x48: {  	v3 =	vor.u32 v3, v4  }
0x49: {  	v4 =	vperm.xlane v3, v0;
	_ =	sdelay $0x1  }
0x4a: {  	v4 =	vadd.s32 v1, v4;
	_ =	sdelay $0x1  }
0x4b: {  	v3 =	vperm.xlane v3, v2;
	_ =	sdelay $0x1  }
0x4c: {  	v3 =	vadd.s32 v1, v3  }
0x4d: {  	[tilespmem:s30], [sflag:$0x1] =	stream.indirect_vreg.gather [hbm4b:s3+s2], $0x80, v4, vm0, $0xb8;
	[tilespmem:$0x10200] =	vst v63  }
0x4e: {  	_ = 	snop  }
0x4f: {  	[tilespmem:s31], [sflag:$0x1] =	stream.indirect_vreg.gather [hbm4b:s4+s2], $0x80, v4, vm0, $0xb8;
	[tilespmem:$0x10200] =	vst v63  }
0x50: {  	_ = 	snop  }
0x51: {  	[tilespmem:s1], [sflag:$0x1] =	stream.indirect_vreg.gather [hbm4b:s3+s2], $0x80, v3, vm0, $0xb8;
	[tilespmem:$0x10200] =	vst v63  }
0x52: {  	s0 =	simm.s32 $0x7A00  }
0x53: {  	[tilespmem:s0], [sflag:$0x1] =	stream.indirect_vreg.gather [hbm4b:s4+s2], $0x80, v3, vm0, $0xb8;
	[tilespmem:$0x10200] =	vst v63  }
0x54: {  	v3 =	vld [tilespmem:$0x80];
	_ =	sdelay $0x4  }
0x55: {  	v52 =	vshll.u32 v3, $0x2  }
0x56: {  	v3 =	vand.u32 $0x7, v3;
	v4 =	vand.u32 $0xFFFFFFE0, v52  }
0x57: {  	v3 =	vor.u32 v3, v4  }
0x58: {  	v4 =	vperm.xlane v3, v0;
	_ =	sdelay $0x1  }
0x59: {  	v4 =	vadd.s32 v1, v4;
	_ =	sdelay $0x1  }
0x5a: {  	v3 =	vperm.xlane v3, v2;
	_ =	sdelay $0x1  }
0x5b: {  	v3 =	vadd.s32 v1, v3  }
0x5c: {  	[tilespmem:s14], [sflag:$0x2] =	stream.indirect_vreg.gather [hbm4b:s3+s2], $0x80, v4, vm0, $0xb8;
	[tilespmem:$0x10200] =	vst v63  }
0x5d: {  	_ = 	snop  }
0x5e: {  	[tilespmem:s8], [sflag:$0x2] =	stream.indirect_vreg.gather [hbm4b:s4+s2], $0x80, v4, vm0, $0xb8;
	[tilespmem:$0x10200] =	vst v63  }
0x5f: {  	_ = 	snop  }
0x60: {  	[tilespmem:s9], [sflag:$0x2] =	stream.indirect_vreg.gather [hbm4b:s3+s2], $0x80, v3, vm0, $0xb8;
	[tilespmem:$0x10200] =	vst v63  }
0x61: {  	_ = 	snop  }
0x62: {  	[tilespmem:s10], [sflag:$0x2] =	stream.indirect_vreg.gather [hbm4b:s4+s2], $0x80, v3, vm0, $0xb8;
	[tilespmem:$0x10200] =	vst v63  }
0x63: {  	v3 =	vld [tilespmem:$0x90];
	_ =	sdelay $0x4  }
0x64: {  	v53 =	vshll.u32 v3, $0x2  }
0x65: {  	v3 =	vand.u32 $0x7, v3;
	v4 =	vand.u32 $0xFFFFFFE0, v53  }
0x66: {  	v3 =	vor.u32 v3, v4  }
0x67: {  	v4 =	vperm.xlane v3, v0;
	_ =	sdelay $0x1  }
0x68: {  	v4 =	vadd.s32 v1, v4;
	_ =	sdelay $0x1  }
0x69: {  	v3 =	vperm.xlane v3, v2;
	_ =	sdelay $0x1  }
0x6a: {  	v3 =	vadd.s32 v1, v3  }
0x6b: {  	[tilespmem:s11], [sflag:$0x2] =	stream.indirect_vreg.gather [hbm4b:s3+s2], $0x80, v4, vm0, $0xb8;
	[tilespmem:$0x10200] =	vst v63  }
0x6c: {  	_ = 	snop  }
0x6d: {  	[tilespmem:s12], [sflag:$0x2] =	stream.indirect_vreg.gather [hbm4b:s4+s2], $0x80, v4, vm0, $0xb8;
	[tilespmem:$0x10200] =	vst v63  }
0x6e: {  	_ = 	snop  }
0x6f: {  	[tilespmem:s13], [sflag:$0x2] =	stream.indirect_vreg.gather [hbm4b:s3+s2], $0x80, v3, vm0, $0xb8;
	[tilespmem:$0x10200] =	vst v63  }
0x70: {  	s23 =	simm.s32 $0xBA00  }
0x71: {  	[tilespmem:s23], [sflag:$0x2] =	stream.indirect_vreg.gather [hbm4b:s4+s2], $0x80, v3, vm0, $0xb8;
	[tilespmem:$0x10200] =	vst v63  }
0x72: {  	v3 =	vld [tilespmem:$0xA0];
	_ =	sdelay $0x4  }
0x73: {  	v54 =	vshll.u32 v3, $0x2  }
0x74: {  	v3 =	vand.u32 $0x7, v3;
	v4 =	vand.u32 $0xFFFFFFE0, v54  }
0x75: {  	v3 =	vor.u32 v3, v4  }
0x76: {  	v4 =	vperm.xlane v3, v0;
	_ =	sdelay $0x1  }
0x77: {  	v4 =	vadd.s32 v1, v4;
	_ =	sdelay $0x1  }
0x78: {  	v3 =	vperm.xlane v3, v2;
	_ =	sdelay $0x1  }
0x79: {  	s23 =	simm.s32 $0xC200;
	v3 =	vadd.s32 v1, v3  }
0x7a: {  	[tilespmem:s23], [sflag:$0x2] =	stream.indirect_vreg.gather [hbm4b:s3+s2], $0x80, v4, vm0, $0xb8;
	[tilespmem:$0x10200] =	vst v63  }
0x7b: {  	s23 =	simm.s32 $0xCA00  }
0x7c: {  	[tilespmem:s23], [sflag:$0x2] =	stream.indirect_vreg.gather [hbm4b:s4+s2], $0x80, v4, vm0, $0xb8;
	[tilespmem:$0x10200] =	vst v63  }
0x7d: {  	s23 =	simm.s32 $0xD200  }
0x7e: {  	[tilespmem:s23], [sflag:$0x2] =	stream.indirect_vreg.gather [hbm4b:s3+s2], $0x80, v3, vm0, $0xb8;
	[tilespmem:$0x10200] =	vst v63  }
0x7f: {  	s23 =	simm.s32 $0xDA00  }
0x80: {  	[tilespmem:s23], [sflag:$0x2] =	stream.indirect_vreg.gather [hbm4b:s4+s2], $0x80, v3, vm0, $0xb8;
	[tilespmem:$0x10200] =	vst v63  }
0x81: {  	v3 =	vld [tilespmem:$0xB0];
	_ =	sdelay $0x4  }
0x82: {  	v55 =	vshll.u32 v3, $0x2  }
0x83: {  	v3 =	vand.u32 $0x7, v3;
	v4 =	vand.u32 $0xFFFFFFE0, v55  }
0x84: {  	v3 =	vor.u32 v3, v4  }
0x85: {  	v4 =	vperm.xlane v3, v0;
	_ =	sdelay $0x1  }
0x86: {  	v4 =	vadd.s32 v1, v4;
	_ =	sdelay $0x1  }
0x87: {  	v3 =	vperm.xlane v3, v2;
	_ =	sdelay $0x1  }
0x88: {  	s23 =	simm.s32 $0xE200;
	v3 =	vadd.s32 v1, v3  }
0x89: {  	[tilespmem:s23], [sflag:$0x2] =	stream.indirect_vreg.gather [hbm4b:s3+s2], $0x80, v4, vm0, $0xb8;
	[tilespmem:$0x10200] =	vst v63  }
0x8a: {  	s23 =	simm.s32 $0xEA00  }
0x8b: {  	[tilespmem:s23], [sflag:$0x2] =	stream.indirect_vreg.gather [hbm4b:s4+s2], $0x80, v4, vm0, $0xb8;
	[tilespmem:$0x10200] =	vst v63  }
0x8c: {  	s23 =	simm.s32 $0xF200  }
0x8d: {  	[tilespmem:s23], [sflag:$0x2] =	stream.indirect_vreg.gather [hbm4b:s3+s2], $0x80, v3, vm0, $0xb8;
	[tilespmem:$0x10200] =	vst v63  }
0x8e: {  	s23 =	simm.s32 $0xFA00  }
0x8f: {  	[tilespmem:s23], [sflag:$0x2] =	stream.indirect_vreg.gather [hbm4b:s4+s2], $0x80, v3, vm0, $0xb8;
	[tilespmem:$0x10200] =	vst v63  }
0x90: {  	_ =	swait.ge [sflag:s7], $0x8000  }
0x91: {  	[sflag:s7] =	ssyncset.done $0x0  }
0x92: {  	s23 =	simm.s32 $0x200;
	s16 =	rddreg [dreg:$0x3];
	[sflag:s7] =	ssyncadd.s32 $0xFFFF8000  }
0x93: {  	[hbm4b:s16+s2] =	stream.linear.scatter [tilespmem:s23], [sflag:$0x3], $0x8000, $0x38;
	[tilespmem:$0x10200] =	vst v63  }
0x94: {  	_ =	swait.ge [sflag:s6], $0x8000  }
0x95: {  	[sflag:s6] =	ssyncset.done $0x0  }
0x96: {  	[sflag:s6] =	ssyncadd.s32 $0xFFFF8000  }
0x97: {  	v3 =	vld [tilespmem:$0x100];
	_ =	sdelay $0x4  }
0x98: {  	v56 =	vshll.u32 v3, $0x2  }
0x99: {  	v3 =	vand.u32 $0x7, v3;
	v4 =	vand.u32 $0xFFFFFFE0, v56  }
0x9a: {  	v3 =	vor.u32 v3, v4  }
0x9b: {  	v4 =	vperm.xlane v3, v0;
	_ =	sdelay $0x1  }
0x9c: {  	v4 =	vadd.s32 v1, v4;
	_ =	sdelay $0x1  }
0x9d: {  	v3 =	vperm.xlane v3, v2;
	_ =	sdelay $0x1  }
0x9e: {  	v3 =	vadd.s32 v1, v3  }
0x9f: {  	[tilespmem:s23], [sflag:$0x1] =	stream.indirect_vreg.gather [hbm4b:s3+s2], $0x80, v4, vm0, $0xb8;
	[tilespmem:$0x10200] =	vst v63  }
0xa0: {  	_ = 	snop  }
0xa1: {  	[tilespmem:s17], [sflag:$0x1] =	stream.indirect_vreg.gather [hbm4b:s4+s2], $0x80, v4, vm0, $0xb8;
	[tilespmem:$0x10200] =	vst v63  }
0xa2: {  	_ = 	snop  }
0xa3: {  	[tilespmem:s18], [sflag:$0x1] =	stream.indirect_vreg.gather [hbm4b:s3+s2], $0x80, v3, vm0, $0xb8;
	[tilespmem:$0x10200] =	vst v63  }
0xa4: {  	_ = 	snop  }
0xa5: {  	[tilespmem:s19], [sflag:$0x1] =	stream.indirect_vreg.gather [hbm4b:s4+s2], $0x80, v3, vm0, $0xb8;
	[tilespmem:$0x10200] =	vst v63  }
0xa6: {  	v3 =	vld [tilespmem:$0x110];
	_ =	sdelay $0x4  }
0xa7: {  	v57 =	vshll.u32 v3, $0x2  }
0xa8: {  	v3 =	vand.u32 $0x7, v3;
	v4 =	vand.u32 $0xFFFFFFE0, v57  }
0xa9: {  	v3 =	vor.u32 v3, v4  }
0xaa: {  	v4 =	vperm.xlane v3, v0;
	_ =	sdelay $0x1  }
0xab: {  	v4 =	vadd.s32 v1, v4;
	_ =	sdelay $0x1  }
0xac: {  	v3 =	vperm.xlane v3, v2;
	_ =	sdelay $0x1  }
0xad: {  	v3 =	vadd.s32 v1, v3  }
0xae: {  	[tilespmem:s20], [sflag:$0x1] =	stream.indirect_vreg.gather [hbm4b:s3+s2], $0x80, v4, vm0, $0xb8;
	[tilespmem:$0x10200] =	vst v63  }
0xaf: {  	_ = 	snop  }
0xb0: {  	[tilespmem:s21], [sflag:$0x1] =	stream.indirect_vreg.gather [hbm4b:s4+s2], $0x80, v4, vm0, $0xb8;
	[tilespmem:$0x10200] =	vst v63  }
0xb1: {  	_ = 	snop  }
0xb2: {  	[tilespmem:s22], [sflag:$0x1] =	stream.indirect_vreg.gather [hbm4b:s3+s2], $0x80, v3, vm0, $0xb8;
	[tilespmem:$0x10200] =	vst v63  }
0xb3: {  	_ = 	snop  }
0xb4: {  	[tilespmem:s24], [sflag:$0x1] =	stream.indirect_vreg.gather [hbm4b:s4+s2], $0x80, v3, vm0, $0xb8;
	[tilespmem:$0x10200] =	vst v63  }
0xb5: {  	v3 =	vld [tilespmem:$0x120];
	_ =	sdelay $0x4  }
0xb6: {  	v58 =	vshll.u32 v3, $0x2  }
0xb7: {  	v3 =	vand.u32 $0x7, v3;
	v4 =	vand.u32 $0xFFFFFFE0, v58  }
0xb8: {  	v3 =	vor.u32 v3, v4  }
0xb9: {  	v4 =	vperm.xlane v3, v0;
	_ =	sdelay $0x1  }
0xba: {  	v4 =	vadd.s32 v1, v4;
	_ =	sdelay $0x1  }
0xbb: {  	v3 =	vperm.xlane v3, v2;
	_ =	sdelay $0x1  }
0xbc: {  	v3 =	vadd.s32 v1, v3  }
0xbd: {  	[tilespmem:s25], [sflag:$0x1] =	stream.indirect_vreg.gather [hbm4b:s3+s2], $0x80, v4, vm0, $0xb8;
	[tilespmem:$0x10200] =	vst v63  }
0xbe: {  	_ = 	snop  }
0xbf: {  	[tilespmem:s26], [sflag:$0x1] =	stream.indirect_vreg.gather [hbm4b:s4+s2], $0x80, v4, vm0, $0xb8;
	[tilespmem:$0x10200] =	vst v63  }
0xc0: {  	_ = 	snop  }
0xc1: {  	[tilespmem:s28], [sflag:$0x1] =	stream.indirect_vreg.gather [hbm4b:s3+s2], $0x80, v3, vm0, $0xb8;
	[tilespmem:$0x10200] =	vst v63  }
0xc2: {  	_ = 	snop  }
0xc3: {  	[tilespmem:s29], [sflag:$0x1] =	stream.indirect_vreg.gather [hbm4b:s4+s2], $0x80, v3, vm0, $0xb8;
	[tilespmem:$0x10200] =	vst v63  }
0xc4: {  	v3 =	vld [tilespmem:$0x130];
	_ =	sdelay $0x4  }
0xc5: {  	v59 =	vshll.u32 v3, $0x2  }
0xc6: {  	v3 =	vand.u32 $0x7, v3;
	v4 =	vand.u32 $0xFFFFFFE0, v59  }
0xc7: {  	v3 =	vor.u32 v3, v4  }
0xc8: {  	v4 =	vperm.xlane v3, v0;
	_ =	sdelay $0x1  }
0xc9: {  	v4 =	vadd.s32 v1, v4;
	_ =	sdelay $0x1  }
0xca: {  	v3 =	vperm.xlane v3, v2;
	_ =	sdelay $0x1  }
0xcb: {  	v3 =	vadd.s32 v1, v3  }
0xcc: {  	[tilespmem:s30], [sflag:$0x1] =	stream.indirect_vreg.gather [hbm4b:s3+s2], $0x80, v4, vm0, $0xb8;
	[tilespmem:$0x10200] =	vst v63  }
0xcd: {  	_ = 	snop  }
0xce: {  	[tilespmem:s31], [sflag:$0x1] =	stream.indirect_vreg.gather [hbm4b:s4+s2], $0x80, v4, vm0, $0xb8;
	[tilespmem:$0x10200] =	vst v63  }
0xcf: {  	_ = 	snop  }
0xd0: {  	[tilespmem:s1], [sflag:$0x1] =	stream.indirect_vreg.gather [hbm4b:s3+s2], $0x80, v3, vm0, $0xb8;
	[tilespmem:$0x10200] =	vst v63  }
0xd1: {  	_ = 	snop  }
0xd2: {  	[tilespmem:s0], [sflag:$0x1] =	stream.indirect_vreg.gather [hbm4b:s4+s2], $0x80, v3, vm0, $0xb8;
	[tilespmem:$0x10200] =	vst v63  }
0xd3: {  	_ =	swait.ge [sflag:s15], $0x8000  }
0xd4: {  	[sflag:s15] =	ssyncset.done $0x0  }
0xd5: {  	s0 =	rddreg [dreg:$0x4];
	[sflag:s15] =	ssyncadd.s32 $0xFFFF8000  }
0xd6: {  	[hbm4b:s0+s2] =	stream.linear.scatter [tilespmem:s14], [sflag:$0x3], $0x8000, $0x38;
	[tilespmem:$0x10200] =	vst v63  }
0xd7: {  	_ =	swait.ge [sflag:s6], $0x8000  }
0xd8: {  	[sflag:s6] =	ssyncset.done $0x0  }
0xd9: {  	[sflag:s6] =	ssyncadd.s32 $0xFFFF8000  }
0xda: {  	v3 =	vld [tilespmem:$0x180];
	_ =	sdelay $0x4  }
0xdb: {  	v60 =	vshll.u32 v3, $0x2  }
0xdc: {  	v3 =	vand.u32 $0x7, v3;
	v4 =	vand.u32 $0xFFFFFFE0, v60  }
0xdd: {  	v3 =	vor.u32 v3, v4  }
0xde: {  	v4 =	vperm.xlane v3, v0;
	_ =	sdelay $0x1  }
0xdf: {  	v4 =	vadd.s32 v1, v4;
	_ =	sdelay $0x1  }
0xe0: {  	v3 =	vperm.xlane v3, v2;
	_ =	sdelay $0x1  }
0xe1: {  	v3 =	vadd.s32 v1, v3  }
0xe2: {  	[tilespmem:s14], [sflag:$0x2] =	stream.indirect_vreg.gather [hbm4b:s3+s2], $0x80, v4, vm0, $0xb8;
	[tilespmem:$0x10200] =	vst v63  }
0xe3: {  	_ = 	snop  }
0xe4: {  	[tilespmem:s8], [sflag:$0x2] =	stream.indirect_vreg.gather [hbm4b:s4+s2], $0x80, v4, vm0, $0xb8;
	[tilespmem:$0x10200] =	vst v63  }
0xe5: {  	_ = 	snop  }
0xe6: {  	[tilespmem:s9], [sflag:$0x2] =	stream.indirect_vreg.gather [hbm4b:s3+s2], $0x80, v3, vm0, $0xb8;
	[tilespmem:$0x10200] =	vst v63  }
0xe7: {  	_ = 	snop  }
0xe8: {  	[tilespmem:s10], [sflag:$0x2] =	stream.indirect_vreg.gather [hbm4b:s4+s2], $0x80, v3, vm0, $0xb8;
	[tilespmem:$0x10200] =	vst v63  }
0xe9: {  	v3 =	vld [tilespmem:$0x190];
	_ =	sdelay $0x4  }
0xea: {  	v61 =	vshll.u32 v3, $0x2  }
0xeb: {  	v3 =	vand.u32 $0x7, v3;
	v4 =	vand.u32 $0xFFFFFFE0, v61  }
0xec: {  	v3 =	vor.u32 v3, v4  }
0xed: {  	v4 =	vperm.xlane v3, v0;
	_ =	sdelay $0x1  }
0xee: {  	v4 =	vadd.s32 v1, v4;
	_ =	sdelay $0x1  }
0xef: {  	v3 =	vperm.xlane v3, v2;
	_ =	sdelay $0x1  }
0xf0: {  	v3 =	vadd.s32 v1, v3  }
0xf1: {  	[tilespmem:s11], [sflag:$0x2] =	stream.indirect_vreg.gather [hbm4b:s3+s2], $0x80, v4, vm0, $0xb8;
	[tilespmem:$0x10200] =	vst v63  }
0xf2: {  	_ = 	snop  }
0xf3: {  	[tilespmem:s12], [sflag:$0x2] =	stream.indirect_vreg.gather [hbm4b:s4+s2], $0x80, v4, vm0, $0xb8;
	[tilespmem:$0x10200] =	vst v63  }
0xf4: {  	_ = 	snop  }
0xf5: {  	[tilespmem:s13], [sflag:$0x2] =	stream.indirect_vreg.gather [hbm4b:s3+s2], $0x80, v3, vm0, $0xb8;
	[tilespmem:$0x10200] =	vst v63  }
0xf6: {  	s16 =	simm.s32 $0xBA00  }
0xf7: {  	[tilespmem:s16], [sflag:$0x2] =	stream.indirect_vreg.gather [hbm4b:s4+s2], $0x80, v3, vm0, $0xb8;
	[tilespmem:$0x10200] =	vst v63  }
0xf8: {  	v3 =	vld [tilespmem:$0x1A0];
	_ =	sdelay $0x4  }
0xf9: {  	v62 =	vshll.u32 v3, $0x2  }
0xfa: {  	v3 =	vand.u32 $0x7, v3;
	v4 =	vand.u32 $0xFFFFFFE0, v62  }
0xfb: {  	v3 =	vor.u32 v3, v4  }
0xfc: {  	v4 =	vperm.xlane v3, v0;
	_ =	sdelay $0x1  }
0xfd: {  	v4 =	vadd.s32 v1, v4;
	_ =	sdelay $0x1  }
0xfe: {  	v3 =	vperm.xlane v3, v2;
	_ =	sdelay $0x1  }
0xff: {  	s16 =	simm.s32 $0xC200;
	v3 =	vadd.s32 v1, v3  }
0x100: {  	[tilespmem:s16], [sflag:$0x2] =	stream.indirect_vreg.gather [hbm4b:s3+s2], $0x80, v4, vm0, $0xb8;
	[tilespmem:$0x10200] =	vst v63  }
0x101: {  	s16 =	simm.s32 $0xCA00  }
0x102: {  	[tilespmem:s16], [sflag:$0x2] =	stream.indirect_vreg.gather [hbm4b:s4+s2], $0x80, v4, vm0, $0xb8;
	[tilespmem:$0x10200] =	vst v63  }
0x103: {  	s16 =	simm.s32 $0xD200  }
0x104: {  	[tilespmem:s16], [sflag:$0x2] =	stream.indirect_vreg.gather [hbm4b:s3+s2], $0x80, v3, vm0, $0xb8;
	[tilespmem:$0x10200] =	vst v63  }
0x105: {  	s16 =	simm.s32 $0xDA00  }
0x106: {  	[tilespmem:s16], [sflag:$0x2] =	stream.indirect_vreg.gather [hbm4b:s4+s2], $0x80, v3, vm0, $0xb8;
	[tilespmem:$0x10200] =	vst v63  }
0x107: {  	v3 =	vld [tilespmem:$0x1B0];
	_ =	sdelay $0x4  }
0x108: {  	v63 =	vshll.u32 v3, $0x2  }
0x109: {  	v3 =	vand.u32 $0x7, v3;
	v4 =	vand.u32 $0xFFFFFFE0, v63  }
0x10a: {  	v3 =	vor.u32 v3, v4  }
0x10b: {  	v4 =	vperm.xlane v3, v0;
	_ =	sdelay $0x1  }
0x10c: {  	v4 =	vadd.s32 v1, v4;
	_ =	sdelay $0x1  }
0x10d: {  	v3 =	vperm.xlane v3, v2;
	_ =	sdelay $0x1  }
0x10e: {  	s16 =	simm.s32 $0xE200;
	v3 =	vadd.s32 v1, v3  }
0x10f: {  	[tilespmem:s16], [sflag:$0x2] =	stream.indirect_vreg.gather [hbm4b:s3+s2], $0x80, v4, vm0, $0xb8;
	[tilespmem:$0x10200] =	vst v63  }
0x110: {  	s16 =	simm.s32 $0xEA00  }
0x111: {  	[tilespmem:s16], [sflag:$0x2] =	stream.indirect_vreg.gather [hbm4b:s4+s2], $0x80, v4, vm0, $0xb8;
	[tilespmem:$0x10200] =	vst v63  }
0x112: {  	s16 =	simm.s32 $0xF200  }
0x113: {  	[tilespmem:s16], [sflag:$0x2] =	stream.indirect_vreg.gather [hbm4b:s3+s2], $0x80, v3, vm0, $0xb8;
	[tilespmem:$0x10200] =	vst v63  }
0x114: {  	s16 =	simm.s32 $0xFA00  }
0x115: {  	[tilespmem:s16], [sflag:$0x2] =	stream.indirect_vreg.gather [hbm4b:s4+s2], $0x80, v3, vm0, $0xb8;
	[tilespmem:$0x10200] =	vst v63  }
0x116: {  	_ =	swait.ge [sflag:s7], $0x8000  }
0x117: {  	[sflag:s7] =	ssyncset.done $0x0  }
0x118: {  	s23 =	simm.s32 $0x200;
	s0 =	rddreg [dreg:$0x5];
	[sflag:s7] =	ssyncadd.s32 $0xFFFF8000  }
0x119: {  	[hbm4b:s0+s2] =	stream.linear.scatter [tilespmem:s23], [sflag:$0x3], $0x8000, $0x38;
	[tilespmem:$0x10200] =	vst v63  }
0x11a: {  	_ =	swait.ge [sflag:s6], $0x8000  }
0x11b: {  	[sflag:s6] =	ssyncset.done $0x0  }
0x11c: {  	[sflag:s6] =	ssyncadd.s32 $0xFFFF8000  }
0x11d: {  	_ =	swait.ge [sflag:s15], $0x8000  }
0x11e: {  	p0 =	sne.s32 s5, $0x1;
	[sflag:s15] =	ssyncset.done $0x0  }
.Ltmp0:
0x11f: {  	s23 =	rddreg [dreg:$0x6];
	[sflag:s15] =	ssyncadd.s32 $0xFFFF8000;
	(pc) =	sbr.rel @p0 .LBB2_1-.Ltmp0, $4  }
0x120: {  	[hbm4b:s23+s2] =	stream.linear.scatter [tilespmem:s14], [sflag:$0x3], $0x8000, $0x38;
	[tilespmem:$0x10200] =	vst v63  }
0x121: {  	_ =	swait.ge [sflag:s6], $0x8000  }
0x122: {  	[sflag:s6] =	ssyncset.done $0x0  }
0x123: {  	s5 =	sadd.s32 $0xFFFFFFFF, s5;
	[sflag:s6] =	ssyncadd.s32 $0xFFFF8000  }
0x124: {  	_ =	sfence.sel $0x180000  }
0x125: {  	[bflag:$0x0] =	sbarrier.arrive $0xFFFF  }
0x126: {  	_ =	strace $0x9000004A  }
0x127: {  	s0 =	stileid.u32;
	[bflag:$0x2] =	sbarrier.arrive $0xFFFF  }
0x128: {  	p0 =	sne.s32 s0, $0x0;
	s0 =	rddreg [dreg:$0x1]  }
0x129: {  	s0 =	sadd.s32 @!p0 $0x100000, s0  }
0x12a: {  	[sflag:s0] =	ssyncadd.tile.s32 @!p0 $0x1;
	_ =	shalt  }
.Lfunc_end2:
_tile_overlayer_lowered:
.L_overlay_start_2:
0x12b: {  	(tag) =	ssettag $0x2  }
0x12c: {  	s0 =	rddreg [dreg:$0x0];
	s2 =	stileid.u32  }
0x12d: {  	s1 =	rddreg [dreg:$0x1];
	p0 =	sne.s32 s2, $0x0  }
0x12e: {  	s3 =	rddreg [dreg:$0x2];
	[bflag:$0x3] =	sbarrier.arrive $0xFFFF;
	s2 =	simm.s32 @!p0 $0x1C03  }
0x12f: {  	[timem:s3], [sflag:s2] =	dma.local @!p0 [hbm:s0], s1  }
0x130: {  	s0 =	simm.s32 @!p0 $0x3  }
0x131: {  	_ =	swait.ge @!p0 [sflag:s0], s1  }
0x132: {  	s1 =	ssub.s32 @!p0 $0x0, s1;
	[sflag:s0] =	ssyncset.done @!p0 $0x0  }
0x133: {  	[sflag:s0] =	ssyncadd.s32 @!p0 s1  }
0x134: {  	[bflag:$0x3] =	sbarrier.arrive $0xFFFF  }
0x135: {  	_ =	shalt  }

// kernel: kernel.7.cloned.1.call-start
scs
__scs_entry_jumppad:
0x0: {  	(pc) =	sbr.rel $0x88, $3  }
0x1: {  	(tag) =	ssettag $0x0;
	lr =	simm.s32 $0x1  }
0x2: {  	[smem:$0x3F97] =	sst lr;
	_ =	strace $0xD0000000  }
0x3: {  	_ = 	snop  }
0x4: {  	_ = 	snop  }
0x5: {  	_ = 	snop  }
0x6: {  	_ = 	snop  }
0x7: {  	_ = 	snop  }
__scs_overlays_trampoline_lowered:
0x8: {  	[smem:$0x3FA6] =	sst s0  }
0x9: {  	[smem:$0x3FA7] =	sst s1  }
0xa: {  	[smem:$0x3FA8] =	sst s2  }
0xb: {  	[smem:$0x3FA9] =	sst s3  }
0xc: {  	[smem:$0x3FAA] =	sst s4  }
0xd: {  	[smem:$0x3FAB] =	sst s5  }
0xe: {  	[smem:$0x3FAC] =	sst s6  }
0xf: {  	[smem:$0x3FAD] =	sst s7  }
0x10: {  	[smem:$0x3FAE] =	sst s8  }
0x11: {  	[smem:$0x3FAF] =	sst s9;
	s0 =	simm.s32 @!p0 $0x0  }
0x12: {  	s1 =	sld [smem:$0x3F95];
	s0 =	simm.s32 @p0 $0x1  }
0x13: {  	[smem:$0x3FB0] =	sst s0;
	s0 =	simm.s32 @!p1 $0x0  }
0x14: {  	s2 =	sld [smem:$0x3F94];
	s0 =	simm.s32 @p1 $0x1  }
0x15: {  	[smem:$0x3FB1] =	sst s0;
	s0 =	simm.s32 @!p2 $0x0  }
0x16: {  	s3 =	sld [smem:$0x3FDB];
	s0 =	simm.s32 @p2 $0x1  }
0x17: {  	s4 =	simm.s32 $0x1BF5;
	[smem:$0x3FB3] =	sst s0  }
0x18: {  	s0 =	sld [smem:$0x3F96];
	_ =	swait.ge [sflag:s4], $0x0  }
0x19: {  	s7 =	sld [smem:$0x3F97]  }
0x1a: {  	s8 =	sadd.s32 $0xFFFFE003, lr  }
0x1b: {  	s9 =	sadd.s32 $0xFFFFFEF7, lr;
	s5 =	simm.s32 $0xFFFFFFFF;
	p2 =	slt.u32 s8, $0xFFFFF086  }
0x1c: {  	p1 =	slt.u32 s9, $0xF7A;
	s5 =	simm.s32 @!p2 $0x0  }
0x1d: {  	s5 =	simm.s32 @p1 $0x1;
	p0 =	seq.s32 s7, s2  }
0x1e: {  	s7 =	smul.u32 @!p0 $0xF7A, s2;
	p2 =	seq.s32 @!p0 s5, $0x0  }
0x1f: {  	s9 =	smul.u32 $0xF7A, s1;
	s8 =	simm.s32 @!p0 $0x1BF5;
	p2 =	por !p2, p0  }
0x20: {  	[sflag:s8] =	ssyncset.s32 @!p0 $0xFFFFF086;
	s6 =	sadd.s32 @!p0 s3, s7;
	s7 =	simm.s32 @!p0 $0x108  }
0x21: {  	s3 =	sadd.s32 s3, s9;
	s6 =	sadd.s32 @!p0 $0x88, s6;
	s7 =	simm.s32 @p2 $0x1082  }
0x22: {  	[simem:s7], [sflag:s8] =	dma.local @!p0 [hbm:s6], $0xF7A  }
0x23: {  	s9 =	sor.u32 $0xD0000000, s2;
	s6 =	simm.s32 $0x108;
	_ =	swait.ge @!p0 [sflag:s8], $0x0  }
0x24: {  	s3 =	sadd.s32 $0x88, s3;
	s6 =	simm.s32 @!p1 $0x1082;
	[sflag:s4] =	ssyncset.s32 $0xFFFFF086  }
0x25: {  	[simem:s6], [sflag:s4] =	dma.local [hbm:s3], $0xF7A  }
0x26: {  	[smem:$0x3F97] =	sst s1;
	(tag) =	ssettag s2;
	_ =	strace s9  }
0x27: {  	s1 =	sld [smem:$0x3FA7]  }
0x28: {  	s2 =	sld [smem:$0x3FA8]  }
0x29: {  	s4 =	sld [smem:$0x3FAA]  }
0x2a: {  	p0 =	seq.s32 s5, $0x0;
	s5 =	sld [smem:$0x3FAB]  }
0x2b: {  	s6 =	sld [smem:$0x3FAC]  }
0x2c: {  	s7 =	sld [smem:$0x3FAD]  }
0x2d: {  	s3 =	simm.s32 $0x108;
	s8 =	sld [smem:$0x3FAE]  }
0x2e: {  	s3 =	simm.s32 @!p0 $0x1082;
	s9 =	sld [smem:$0x3FAF]  }
0x2f: {  	lr =	sadd.s32 s0, s3;
	s0 =	sld [smem:$0x3FA6]  }
0x30: {  	s3 =	sld [smem:$0x3FA9]  }
0x31: {  	[smem:$0x3FB2] =	sst s10  }
0x32: {  	s10 =	sld [smem:$0x3FB0];
	_ =	sdelay $0x3  }
0x33: {  	p0 =	seq.s32 s10, $0x1;
	s10 =	sld [smem:$0x3FB2];
	_ =	sdelay $0x3  }
0x34: {  	[smem:$0x3FB2] =	sst s10  }
0x35: {  	s10 =	sld [smem:$0x3FB1];
	_ =	sdelay $0x3  }
0x36: {  	p1 =	seq.s32 s10, $0x1;
	s10 =	sld [smem:$0x3FB2];
	_ =	sdelay $0x3  }
0x37: {  	[smem:$0x3FB2] =	sst s10  }
0x38: {  	s10 =	sld [smem:$0x3FB3]  }
0x39: {  	_ = 	snop;
	(pc) =	sbr.ind lr, $3  }
0x3a: {  	_ = 	snop  }
0x3b: {  	_ = 	snop  }
0x3c: {  	p2 =	seq.s32 s10, $0x1;
	s10 =	sld [smem:$0x3FB2]  }
0x3d: {  	_ =	shalt  }
0x3e: {  	_ =	shalt  }
0x3f: {  	_ =	shalt  }
0x40: {  	_ =	shalt  }
0x41: {  	_ =	shalt  }
0x42: {  	_ =	shalt  }
0x43: {  	_ =	shalt  }
0x44: {  	_ =	shalt  }
0x45: {  	_ =	shalt  }
0x46: {  	_ =	shalt  }
0x47: {  	_ =	shalt  }
0x48: {  	_ =	shalt  }
0x49: {  	_ =	shalt  }
0x4a: {  	_ =	shalt  }
0x4b: {  	_ =	shalt  }
0x4c: {  	_ =	shalt  }
0x4d: {  	_ =	shalt  }
0x4e: {  	_ =	shalt  }
0x4f: {  	_ =	shalt  }
0x50: {  	_ =	shalt  }
0x51: {  	_ =	shalt  }
0x52: {  	_ =	shalt  }
0x53: {  	_ =	shalt  }
0x54: {  	_ =	shalt  }
0x55: {  	_ =	shalt  }
0x56: {  	_ =	shalt  }
0x57: {  	_ =	shalt  }
0x58: {  	_ =	shalt  }
0x59: {  	_ =	shalt  }
0x5a: {  	_ =	shalt  }
0x5b: {  	_ =	shalt  }
0x5c: {  	_ =	shalt  }
0x5d: {  	_ =	shalt  }
0x5e: {  	_ =	shalt  }
0x5f: {  	_ =	shalt  }
0x60: {  	_ =	shalt  }
0x61: {  	_ =	shalt  }
0x62: {  	_ =	shalt  }
0x63: {  	_ =	shalt  }
0x64: {  	_ =	shalt  }
0x65: {  	_ =	shalt  }
0x66: {  	_ =	shalt  }
0x67: {  	_ =	shalt  }
0x68: {  	_ =	shalt  }
0x69: {  	_ =	shalt  }
0x6a: {  	_ =	shalt  }
0x6b: {  	_ =	shalt  }
0x6c: {  	_ =	shalt  }
0x6d: {  	_ =	shalt  }
0x6e: {  	_ =	shalt  }
0x6f: {  	_ =	shalt  }
0x70: {  	_ =	shalt  }
0x71: {  	_ =	shalt  }
0x72: {  	_ =	shalt  }
0x73: {  	_ =	shalt  }
0x74: {  	_ =	shalt  }
0x75: {  	_ =	shalt  }
0x76: {  	_ =	shalt  }
0x77: {  	_ =	shalt  }
0x78: {  	_ =	shalt  }
0x79: {  	_ =	shalt  }
0x7a: {  	_ =	shalt  }
0x7b: {  	_ =	shalt  }
0x7c: {  	_ =	shalt  }
0x7d: {  	_ =	shalt  }
0x7e: {  	_ =	shalt  }
0x7f: {  	_ =	shalt  }
0x80: {  	_ =	shalt  }
0x81: {  	_ =	shalt  }
0x82: {  	_ =	shalt  }
0x83: {  	_ =	shalt  }
0x84: {  	_ =	shalt  }
0x85: {  	_ =	shalt  }
0x86: {  	_ =	shalt  }
0x87: {  	_ =	shalt  }
.Lfunc_end0:
.L_simem_size_0:
called_computation_lowered:
.L_overlay_start_0:
0x88: {  	s0 =	sld [smem:$0x3FD9]  }
0x89: {  	s1 =	sld [smem:$0x3FFE];
	_ =	sdelay $0x3  }
0x8a: {  	s0 =	sadd.s32 s1, s0  }
0x8b: {  	[smem:$0x3FBE] =	sst s0  }
0x8c: {  	_ = 	snop  }
0x8d: {  	s0 =	sld [smem:$0x3FD0];
	(tm) =	ssettm $0x1  }
0x8e: {  	s16 =	sld [smem:$0x3FFB];
	_ =	sdelay $0x3  }
0x8f: {  	_ =	strace s16  }
0x90: {  	s1 =	sld [smem:$0x3FFC];
	_ =	sdelay $0x3  }
0x91: {  	_ =	strace s1  }
0x92: {  	s1 =	sld [smem:$0x3FFD];
	_ =	sdelay $0x3  }
0x93: {  	_ =	strace s1  }
0x94: {  	_ =	strace $0x8FFFFFFF  }
0x95: {  	s17 =	sld [smem:$0x3FDB];
	_ =	sdelay $0x1  }
0x96: {  	s2 =	simm.s32 $_scs_section_size  }
0x97: {  	s3 =	simm.s32 $_size__tile_overlayer_lowered;
	s4 =	simm.s32 $_tile_overlayer_lowered  }
0x98: {  	s20 =	simm.s32 $0x1BFF;
	s19 =	sshll.u32 s4, $0x1;
	s1 =	sadd.s32 s2, s17  }
0x99: {  	s5 =	simm.s32 $0x0;
	s18 =	sshll.u32 s3, $0x1;
	s3 =	sadd.s32 s19, s1  }
0x9a: {  	[timem:s5], [sflag:s20] =	dma.local [hbm:s3], s18  }
0x9b: {  	_ =	swait.ge [sflag:s20], s18  }
0x9c: {  	s2 =	ssub.s32 $0x0, s18;
	[sflag:s20] =	ssyncset.done $0x0  }
0x9d: {  	[sflag:s20] =	ssyncadd.s32 s2;
	_ =	sdelay $0x1  }
0x9e: {  	s21 =	simm.s32 $0x1B8B  }
0x9f: {  	_ =	swait.ge [sflag:s21], $0x1  }
0xa0: {  	[sflag:s21] =	ssyncset.done $0x0  }
0xa1: {  	s23 =	simm.s32 $0x1B8E;
	s22 =	sld [smem:$0x3FFE];
	[sflag:s21] =	ssyncadd.s32 $0xFFFFFFFF  }
0xa2: {  	s24 =	simm.s32 $execute0_lowered;
	[smem:$0x3FD2] =	sst s23  }
0xa3: {  	s3 =	sshll.u32 s24, $0x1;
	_ =	strace $0x80000046;
	[dreg:$0x1] =	wrdreg $0xFFFFFFFF  }
0xa4: {  	s25 =	simm.s32 $_size_execute0_lowered;
	s1 =	sadd.s32 s1, s3;
	[dreg:$0x0] =	wrdreg $0x0  }
0xa5: {  	s3 =	sshll.u32 s25, $0x1;
	[dreg:$0x2] =	wrdreg s1  }
0xa6: {  	[dreg:$0x3] =	wrdreg s3  }
0xa7: {  	[dreg:$0x4] =	wrdreg $0xC0  }
0xa8: {  	_ =	task [dreg:s5], $0x5FFFF  }
0xa9: {  	[dreg:$0x1] =	wrdreg $0xFFFFFFFF  }
0xaa: {  	[dreg:$0x0] =	wrdreg $0x60  }
0xab: {  	[dreg:$0x2] =	wrdreg s22  }
0xac: {  	[dreg:$0x3] =	wrdreg s0  }
0xad: {  	[dreg:$0x4] =	wrdreg $0x9  }
0xae: {  	_ =	task.clear_ibuf [dreg:s5], $0x5FFFF;
	_ =	strace $0x90000046  }
0xaf: {  	s26 =	simm.s32 $0x9;
	_ =	strace $0x80000048  }
0xb0: {  	_ =	swait.ge [sflag:s26], $0x1  }
0xb1: {  	[sflag:s26] =	ssyncadd.s32 $0xFFFFFFFF  }
0xb2: {  	_ =	strace $0x90000048  }
0xb3: {  	_ =	sfence  }
0xb4: {  	s28 =	sld [smem:$0x0];
	_ =	sdelay $0x1  }
0xb5: {  	s29 =	srdreg.scid  }
0xb6: {  	s30 =	sshll.u32 s29, $0xD;
	s31 =	sshrl.u32 s29, $0x2  }
0xb7: {  	s2 =	sand.u32 $0x4000, s30;
	s1 =	sand.u32 $0x1, s29;
	s0 =	sadd.s32 s31, s28  }
0xb8: {  	s1 =	sor.u32 s2, s1;
	s0 =	sshll.u32 s0, $0x11  }
0xb9: {  	s0 =	sor.u32 s0, s1  }
0xba: {  	s0 =	sadd.s32 $0x8F2B, s0  }
0xbb: {  	[sflag:s0] =	ssyncadd.remote.s32 $0x1  }
0xbc: {  	_ =	sfence.sel $0xFFFF  }
0xbd: {  	[dreg:$0x0] =	wrdreg $0xFFFFFFFF;
	(pc) =	sbr.abs _section_cstart, $3  }
0xbe: {  	[dreg:$0x1] =	wrdreg $0xFFFFFFFF  }
0xbf: {  	_ =	task.clear_ibuf [dreg:s5], $0x2FFFF;
	_ =	strace $0x9FFFFFFF  }
0xc0: {  	(tm) =	ssettm $0x7FFFFFFF  }
0xc1: {  	_ =	shalt  }
tec
execute0_lowered:
.L_overlay_start_1:
0x0: {  	(tag) =	ssettag $0x1  }
0x1: {  	s2 =	rddreg [dreg:$0x0];
	s1 =	simm.s32 $0x0  }
0x2: {  	[smem:$0x7FF] =	sst s1;
	s3 =	sand.u32 $0x7000, s1;
	s1 =	sand.u32 $0x380, s1  }
0x3: {  	s5 =	rddreg [dreg:$0x1];
	v0 =	vimm.f32 $0.0e+00;
	s3 =	sor.u32 s1, s3  }
0x4: {  	s0 =	rddreg [dreg:$0x2];
	_ =	strace $0x80000047;
	[tilespmem:s3+$0x1070] =	vst v0  }
0x5: {  	[tilespmem:s3+$0x400] =	vst v0  }
0x6: {  	[tilespmem:s3+$0x410] =	vst v0  }
0x7: {  	[tilespmem:s3+$0x420] =	vst v0  }
0x8: {  	[tilespmem:s3+$0x430] =	vst v0  }
0x9: {  	[tilespmem:s3+$0x440] =	vst v0  }
0xa: {  	[tilespmem:s3+$0x450] =	vst v0  }
0xb: {  	[tilespmem:s3+$0x460] =	vst v0  }
0xc: {  	[tilespmem:s3+$0x470] =	vst v0  }
0xd: {  	[tilespmem:s3+$0x800] =	vst v0  }
0xe: {  	[tilespmem:s3+$0x810] =	vst v0  }
0xf: {  	[tilespmem:s3+$0x820] =	vst v0  }
0x10: {  	[tilespmem:s3+$0x830] =	vst v0  }
0x11: {  	[tilespmem:s3+$0x840] =	vst v0  }
0x12: {  	[tilespmem:s3+$0x850] =	vst v0  }
0x13: {  	[tilespmem:s3+$0x860] =	vst v0  }
0x14: {  	[tilespmem:s3+$0x870] =	vst v0  }
0x15: {  	[tilespmem:s3+$0xC00] =	vst v0  }
0x16: {  	[tilespmem:s3+$0xC10] =	vst v0  }
0x17: {  	[tilespmem:s3+$0xC20] =	vst v0  }
0x18: {  	[tilespmem:s3+$0xC30] =	vst v0  }
0x19: {  	[tilespmem:s3+$0xC40] =	vst v0  }
0x1a: {  	[tilespmem:s3+$0xC50] =	vst v0  }
0x1b: {  	[tilespmem:s3+$0xC60] =	vst v0  }
0x1c: {  	[tilespmem:s3+$0xC70] =	vst v0  }
0x1d: {  	[tilespmem:s3+$0x1000] =	vst v0  }
0x1e: {  	[tilespmem:s3+$0x1010] =	vst v0  }
0x1f: {  	s1 =	stileid.u32;
	[tilespmem:s3+$0x1020] =	vst v0  }
0x20: {  	s9 =	simm.s32 $0x200;
	s8 =	simm.s32 $0x80;
	s7 =	smul.u32 $0x13000, s1;
	[tilespmem:s3+$0x1030] =	vst v0  }
0x21: {  	s6 =	sadd.s32 $0x1800, s2;
	s2 =	sadd.s32 $0x2000, s2;
	s10 =	sand.u32 $0x7000, s9;
	[tilespmem:s3+$0x1040] =	vst v0  }
0x22: {  	s11 =	sand.u32 $0x380, s8;
	s9 =	simm.s32 $0x400;
	[tilespmem:s3+$0x1050] =	vst v0;
	s4 =	sadd.s32 s2, s7  }
.LBB2_1:
0x23: {  	p0 =	sne.s32 s9, $0x7E00;
	[tilespmem:s3+$0x1060] =	vst v0;
	s3 =	sor.u32 s11, s10  }
0x24: {  	[tilespmem:s3+$0x1070] =	vst v0  }
0x25: {  	[tilespmem:s3+$0x400] =	vst v0  }
0x26: {  	[tilespmem:s3+$0x410] =	vst v0  }
0x27: {  	[tilespmem:s3+$0x420] =	vst v0  }
0x28: {  	[tilespmem:s3+$0x430] =	vst v0  }
0x29: {  	[tilespmem:s3+$0x440] =	vst v0  }
0x2a: {  	[tilespmem:s3+$0x450] =	vst v0  }
0x2b: {  	[tilespmem:s3+$0x460] =	vst v0  }
0x2c: {  	[tilespmem:s3+$0x470] =	vst v0  }
0x2d: {  	[tilespmem:s3+$0x800] =	vst v0  }
0x2e: {  	[tilespmem:s3+$0x810] =	vst v0  }
0x2f: {  	[tilespmem:s3+$0x820] =	vst v0  }
0x30: {  	[tilespmem:s3+$0x830] =	vst v0  }
0x31: {  	[tilespmem:s3+$0x840] =	vst v0  }
0x32: {  	[tilespmem:s3+$0x850] =	vst v0  }
0x33: {  	[tilespmem:s3+$0x860] =	vst v0  }
0x34: {  	[tilespmem:s3+$0x870] =	vst v0  }
0x35: {  	[tilespmem:s3+$0xC00] =	vst v0  }
0x36: {  	[tilespmem:s3+$0xC10] =	vst v0  }
0x37: {  	[tilespmem:s3+$0xC20] =	vst v0  }
0x38: {  	[tilespmem:s3+$0xC30] =	vst v0  }
0x39: {  	[tilespmem:s3+$0xC40] =	vst v0  }
0x3a: {  	[tilespmem:s3+$0xC50] =	vst v0  }
0x3b: {  	[tilespmem:s3+$0xC60] =	vst v0  }
0x3c: {  	[tilespmem:s3+$0xC70] =	vst v0  }
0x3d: {  	[tilespmem:s3+$0x1000] =	vst v0  }
.Ltmp0:
0x3e: {  	[tilespmem:s3+$0x1010] =	vst v0;
	(pc) =	sbr.rel @p0 .LBB2_1-.Ltmp0, $4  }
0x3f: {  	[tilespmem:s3+$0x1020] =	vst v0  }
0x40: {  	[tilespmem:s3+$0x1030] =	vst v0  }
0x41: {  	s8 =	sadd.s32 $0x80, s8;
	[tilespmem:s3+$0x1040] =	vst v0  }
0x42: {  	s10 =	sand.u32 $0x7000, s9;
	s9 =	sadd.s32 $0x200, s9;
	s11 =	sand.u32 $0x380, s8;
	[tilespmem:s3+$0x1050] =	vst v0  }
0x43: {  	s8 =	sor.u32 s11, s10;
	[tilespmem:s3+$0x1060] =	vst v0  }
0x44: {  	[tilespmem:s8+$0x1070] =	vst v0  }
0x45: {  	[tilespmem:s8+$0x400] =	vst v0  }
0x46: {  	[tilespmem:s8+$0x410] =	vst v0  }
0x47: {  	[tilespmem:s8+$0x420] =	vst v0  }
0x48: {  	[tilespmem:s8+$0x430] =	vst v0  }
0x49: {  	[tilespmem:s8+$0x440] =	vst v0  }
0x4a: {  	[tilespmem:s8+$0x450] =	vst v0  }
0x4b: {  	[tilespmem:s8+$0x460] =	vst v0  }
0x4c: {  	[tilespmem:s8+$0x470] =	vst v0  }
0x4d: {  	[tilespmem:s8+$0x800] =	vst v0  }
0x4e: {  	[tilespmem:s8+$0x810] =	vst v0  }
0x4f: {  	[tilespmem:s8+$0x820] =	vst v0  }
0x50: {  	[tilespmem:s8+$0x830] =	vst v0  }
0x51: {  	[tilespmem:s8+$0x840] =	vst v0  }
0x52: {  	[tilespmem:s8+$0x850] =	vst v0  }
0x53: {  	[tilespmem:s8+$0x860] =	vst v0  }
0x54: {  	[tilespmem:s8+$0x870] =	vst v0  }
0x55: {  	[tilespmem:s8+$0xC00] =	vst v0  }
0x56: {  	[tilespmem:s8+$0xC10] =	vst v0  }
0x57: {  	[tilespmem:s8+$0xC20] =	vst v0  }
0x58: {  	[tilespmem:s8+$0xC30] =	vst v0  }
0x59: {  	[tilespmem:s8+$0xC40] =	vst v0  }
0x5a: {  	[tilespmem:s8+$0xC50] =	vst v0  }
0x5b: {  	[tilespmem:s8+$0xC60] =	vst v0  }
0x5c: {  	[tilespmem:s8+$0xC70] =	vst v0  }
0x5d: {  	[tilespmem:s8+$0x1000] =	vst v0  }
0x5e: {  	[tilespmem:s8+$0x1010] =	vst v0  }
0x5f: {  	[tilespmem:s8+$0x1020] =	vst v0  }
0x60: {  	[tilespmem:s8+$0x1030] =	vst v0  }
0x61: {  	[tilespmem:s8+$0x1040] =	vst v0  }
0x62: {  	[tilespmem:s8+$0x1050] =	vst v0  }
0x63: {  	s3 =	simm.s32 $0x0;
	s21 =	simm.s32 $0x400;
	[tilespmem:s8+$0x1060] =	vst v0  }
0x64: {  	[hbm4b:s4+s3] =	stream.linear.scatter [tilespmem:s21], [sflag:$0x2], $0x8000, $0x38;
	[tilespmem:$0x10400] =	vst v63  }
0x65: {  	s4 =	simm.s32 $0x2  }
0x66: {  	_ =	swait.ge [sflag:s4], $0x8000  }
0x67: {  	s9 =	sadd.s32 s7, s2;
	[sflag:s4] =	ssyncset.done $0x0  }
0x68: {  	s7 =	sadd.s32 $0x1000, s9;
	[sflag:s4] =	ssyncadd.s32 $0xFFFF8000  }
0x69: {  	[hbm4b:s7+s3] =	stream.linear.scatter [tilespmem:s21], [sflag:$0x2], $0x8000, $0x38;
	[tilespmem:$0x10400] =	vst v63  }
0x6a: {  	_ =	swait.ge [sflag:s4], $0x8000  }
0x6b: {  	[sflag:s4] =	ssyncset.done $0x0  }
0x6c: {  	s22 =	sadd.s32 $0x2000, s9;
	[sflag:s4] =	ssyncadd.s32 $0xFFFF8000  }
0x6d: {  	[hbm4b:s22+s3] =	stream.linear.scatter [tilespmem:s21], [sflag:$0x2], $0x8000, $0x38;
	[tilespmem:$0x10400] =	vst v63  }
0x6e: {  	_ =	swait.ge [sflag:s4], $0x8000  }
0x6f: {  	[sflag:s4] =	ssyncset.done $0x0  }
0x70: {  	s23 =	sadd.s32 $0x3000, s9;
	[sflag:s4] =	ssyncadd.s32 $0xFFFF8000  }
0x71: {  	[hbm4b:s23+s3] =	stream.linear.scatter [tilespmem:s21], [sflag:$0x2], $0x8000, $0x38;
	[tilespmem:$0x10400] =	vst v63  }
0x72: {  	_ =	swait.ge [sflag:s4], $0x8000  }
0x73: {  	[sflag:s4] =	ssyncset.done $0x0  }
0x74: {  	s24 =	sadd.s32 $0x4000, s9;
	[sflag:s4] =	ssyncadd.s32 $0xFFFF8000  }
0x75: {  	[hbm4b:s24+s3] =	stream.linear.scatter [tilespmem:s21], [sflag:$0x2], $0x8000, $0x38;
	[tilespmem:$0x10400] =	vst v63  }
0x76: {  	_ =	swait.ge [sflag:s4], $0x8000  }
0x77: {  	[sflag:s4] =	ssyncset.done $0x0  }
0x78: {  	s25 =	sadd.s32 $0x5000, s9;
	[sflag:s4] =	ssyncadd.s32 $0xFFFF8000  }
0x79: {  	[hbm4b:s25+s3] =	stream.linear.scatter [tilespmem:s21], [sflag:$0x2], $0x8000, $0x38;
	[tilespmem:$0x10400] =	vst v63  }
0x7a: {  	_ =	swait.ge [sflag:s4], $0x8000  }
0x7b: {  	[sflag:s4] =	ssyncset.done $0x0  }
0x7c: {  	s26 =	sadd.s32 $0x6000, s9;
	[sflag:s4] =	ssyncadd.s32 $0xFFFF8000  }
0x7d: {  	[hbm4b:s26+s3] =	stream.linear.scatter [tilespmem:s21], [sflag:$0x2], $0x8000, $0x38;
	[tilespmem:$0x10400] =	vst v63  }
0x7e: {  	_ =	swait.ge [sflag:s4], $0x8000  }
0x7f: {  	p0 =	seq.s32 s1, $0xF;
	[sflag:s4] =	ssyncset.done $0x0  }
0x80: {  	s9 =	sadd.s32 $0x7000, s9;
	s7 =	smul.u32 $0x13, s1;
	[sflag:s4] =	ssyncadd.s32 $0xFFFF8000  }
0x81: {  	[hbm4b:s9+s3] =	stream.linear.scatter [tilespmem:s21], [sflag:$0x2], $0x8000, $0x38;
	[tilespmem:$0x10400] =	vst v63  }
0x82: {  	s10 =	simm.s32 @!p0 $0x0;
	s12 =	sadd.s32 $0x8, s7;
	_ =	swait.ge [sflag:s4], $0x8000  }
0x83: {  	s11 =	simm.s32 @!p0 $0x400;
	s8 =	sshll.u32 @!p0 s12, $0xC;
	[sflag:s4] =	ssyncset.done $0x0  }
0x84: {  	s8 =	sadd.s32 @!p0 s2, s8;
	s9 =	simm.s32 @!p0 $0x2;
	[sflag:s4] =	ssyncadd.s32 $0xFFFF8000  }
0x85: {  	[hbm4b:s8+s10] =	stream.linear.scatter @!p0 [tilespmem:s11], [sflag:$0x2], $0x8000, $0x38;
	[tilespmem:$0x10400] =	vst v63  }
0x86: {  	p1 =	sne.s32 s12, $0x125;
	_ =	swait.ge @!p0 [sflag:s9], $0x8000  }
0x87: {  	s12 =	simm.s32 @!p1 $0x0;
	[sflag:s9] =	ssyncset.done @!p0 $0x0  }
0x88: {  	s13 =	simm.s32 @!p1 $0x400;
	s8 =	sadd.s32 $0x125000, s2;
	[sflag:s9] =	ssyncadd.s32 @!p0 $0xFFFF8000  }
0x89: {  	[hbm4b:s8+s12] =	stream.linear.scatter @!p1 [tilespmem:s13], [sflag:$0x2], $0x1000, $0x38;
	[tilespmem:$0x10400] =	vst v63  }
0x8a: {  	s12 =	simm.s32 @!p1 $0x2  }
0x8b: {  	s28 =	sadd.s32 $0x9, s7;
	_ =	swait.ge @!p1 [sflag:s12], $0x1000  }
0x8c: {  	s14 =	sshll.u32 s28, $0xC;
	[sflag:s12] =	ssyncset.done @!p1 $0x0  }
0x8d: {  	s14 =	sadd.s32 s2, s14;
	[sflag:s12] =	ssyncadd.s32 @!p1 $0xFFFFF000  }
0x8e: {  	[hbm4b:s14+s10] =	stream.linear.scatter @!p0 [tilespmem:s11], [sflag:$0x2], $0x8000, $0x38;
	[tilespmem:$0x10400] =	vst v63  }
0x8f: {  	_ =	swait.ge @!p0 [sflag:s9], $0x8000  }
0x90: {  	p1 =	sne.s32 s28, $0x125;
	[sflag:s9] =	ssyncset.done @!p0 $0x0  }
0x91: {  	s12 =	simm.s32 @!p1 $0x0;
	s13 =	simm.s32 @!p1 $0x400;
	[sflag:s9] =	ssyncadd.s32 @!p0 $0xFFFF8000  }
0x92: {  	[hbm4b:s8+s12] =	stream.linear.scatter @!p1 [tilespmem:s13], [sflag:$0x2], $0x1000, $0x38;
	[tilespmem:$0x10400] =	vst v63  }
0x93: {  	s12 =	simm.s32 @!p1 $0x2  }
0x94: {  	s29 =	sadd.s32 $0xA, s7;
	_ =	swait.ge @!p1 [sflag:s12], $0x1000  }
0x95: {  	s30 =	sshll.u32 s29, $0xC;
	[sflag:s12] =	ssyncset.done @!p1 $0x0  }
0x96: {  	s14 =	sadd.s32 s2, s30;
	[sflag:s12] =	ssyncadd.s32 @!p1 $0xFFFFF000  }
0x97: {  	[hbm4b:s14+s10] =	stream.linear.scatter @!p0 [tilespmem:s11], [sflag:$0x2], $0x8000, $0x38;
	[tilespmem:$0x10400] =	vst v63  }
0x98: {  	_ =	swait.ge @!p0 [sflag:s9], $0x8000  }
0x99: {  	p1 =	sne.s32 s29, $0x125;
	[sflag:s9] =	ssyncset.done @!p0 $0x0  }
0x9a: {  	s12 =	simm.s32 @!p1 $0x0;
	s13 =	simm.s32 @!p1 $0x400;
	[sflag:s9] =	ssyncadd.s32 @!p0 $0xFFFF8000  }
0x9b: {  	[hbm4b:s8+s12] =	stream.linear.scatter @!p1 [tilespmem:s13], [sflag:$0x2], $0x1000, $0x38;
	[tilespmem:$0x10400] =	vst v63  }
0x9c: {  	s12 =	simm.s32 @!p1 $0x2  }
0x9d: {  	s31 =	sadd.s32 $0xB, s7;
	_ =	swait.ge @!p1 [sflag:s12], $0x1000  }
0x9e: {  	s15 =	sshll.u32 s31, $0xC;
	[sflag:s12] =	ssyncset.done @!p1 $0x0  }
0x9f: {  	s14 =	sadd.s32 s2, s15;
	[sflag:s12] =	ssyncadd.s32 @!p1 $0xFFFFF000  }
0xa0: {  	[hbm4b:s14+s10] =	stream.linear.scatter @!p0 [tilespmem:s11], [sflag:$0x2], $0x8000, $0x38;
	[tilespmem:$0x10400] =	vst v63  }
0xa1: {  	_ =	swait.ge @!p0 [sflag:s9], $0x8000  }
0xa2: {  	p1 =	sne.s32 s31, $0x125;
	[sflag:s9] =	ssyncset.done @!p0 $0x0  }
0xa3: {  	s12 =	simm.s32 @!p1 $0x0;
	s13 =	simm.s32 @!p1 $0x400;
	[sflag:s9] =	ssyncadd.s32 @!p0 $0xFFFF8000  }
0xa4: {  	[hbm4b:s8+s12] =	stream.linear.scatter @!p1 [tilespmem:s13], [sflag:$0x2], $0x1000, $0x38;
	[tilespmem:$0x10400] =	vst v63  }
0xa5: {  	s12 =	simm.s32 @!p1 $0x2  }
0xa6: {  	s16 =	sadd.s32 $0xC, s7;
	_ =	swait.ge @!p1 [sflag:s12], $0x1000  }
0xa7: {  	s17 =	sshll.u32 s16, $0xC;
	[sflag:s12] =	ssyncset.done @!p1 $0x0  }
0xa8: {  	s14 =	sadd.s32 s2, s17;
	[sflag:s12] =	ssyncadd.s32 @!p1 $0xFFFFF000  }
0xa9: {  	[hbm4b:s14+s10] =	stream.linear.scatter @!p0 [tilespmem:s11], [sflag:$0x2], $0x8000, $0x38;
	[tilespmem:$0x10400] =	vst v63  }
0xaa: {  	_ =	swait.ge @!p0 [sflag:s9], $0x8000  }
0xab: {  	p1 =	sne.s32 s16, $0x125;
	[sflag:s9] =	ssyncset.done @!p0 $0x0  }
0xac: {  	s12 =	simm.s32 @!p1 $0x0;
	s13 =	simm.s32 @!p1 $0x400;
	[sflag:s9] =	ssyncadd.s32 @!p0 $0xFFFF8000  }
0xad: {  	[hbm4b:s8+s12] =	stream.linear.scatter @!p1 [tilespmem:s13], [sflag:$0x2], $0x1000, $0x38;
	[tilespmem:$0x10400] =	vst v63  }
0xae: {  	s12 =	simm.s32 @!p1 $0x2  }
0xaf: {  	s18 =	sadd.s32 $0xD, s7;
	_ =	swait.ge @!p1 [sflag:s12], $0x1000  }
0xb0: {  	s19 =	sshll.u32 s18, $0xC;
	[sflag:s12] =	ssyncset.done @!p1 $0x0  }
0xb1: {  	s14 =	sadd.s32 s2, s19;
	[sflag:s12] =	ssyncadd.s32 @!p1 $0xFFFFF000  }
0xb2: {  	[hbm4b:s14+s10] =	stream.linear.scatter @!p0 [tilespmem:s11], [sflag:$0x2], $0x8000, $0x38;
	[tilespmem:$0x10400] =	vst v63  }
0xb3: {  	_ =	swait.ge @!p0 [sflag:s9], $0x8000  }
0xb4: {  	p1 =	sne.s32 s18, $0x125;
	[sflag:s9] =	ssyncset.done @!p0 $0x0  }
0xb5: {  	s12 =	simm.s32 @!p1 $0x0;
	s13 =	simm.s32 @!p1 $0x400;
	[sflag:s9] =	ssyncadd.s32 @!p0 $0xFFFF8000  }
0xb6: {  	[hbm4b:s8+s12] =	stream.linear.scatter @!p1 [tilespmem:s13], [sflag:$0x2], $0x1000, $0x38;
	[tilespmem:$0x10400] =	vst v63  }
0xb7: {  	s12 =	simm.s32 @!p1 $0x2  }
0xb8: {  	s20 =	sadd.s32 $0xE, s7;
	_ =	swait.ge @!p1 [sflag:s12], $0x1000  }
0xb9: {  	s21 =	sshll.u32 s20, $0xC;
	[sflag:s12] =	ssyncset.done @!p1 $0x0  }
0xba: {  	s14 =	sadd.s32 s2, s21;
	[sflag:s12] =	ssyncadd.s32 @!p1 $0xFFFFF000  }
0xbb: {  	[hbm4b:s14+s10] =	stream.linear.scatter @!p0 [tilespmem:s11], [sflag:$0x2], $0x8000, $0x38;
	[tilespmem:$0x10400] =	vst v63  }
0xbc: {  	_ =	swait.ge @!p0 [sflag:s9], $0x8000  }
0xbd: {  	p1 =	sne.s32 s20, $0x125;
	[sflag:s9] =	ssyncset.done @!p0 $0x0  }
0xbe: {  	s12 =	simm.s32 @!p1 $0x0;
	s13 =	simm.s32 @!p1 $0x400;
	[sflag:s9] =	ssyncadd.s32 @!p0 $0xFFFF8000  }
0xbf: {  	[hbm4b:s8+s12] =	stream.linear.scatter @!p1 [tilespmem:s13], [sflag:$0x2], $0x1000, $0x38;
	[tilespmem:$0x10400] =	vst v63  }
0xc0: {  	s12 =	simm.s32 @!p1 $0x2  }
0xc1: {  	s22 =	sadd.s32 $0xF, s7;
	_ =	swait.ge @!p1 [sflag:s12], $0x1000  }
0xc2: {  	s23 =	sshll.u32 s22, $0xC;
	[sflag:s12] =	ssyncset.done @!p1 $0x0  }
0xc3: {  	s14 =	sadd.s32 s2, s23;
	[sflag:s12] =	ssyncadd.s32 @!p1 $0xFFFFF000  }
0xc4: {  	[hbm4b:s14+s10] =	stream.linear.scatter @!p0 [tilespmem:s11], [sflag:$0x2], $0x8000, $0x38;
	[tilespmem:$0x10400] =	vst v63  }
0xc5: {  	_ =	swait.ge @!p0 [sflag:s9], $0x8000  }
0xc6: {  	p1 =	sne.s32 s22, $0x125;
	[sflag:s9] =	ssyncset.done @!p0 $0x0  }
0xc7: {  	s12 =	simm.s32 @!p1 $0x0;
	s13 =	simm.s32 @!p1 $0x400;
	[sflag:s9] =	ssyncadd.s32 @!p0 $0xFFFF8000  }
0xc8: {  	[hbm4b:s8+s12] =	stream.linear.scatter @!p1 [tilespmem:s13], [sflag:$0x2], $0x1000, $0x38;
	[tilespmem:$0x10400] =	vst v63  }
0xc9: {  	s12 =	simm.s32 @!p1 $0x2  }
0xca: {  	s24 =	sadd.s32 $0x10, s7;
	_ =	swait.ge @!p1 [sflag:s12], $0x1000  }
0xcb: {  	s25 =	sshll.u32 s24, $0xC;
	[sflag:s12] =	ssyncset.done @!p1 $0x0  }
0xcc: {  	s14 =	sadd.s32 s2, s25;
	[sflag:s12] =	ssyncadd.s32 @!p1 $0xFFFFF000  }
0xcd: {  	[hbm4b:s14+s10] =	stream.linear.scatter @!p0 [tilespmem:s11], [sflag:$0x2], $0x8000, $0x38;
	[tilespmem:$0x10400] =	vst v63  }
0xce: {  	_ =	swait.ge @!p0 [sflag:s9], $0x8000  }
0xcf: {  	p1 =	sne.s32 s24, $0x125;
	[sflag:s9] =	ssyncset.done @!p0 $0x0  }
0xd0: {  	s12 =	simm.s32 @!p1 $0x0;
	s13 =	simm.s32 @!p1 $0x400;
	[sflag:s9] =	ssyncadd.s32 @!p0 $0xFFFF8000  }
0xd1: {  	[hbm4b:s8+s12] =	stream.linear.scatter @!p1 [tilespmem:s13], [sflag:$0x2], $0x1000, $0x38;
	[tilespmem:$0x10400] =	vst v63  }
0xd2: {  	s12 =	simm.s32 @!p1 $0x2  }
0xd3: {  	s26 =	sadd.s32 $0x11, s7;
	_ =	swait.ge @!p1 [sflag:s12], $0x1000  }
0xd4: {  	s28 =	sshll.u32 s26, $0xC;
	[sflag:s12] =	ssyncset.done @!p1 $0x0  }
0xd5: {  	s14 =	sadd.s32 s2, s28;
	[sflag:s12] =	ssyncadd.s32 @!p1 $0xFFFFF000  }
0xd6: {  	[hbm4b:s14+s10] =	stream.linear.scatter @!p0 [tilespmem:s11], [sflag:$0x2], $0x8000, $0x38;
	[tilespmem:$0x10400] =	vst v63  }
0xd7: {  	_ =	swait.ge @!p0 [sflag:s9], $0x8000  }
0xd8: {  	p1 =	sne.s32 s26, $0x125;
	[sflag:s9] =	ssyncset.done @!p0 $0x0  }
0xd9: {  	s12 =	simm.s32 @!p1 $0x0;
	s13 =	simm.s32 @!p1 $0x400;
	[sflag:s9] =	ssyncadd.s32 @!p0 $0xFFFF8000  }
0xda: {  	[hbm4b:s8+s12] =	stream.linear.scatter @!p1 [tilespmem:s13], [sflag:$0x2], $0x1000, $0x38;
	[tilespmem:$0x10400] =	vst v63  }
0xdb: {  	s12 =	simm.s32 @!p1 $0x2  }
0xdc: {  	s7 =	sadd.s32 $0x12, s7;
	_ =	swait.ge @!p1 [sflag:s12], $0x1000  }
0xdd: {  	s29 =	sshll.u32 s7, $0xC;
	[sflag:s12] =	ssyncset.done @!p1 $0x0  }
0xde: {  	s13 =	sadd.s32 s2, s29;
	[sflag:s12] =	ssyncadd.s32 @!p1 $0xFFFFF000  }
0xdf: {  	[hbm4b:s13+s10] =	stream.linear.scatter @!p0 [tilespmem:s11], [sflag:$0x2], $0x8000, $0x38;
	[tilespmem:$0x10400] =	vst v63  }
0xe0: {  	_ =	swait.ge @!p0 [sflag:s9], $0x8000  }
0xe1: {  	p1 =	sne.s32 s7, $0x125;
	[sflag:s9] =	ssyncset.done @!p0 $0x0  }
0xe2: {  	s7 =	simm.s32 @!p1 $0x0;
	[sflag:s9] =	ssyncadd.s32 @!p0 $0xFFFF8000;
	s9 =	simm.s32 @!p1 $0x400  }
0xe3: {  	[hbm4b:s8+s7] =	stream.linear.scatter @!p1 [tilespmem:s9], [sflag:$0x2], $0x1000, $0x38;
	[tilespmem:$0x10400] =	vst v63  }
0xe4: {  	s7 =	simm.s32 @!p1 $0x2  }
0xe5: {  	_ =	swait.ge @!p1 [sflag:s7], $0x1000  }
0xe6: {  	[sflag:s7] =	ssyncset.done @!p1 $0x0  }
0xe7: {  	s30 =	sshll.u32 s1, $0x7;
	[sflag:s7] =	ssyncadd.s32 @!p1 $0xFFFFF000  }
0xe8: {  	s6 =	sadd.s32 s6, s30;
	[bflag:$0x0] =	sbarrier.arrive $0xFFFF  }
0xe9: {  	[tilespmem:s3], [sflag:$0x2] =	stream.linear.gather [hbm4b:s6+s3], $0x400, $0x38;
	[tilespmem:$0x10400] =	vst v63  }
0xea: {  	_ =	swait.ge [sflag:s4], $0x400  }
0xeb: {  	s31 =	sshll.u32 s1, $0xF;
	[sflag:s4] =	ssyncset.done $0x0  }
0xec: {  	s8 =	simm.s32 $0x8400;
	s6 =	sadd.s32 s5, s31;
	[sflag:s4] =	ssyncadd.s32 $0xFFFFFC00  }
0xed: {  	[tilespmem:s8], [sflag:$0x2] =	stream.linear.gather [hbm4b:s6+s3], $0x8000, $0x38;
	[tilespmem:$0x10400] =	vst v63  }
0xee: {  	_ =	swait.ge [sflag:s4], $0x8000  }
0xef: {  	[sflag:s4] =	ssyncset.done $0x0  }
0xf0: {  	[sflag:s4] =	ssyncadd.s32 $0xFFFF8000  }
0xf1: {  	v23 =	vld [tilespmem:$0x0];
	_ =	sdelay $0x4  }
0xf2: {  	v1 =	vshll.u32 v23, $0x2  }
0xf3: {  	v2 =	vlaneseq.u32;
	v0 =	vand.u32 $0x7, v23;
	v1 =	vand.u32 $0xFFFFFFE0, v1  }
0xf4: {  	v24 =	vand.u32 $0x7, v2;
	v25 =	vshrl.u32 v2, $0x3;
	v3 =	vor.u32 v0, v1  }
0xf5: {  	v1 =	vmul.u32 $0x8, v25;
	v4 =	vperm.xlane v3, v24;
	_ =	sdelay $0x1  }
0xf6: {  	v4 =	vadd.s32 v1, v4  }
0xf7: {  	v2 =	vor.u32 $0x8, v2  }
0xf8: {  	v3 =	vperm.xlane v3, v2;
	_ =	sdelay $0x1  }
0xf9: {  	vm0 =	vmmov $0xffff;
	v3 =	vadd.s32 v1, v3  }
0xfa: {  	[hbm4b:s2+s3] =	stream.indirect_vreg.scatter [tilespmem:s8], [sflag:$0x1], $0x80, v4, vm0, $0xb8;
	[tilespmem:$0x10400] =	vst v63  }
0xfb: {  	s9 =	simm.s32 $0x8C00;
	s5 =	sadd.s32 $0x100, s2  }
0xfc: {  	[hbm4b:s5+s3] =	stream.indirect_vreg.scatter [tilespmem:s9], [sflag:$0x1], $0x80, v4, vm0, $0xb8;
	[tilespmem:$0x10400] =	vst v63  }
0xfd: {  	s10 =	simm.s32 $0x9400  }
0xfe: {  	[hbm4b:s2+s3] =	stream.indirect_vreg.scatter [tilespmem:s10], [sflag:$0x1], $0x80, v3, vm0, $0xb8;
	[tilespmem:$0x10400] =	vst v63  }
0xff: {  	s11 =	simm.s32 $0x9C00  }
0x100: {  	[hbm4b:s5+s3] =	stream.indirect_vreg.scatter [tilespmem:s11], [sflag:$0x1], $0x80, v3, vm0, $0xb8;
	[tilespmem:$0x10400] =	vst v63  }
0x101: {  	v3 =	vld [tilespmem:$0x10];
	_ =	sdelay $0x4  }
0x102: {  	v26 =	vshll.u32 v3, $0x2  }
0x103: {  	v3 =	vand.u32 $0x7, v3;
	v4 =	vand.u32 $0xFFFFFFE0, v26  }
0x104: {  	v3 =	vor.u32 v3, v4  }
0x105: {  	v4 =	vperm.xlane v3, v24;
	_ =	sdelay $0x1  }
0x106: {  	v4 =	vadd.s32 v1, v4;
	_ =	sdelay $0x1  }
0x107: {  	v3 =	vperm.xlane v3, v2;
	_ =	sdelay $0x1  }
0x108: {  	s12 =	simm.s32 $0xA400;
	v3 =	vadd.s32 v1, v3  }
0x109: {  	[hbm4b:s2+s3] =	stream.indirect_vreg.scatter [tilespmem:s12], [sflag:$0x1], $0x80, v4, vm0, $0xb8;
	[tilespmem:$0x10400] =	vst v63  }
0x10a: {  	s13 =	simm.s32 $0xAC00  }
0x10b: {  	[hbm4b:s5+s3] =	stream.indirect_vreg.scatter [tilespmem:s13], [sflag:$0x1], $0x80, v4, vm0, $0xb8;
	[tilespmem:$0x10400] =	vst v63  }
0x10c: {  	s14 =	simm.s32 $0xB400  }
0x10d: {  	[hbm4b:s2+s3] =	stream.indirect_vreg.scatter [tilespmem:s14], [sflag:$0x1], $0x80, v3, vm0, $0xb8;
	[tilespmem:$0x10400] =	vst v63  }
0x10e: {  	s25 =	simm.s32 $0xBC00  }
0x10f: {  	[hbm4b:s5+s3] =	stream.indirect_vreg.scatter [tilespmem:s25], [sflag:$0x1], $0x80, v3, vm0, $0xb8;
	[tilespmem:$0x10400] =	vst v63  }
0x110: {  	v3 =	vld [tilespmem:$0x20];
	_ =	sdelay $0x4  }
0x111: {  	v27 =	vshll.u32 v3, $0x2  }
0x112: {  	v3 =	vand.u32 $0x7, v3;
	v4 =	vand.u32 $0xFFFFFFE0, v27  }
0x113: {  	v3 =	vor.u32 v3, v4  }
0x114: {  	v4 =	vperm.xlane v3, v24;
	_ =	sdelay $0x1  }
0x115: {  	v4 =	vadd.s32 v1, v4;
	_ =	sdelay $0x1  }
0x116: {  	v3 =	vperm.xlane v3, v2;
	_ =	sdelay $0x1  }
0x117: {  	s15 =	simm.s32 $0xC400;
	v3 =	vadd.s32 v1, v3  }
0x118: {  	[hbm4b:s2+s3] =	stream.indirect_vreg.scatter [tilespmem:s15], [sflag:$0x1], $0x80, v4, vm0, $0xb8;
	[tilespmem:$0x10400] =	vst v63  }
0x119: {  	s16 =	simm.s32 $0xCC00  }
0x11a: {  	[hbm4b:s5+s3] =	stream.indirect_vreg.scatter [tilespmem:s16], [sflag:$0x1], $0x80, v4, vm0, $0xb8;
	[tilespmem:$0x10400] =	vst v63  }
0x11b: {  	s17 =	simm.s32 $0xD400  }
0x11c: {  	[hbm4b:s2+s3] =	stream.indirect_vreg.scatter [tilespmem:s17], [sflag:$0x1], $0x80, v3, vm0, $0xb8;
	[tilespmem:$0x10400] =	vst v63  }
0x11d: {  	s18 =	simm.s32 $0xDC00  }
0x11e: {  	[hbm4b:s5+s3] =	stream.indirect_vreg.scatter [tilespmem:s18], [sflag:$0x1], $0x80, v3, vm0, $0xb8;
	[tilespmem:$0x10400] =	vst v63  }
0x11f: {  	v3 =	vld [tilespmem:$0x30];
	_ =	sdelay $0x4  }
0x120: {  	v28 =	vshll.u32 v3, $0x2  }
0x121: {  	v3 =	vand.u32 $0x7, v3;
	v4 =	vand.u32 $0xFFFFFFE0, v28  }
0x122: {  	v3 =	vor.u32 v3, v4  }
0x123: {  	v4 =	vperm.xlane v3, v24;
	_ =	sdelay $0x1  }
0x124: {  	v4 =	vadd.s32 v1, v4;
	_ =	sdelay $0x1  }
0x125: {  	v3 =	vperm.xlane v3, v2;
	_ =	sdelay $0x1  }
0x126: {  	s19 =	simm.s32 $0xE400;
	v3 =	vadd.s32 v1, v3  }
0x127: {  	[hbm4b:s2+s3] =	stream.indirect_vreg.scatter [tilespmem:s19], [sflag:$0x1], $0x80, v4, vm0, $0xb8;
	[tilespmem:$0x10400] =	vst v63  }
0x128: {  	s20 =	simm.s32 $0xEC00  }
0x129: {  	[hbm4b:s5+s3] =	stream.indirect_vreg.scatter [tilespmem:s20], [sflag:$0x1], $0x80, v4, vm0, $0xb8;
	[tilespmem:$0x10400] =	vst v63  }
0x12a: {  	s21 =	simm.s32 $0xF400  }
0x12b: {  	[hbm4b:s2+s3] =	stream.indirect_vreg.scatter [tilespmem:s21], [sflag:$0x1], $0x80, v3, vm0, $0xb8;
	[tilespmem:$0x10400] =	vst v63  }
0x12c: {  	s23 =	simm.s32 $0xFC00;
	s22 =	simm.s32 $0x1  }
0x12d: {  	[hbm4b:s5+s3] =	stream.indirect_vreg.scatter [tilespmem:s23], [sflag:$0x1], $0x80, v3, vm0, $0xb8;
	[tilespmem:$0x10400] =	vst v63  }
0x12e: {  	_ =	swait.ge [sflag:s22], $0x8000  }
0x12f: {  	[sflag:s22] =	ssyncset.done $0x0  }
0x130: {  	s24 =	sadd.s32 $0x1000, s6;
	[sflag:s22] =	ssyncadd.s32 $0xFFFF8000  }
0x131: {  	[tilespmem:s8], [sflag:$0x2] =	stream.linear.gather [hbm4b:s24+s3], $0x8000, $0x38;
	[tilespmem:$0x10400] =	vst v63  }
0x132: {  	_ =	swait.ge [sflag:s4], $0x8000  }
0x133: {  	[sflag:s4] =	ssyncset.done $0x0  }
0x134: {  	[sflag:s4] =	ssyncadd.s32 $0xFFFF8000  }
0x135: {  	v29 =	vld [tilespmem:$0x80];
	_ =	sdelay $0x4  }
0x136: {  	v30 =	vshll.u32 v29, $0x2  }
0x137: {  	v3 =	vand.u32 $0x7, v29;
	v4 =	vand.u32 $0xFFFFFFE0, v30  }
0x138: {  	v3 =	vor.u32 v3, v4  }
0x139: {  	v4 =	vperm.xlane v3, v24;
	_ =	sdelay $0x1  }
0x13a: {  	v4 =	vadd.s32 v1, v4;
	_ =	sdelay $0x1  }
0x13b: {  	v3 =	vperm.xlane v3, v2;
	_ =	sdelay $0x1  }
0x13c: {  	v3 =	vadd.s32 v1, v3  }
0x13d: {  	[hbm4b:s2+s3] =	stream.indirect_vreg.scatter [tilespmem:s8], [sflag:$0x1], $0x80, v4, vm0, $0xb8;
	[tilespmem:$0x10400] =	vst v63  }
0x13e: {  	_ = 	snop  }
0x13f: {  	[hbm4b:s5+s3] =	stream.indirect_vreg.scatter [tilespmem:s9], [sflag:$0x1], $0x80, v4, vm0, $0xb8;
	[tilespmem:$0x10400] =	vst v63  }
0x140: {  	_ = 	snop  }
0x141: {  	[hbm4b:s2+s3] =	stream.indirect_vreg.scatter [tilespmem:s10], [sflag:$0x1], $0x80, v3, vm0, $0xb8;
	[tilespmem:$0x10400] =	vst v63  }
0x142: {  	_ = 	snop  }
0x143: {  	[hbm4b:s5+s3] =	stream.indirect_vreg.scatter [tilespmem:s11], [sflag:$0x1], $0x80, v3, vm0, $0xb8;
	[tilespmem:$0x10400] =	vst v63  }
0x144: {  	v3 =	vld [tilespmem:$0x90];
	_ =	sdelay $0x4  }
0x145: {  	v31 =	vshll.u32 v3, $0x2  }
0x146: {  	v3 =	vand.u32 $0x7, v3;
	v4 =	vand.u32 $0xFFFFFFE0, v31  }
0x147: {  	v3 =	vor.u32 v3, v4  }
0x148: {  	v4 =	vperm.xlane v3, v24;
	_ =	sdelay $0x1  }
0x149: {  	v4 =	vadd.s32 v1, v4;
	_ =	sdelay $0x1  }
0x14a: {  	v3 =	vperm.xlane v3, v2;
	_ =	sdelay $0x1  }
0x14b: {  	v3 =	vadd.s32 v1, v3  }
0x14c: {  	[hbm4b:s2+s3] =	stream.indirect_vreg.scatter [tilespmem:s12], [sflag:$0x1], $0x80, v4, vm0, $0xb8;
	[tilespmem:$0x10400] =	vst v63  }
0x14d: {  	_ = 	snop  }
0x14e: {  	[hbm4b:s5+s3] =	stream.indirect_vreg.scatter [tilespmem:s13], [sflag:$0x1], $0x80, v4, vm0, $0xb8;
	[tilespmem:$0x10400] =	vst v63  }
0x14f: {  	_ = 	snop  }
0x150: {  	[hbm4b:s2+s3] =	stream.indirect_vreg.scatter [tilespmem:s14], [sflag:$0x1], $0x80, v3, vm0, $0xb8;
	[tilespmem:$0x10400] =	vst v63  }
0x151: {  	_ = 	snop  }
0x152: {  	[hbm4b:s5+s3] =	stream.indirect_vreg.scatter [tilespmem:s25], [sflag:$0x1], $0x80, v3, vm0, $0xb8;
	[tilespmem:$0x10400] =	vst v63  }
0x153: {  	v3 =	vld [tilespmem:$0xA0];
	_ =	sdelay $0x4  }
0x154: {  	v32 =	vshll.u32 v3, $0x2  }
0x155: {  	v3 =	vand.u32 $0x7, v3;
	v4 =	vand.u32 $0xFFFFFFE0, v32  }
0x156: {  	v3 =	vor.u32 v3, v4  }
0x157: {  	v4 =	vperm.xlane v3, v24;
	_ =	sdelay $0x1  }
0x158: {  	v4 =	vadd.s32 v1, v4;
	_ =	sdelay $0x1  }
0x159: {  	v3 =	vperm.xlane v3, v2;
	_ =	sdelay $0x1  }
0x15a: {  	v3 =	vadd.s32 v1, v3  }
0x15b: {  	[hbm4b:s2+s3] =	stream.indirect_vreg.scatter [tilespmem:s15], [sflag:$0x1], $0x80, v4, vm0, $0xb8;
	[tilespmem:$0x10400] =	vst v63  }
0x15c: {  	_ = 	snop  }
0x15d: {  	[hbm4b:s5+s3] =	stream.indirect_vreg.scatter [tilespmem:s16], [sflag:$0x1], $0x80, v4, vm0, $0xb8;
	[tilespmem:$0x10400] =	vst v63  }
0x15e: {  	_ = 	snop  }
0x15f: {  	[hbm4b:s2+s3] =	stream.indirect_vreg.scatter [tilespmem:s17], [sflag:$0x1], $0x80, v3, vm0, $0xb8;
	[tilespmem:$0x10400] =	vst v63  }
0x160: {  	_ = 	snop  }
0x161: {  	[hbm4b:s5+s3] =	stream.indirect_vreg.scatter [tilespmem:s18], [sflag:$0x1], $0x80, v3, vm0, $0xb8;
	[tilespmem:$0x10400] =	vst v63  }
0x162: {  	v3 =	vld [tilespmem:$0xB0];
	_ =	sdelay $0x4  }
0x163: {  	v33 =	vshll.u32 v3, $0x2  }
0x164: {  	v3 =	vand.u32 $0x7, v3;
	v4 =	vand.u32 $0xFFFFFFE0, v33  }
0x165: {  	v3 =	vor.u32 v3, v4  }
0x166: {  	v4 =	vperm.xlane v3, v24;
	_ =	sdelay $0x1  }
0x167: {  	v4 =	vadd.s32 v1, v4;
	_ =	sdelay $0x1  }
0x168: {  	v3 =	vperm.xlane v3, v2;
	_ =	sdelay $0x1  }
0x169: {  	v3 =	vadd.s32 v1, v3  }
0x16a: {  	[hbm4b:s2+s3] =	stream.indirect_vreg.scatter [tilespmem:s19], [sflag:$0x1], $0x80, v4, vm0, $0xb8;
	[tilespmem:$0x10400] =	vst v63  }
0x16b: {  	_ = 	snop  }
0x16c: {  	[hbm4b:s5+s3] =	stream.indirect_vreg.scatter [tilespmem:s20], [sflag:$0x1], $0x80, v4, vm0, $0xb8;
	[tilespmem:$0x10400] =	vst v63  }
0x16d: {  	_ = 	snop  }
0x16e: {  	[hbm4b:s2+s3] =	stream.indirect_vreg.scatter [tilespmem:s21], [sflag:$0x1], $0x80, v3, vm0, $0xb8;
	[tilespmem:$0x10400] =	vst v63  }
0x16f: {  	_ = 	snop  }
0x170: {  	[hbm4b:s5+s3] =	stream.indirect_vreg.scatter [tilespmem:s23], [sflag:$0x1], $0x80, v3, vm0, $0xb8;
	[tilespmem:$0x10400] =	vst v63  }
0x171: {  	_ =	swait.ge [sflag:s22], $0x8000  }
0x172: {  	[sflag:s22] =	ssyncset.done $0x0  }
0x173: {  	s26 =	sadd.s32 $0x2000, s6;
	[sflag:s22] =	ssyncadd.s32 $0xFFFF8000  }
0x174: {  	[tilespmem:s8], [sflag:$0x2] =	stream.linear.gather [hbm4b:s26+s3], $0x8000, $0x38;
	[tilespmem:$0x10400] =	vst v63  }
0x175: {  	_ =	swait.ge [sflag:s4], $0x8000  }
0x176: {  	[sflag:s4] =	ssyncset.done $0x0  }
0x177: {  	[sflag:s4] =	ssyncadd.s32 $0xFFFF8000  }
0x178: {  	v34 =	vld [tilespmem:$0x100];
	_ =	sdelay $0x4  }
0x179: {  	v35 =	vshll.u32 v34, $0x2  }
0x17a: {  	v3 =	vand.u32 $0x7, v34;
	v4 =	vand.u32 $0xFFFFFFE0, v35  }
0x17b: {  	v3 =	vor.u32 v3, v4  }
0x17c: {  	v4 =	vperm.xlane v3, v24;
	_ =	sdelay $0x1  }
0x17d: {  	v4 =	vadd.s32 v1, v4;
	_ =	sdelay $0x1  }
0x17e: {  	v3 =	vperm.xlane v3, v2;
	_ =	sdelay $0x1  }
0x17f: {  	v3 =	vadd.s32 v1, v3  }
0x180: {  	[hbm4b:s2+s3] =	stream.indirect_vreg.scatter [tilespmem:s8], [sflag:$0x1], $0x80, v4, vm0, $0xb8;
	[tilespmem:$0x10400] =	vst v63  }
0x181: {  	_ = 	snop  }
0x182: {  	[hbm4b:s5+s3] =	stream.indirect_vreg.scatter [tilespmem:s9], [sflag:$0x1], $0x80, v4, vm0, $0xb8;
	[tilespmem:$0x10400] =	vst v63  }
0x183: {  	_ = 	snop  }
0x184: {  	[hbm4b:s2+s3] =	stream.indirect_vreg.scatter [tilespmem:s10], [sflag:$0x1], $0x80, v3, vm0, $0xb8;
	[tilespmem:$0x10400] =	vst v63  }
0x185: {  	_ = 	snop  }
0x186: {  	[hbm4b:s5+s3] =	stream.indirect_vreg.scatter [tilespmem:s11], [sflag:$0x1], $0x80, v3, vm0, $0xb8;
	[tilespmem:$0x10400] =	vst v63  }
0x187: {  	v3 =	vld [tilespmem:$0x110];
	_ =	sdelay $0x4  }
0x188: {  	v36 =	vshll.u32 v3, $0x2  }
0x189: {  	v3 =	vand.u32 $0x7, v3;
	v4 =	vand.u32 $0xFFFFFFE0, v36  }
0x18a: {  	v3 =	vor.u32 v3, v4  }
0x18b: {  	v4 =	vperm.xlane v3, v24;
	_ =	sdelay $0x1  }
0x18c: {  	v4 =	vadd.s32 v1, v4;
	_ =	sdelay $0x1  }
0x18d: {  	v3 =	vperm.xlane v3, v2;
	_ =	sdelay $0x1  }
0x18e: {  	v3 =	vadd.s32 v1, v3  }
0x18f: {  	[hbm4b:s2+s3] =	stream.indirect_vreg.scatter [tilespmem:s12], [sflag:$0x1], $0x80, v4, vm0, $0xb8;
	[tilespmem:$0x10400] =	vst v63  }
0x190: {  	_ = 	snop  }
0x191: {  	[hbm4b:s5+s3] =	stream.indirect_vreg.scatter [tilespmem:s13], [sflag:$0x1], $0x80, v4, vm0, $0xb8;
	[tilespmem:$0x10400] =	vst v63  }
0x192: {  	_ = 	snop  }
0x193: {  	[hbm4b:s2+s3] =	stream.indirect_vreg.scatter [tilespmem:s14], [sflag:$0x1], $0x80, v3, vm0, $0xb8;
	[tilespmem:$0x10400] =	vst v63  }
0x194: {  	_ = 	snop  }
0x195: {  	[hbm4b:s5+s3] =	stream.indirect_vreg.scatter [tilespmem:s25], [sflag:$0x1], $0x80, v3, vm0, $0xb8;
	[tilespmem:$0x10400] =	vst v63  }
0x196: {  	v3 =	vld [tilespmem:$0x120];
	_ =	sdelay $0x4  }
0x197: {  	v37 =	vshll.u32 v3, $0x2  }
0x198: {  	v3 =	vand.u32 $0x7, v3;
	v4 =	vand.u32 $0xFFFFFFE0, v37  }
0x199: {  	v3 =	vor.u32 v3, v4  }
0x19a: {  	v4 =	vperm.xlane v3, v24;
	_ =	sdelay $0x1  }
0x19b: {  	v4 =	vadd.s32 v1, v4;
	_ =	sdelay $0x1  }
0x19c: {  	v3 =	vperm.xlane v3, v2;
	_ =	sdelay $0x1  }
0x19d: {  	v3 =	vadd.s32 v1, v3  }
0x19e: {  	[hbm4b:s2+s3] =	stream.indirect_vreg.scatter [tilespmem:s15], [sflag:$0x1], $0x80, v4, vm0, $0xb8;
	[tilespmem:$0x10400] =	vst v63  }
0x19f: {  	_ = 	snop  }
0x1a0: {  	[hbm4b:s5+s3] =	stream.indirect_vreg.scatter [tilespmem:s16], [sflag:$0x1], $0x80, v4, vm0, $0xb8;
	[tilespmem:$0x10400] =	vst v63  }
0x1a1: {  	_ = 	snop  }
0x1a2: {  	[hbm4b:s2+s3] =	stream.indirect_vreg.scatter [tilespmem:s17], [sflag:$0x1], $0x80, v3, vm0, $0xb8;
	[tilespmem:$0x10400] =	vst v63  }
0x1a3: {  	_ = 	snop  }
0x1a4: {  	[hbm4b:s5+s3] =	stream.indirect_vreg.scatter [tilespmem:s18], [sflag:$0x1], $0x80, v3, vm0, $0xb8;
	[tilespmem:$0x10400] =	vst v63  }
0x1a5: {  	v3 =	vld [tilespmem:$0x130];
	_ =	sdelay $0x4  }
0x1a6: {  	v38 =	vshll.u32 v3, $0x2  }
0x1a7: {  	v3 =	vand.u32 $0x7, v3;
	v4 =	vand.u32 $0xFFFFFFE0, v38  }
0x1a8: {  	v3 =	vor.u32 v3, v4  }
0x1a9: {  	v4 =	vperm.xlane v3, v24;
	_ =	sdelay $0x1  }
0x1aa: {  	v4 =	vadd.s32 v1, v4;
	_ =	sdelay $0x1  }
0x1ab: {  	v3 =	vperm.xlane v3, v2;
	_ =	sdelay $0x1  }
0x1ac: {  	v3 =	vadd.s32 v1, v3  }
0x1ad: {  	[hbm4b:s2+s3] =	stream.indirect_vreg.scatter [tilespmem:s19], [sflag:$0x1], $0x80, v4, vm0, $0xb8;
	[tilespmem:$0x10400] =	vst v63  }
0x1ae: {  	_ = 	snop  }
0x1af: {  	[hbm4b:s5+s3] =	stream.indirect_vreg.scatter [tilespmem:s20], [sflag:$0x1], $0x80, v4, vm0, $0xb8;
	[tilespmem:$0x10400] =	vst v63  }
0x1b0: {  	_ = 	snop  }
0x1b1: {  	[hbm4b:s2+s3] =	stream.indirect_vreg.scatter [tilespmem:s21], [sflag:$0x1], $0x80, v3, vm0, $0xb8;
	[tilespmem:$0x10400] =	vst v63  }
0x1b2: {  	_ = 	snop  }
0x1b3: {  	[hbm4b:s5+s3] =	stream.indirect_vreg.scatter [tilespmem:s23], [sflag:$0x1], $0x80, v3, vm0, $0xb8;
	[tilespmem:$0x10400] =	vst v63  }
0x1b4: {  	_ =	swait.ge [sflag:s22], $0x8000  }
0x1b5: {  	[sflag:s22] =	ssyncset.done $0x0  }
0x1b6: {  	s28 =	sadd.s32 $0x3000, s6;
	[sflag:s22] =	ssyncadd.s32 $0xFFFF8000  }
0x1b7: {  	[tilespmem:s8], [sflag:$0x2] =	stream.linear.gather [hbm4b:s28+s3], $0x8000, $0x38;
	[tilespmem:$0x10400] =	vst v63  }
0x1b8: {  	_ =	swait.ge [sflag:s4], $0x8000  }
0x1b9: {  	[sflag:s4] =	ssyncset.done $0x0  }
0x1ba: {  	[sflag:s4] =	ssyncadd.s32 $0xFFFF8000  }
0x1bb: {  	v39 =	vld [tilespmem:$0x180];
	_ =	sdelay $0x4  }
0x1bc: {  	v40 =	vshll.u32 v39, $0x2  }
0x1bd: {  	v3 =	vand.u32 $0x7, v39;
	v4 =	vand.u32 $0xFFFFFFE0, v40  }
0x1be: {  	v3 =	vor.u32 v3, v4  }
0x1bf: {  	v4 =	vperm.xlane v3, v24;
	_ =	sdelay $0x1  }
0x1c0: {  	v4 =	vadd.s32 v1, v4;
	_ =	sdelay $0x1  }
0x1c1: {  	v3 =	vperm.xlane v3, v2;
	_ =	sdelay $0x1  }
0x1c2: {  	v3 =	vadd.s32 v1, v3  }
0x1c3: {  	[hbm4b:s2+s3] =	stream.indirect_vreg.scatter [tilespmem:s8], [sflag:$0x1], $0x80, v4, vm0, $0xb8;
	[tilespmem:$0x10400] =	vst v63  }
0x1c4: {  	_ = 	snop  }
0x1c5: {  	[hbm4b:s5+s3] =	stream.indirect_vreg.scatter [tilespmem:s9], [sflag:$0x1], $0x80, v4, vm0, $0xb8;
	[tilespmem:$0x10400] =	vst v63  }
0x1c6: {  	_ = 	snop  }
0x1c7: {  	[hbm4b:s2+s3] =	stream.indirect_vreg.scatter [tilespmem:s10], [sflag:$0x1], $0x80, v3, vm0, $0xb8;
	[tilespmem:$0x10400] =	vst v63  }
0x1c8: {  	_ = 	snop  }
0x1c9: {  	[hbm4b:s5+s3] =	stream.indirect_vreg.scatter [tilespmem:s11], [sflag:$0x1], $0x80, v3, vm0, $0xb8;
	[tilespmem:$0x10400] =	vst v63  }
0x1ca: {  	v3 =	vld [tilespmem:$0x190];
	_ =	sdelay $0x4  }
0x1cb: {  	v41 =	vshll.u32 v3, $0x2  }
0x1cc: {  	v3 =	vand.u32 $0x7, v3;
	v4 =	vand.u32 $0xFFFFFFE0, v41  }
0x1cd: {  	v3 =	vor.u32 v3, v4  }
0x1ce: {  	v4 =	vperm.xlane v3, v24;
	_ =	sdelay $0x1  }
0x1cf: {  	v4 =	vadd.s32 v1, v4;
	_ =	sdelay $0x1  }
0x1d0: {  	v3 =	vperm.xlane v3, v2;
	_ =	sdelay $0x1  }
0x1d1: {  	v3 =	vadd.s32 v1, v3  }
0x1d2: {  	[hbm4b:s2+s3] =	stream.indirect_vreg.scatter [tilespmem:s12], [sflag:$0x1], $0x80, v4, vm0, $0xb8;
	[tilespmem:$0x10400] =	vst v63  }
0x1d3: {  	_ = 	snop  }
0x1d4: {  	[hbm4b:s5+s3] =	stream.indirect_vreg.scatter [tilespmem:s13], [sflag:$0x1], $0x80, v4, vm0, $0xb8;
	[tilespmem:$0x10400] =	vst v63  }
0x1d5: {  	_ = 	snop  }
0x1d6: {  	[hbm4b:s2+s3] =	stream.indirect_vreg.scatter [tilespmem:s14], [sflag:$0x1], $0x80, v3, vm0, $0xb8;
	[tilespmem:$0x10400] =	vst v63  }
0x1d7: {  	_ = 	snop  }
0x1d8: {  	[hbm4b:s5+s3] =	stream.indirect_vreg.scatter [tilespmem:s25], [sflag:$0x1], $0x80, v3, vm0, $0xb8;
	[tilespmem:$0x10400] =	vst v63  }
0x1d9: {  	v3 =	vld [tilespmem:$0x1A0];
	_ =	sdelay $0x4  }
0x1da: {  	v42 =	vshll.u32 v3, $0x2  }
0x1db: {  	v3 =	vand.u32 $0x7, v3;
	v4 =	vand.u32 $0xFFFFFFE0, v42  }
0x1dc: {  	v3 =	vor.u32 v3, v4  }
0x1dd: {  	v4 =	vperm.xlane v3, v24;
	_ =	sdelay $0x1  }
0x1de: {  	v4 =	vadd.s32 v1, v4;
	_ =	sdelay $0x1  }
0x1df: {  	v3 =	vperm.xlane v3, v2;
	_ =	sdelay $0x1  }
0x1e0: {  	v3 =	vadd.s32 v1, v3  }
0x1e1: {  	[hbm4b:s2+s3] =	stream.indirect_vreg.scatter [tilespmem:s15], [sflag:$0x1], $0x80, v4, vm0, $0xb8;
	[tilespmem:$0x10400] =	vst v63  }
0x1e2: {  	_ = 	snop  }
0x1e3: {  	[hbm4b:s5+s3] =	stream.indirect_vreg.scatter [tilespmem:s16], [sflag:$0x1], $0x80, v4, vm0, $0xb8;
	[tilespmem:$0x10400] =	vst v63  }
0x1e4: {  	_ = 	snop  }
0x1e5: {  	[hbm4b:s2+s3] =	stream.indirect_vreg.scatter [tilespmem:s17], [sflag:$0x1], $0x80, v3, vm0, $0xb8;
	[tilespmem:$0x10400] =	vst v63  }
0x1e6: {  	_ = 	snop  }
0x1e7: {  	[hbm4b:s5+s3] =	stream.indirect_vreg.scatter [tilespmem:s18], [sflag:$0x1], $0x80, v3, vm0, $0xb8;
	[tilespmem:$0x10400] =	vst v63  }
0x1e8: {  	v3 =	vld [tilespmem:$0x1B0];
	_ =	sdelay $0x4  }
0x1e9: {  	v43 =	vshll.u32 v3, $0x2  }
0x1ea: {  	v3 =	vand.u32 $0x7, v3;
	v4 =	vand.u32 $0xFFFFFFE0, v43  }
0x1eb: {  	v3 =	vor.u32 v3, v4  }
0x1ec: {  	v4 =	vperm.xlane v3, v24;
	_ =	sdelay $0x1  }
0x1ed: {  	v4 =	vadd.s32 v1, v4;
	_ =	sdelay $0x1  }
0x1ee: {  	v3 =	vperm.xlane v3, v2;
	_ =	sdelay $0x1  }
0x1ef: {  	v3 =	vadd.s32 v1, v3  }
0x1f0: {  	[hbm4b:s2+s3] =	stream.indirect_vreg.scatter [tilespmem:s19], [sflag:$0x1], $0x80, v4, vm0, $0xb8;
	[tilespmem:$0x10400] =	vst v63  }
0x1f1: {  	_ = 	snop  }
0x1f2: {  	[hbm4b:s5+s3] =	stream.indirect_vreg.scatter [tilespmem:s20], [sflag:$0x1], $0x80, v4, vm0, $0xb8;
	[tilespmem:$0x10400] =	vst v63  }
0x1f3: {  	_ = 	snop  }
0x1f4: {  	[hbm4b:s2+s3] =	stream.indirect_vreg.scatter [tilespmem:s21], [sflag:$0x1], $0x80, v3, vm0, $0xb8;
	[tilespmem:$0x10400] =	vst v63  }
0x1f5: {  	_ = 	snop  }
0x1f6: {  	[hbm4b:s5+s3] =	stream.indirect_vreg.scatter [tilespmem:s23], [sflag:$0x1], $0x80, v3, vm0, $0xb8;
	[tilespmem:$0x10400] =	vst v63  }
0x1f7: {  	_ =	swait.ge [sflag:s22], $0x8000  }
0x1f8: {  	[sflag:s22] =	ssyncset.done $0x0  }
0x1f9: {  	s29 =	sadd.s32 $0x4000, s6;
	[sflag:s22] =	ssyncadd.s32 $0xFFFF8000  }
0x1fa: {  	[tilespmem:s8], [sflag:$0x2] =	stream.linear.gather [hbm4b:s29+s3], $0x8000, $0x38;
	[tilespmem:$0x10400] =	vst v63  }
0x1fb: {  	_ =	swait.ge [sflag:s4], $0x8000  }
0x1fc: {  	[sflag:s4] =	ssyncset.done $0x0  }
0x1fd: {  	[sflag:s4] =	ssyncadd.s32 $0xFFFF8000  }
0x1fe: {  	v44 =	vld [tilespmem:$0x200];
	_ =	sdelay $0x4  }
0x1ff: {  	v45 =	vshll.u32 v44, $0x2  }
0x200: {  	v3 =	vand.u32 $0x7, v44;
	v4 =	vand.u32 $0xFFFFFFE0, v45  }
0x201: {  	v3 =	vor.u32 v3, v4  }
0x202: {  	v4 =	vperm.xlane v3, v24;
	_ =	sdelay $0x1  }
0x203: {  	v4 =	vadd.s32 v1, v4;
	_ =	sdelay $0x1  }
0x204: {  	v3 =	vperm.xlane v3, v2;
	_ =	sdelay $0x1  }
0x205: {  	v3 =	vadd.s32 v1, v3  }
0x206: {  	[hbm4b:s2+s3] =	stream.indirect_vreg.scatter [tilespmem:s8], [sflag:$0x1], $0x80, v4, vm0, $0xb8;
	[tilespmem:$0x10400] =	vst v63  }
0x207: {  	_ = 	snop  }
0x208: {  	[hbm4b:s5+s3] =	stream.indirect_vreg.scatter [tilespmem:s9], [sflag:$0x1], $0x80, v4, vm0, $0xb8;
	[tilespmem:$0x10400] =	vst v63  }
0x209: {  	_ = 	snop  }
0x20a: {  	[hbm4b:s2+s3] =	stream.indirect_vreg.scatter [tilespmem:s10], [sflag:$0x1], $0x80, v3, vm0, $0xb8;
	[tilespmem:$0x10400] =	vst v63  }
0x20b: {  	_ = 	snop  }
0x20c: {  	[hbm4b:s5+s3] =	stream.indirect_vreg.scatter [tilespmem:s11], [sflag:$0x1], $0x80, v3, vm0, $0xb8;
	[tilespmem:$0x10400] =	vst v63  }
0x20d: {  	v3 =	vld [tilespmem:$0x210];
	_ =	sdelay $0x4  }
0x20e: {  	v46 =	vshll.u32 v3, $0x2  }
0x20f: {  	v3 =	vand.u32 $0x7, v3;
	v4 =	vand.u32 $0xFFFFFFE0, v46  }
0x210: {  	v3 =	vor.u32 v3, v4  }
0x211: {  	v4 =	vperm.xlane v3, v24;
	_ =	sdelay $0x1  }
0x212: {  	v4 =	vadd.s32 v1, v4;
	_ =	sdelay $0x1  }
0x213: {  	v3 =	vperm.xlane v3, v2;
	_ =	sdelay $0x1  }
0x214: {  	v3 =	vadd.s32 v1, v3  }
0x215: {  	[hbm4b:s2+s3] =	stream.indirect_vreg.scatter [tilespmem:s12], [sflag:$0x1], $0x80, v4, vm0, $0xb8;
	[tilespmem:$0x10400] =	vst v63  }
0x216: {  	_ = 	snop  }
0x217: {  	[hbm4b:s5+s3] =	stream.indirect_vreg.scatter [tilespmem:s13], [sflag:$0x1], $0x80, v4, vm0, $0xb8;
	[tilespmem:$0x10400] =	vst v63  }
0x218: {  	_ = 	snop  }
0x219: {  	[hbm4b:s2+s3] =	stream.indirect_vreg.scatter [tilespmem:s14], [sflag:$0x1], $0x80, v3, vm0, $0xb8;
	[tilespmem:$0x10400] =	vst v63  }
0x21a: {  	_ = 	snop  }
0x21b: {  	[hbm4b:s5+s3] =	stream.indirect_vreg.scatter [tilespmem:s25], [sflag:$0x1], $0x80, v3, vm0, $0xb8;
	[tilespmem:$0x10400] =	vst v63  }
0x21c: {  	v3 =	vld [tilespmem:$0x220];
	_ =	sdelay $0x4  }
0x21d: {  	v47 =	vshll.u32 v3, $0x2  }
0x21e: {  	v3 =	vand.u32 $0x7, v3;
	v4 =	vand.u32 $0xFFFFFFE0, v47  }
0x21f: {  	v3 =	vor.u32 v3, v4  }
0x220: {  	v4 =	vperm.xlane v3, v24;
	_ =	sdelay $0x1  }
0x221: {  	v4 =	vadd.s32 v1, v4;
	_ =	sdelay $0x1  }
0x222: {  	v3 =	vperm.xlane v3, v2;
	_ =	sdelay $0x1  }
0x223: {  	v3 =	vadd.s32 v1, v3  }
0x224: {  	[hbm4b:s2+s3] =	stream.indirect_vreg.scatter [tilespmem:s15], [sflag:$0x1], $0x80, v4, vm0, $0xb8;
	[tilespmem:$0x10400] =	vst v63  }
0x225: {  	_ = 	snop  }
0x226: {  	[hbm4b:s5+s3] =	stream.indirect_vreg.scatter [tilespmem:s16], [sflag:$0x1], $0x80, v4, vm0, $0xb8;
	[tilespmem:$0x10400] =	vst v63  }
0x227: {  	_ = 	snop  }
0x228: {  	[hbm4b:s2+s3] =	stream.indirect_vreg.scatter [tilespmem:s17], [sflag:$0x1], $0x80, v3, vm0, $0xb8;
	[tilespmem:$0x10400] =	vst v63  }
0x229: {  	_ = 	snop  }
0x22a: {  	[hbm4b:s5+s3] =	stream.indirect_vreg.scatter [tilespmem:s18], [sflag:$0x1], $0x80, v3, vm0, $0xb8;
	[tilespmem:$0x10400] =	vst v63  }
0x22b: {  	v3 =	vld [tilespmem:$0x230];
	_ =	sdelay $0x4  }
0x22c: {  	v48 =	vshll.u32 v3, $0x2  }
0x22d: {  	v3 =	vand.u32 $0x7, v3;
	v4 =	vand.u32 $0xFFFFFFE0, v48  }
0x22e: {  	v3 =	vor.u32 v3, v4  }
0x22f: {  	v4 =	vperm.xlane v3, v24;
	_ =	sdelay $0x1  }
0x230: {  	v4 =	vadd.s32 v1, v4;
	_ =	sdelay $0x1  }
0x231: {  	v3 =	vperm.xlane v3, v2;
	_ =	sdelay $0x1  }
0x232: {  	v3 =	vadd.s32 v1, v3  }
0x233: {  	[hbm4b:s2+s3] =	stream.indirect_vreg.scatter [tilespmem:s19], [sflag:$0x1], $0x80, v4, vm0, $0xb8;
	[tilespmem:$0x10400] =	vst v63  }
0x234: {  	_ = 	snop  }
0x235: {  	[hbm4b:s5+s3] =	stream.indirect_vreg.scatter [tilespmem:s20], [sflag:$0x1], $0x80, v4, vm0, $0xb8;
	[tilespmem:$0x10400] =	vst v63  }
0x236: {  	_ = 	snop  }
0x237: {  	[hbm4b:s2+s3] =	stream.indirect_vreg.scatter [tilespmem:s21], [sflag:$0x1], $0x80, v3, vm0, $0xb8;
	[tilespmem:$0x10400] =	vst v63  }
0x238: {  	_ = 	snop  }
0x239: {  	[hbm4b:s5+s3] =	stream.indirect_vreg.scatter [tilespmem:s23], [sflag:$0x1], $0x80, v3, vm0, $0xb8;
	[tilespmem:$0x10400] =	vst v63  }
0x23a: {  	_ =	swait.ge [sflag:s22], $0x8000  }
0x23b: {  	[sflag:s22] =	ssyncset.done $0x0  }
0x23c: {  	s30 =	sadd.s32 $0x5000, s6;
	[sflag:s22] =	ssyncadd.s32 $0xFFFF8000  }
0x23d: {  	[tilespmem:s8], [sflag:$0x2] =	stream.linear.gather [hbm4b:s30+s3], $0x8000, $0x38;
	[tilespmem:$0x10400] =	vst v63  }
0x23e: {  	_ =	swait.ge [sflag:s4], $0x8000  }
0x23f: {  	[sflag:s4] =	ssyncset.done $0x0  }
0x240: {  	[sflag:s4] =	ssyncadd.s32 $0xFFFF8000  }
0x241: {  	v49 =	vld [tilespmem:$0x280];
	_ =	sdelay $0x4  }
0x242: {  	v50 =	vshll.u32 v49, $0x2  }
0x243: {  	v3 =	vand.u32 $0x7, v49;
	v4 =	vand.u32 $0xFFFFFFE0, v50  }
0x244: {  	v3 =	vor.u32 v3, v4  }
0x245: {  	v4 =	vperm.xlane v3, v24;
	_ =	sdelay $0x1  }
0x246: {  	v4 =	vadd.s32 v1, v4;
	_ =	sdelay $0x1  }
0x247: {  	v3 =	vperm.xlane v3, v2;
	_ =	sdelay $0x1  }
0x248: {  	v3 =	vadd.s32 v1, v3  }
0x249: {  	[hbm4b:s2+s3] =	stream.indirect_vreg.scatter [tilespmem:s8], [sflag:$0x1], $0x80, v4, vm0, $0xb8;
	[tilespmem:$0x10400] =	vst v63  }
0x24a: {  	_ = 	snop  }
0x24b: {  	[hbm4b:s5+s3] =	stream.indirect_vreg.scatter [tilespmem:s9], [sflag:$0x1], $0x80, v4, vm0, $0xb8;
	[tilespmem:$0x10400] =	vst v63  }
0x24c: {  	_ = 	snop  }
0x24d: {  	[hbm4b:s2+s3] =	stream.indirect_vreg.scatter [tilespmem:s10], [sflag:$0x1], $0x80, v3, vm0, $0xb8;
	[tilespmem:$0x10400] =	vst v63  }
0x24e: {  	_ = 	snop  }
0x24f: {  	[hbm4b:s5+s3] =	stream.indirect_vreg.scatter [tilespmem:s11], [sflag:$0x1], $0x80, v3, vm0, $0xb8;
	[tilespmem:$0x10400] =	vst v63  }
0x250: {  	v3 =	vld [tilespmem:$0x290];
	_ =	sdelay $0x4  }
0x251: {  	v51 =	vshll.u32 v3, $0x2  }
0x252: {  	v3 =	vand.u32 $0x7, v3;
	v4 =	vand.u32 $0xFFFFFFE0, v51  }
0x253: {  	v3 =	vor.u32 v3, v4  }
0x254: {  	v4 =	vperm.xlane v3, v24;
	_ =	sdelay $0x1  }
0x255: {  	v4 =	vadd.s32 v1, v4;
	_ =	sdelay $0x1  }
0x256: {  	v3 =	vperm.xlane v3, v2;
	_ =	sdelay $0x1  }
0x257: {  	v3 =	vadd.s32 v1, v3  }
0x258: {  	[hbm4b:s2+s3] =	stream.indirect_vreg.scatter [tilespmem:s12], [sflag:$0x1], $0x80, v4, vm0, $0xb8;
	[tilespmem:$0x10400] =	vst v63  }
0x259: {  	_ = 	snop  }
0x25a: {  	[hbm4b:s5+s3] =	stream.indirect_vreg.scatter [tilespmem:s13], [sflag:$0x1], $0x80, v4, vm0, $0xb8;
	[tilespmem:$0x10400] =	vst v63  }
0x25b: {  	_ = 	snop  }
0x25c: {  	[hbm4b:s2+s3] =	stream.indirect_vreg.scatter [tilespmem:s14], [sflag:$0x1], $0x80, v3, vm0, $0xb8;
	[tilespmem:$0x10400] =	vst v63  }
0x25d: {  	_ = 	snop  }
0x25e: {  	[hbm4b:s5+s3] =	stream.indirect_vreg.scatter [tilespmem:s25], [sflag:$0x1], $0x80, v3, vm0, $0xb8;
	[tilespmem:$0x10400] =	vst v63  }
0x25f: {  	v3 =	vld [tilespmem:$0x2A0];
	_ =	sdelay $0x4  }
0x260: {  	v52 =	vshll.u32 v3, $0x2  }
0x261: {  	v3 =	vand.u32 $0x7, v3;
	v4 =	vand.u32 $0xFFFFFFE0, v52  }
0x262: {  	v3 =	vor.u32 v3, v4  }
0x263: {  	v4 =	vperm.xlane v3, v24;
	_ =	sdelay $0x1  }
0x264: {  	v4 =	vadd.s32 v1, v4;
	_ =	sdelay $0x1  }
0x265: {  	v3 =	vperm.xlane v3, v2;
	_ =	sdelay $0x1  }
0x266: {  	v3 =	vadd.s32 v1, v3  }
0x267: {  	[hbm4b:s2+s3] =	stream.indirect_vreg.scatter [tilespmem:s15], [sflag:$0x1], $0x80, v4, vm0, $0xb8;
	[tilespmem:$0x10400] =	vst v63  }
0x268: {  	_ = 	snop  }
0x269: {  	[hbm4b:s5+s3] =	stream.indirect_vreg.scatter [tilespmem:s16], [sflag:$0x1], $0x80, v4, vm0, $0xb8;
	[tilespmem:$0x10400] =	vst v63  }
0x26a: {  	_ = 	snop  }
0x26b: {  	[hbm4b:s2+s3] =	stream.indirect_vreg.scatter [tilespmem:s17], [sflag:$0x1], $0x80, v3, vm0, $0xb8;
	[tilespmem:$0x10400] =	vst v63  }
0x26c: {  	_ = 	snop  }
0x26d: {  	[hbm4b:s5+s3] =	stream.indirect_vreg.scatter [tilespmem:s18], [sflag:$0x1], $0x80, v3, vm0, $0xb8;
	[tilespmem:$0x10400] =	vst v63  }
0x26e: {  	v3 =	vld [tilespmem:$0x2B0];
	_ =	sdelay $0x4  }
0x26f: {  	v53 =	vshll.u32 v3, $0x2  }
0x270: {  	v3 =	vand.u32 $0x7, v3;
	v4 =	vand.u32 $0xFFFFFFE0, v53  }
0x271: {  	v3 =	vor.u32 v3, v4  }
0x272: {  	v4 =	vperm.xlane v3, v24;
	_ =	sdelay $0x1  }
0x273: {  	v4 =	vadd.s32 v1, v4;
	_ =	sdelay $0x1  }
0x274: {  	v3 =	vperm.xlane v3, v2;
	_ =	sdelay $0x1  }
0x275: {  	v3 =	vadd.s32 v1, v3  }
0x276: {  	[hbm4b:s2+s3] =	stream.indirect_vreg.scatter [tilespmem:s19], [sflag:$0x1], $0x80, v4, vm0, $0xb8;
	[tilespmem:$0x10400] =	vst v63  }
0x277: {  	_ = 	snop  }
0x278: {  	[hbm4b:s5+s3] =	stream.indirect_vreg.scatter [tilespmem:s20], [sflag:$0x1], $0x80, v4, vm0, $0xb8;
	[tilespmem:$0x10400] =	vst v63  }
0x279: {  	_ = 	snop  }
0x27a: {  	[hbm4b:s2+s3] =	stream.indirect_vreg.scatter [tilespmem:s21], [sflag:$0x1], $0x80, v3, vm0, $0xb8;
	[tilespmem:$0x10400] =	vst v63  }
0x27b: {  	_ = 	snop  }
0x27c: {  	[hbm4b:s5+s3] =	stream.indirect_vreg.scatter [tilespmem:s23], [sflag:$0x1], $0x80, v3, vm0, $0xb8;
	[tilespmem:$0x10400] =	vst v63  }
0x27d: {  	_ =	swait.ge [sflag:s22], $0x8000  }
0x27e: {  	[sflag:s22] =	ssyncset.done $0x0  }
0x27f: {  	s31 =	sadd.s32 $0x6000, s6;
	[sflag:s22] =	ssyncadd.s32 $0xFFFF8000  }
0x280: {  	[tilespmem:s8], [sflag:$0x2] =	stream.linear.gather [hbm4b:s31+s3], $0x8000, $0x38;
	[tilespmem:$0x10400] =	vst v63  }
0x281: {  	_ =	swait.ge [sflag:s4], $0x8000  }
0x282: {  	[sflag:s4] =	ssyncset.done $0x0  }
0x283: {  	[sflag:s4] =	ssyncadd.s32 $0xFFFF8000  }
0x284: {  	v54 =	vld [tilespmem:$0x300];
	_ =	sdelay $0x4  }
0x285: {  	v55 =	vshll.u32 v54, $0x2  }
0x286: {  	v3 =	vand.u32 $0x7, v54;
	v4 =	vand.u32 $0xFFFFFFE0, v55  }
0x287: {  	v3 =	vor.u32 v3, v4  }
0x288: {  	v4 =	vperm.xlane v3, v24;
	_ =	sdelay $0x1  }
0x289: {  	v4 =	vadd.s32 v1, v4;
	_ =	sdelay $0x1  }
0x28a: {  	v3 =	vperm.xlane v3, v2;
	_ =	sdelay $0x1  }
0x28b: {  	v3 =	vadd.s32 v1, v3  }
0x28c: {  	[hbm4b:s2+s3] =	stream.indirect_vreg.scatter [tilespmem:s8], [sflag:$0x1], $0x80, v4, vm0, $0xb8;
	[tilespmem:$0x10400] =	vst v63  }
0x28d: {  	_ = 	snop  }
0x28e: {  	[hbm4b:s5+s3] =	stream.indirect_vreg.scatter [tilespmem:s9], [sflag:$0x1], $0x80, v4, vm0, $0xb8;
	[tilespmem:$0x10400] =	vst v63  }
0x28f: {  	_ = 	snop  }
0x290: {  	[hbm4b:s2+s3] =	stream.indirect_vreg.scatter [tilespmem:s10], [sflag:$0x1], $0x80, v3, vm0, $0xb8;
	[tilespmem:$0x10400] =	vst v63  }
0x291: {  	_ = 	snop  }
0x292: {  	[hbm4b:s5+s3] =	stream.indirect_vreg.scatter [tilespmem:s11], [sflag:$0x1], $0x80, v3, vm0, $0xb8;
	[tilespmem:$0x10400] =	vst v63  }
0x293: {  	v3 =	vld [tilespmem:$0x310];
	_ =	sdelay $0x4  }
0x294: {  	v56 =	vshll.u32 v3, $0x2  }
0x295: {  	v3 =	vand.u32 $0x7, v3;
	v4 =	vand.u32 $0xFFFFFFE0, v56  }
0x296: {  	v3 =	vor.u32 v3, v4  }
0x297: {  	v4 =	vperm.xlane v3, v24;
	_ =	sdelay $0x1  }
0x298: {  	v4 =	vadd.s32 v1, v4;
	_ =	sdelay $0x1  }
0x299: {  	v3 =	vperm.xlane v3, v2;
	_ =	sdelay $0x1  }
0x29a: {  	v3 =	vadd.s32 v1, v3  }
0x29b: {  	[hbm4b:s2+s3] =	stream.indirect_vreg.scatter [tilespmem:s12], [sflag:$0x1], $0x80, v4, vm0, $0xb8;
	[tilespmem:$0x10400] =	vst v63  }
0x29c: {  	_ = 	snop  }
0x29d: {  	[hbm4b:s5+s3] =	stream.indirect_vreg.scatter [tilespmem:s13], [sflag:$0x1], $0x80, v4, vm0, $0xb8;
	[tilespmem:$0x10400] =	vst v63  }
0x29e: {  	_ = 	snop  }
0x29f: {  	[hbm4b:s2+s3] =	stream.indirect_vreg.scatter [tilespmem:s14], [sflag:$0x1], $0x80, v3, vm0, $0xb8;
	[tilespmem:$0x10400] =	vst v63  }
0x2a0: {  	_ = 	snop  }
0x2a1: {  	[hbm4b:s5+s3] =	stream.indirect_vreg.scatter [tilespmem:s25], [sflag:$0x1], $0x80, v3, vm0, $0xb8;
	[tilespmem:$0x10400] =	vst v63  }
0x2a2: {  	v3 =	vld [tilespmem:$0x320];
	_ =	sdelay $0x4  }
0x2a3: {  	v57 =	vshll.u32 v3, $0x2  }
0x2a4: {  	v3 =	vand.u32 $0x7, v3;
	v4 =	vand.u32 $0xFFFFFFE0, v57  }
0x2a5: {  	v3 =	vor.u32 v3, v4  }
0x2a6: {  	v4 =	vperm.xlane v3, v24;
	_ =	sdelay $0x1  }
0x2a7: {  	v4 =	vadd.s32 v1, v4;
	_ =	sdelay $0x1  }
0x2a8: {  	v3 =	vperm.xlane v3, v2;
	_ =	sdelay $0x1  }
0x2a9: {  	v3 =	vadd.s32 v1, v3  }
0x2aa: {  	[hbm4b:s2+s3] =	stream.indirect_vreg.scatter [tilespmem:s15], [sflag:$0x1], $0x80, v4, vm0, $0xb8;
	[tilespmem:$0x10400] =	vst v63  }
0x2ab: {  	_ = 	snop  }
0x2ac: {  	[hbm4b:s5+s3] =	stream.indirect_vreg.scatter [tilespmem:s16], [sflag:$0x1], $0x80, v4, vm0, $0xb8;
	[tilespmem:$0x10400] =	vst v63  }
0x2ad: {  	_ = 	snop  }
0x2ae: {  	[hbm4b:s2+s3] =	stream.indirect_vreg.scatter [tilespmem:s17], [sflag:$0x1], $0x80, v3, vm0, $0xb8;
	[tilespmem:$0x10400] =	vst v63  }
0x2af: {  	_ = 	snop  }
0x2b0: {  	[hbm4b:s5+s3] =	stream.indirect_vreg.scatter [tilespmem:s18], [sflag:$0x1], $0x80, v3, vm0, $0xb8;
	[tilespmem:$0x10400] =	vst v63  }
0x2b1: {  	v3 =	vld [tilespmem:$0x330];
	_ =	sdelay $0x4  }
0x2b2: {  	v58 =	vshll.u32 v3, $0x2  }
0x2b3: {  	v3 =	vand.u32 $0x7, v3;
	v4 =	vand.u32 $0xFFFFFFE0, v58  }
0x2b4: {  	v3 =	vor.u32 v3, v4  }
0x2b5: {  	v4 =	vperm.xlane v3, v24;
	_ =	sdelay $0x1  }
0x2b6: {  	v4 =	vadd.s32 v1, v4;
	_ =	sdelay $0x1  }
0x2b7: {  	v3 =	vperm.xlane v3, v2;
	_ =	sdelay $0x1  }
0x2b8: {  	v3 =	vadd.s32 v1, v3  }
0x2b9: {  	[hbm4b:s2+s3] =	stream.indirect_vreg.scatter [tilespmem:s19], [sflag:$0x1], $0x80, v4, vm0, $0xb8;
	[tilespmem:$0x10400] =	vst v63  }
0x2ba: {  	_ = 	snop  }
0x2bb: {  	[hbm4b:s5+s3] =	stream.indirect_vreg.scatter [tilespmem:s20], [sflag:$0x1], $0x80, v4, vm0, $0xb8;
	[tilespmem:$0x10400] =	vst v63  }
0x2bc: {  	_ = 	snop  }
0x2bd: {  	[hbm4b:s2+s3] =	stream.indirect_vreg.scatter [tilespmem:s21], [sflag:$0x1], $0x80, v3, vm0, $0xb8;
	[tilespmem:$0x10400] =	vst v63  }
0x2be: {  	_ = 	snop  }
0x2bf: {  	[hbm4b:s5+s3] =	stream.indirect_vreg.scatter [tilespmem:s23], [sflag:$0x1], $0x80, v3, vm0, $0xb8;
	[tilespmem:$0x10400] =	vst v63  }
0x2c0: {  	_ =	swait.ge [sflag:s22], $0x8000  }
0x2c1: {  	[sflag:s22] =	ssyncset.done $0x0  }
0x2c2: {  	s7 =	sadd.s32 $0x7000, s6;
	[sflag:s22] =	ssyncadd.s32 $0xFFFF8000  }
0x2c3: {  	[tilespmem:s8], [sflag:$0x2] =	stream.linear.gather [hbm4b:s7+s3], $0x8000, $0x38;
	[tilespmem:$0x10400] =	vst v63  }
0x2c4: {  	_ =	swait.ge [sflag:s4], $0x8000  }
0x2c5: {  	[sflag:s4] =	ssyncset.done $0x0  }
0x2c6: {  	[sflag:s4] =	ssyncadd.s32 $0xFFFF8000  }
0x2c7: {  	v59 =	vld [tilespmem:$0x380];
	_ =	sdelay $0x4  }
0x2c8: {  	v60 =	vshll.u32 v59, $0x2  }
0x2c9: {  	v3 =	vand.u32 $0x7, v59;
	v4 =	vand.u32 $0xFFFFFFE0, v60  }
0x2ca: {  	v3 =	vor.u32 v3, v4  }
0x2cb: {  	v4 =	vperm.xlane v3, v24;
	_ =	sdelay $0x1  }
0x2cc: {  	v4 =	vadd.s32 v1, v4;
	_ =	sdelay $0x1  }
0x2cd: {  	v3 =	vperm.xlane v3, v2;
	_ =	sdelay $0x1  }
0x2ce: {  	v3 =	vadd.s32 v1, v3  }
0x2cf: {  	[hbm4b:s2+s3] =	stream.indirect_vreg.scatter [tilespmem:s8], [sflag:$0x1], $0x80, v4, vm0, $0xb8;
	[tilespmem:$0x10400] =	vst v63  }
0x2d0: {  	_ = 	snop  }
0x2d1: {  	[hbm4b:s5+s3] =	stream.indirect_vreg.scatter [tilespmem:s9], [sflag:$0x1], $0x80, v4, vm0, $0xb8;
	[tilespmem:$0x10400] =	vst v63  }
0x2d2: {  	_ = 	snop  }
0x2d3: {  	[hbm4b:s2+s3] =	stream.indirect_vreg.scatter [tilespmem:s10], [sflag:$0x1], $0x80, v3, vm0, $0xb8;
	[tilespmem:$0x10400] =	vst v63  }
0x2d4: {  	_ = 	snop  }
0x2d5: {  	[hbm4b:s5+s3] =	stream.indirect_vreg.scatter [tilespmem:s11], [sflag:$0x1], $0x80, v3, vm0, $0xb8;
	[tilespmem:$0x10400] =	vst v63  }
0x2d6: {  	v3 =	vld [tilespmem:$0x390];
	_ =	sdelay $0x4  }
0x2d7: {  	v61 =	vshll.u32 v3, $0x2  }
0x2d8: {  	v3 =	vand.u32 $0x7, v3;
	v4 =	vand.u32 $0xFFFFFFE0, v61  }
0x2d9: {  	v3 =	vor.u32 v3, v4  }
0x2da: {  	v4 =	vperm.xlane v3, v24;
	_ =	sdelay $0x1  }
0x2db: {  	v4 =	vadd.s32 v1, v4;
	_ =	sdelay $0x1  }
0x2dc: {  	v3 =	vperm.xlane v3, v2;
	_ =	sdelay $0x1  }
0x2dd: {  	v3 =	vadd.s32 v1, v3  }
0x2de: {  	[hbm4b:s2+s3] =	stream.indirect_vreg.scatter [tilespmem:s12], [sflag:$0x1], $0x80, v4, vm0, $0xb8;
	[tilespmem:$0x10400] =	vst v63  }
0x2df: {  	_ = 	snop  }
0x2e0: {  	[hbm4b:s5+s3] =	stream.indirect_vreg.scatter [tilespmem:s13], [sflag:$0x1], $0x80, v4, vm0, $0xb8;
	[tilespmem:$0x10400] =	vst v63  }
0x2e1: {  	_ = 	snop  }
0x2e2: {  	[hbm4b:s2+s3] =	stream.indirect_vreg.scatter [tilespmem:s14], [sflag:$0x1], $0x80, v3, vm0, $0xb8;
	[tilespmem:$0x10400] =	vst v63  }
0x2e3: {  	_ = 	snop  }
0x2e4: {  	[hbm4b:s5+s3] =	stream.indirect_vreg.scatter [tilespmem:s25], [sflag:$0x1], $0x80, v3, vm0, $0xb8;
	[tilespmem:$0x10400] =	vst v63  }
0x2e5: {  	v3 =	vld [tilespmem:$0x3A0];
	_ =	sdelay $0x4  }
0x2e6: {  	v62 =	vshll.u32 v3, $0x2  }
0x2e7: {  	v3 =	vand.u32 $0x7, v3;
	v4 =	vand.u32 $0xFFFFFFE0, v62  }
0x2e8: {  	v3 =	vor.u32 v3, v4  }
0x2e9: {  	v4 =	vperm.xlane v3, v24;
	_ =	sdelay $0x1  }
0x2ea: {  	v4 =	vadd.s32 v1, v4;
	_ =	sdelay $0x1  }
0x2eb: {  	v3 =	vperm.xlane v3, v2;
	_ =	sdelay $0x1  }
0x2ec: {  	v3 =	vadd.s32 v1, v3  }
0x2ed: {  	[hbm4b:s2+s3] =	stream.indirect_vreg.scatter [tilespmem:s15], [sflag:$0x1], $0x80, v4, vm0, $0xb8;
	[tilespmem:$0x10400] =	vst v63  }
0x2ee: {  	_ = 	snop  }
0x2ef: {  	[hbm4b:s5+s3] =	stream.indirect_vreg.scatter [tilespmem:s16], [sflag:$0x1], $0x80, v4, vm0, $0xb8;
	[tilespmem:$0x10400] =	vst v63  }
0x2f0: {  	_ = 	snop  }
0x2f1: {  	[hbm4b:s2+s3] =	stream.indirect_vreg.scatter [tilespmem:s17], [sflag:$0x1], $0x80, v3, vm0, $0xb8;
	[tilespmem:$0x10400] =	vst v63  }
0x2f2: {  	_ = 	snop  }
0x2f3: {  	[hbm4b:s5+s3] =	stream.indirect_vreg.scatter [tilespmem:s18], [sflag:$0x1], $0x80, v3, vm0, $0xb8;
	[tilespmem:$0x10400] =	vst v63  }
0x2f4: {  	v3 =	vld [tilespmem:$0x3B0];
	_ =	sdelay $0x4  }
0x2f5: {  	v63 =	vshll.u32 v3, $0x2  }
0x2f6: {  	v3 =	vand.u32 $0x7, v3;
	v4 =	vand.u32 $0xFFFFFFE0, v63  }
0x2f7: {  	v3 =	vor.u32 v3, v4  }
0x2f8: {  	v0 =	vperm.xlane v3, v24;
	_ =	sdelay $0x1  }
0x2f9: {  	v0 =	vadd.s32 v1, v0;
	_ =	sdelay $0x1  }
0x2fa: {  	v2 =	vperm.xlane v3, v2;
	_ =	sdelay $0x1  }
0x2fb: {  	v1 =	vadd.s32 v1, v2  }
0x2fc: {  	[hbm4b:s2+s3] =	stream.indirect_vreg.scatter [tilespmem:s19], [sflag:$0x1], $0x80, v0, vm0, $0xb8;
	[tilespmem:$0x10400] =	vst v63  }
0x2fd: {  	_ = 	snop  }
0x2fe: {  	[hbm4b:s5+s3] =	stream.indirect_vreg.scatter [tilespmem:s20], [sflag:$0x1], $0x80, v0, vm0, $0xb8;
	[tilespmem:$0x10400] =	vst v63  }
0x2ff: {  	_ = 	snop  }
0x300: {  	[hbm4b:s2+s3] =	stream.indirect_vreg.scatter [tilespmem:s21], [sflag:$0x1], $0x80, v1, vm0, $0xb8;
	[tilespmem:$0x10400] =	vst v63  }
0x301: {  	_ = 	snop  }
0x302: {  	[hbm4b:s5+s3] =	stream.indirect_vreg.scatter [tilespmem:s23], [sflag:$0x1], $0x80, v1, vm0, $0xb8;
	[tilespmem:$0x10400] =	vst v63  }
0x303: {  	_ =	swait.ge [sflag:s22], $0x8000  }
0x304: {  	[sflag:s22] =	ssyncset.done $0x0  }
0x305: {  	[sflag:s22] =	ssyncadd.s32 $0xFFFF8000  }
0x306: {  	_ =	sfence.sel $0x180000  }
0x307: {  	[bflag:$0x0] =	sbarrier.arrive $0xFFFF  }
0x308: {  	p0 =	sne.s32 s1, $0x0;
	_ =	strace $0x90000047  }
0x309: {  	s0 =	sadd.s32 @!p0 $0x100000, s0;
	[bflag:$0x2] =	sbarrier.arrive $0xFFFF  }
0x30a: {  	[sflag:s0] =	ssyncadd.tile.s32 @!p0 $0x1;
	_ =	shalt  }
.Lfunc_end2:
_tile_overlayer_lowered:
.L_overlay_start_2:
0x30b: {  	(tag) =	ssettag $0x2  }
0x30c: {  	s0 =	rddreg [dreg:$0x0];
	s2 =	stileid.u32  }
0x30d: {  	s1 =	rddreg [dreg:$0x1];
	p0 =	sne.s32 s2, $0x0  }
0x30e: {  	s3 =	rddreg [dreg:$0x2];
	[bflag:$0x3] =	sbarrier.arrive $0xFFFF;
	s2 =	simm.s32 @!p0 $0x1C02  }
0x30f: {  	[timem:s3], [sflag:s2] =	dma.local @!p0 [hbm:s0], s1  }
0x310: {  	s0 =	simm.s32 @!p0 $0x2  }
0x311: {  	_ =	swait.ge @!p0 [sflag:s0], s1  }
0x312: {  	s1 =	ssub.s32 @!p0 $0x0, s1;
	[sflag:s0] =	ssyncset.done @!p0 $0x0  }
0x313: {  	[sflag:s0] =	ssyncadd.s32 @!p0 s1  }
0x314: {  	[bflag:$0x3] =	sbarrier.arrive $0xFFFF  }
0x315: {  	_ =	shalt  }

</sc_bundles>
